<compile_context>
chip_gen: v7x
topology: tpu7x:2x2x1
jax: 0.10.2.dev20260603
libtpu: 0.0.44.dev20260713+nightly
codegen_flags: <defaults>
</compile_context>

<pallas_src>
import numpy as np
import jax
import jax.numpy as jnp
from jax import lax
from jax.experimental import pallas as pl
from jax.experimental.pallas import tpu as pltpu
from jax.experimental.pallas import tpu_sc as plsc

N = 10000
D = 128
NC = 2
NS = 16
NW = NC * NS
CH = 128
NBUF = 2
N_PAD = 10112
ROWS_PER_TILE = N_PAD // NS
KSTG = 40
FRAC0 = 0.5
BULK_ALIGN = 256
TAIL_ALIGN = 256


def _core_split(k_per_pair, align=8):
    a = int(round(FRAC0 * k_per_pair / align)) * align
    a = max(0, min(a, k_per_pair))
    return a, k_per_pair - a


def _matmul_body(x_ref, wu_ref, wd_ref, wb_ref, yu_ref, yd_ref, yb_ref):
    xb = x_ref[...]
    yu_ref[...] = jnp.dot(xb, wu_ref[...], preferred_element_type=jnp.float32)
    yd_ref[...] = jnp.dot(xb, wd_ref[...], preferred_element_type=jnp.float32)
    yb_ref[...] = jnp.dot(xb, wb_ref[...], preferred_element_type=jnp.float32)


def _transform(x, W_up, W_down, W_b):
    blk = 2000
    w_spec = pl.BlockSpec((D, D), lambda i: (0, 0))
    row_spec = pl.BlockSpec((blk, D), lambda i: (i, 0))
    return pl.pallas_call(
        _matmul_body,
        grid=(N // blk,),
        in_specs=[row_spec, w_spec, w_spec, w_spec],
        out_specs=[row_spec, row_spec, row_spec],
        out_shape=[jax.ShapeDtypeStruct((N, D), jnp.float32)] * 3,
    )(x, W_up, W_down, W_b)


def _sc_scatter_body(yu, yd, yb, eu, edn, eb, tu, tdn, tb, zeros,
                     p0, p1, acc, idx_s, idx_d, bufs, gsems, ssems):
    c = lax.axis_index("c")
    s = lax.axis_index("s")

    pltpu.sync_copy(zeros, acc.at[pl.ds(s * ROWS_PER_TILE, ROWS_PER_TILE)])
    plsc.subcore_barrier()

    def run_stage(y, e_hbm, base, k_rows):
        pltpu.sync_copy(e_hbm.at[0, pl.ds(base, k_rows)], idx_s.at[pl.ds(0, k_rows)])
        pltpu.sync_copy(e_hbm.at[1, pl.ds(base, k_rows)], idx_d.at[pl.ds(0, k_rows)])

        def g_start(j, b):
            pltpu.async_copy(y.at[idx_s.at[j]], bufs[b], gsems[b])

        def g_wait(b):
            pltpu.make_async_copy(y.at[idx_s.at[0]], bufs[b], gsems[b]).wait()

        def s_start(j, b):
            pltpu.make_async_copy(bufs[b], acc.at[idx_d.at[j]], ssems[b]).start(add=True)

        def s_wait(b):
            pltpu.make_async_copy(bufs[b], acc.at[idx_d.at[0]], ssems[b]).wait()

        g_start(0, 0)

        def body(i, _):
            for u in range(NBUF):
                j = NBUF * i + u
                b = u
                g_wait(b)
                s_start(j, b)
                bn = 1 - b

                @pl.when(j + 1 < k_rows)
                def _():
                    @pl.when(j >= 1)
                    def _():
                        s_wait(bn)

                    g_start(j + 1, bn)

            return _

        lax.fori_loop(0, k_rows // NBUF, body, None)
        for b in range(NBUF):
            s_wait(b)

    def run_span(y, e_hbm, a_rows, base):
        for st in range(0, a_rows, KSTG):
            k = min(KSTG, a_rows - st)
            run_stage(y, e_hbm, base + st, k)

    work = ((yu, eu, tu), (yd, edn, tdn), (yb, eb, tb))

    @pl.when(c == 0)
    def _():
        for y, e, t in work:
            a, _b = _core_split(e.shape[1] // NS)
            if a:
                run_span(y, e, a, s * a)
            at, _bt = _core_split(t.shape[1] // NS)
            if at:
                run_span(y, t, at, s * at)

    @pl.when(c == 1)
    def _():
        for y, e, t in work:
            a, b = _core_split(e.shape[1] // NS)
            if b:
                run_span(y, e, b, NS * a + s * b)
            at, bt = _core_split(t.shape[1] // NS)
            if bt:
                run_span(y, t, bt, NS * at + s * bt)

    plsc.subcore_barrier()
    rows = pl.ds(s * ROWS_PER_TILE, ROWS_PER_TILE)

    @pl.when(c == 0)
    def _():
        pltpu.sync_copy(acc.at[rows], p0.at[rows])

    @pl.when(c == 1)
    def _():
        pltpu.sync_copy(acc.at[rows], p1.at[rows])


def _sc_scatter(yu, yd, yb, eu, edn, eb, tu, tdn, tb, zeros):
    mesh = plsc.VectorSubcoreMesh(core_axis_name="c", subcore_axis_name="s")
    f = pl.kernel(
        _sc_scatter_body,
        out_type=(jax.ShapeDtypeStruct((N_PAD, D), jnp.float32),
                  jax.ShapeDtypeStruct((N_PAD, D), jnp.float32)),
        mesh=mesh,
        scratch_types=[
            pltpu.VMEM_SHARED((N_PAD, D), jnp.float32),
            pltpu.VMEM((KSTG, CH), jnp.int32),
            pltpu.VMEM((KSTG, CH), jnp.int32),
            [pltpu.VMEM((CH, D), jnp.float32)] * NBUF,
            [pltpu.SemaphoreType.DMA] * NBUF,
            [pltpu.SemaphoreType.DMA] * NBUF,
        ],
    )
    return f(yu, yd, yb, eu, edn, eb, tu, tdn, tb, zeros)


def _combine_body(p0_ref, p1_ref, b_ref, o_ref):
    o_ref[...] = p0_ref[...] + p1_ref[...] + b_ref[...]


def _combine(p0, p1, bias):
    blk = 1000
    row_spec = pl.BlockSpec((blk, D), lambda i: (i, 0))
    return pl.pallas_call(
        _combine_body,
        grid=(N // blk,),
        in_specs=[row_spec, row_spec, pl.BlockSpec((1, D), lambda i: (0, 0))],
        out_specs=pl.BlockSpec((blk, D), lambda i: (i, 0)),
        out_shape=jax.ShapeDtypeStruct((N, D), jnp.float32),
    )(p0, p1, bias)


def _split_bulk_tail(idx):
    e = idx.shape[1]
    rows = e // CH
    bulk_rows = (rows // BULK_ALIGN) * BULK_ALIGN
    eb = bulk_rows * CH
    bulk = idx[:, :eb].astype(jnp.int32).reshape(2, bulk_rows, CH)
    tail_e = e - eb
    tail_rows = -(-(tail_e // CH + (1 if tail_e % CH else 0)) // TAIL_ALIGN) * TAIL_ALIGN
    tail_rows = max(tail_rows, TAIL_ALIGN)
    n_pad = tail_rows * CH - tail_e
    pad_s = jnp.asarray(np.arange(n_pad) % (N_PAD - N), jnp.int32)
    pad_d = pad_s + N
    tail = jnp.stack([
        jnp.concatenate([idx[0, eb:].astype(jnp.int32), pad_s]),
        jnp.concatenate([idx[1, eb:].astype(jnp.int32), pad_d]),
    ]).reshape(2, tail_rows, CH)
    return bulk, tail


def kernel(x, up_index, down_index, boundary_index, W_up, W_down, W_b, bias):
    eu, tu = _split_bulk_tail(up_index)
    edn, tdn = _split_bulk_tail(down_index)
    eb, tb = _split_bulk_tail(boundary_index)
    zeros = jnp.zeros((ROWS_PER_TILE, D), jnp.float32)

    yu, yd, yb = _transform(x, W_up, W_down, W_b)
    p0, p1 = _sc_scatter(yu, yd, yb, eu, edn, eb, tu, tdn, tb, zeros)
    return _combine(p0, p1, bias.reshape(1, D))

# --- scband reference (transcript-rebuilt; emitter-appended) ---
"""Pipeline reference for scband-cochain-message-passing-63891933495341 (READ-ONLY COPY).

The authoritative reference and input builder live on the scoring server;
editing this copy changes nothing except your own understanding.
"""

import jax, jax.numpy as jnp
import numpy as np

N = 10000
E = 320000
EB = 160000
D = 128

def setup_inputs(seed: int = 0) -> dict:
    key = jax.random.key(seed)
    ks = jax.random.split(key, 8)
    x = jax.random.normal(ks[0], (N, D), dtype=jnp.float32)
    up_index = jax.random.randint(ks[1], (2, E), 0, N)
    down_index = jax.random.randint(ks[2], (2, E), 0, N)
    boundary_index = jax.random.randint(ks[3], (2, EB), 0, N)
    # learned parameters: per-neighborhood linear transforms (update step)
    W_up = jax.random.normal(ks[4], (D, D), dtype=jnp.float32) * (1.0 / np.sqrt(D))
    W_down = jax.random.normal(ks[5], (D, D), dtype=jnp.float32) * (1.0 / np.sqrt(D))
    W_b = jax.random.normal(ks[6], (D, D), dtype=jnp.float32) * (1.0 / np.sqrt(D))
    bias = jnp.zeros((D,), dtype=jnp.float32)
    return {"x": x, "up_index": up_index, "down_index": down_index,
            "boundary_index": boundary_index, "W_up": W_up, "W_down": W_down,
            "W_b": W_b, "bias": bias}

def reference(x, up_index, down_index, boundary_index, W_up, W_down, W_b, bias):
    n = x.shape[0]
    # --- message_up: gather source cochain features along upper adjacency ---
    m_up = jnp.take(x, up_index[0], axis=0)
    # aggregate_up == 'add' -> scatter-add into target cochains
    agg_up = jax.ops.segment_sum(m_up, up_index[1], num_segments=n)
    # --- message_down: lower adjacency (use_down_message=True) ---
    m_down = jnp.take(x, down_index[0], axis=0)
    agg_down = jax.ops.segment_sum(m_down, down_index[1], num_segments=n)
    # --- message_boundary (use_boundary_message=True) ---
    m_b = jnp.take(x, boundary_index[0], axis=0)
    agg_b = jax.ops.segment_sum(m_b, boundary_index[1], num_segments=n)
    # --- update: combine the three aggregated neighborhood messages ---
    out = agg_up @ W_up + agg_down @ W_down + agg_b @ W_b + bias
    return out

if False:  # reference __main__ guard neutralized (emitter)
    inp = setup_inputs()
    o = reference(**inp)
    print(o.shape, o.dtype)

if __name__ == "__main__":
    import jax
    _d = setup_inputs()
    print(jax.jit(kernel)(*tuple(_d.values())))

</pallas_src>

<mosaic_0001>
#map = affine_map<(d0, d1) -> (0, 0)>
#map1 = affine_map<(d0, d1) -> (0, 0, 0)>
module attributes {stable_mosaic.version = 14 : i64} {
  func.func @_sc_scatter_body(%arg0: i32, %arg1: i32, %arg2: memref<10000x128xf32, #tpu.memory_space<hbm>>, %arg3: memref<10000x128xf32, #tpu.memory_space<hbm>>, %arg4: memref<10000x128xf32, #tpu.memory_space<hbm>>, %arg5: memref<2x2304x128xi32, #tpu.memory_space<hbm>>, %arg6: memref<2x2304x128xi32, #tpu.memory_space<hbm>>, %arg7: memref<2x1024x128xi32, #tpu.memory_space<hbm>>, %arg8: memref<2x256x128xi32, #tpu.memory_space<hbm>>, %arg9: memref<2x256x128xi32, #tpu.memory_space<hbm>>, %arg10: memref<2x256x128xi32, #tpu.memory_space<hbm>>, %arg11: memref<632x128xf32, #tpu.memory_space<hbm>>, %arg12: memref<10112x128xf32, #tpu.memory_space<hbm>>, %arg13: memref<10112x128xf32, #tpu.memory_space<hbm>>, %arg14: memref<10112x128xf32, #tpu.memory_space<vmem_shared>>, %arg15: memref<40x128xi32, #tpu.memory_space<vmem>>, %arg16: memref<40x128xi32, #tpu.memory_space<vmem>>, %arg17: memref<128x128xf32, #tpu.memory_space<vmem>>, %arg18: memref<128x128xf32, #tpu.memory_space<vmem>>, %arg19: memref<!tpu.dma_semaphore, #tpu.memory_space<semaphore_mem>>, %arg20: memref<!tpu.dma_semaphore, #tpu.memory_space<semaphore_mem>>, %arg21: memref<!tpu.dma_semaphore, #tpu.memory_space<semaphore_mem>>, %arg22: memref<!tpu.dma_semaphore, #tpu.memory_space<semaphore_mem>>) attributes {dimension_semantics = [#tpu.dimension_semantics<core_parallel>, #tpu.dimension_semantics<subcore_parallel>], iteration_bounds = array<i64: 2, 16>, scalar_prefetch = 0 : i64, scratch_operands = 9 : i64, tpu.core_type = #tpu.core_type<sc_vector_subcore>, window_params = [{transform_indices = #map}, {transform_indices = #map}, {transform_indices = #map}, {transform_indices = #map1}, {transform_indices = #map1}, {transform_indices = #map1}, {transform_indices = #map1}, {transform_indices = #map1}, {transform_indices = #map1}, {transform_indices = #map}, {transform_indices = #map}, {transform_indices = #map}]} {
    %mul3A = arith.constant 632 : i32
    %mul3A_0 = arith.muli %arg1, %mul3A : i32
    "tpu.region"() ({
      %run_scoped3A = tpu.sem_alloc : memref<!tpu.dma_semaphore, #tpu.memory_space<semaphore_mem>>
      %dma_start3A = arith.constant 0 : i32
      %dma_start3A_21 = tpu.memref_slice %arg14[%mul3A_0, %dma_start3A] : memref<10112x128xf32, #tpu.memory_space<vmem_shared>> -> memref<632x128xf32, #tpu.memory_space<vmem_shared>>
      tpu.enqueue_dma source(%arg11 : memref<632x128xf32, #tpu.memory_space<hbm>>) target(%dma_start3A_21 : memref<632x128xf32, #tpu.memory_space<vmem_shared>>) target_semaphore(%run_scoped3A : memref<!tpu.dma_semaphore, #tpu.memory_space<semaphore_mem>>)
      %dma_wait3A = arith.constant 0 : i32
      %dma_wait3A_22 = tpu.memref_slice %arg14[%mul3A_0, %dma_wait3A] : memref<10112x128xf32, #tpu.memory_space<vmem_shared>> -> memref<632x128xf32, #tpu.memory_space<vmem_shared>>
      tpu.wait_dma2 semaphore(%run_scoped3A : memref<!tpu.dma_semaphore, #tpu.memory_space<semaphore_mem>>) src(%arg11 : memref<632x128xf32, #tpu.memory_space<hbm>>) dst(%dma_wait3A_22 : memref<632x128xf32, #tpu.memory_space<vmem_shared>>)
      tpu.yield
    }) : () -> ()
    %barrier3A = arith.constant 0 : index
    tpu.barrier barrier_id(%barrier3A)
    %eq3A = arith.constant 0 : i32
    %eq3A_1 = arith.cmpi eq, %arg0, %eq3A : i32
    %convert_element_type3A = arith.extui %eq3A_1 : i1 to i32
    %cond3A = arith.constant 0 : i32
    %cond3A_2 = arith.cmpi ne, %convert_element_type3A, %cond3A : i32
    scf.if %cond3A_2 {
      %mul3A_21 = arith.constant 72 : i32
      %mul3A_22 = arith.muli %arg1, %mul3A_21 : i32
      %add3A = arith.constant 0 : i32
      %add3A_23 = arith.addi %mul3A_22, %add3A : i32
      %run_scoped3A = arith.constant 0 : i32
      "tpu.region"() ({
        %run_scoped3A_268 = tpu.sem_alloc : memref<!tpu.dma_semaphore, #tpu.memory_space<semaphore_mem>>
        %dma_start3A_269 = arith.constant 0 : i32
        %dma_start3A_270 = arith.constant 0 : i32
        %dma_start3A_271 = tpu.memref_slice %arg15[%dma_start3A_269, %dma_start3A_270] : memref<40x128xi32, #tpu.memory_space<vmem>> -> memref<40x128xi32, #tpu.memory_space<vmem>>
        %dma_start3A_272 = arith.constant 0 : i32
        %dma_start3A_273 = tpu.memref_slice %arg5[%run_scoped3A, %add3A_23, %dma_start3A_272] : memref<2x2304x128xi32, #tpu.memory_space<hbm>> -> memref<1x40x128xi32, #tpu.memory_space<hbm>>
        %dma_start3A_274 = tpu.memref_squeeze %dma_start3A_273 : memref<1x40x128xi32, #tpu.memory_space<hbm>> -> memref<40x128xi32, #tpu.memory_space<hbm>>
        %dma_start3A_275 = arith.constant 0 : i32
        %dma_start3A_276 = arith.constant 0 : i32
        %dma_start3A_277 = tpu.memref_slice %arg15[%dma_start3A_275, %dma_start3A_276] : memref<40x128xi32, #tpu.memory_space<vmem>> -> memref<40x128xi32, #tpu.memory_space<vmem>>
        %dma_start3A_278 = arith.constant 0 : i32
        %dma_start3A_279 = tpu.memref_slice %arg5[%run_scoped3A, %add3A_23, %dma_start3A_278] : memref<2x2304x128xi32, #tpu.memory_space<hbm>> -> memref<1x40x128xi32, #tpu.memory_space<hbm>>
        %dma_start3A_280 = tpu.memref_squeeze %dma_start3A_279 : memref<1x40x128xi32, #tpu.memory_space<hbm>> -> memref<40x128xi32, #tpu.memory_space<hbm>>
        tpu.enqueue_dma source(%dma_start3A_280 : memref<40x128xi32, #tpu.memory_space<hbm>>) target(%dma_start3A_277 : memref<40x128xi32, #tpu.memory_space<vmem>>) target_semaphore(%run_scoped3A_268 : memref<!tpu.dma_semaphore, #tpu.memory_space<semaphore_mem>>)
        %dma_wait3A_281 = arith.constant 0 : i32
        %dma_wait3A_282 = arith.constant 0 : i32
        %dma_wait3A_283 = tpu.memref_slice %arg15[%dma_wait3A_281, %dma_wait3A_282] : memref<40x128xi32, #tpu.memory_space<vmem>> -> memref<40x128xi32, #tpu.memory_space<vmem>>
        %dma_wait3A_284 = arith.constant 0 : i32
        %dma_wait3A_285 = tpu.memref_slice %arg5[%run_scoped3A, %add3A_23, %dma_wait3A_284] : memref<2x2304x128xi32, #tpu.memory_space<hbm>> -> memref<1x40x128xi32, #tpu.memory_space<hbm>>
        %dma_wait3A_286 = tpu.memref_squeeze %dma_wait3A_285 : memref<1x40x128xi32, #tpu.memory_space<hbm>> -> memref<40x128xi32, #tpu.memory_space<hbm>>
        %dma_wait3A_287 = arith.constant 0 : i32
        %dma_wait3A_288 = arith.constant 0 : i32
        %dma_wait3A_289 = tpu.memref_slice %arg15[%dma_wait3A_287, %dma_wait3A_288] : memref<40x128xi32, #tpu.memory_space<vmem>> -> memref<40x128xi32, #tpu.memory_space<vmem>>
        %dma_wait3A_290 = arith.constant 0 : i32
        %dma_wait3A_291 = tpu.memref_slice %arg5[%run_scoped3A, %add3A_23, %dma_wait3A_290] : memref<2x2304x128xi32, #tpu.memory_space<hbm>> -> memref<1x40x128xi32, #tpu.memory_space<hbm>>
        %dma_wait3A_292 = tpu.memref_squeeze %dma_wait3A_291 : memref<1x40x128xi32, #tpu.memory_space<hbm>> -> memref<40x128xi32, #tpu.memory_space<hbm>>
        tpu.wait_dma2 semaphore(%run_scoped3A_268 : memref<!tpu.dma_semaphore, #tpu.memory_space<semaphore_mem>>) src(%dma_wait3A_292 : memref<40x128xi32, #tpu.memory_space<hbm>>) dst(%dma_wait3A_289 : memref<40x128xi32, #tpu.memory_space<vmem>>)
        tpu.yield
      }) : () -> ()
      %run_scoped3A_24 = arith.constant 1 : i32
      "tpu.region"() ({
        %run_scoped3A_268 = tpu.sem_alloc : memref<!tpu.dma_semaphore, #tpu.memory_space<semaphore_mem>>
        %dma_start3A_269 = arith.constant 0 : i32
        %dma_start3A_270 = arith.constant 0 : i32
        %dma_start3A_271 = tpu.memref_slice %arg16[%dma_start3A_269, %dma_start3A_270] : memref<40x128xi32, #tpu.memory_space<vmem>> -> memref<40x128xi32, #tpu.memory_space<vmem>>
        %dma_start3A_272 = arith.constant 0 : i32
        %dma_start3A_273 = tpu.memref_slice %arg5[%run_scoped3A_24, %add3A_23, %dma_start3A_272] : memref<2x2304x128xi32, #tpu.memory_space<hbm>> -> memref<1x40x128xi32, #tpu.memory_space<hbm>>
        %dma_start3A_274 = tpu.memref_squeeze %dma_start3A_273 : memref<1x40x128xi32, #tpu.memory_space<hbm>> -> memref<40x128xi32, #tpu.memory_space<hbm>>
        %dma_start3A_275 = arith.constant 0 : i32
        %dma_start3A_276 = arith.constant 0 : i32
        %dma_start3A_277 = tpu.memref_slice %arg16[%dma_start3A_275, %dma_start3A_276] : memref<40x128xi32, #tpu.memory_space<vmem>> -> memref<40x128xi32, #tpu.memory_space<vmem>>
        %dma_start3A_278 = arith.constant 0 : i32
        %dma_start3A_279 = tpu.memref_slice %arg5[%run_scoped3A_24, %add3A_23, %dma_start3A_278] : memref<2x2304x128xi32, #tpu.memory_space<hbm>> -> memref<1x40x128xi32, #tpu.memory_space<hbm>>
        %dma_start3A_280 = tpu.memref_squeeze %dma_start3A_279 : memref<1x40x128xi32, #tpu.memory_space<hbm>> -> memref<40x128xi32, #tpu.memory_space<hbm>>
        tpu.enqueue_dma source(%dma_start3A_280 : memref<40x128xi32, #tpu.memory_space<hbm>>) target(%dma_start3A_277 : memref<40x128xi32, #tpu.memory_space<vmem>>) target_semaphore(%run_scoped3A_268 : memref<!tpu.dma_semaphore, #tpu.memory_space<semaphore_mem>>)
        %dma_wait3A_281 = arith.constant 0 : i32
        %dma_wait3A_282 = arith.constant 0 : i32
        %dma_wait3A_283 = tpu.memref_slice %arg16[%dma_wait3A_281, %dma_wait3A_282] : memref<40x128xi32, #tpu.memory_space<vmem>> -> memref<40x128xi32, #tpu.memory_space<vmem>>
        %dma_wait3A_284 = arith.constant 0 : i32
        %dma_wait3A_285 = tpu.memref_slice %arg5[%run_scoped3A_24, %add3A_23, %dma_wait3A_284] : memref<2x2304x128xi32, #tpu.memory_space<hbm>> -> memref<1x40x128xi32, #tpu.memory_space<hbm>>
        %dma_wait3A_286 = tpu.memref_squeeze %dma_wait3A_285 : memref<1x40x128xi32, #tpu.memory_space<hbm>> -> memref<40x128xi32, #tpu.memory_space<hbm>>
        %dma_wait3A_287 = arith.constant 0 : i32
        %dma_wait3A_288 = arith.constant 0 : i32
        %dma_wait3A_289 = tpu.memref_slice %arg16[%dma_wait3A_287, %dma_wait3A_288] : memref<40x128xi32, #tpu.memory_space<vmem>> -> memref<40x128xi32, #tpu.memory_space<vmem>>
        %dma_wait3A_290 = arith.constant 0 : i32
        %dma_wait3A_291 = tpu.memref_slice %arg5[%run_scoped3A_24, %add3A_23, %dma_wait3A_290] : memref<2x2304x128xi32, #tpu.memory_space<hbm>> -> memref<1x40x128xi32, #tpu.memory_space<hbm>>
        %dma_wait3A_292 = tpu.memref_squeeze %dma_wait3A_291 : memref<1x40x128xi32, #tpu.memory_space<hbm>> -> memref<40x128xi32, #tpu.memory_space<hbm>>
        tpu.wait_dma2 semaphore(%run_scoped3A_268 : memref<!tpu.dma_semaphore, #tpu.memory_space<semaphore_mem>>) src(%dma_wait3A_292 : memref<40x128xi32, #tpu.memory_space<hbm>>) dst(%dma_wait3A_289 : memref<40x128xi32, #tpu.memory_space<vmem>>)
        tpu.yield
      }) : () -> ()
      %dma_start3A = arith.constant 0 : i32
      %dma_start3A_25 = arith.constant 0 : i32
      %dma_start3A_26 = tpu.memref_slice %arg15[%dma_start3A, %dma_start3A_25] : memref<40x128xi32, #tpu.memory_space<vmem>> -> memref<1x128xi32, #tpu.memory_space<vmem>>
      %dma_start3A_27 = tpu.memref_squeeze %dma_start3A_26 : memref<1x128xi32, #tpu.memory_space<vmem>> -> memref<128xi32, #tpu.memory_space<vmem>>
      %dma_start3A_28 = arith.constant 0 : i32
      %dma_start3A_29 = arith.constant 0 : i32
      %dma_start3A_30 = tpu.memref_slice %arg2[%dma_start3A_28, %dma_start3A_29] : memref<10000x128xf32, #tpu.memory_space<hbm>> -> memref<10000x128xf32, #tpu.memory_space<hbm>>
      tpu.enqueue_indirect_dma source(%dma_start3A_30 : memref<10000x128xf32, #tpu.memory_space<hbm>>) target(%arg17 : memref<128x128xf32, #tpu.memory_space<vmem>>) offsets(%dma_start3A_27 : memref<128xi32, #tpu.memory_space<vmem>>) semaphore(%arg19 : memref<!tpu.dma_semaphore, #tpu.memory_space<semaphore_mem>>)
      %scan3A = arith.constant 0 : i32
      %scan3A_31 = arith.constant 20 : i32
      %scan3A_32 = arith.addi %scan3A, %scan3A_31 : i32
      %scan3A_33 = arith.constant 1 : i32
      scf.for %scan3A_268 = %scan3A to %scan3A_32 step %scan3A_33  : i32 {
        %mul3A_269 = arith.constant 2 : i32
        %mul3A_270 = arith.muli %mul3A_269, %scan3A_268 : i32
        %add3A_271 = arith.constant 0 : i32
        %add3A_272 = arith.addi %mul3A_270, %add3A_271 : i32
        %dma_wait3A_273 = arith.constant 0 : i32
        %dma_wait3A_274 = arith.constant 0 : i32
        %dma_wait3A_275 = tpu.memref_slice %arg15[%dma_wait3A_273, %dma_wait3A_274] : memref<40x128xi32, #tpu.memory_space<vmem>> -> memref<1x128xi32, #tpu.memory_space<vmem>>
        %dma_wait3A_276 = tpu.memref_squeeze %dma_wait3A_275 : memref<1x128xi32, #tpu.memory_space<vmem>> -> memref<128xi32, #tpu.memory_space<vmem>>
        %dma_wait3A_277 = arith.constant 0 : i32
        %dma_wait3A_278 = arith.constant 0 : i32
        %dma_wait3A_279 = tpu.memref_slice %arg2[%dma_wait3A_277, %dma_wait3A_278] : memref<10000x128xf32, #tpu.memory_space<hbm>> -> memref<10000x128xf32, #tpu.memory_space<hbm>>
        tpu.wait_indirect_dma semaphore(%arg19 : memref<!tpu.dma_semaphore, #tpu.memory_space<semaphore_mem>>) src(%dma_wait3A_279 : memref<10000x128xf32, #tpu.memory_space<hbm>>) dst(%arg17 : memref<128x128xf32, #tpu.memory_space<vmem>>)
        %dma_start3A_280 = arith.constant 0 : i32
        %dma_start3A_281 = tpu.memref_slice %arg16[%add3A_272, %dma_start3A_280] : memref<40x128xi32, #tpu.memory_space<vmem>> -> memref<1x128xi32, #tpu.memory_space<vmem>>
        %dma_start3A_282 = tpu.memref_squeeze %dma_start3A_281 : memref<1x128xi32, #tpu.memory_space<vmem>> -> memref<128xi32, #tpu.memory_space<vmem>>
        %dma_start3A_283 = arith.constant 0 : i32
        %dma_start3A_284 = arith.constant 0 : i32
        %dma_start3A_285 = tpu.memref_slice %arg14[%dma_start3A_283, %dma_start3A_284] : memref<10112x128xf32, #tpu.memory_space<vmem_shared>> -> memref<10112x128xf32, #tpu.memory_space<vmem_shared>>
        tpu.enqueue_indirect_dma source(%arg17 : memref<128x128xf32, #tpu.memory_space<vmem>>) target(%dma_start3A_285 : memref<10112x128xf32, #tpu.memory_space<vmem_shared>>) offsets(%dma_start3A_282 : memref<128xi32, #tpu.memory_space<vmem>>) semaphore(%arg21 : memref<!tpu.dma_semaphore, #tpu.memory_space<semaphore_mem>>) {add = true}
        %add3A_286 = arith.constant 1 : i32
        %add3A_287 = arith.addi %add3A_272, %add3A_286 : i32
        %lt3A = arith.constant 40 : i32
        %lt3A_288 = arith.cmpi slt, %add3A_287, %lt3A : i32
        %convert_element_type3A_289 = arith.extui %lt3A_288 : i1 to i32
        %cond3A_290 = arith.constant 0 : i32
        %cond3A_291 = arith.cmpi ne, %convert_element_type3A_289, %cond3A_290 : i32
        scf.if %cond3A_291 {
          %ge3A = arith.constant 1 : i32
          %ge3A_316 = arith.cmpi sge, %add3A_272, %ge3A : i32
          %convert_element_type3A_317 = arith.extui %ge3A_316 : i1 to i32
          %cond3A_318 = arith.constant 0 : i32
          %cond3A_319 = arith.cmpi ne, %convert_element_type3A_317, %cond3A_318 : i32
          scf.if %cond3A_319 {
            %dma_wait3A_328 = arith.constant 0 : i32
            %dma_wait3A_329 = arith.constant 0 : i32
            %dma_wait3A_330 = tpu.memref_slice %arg16[%dma_wait3A_328, %dma_wait3A_329] : memref<40x128xi32, #tpu.memory_space<vmem>> -> memref<1x128xi32, #tpu.memory_space<vmem>>
            %dma_wait3A_331 = tpu.memref_squeeze %dma_wait3A_330 : memref<1x128xi32, #tpu.memory_space<vmem>> -> memref<128xi32, #tpu.memory_space<vmem>>
            %dma_wait3A_332 = arith.constant 0 : i32
            %dma_wait3A_333 = arith.constant 0 : i32
            %dma_wait3A_334 = tpu.memref_slice %arg14[%dma_wait3A_332, %dma_wait3A_333] : memref<10112x128xf32, #tpu.memory_space<vmem_shared>> -> memref<10112x128xf32, #tpu.memory_space<vmem_shared>>
            tpu.wait_indirect_dma semaphore(%arg22 : memref<!tpu.dma_semaphore, #tpu.memory_space<semaphore_mem>>) src(%arg18 : memref<128x128xf32, #tpu.memory_space<vmem>>) dst(%dma_wait3A_334 : memref<10112x128xf32, #tpu.memory_space<vmem_shared>>)
          } else {
          }
          %add3A_320 = arith.constant 1 : i32
          %add3A_321 = arith.addi %add3A_272, %add3A_320 : i32
          %dma_start3A_322 = arith.constant 0 : i32
          %dma_start3A_323 = tpu.memref_slice %arg15[%add3A_321, %dma_start3A_322] : memref<40x128xi32, #tpu.memory_space<vmem>> -> memref<1x128xi32, #tpu.memory_space<vmem>>
          %dma_start3A_324 = tpu.memref_squeeze %dma_start3A_323 : memref<1x128xi32, #tpu.memory_space<vmem>> -> memref<128xi32, #tpu.memory_space<vmem>>
          %dma_start3A_325 = arith.constant 0 : i32
          %dma_start3A_326 = arith.constant 0 : i32
          %dma_start3A_327 = tpu.memref_slice %arg2[%dma_start3A_325, %dma_start3A_326] : memref<10000x128xf32, #tpu.memory_space<hbm>> -> memref<10000x128xf32, #tpu.memory_space<hbm>>
          tpu.enqueue_indirect_dma source(%dma_start3A_327 : memref<10000x128xf32, #tpu.memory_space<hbm>>) target(%arg18 : memref<128x128xf32, #tpu.memory_space<vmem>>) offsets(%dma_start3A_324 : memref<128xi32, #tpu.memory_space<vmem>>) semaphore(%arg20 : memref<!tpu.dma_semaphore, #tpu.memory_space<semaphore_mem>>)
        } else {
        }
        %mul3A_292 = arith.constant 2 : i32
        %mul3A_293 = arith.muli %mul3A_292, %scan3A_268 : i32
        %add3A_294 = arith.constant 1 : i32
        %add3A_295 = arith.addi %mul3A_293, %add3A_294 : i32
        %dma_wait3A_296 = arith.constant 0 : i32
        %dma_wait3A_297 = arith.constant 0 : i32
        %dma_wait3A_298 = tpu.memref_slice %arg15[%dma_wait3A_296, %dma_wait3A_297] : memref<40x128xi32, #tpu.memory_space<vmem>> -> memref<1x128xi32, #tpu.memory_space<vmem>>
        %dma_wait3A_299 = tpu.memref_squeeze %dma_wait3A_298 : memref<1x128xi32, #tpu.memory_space<vmem>> -> memref<128xi32, #tpu.memory_space<vmem>>
        %dma_wait3A_300 = arith.constant 0 : i32
        %dma_wait3A_301 = arith.constant 0 : i32
        %dma_wait3A_302 = tpu.memref_slice %arg2[%dma_wait3A_300, %dma_wait3A_301] : memref<10000x128xf32, #tpu.memory_space<hbm>> -> memref<10000x128xf32, #tpu.memory_space<hbm>>
        tpu.wait_indirect_dma semaphore(%arg20 : memref<!tpu.dma_semaphore, #tpu.memory_space<semaphore_mem>>) src(%dma_wait3A_302 : memref<10000x128xf32, #tpu.memory_space<hbm>>) dst(%arg18 : memref<128x128xf32, #tpu.memory_space<vmem>>)
        %dma_start3A_303 = arith.constant 0 : i32
        %dma_start3A_304 = tpu.memref_slice %arg16[%add3A_295, %dma_start3A_303] : memref<40x128xi32, #tpu.memory_space<vmem>> -> memref<1x128xi32, #tpu.memory_space<vmem>>
        %dma_start3A_305 = tpu.memref_squeeze %dma_start3A_304 : memref<1x128xi32, #tpu.memory_space<vmem>> -> memref<128xi32, #tpu.memory_space<vmem>>
        %dma_start3A_306 = arith.constant 0 : i32
        %dma_start3A_307 = arith.constant 0 : i32
        %dma_start3A_308 = tpu.memref_slice %arg14[%dma_start3A_306, %dma_start3A_307] : memref<10112x128xf32, #tpu.memory_space<vmem_shared>> -> memref<10112x128xf32, #tpu.memory_space<vmem_shared>>
        tpu.enqueue_indirect_dma source(%arg18 : memref<128x128xf32, #tpu.memory_space<vmem>>) target(%dma_start3A_308 : memref<10112x128xf32, #tpu.memory_space<vmem_shared>>) offsets(%dma_start3A_305 : memref<128xi32, #tpu.memory_space<vmem>>) semaphore(%arg22 : memref<!tpu.dma_semaphore, #tpu.memory_space<semaphore_mem>>) {add = true}
        %add3A_309 = arith.constant 1 : i32
        %add3A_310 = arith.addi %add3A_295, %add3A_309 : i32
        %lt3A_311 = arith.constant 40 : i32
        %lt3A_312 = arith.cmpi slt, %add3A_310, %lt3A_311 : i32
        %convert_element_type3A_313 = arith.extui %lt3A_312 : i1 to i32
        %cond3A_314 = arith.constant 0 : i32
        %cond3A_315 = arith.cmpi ne, %convert_element_type3A_313, %cond3A_314 : i32
        scf.if %cond3A_315 {
          %ge3A = arith.constant 1 : i32
          %ge3A_316 = arith.cmpi sge, %add3A_295, %ge3A : i32
          %convert_element_type3A_317 = arith.extui %ge3A_316 : i1 to i32
          %cond3A_318 = arith.constant 0 : i32
          %cond3A_319 = arith.cmpi ne, %convert_element_type3A_317, %cond3A_318 : i32
          scf.if %cond3A_319 {
            %dma_wait3A_328 = arith.constant 0 : i32
            %dma_wait3A_329 = arith.constant 0 : i32
            %dma_wait3A_330 = tpu.memref_slice %arg16[%dma_wait3A_328, %dma_wait3A_329] : memref<40x128xi32, #tpu.memory_space<vmem>> -> memref<1x128xi32, #tpu.memory_space<vmem>>
            %dma_wait3A_331 = tpu.memref_squeeze %dma_wait3A_330 : memref<1x128xi32, #tpu.memory_space<vmem>> -> memref<128xi32, #tpu.memory_space<vmem>>
            %dma_wait3A_332 = arith.constant 0 : i32
            %dma_wait3A_333 = arith.constant 0 : i32
            %dma_wait3A_334 = tpu.memref_slice %arg14[%dma_wait3A_332, %dma_wait3A_333] : memref<10112x128xf32, #tpu.memory_space<vmem_shared>> -> memref<10112x128xf32, #tpu.memory_space<vmem_shared>>
            tpu.wait_indirect_dma semaphore(%arg21 : memref<!tpu.dma_semaphore, #tpu.memory_space<semaphore_mem>>) src(%arg17 : memref<128x128xf32, #tpu.memory_space<vmem>>) dst(%dma_wait3A_334 : memref<10112x128xf32, #tpu.memory_space<vmem_shared>>)
          } else {
          }
          %add3A_320 = arith.constant 1 : i32
          %add3A_321 = arith.addi %add3A_295, %add3A_320 : i32
          %dma_start3A_322 = arith.constant 0 : i32
          %dma_start3A_323 = tpu.memref_slice %arg15[%add3A_321, %dma_start3A_322] : memref<40x128xi32, #tpu.memory_space<vmem>> -> memref<1x128xi32, #tpu.memory_space<vmem>>
          %dma_start3A_324 = tpu.memref_squeeze %dma_start3A_323 : memref<1x128xi32, #tpu.memory_space<vmem>> -> memref<128xi32, #tpu.memory_space<vmem>>
          %dma_start3A_325 = arith.constant 0 : i32
          %dma_start3A_326 = arith.constant 0 : i32
          %dma_start3A_327 = tpu.memref_slice %arg2[%dma_start3A_325, %dma_start3A_326] : memref<10000x128xf32, #tpu.memory_space<hbm>> -> memref<10000x128xf32, #tpu.memory_space<hbm>>
          tpu.enqueue_indirect_dma source(%dma_start3A_327 : memref<10000x128xf32, #tpu.memory_space<hbm>>) target(%arg17 : memref<128x128xf32, #tpu.memory_space<vmem>>) offsets(%dma_start3A_324 : memref<128xi32, #tpu.memory_space<vmem>>) semaphore(%arg19 : memref<!tpu.dma_semaphore, #tpu.memory_space<semaphore_mem>>)
        } else {
        }
      }
      %scan3A_34 = arith.constant 20 : i32
      %dma_wait3A = arith.constant 0 : i32
      %dma_wait3A_35 = arith.constant 0 : i32
      %dma_wait3A_36 = tpu.memref_slice %arg16[%dma_wait3A, %dma_wait3A_35] : memref<40x128xi32, #tpu.memory_space<vmem>> -> memref<1x128xi32, #tpu.memory_space<vmem>>
      %dma_wait3A_37 = tpu.memref_squeeze %dma_wait3A_36 : memref<1x128xi32, #tpu.memory_space<vmem>> -> memref<128xi32, #tpu.memory_space<vmem>>
      %dma_wait3A_38 = arith.constant 0 : i32
      %dma_wait3A_39 = arith.constant 0 : i32
      %dma_wait3A_40 = tpu.memref_slice %arg14[%dma_wait3A_38, %dma_wait3A_39] : memref<10112x128xf32, #tpu.memory_space<vmem_shared>> -> memref<10112x128xf32, #tpu.memory_space<vmem_shared>>
      tpu.wait_indirect_dma semaphore(%arg21 : memref<!tpu.dma_semaphore, #tpu.memory_space<semaphore_mem>>) src(%arg17 : memref<128x128xf32, #tpu.memory_space<vmem>>) dst(%dma_wait3A_40 : memref<10112x128xf32, #tpu.memory_space<vmem_shared>>)
      %dma_wait3A_41 = arith.constant 0 : i32
      %dma_wait3A_42 = arith.constant 0 : i32
      %dma_wait3A_43 = tpu.memref_slice %arg16[%dma_wait3A_41, %dma_wait3A_42] : memref<40x128xi32, #tpu.memory_space<vmem>> -> memref<1x128xi32, #tpu.memory_space<vmem>>
      %dma_wait3A_44 = tpu.memref_squeeze %dma_wait3A_43 : memref<1x128xi32, #tpu.memory_space<vmem>> -> memref<128xi32, #tpu.memory_space<vmem>>
      %dma_wait3A_45 = arith.constant 0 : i32
      %dma_wait3A_46 = arith.constant 0 : i32
      %dma_wait3A_47 = tpu.memref_slice %arg14[%dma_wait3A_45, %dma_wait3A_46] : memref<10112x128xf32, #tpu.memory_space<vmem_shared>> -> memref<10112x128xf32, #tpu.memory_space<vmem_shared>>
      tpu.wait_indirect_dma semaphore(%arg22 : memref<!tpu.dma_semaphore, #tpu.memory_space<semaphore_mem>>) src(%arg18 : memref<128x128xf32, #tpu.memory_space<vmem>>) dst(%dma_wait3A_47 : memref<10112x128xf32, #tpu.memory_space<vmem_shared>>)
      %add3A_48 = arith.constant 40 : i32
      %add3A_49 = arith.addi %mul3A_22, %add3A_48 : i32
      %run_scoped3A_50 = arith.constant 0 : i32
      "tpu.region"() ({
        %run_scoped3A_268 = tpu.sem_alloc : memref<!tpu.dma_semaphore, #tpu.memory_space<semaphore_mem>>
        %dma_start3A_269 = arith.constant 0 : i32
        %dma_start3A_270 = arith.constant 0 : i32
        %dma_start3A_271 = tpu.memref_slice %arg15[%dma_start3A_269, %dma_start3A_270] : memref<40x128xi32, #tpu.memory_space<vmem>> -> memref<32x128xi32, #tpu.memory_space<vmem>>
        %dma_start3A_272 = arith.constant 0 : i32
        %dma_start3A_273 = tpu.memref_slice %arg5[%run_scoped3A_50, %add3A_49, %dma_start3A_272] : memref<2x2304x128xi32, #tpu.memory_space<hbm>> -> memref<1x32x128xi32, #tpu.memory_space<hbm>>
        %dma_start3A_274 = tpu.memref_squeeze %dma_start3A_273 : memref<1x32x128xi32, #tpu.memory_space<hbm>> -> memref<32x128xi32, #tpu.memory_space<hbm>>
        %dma_start3A_275 = arith.constant 0 : i32
        %dma_start3A_276 = arith.constant 0 : i32
        %dma_start3A_277 = tpu.memref_slice %arg15[%dma_start3A_275, %dma_start3A_276] : memref<40x128xi32, #tpu.memory_space<vmem>> -> memref<32x128xi32, #tpu.memory_space<vmem>>
        %dma_start3A_278 = arith.constant 0 : i32
        %dma_start3A_279 = tpu.memref_slice %arg5[%run_scoped3A_50, %add3A_49, %dma_start3A_278] : memref<2x2304x128xi32, #tpu.memory_space<hbm>> -> memref<1x32x128xi32, #tpu.memory_space<hbm>>
        %dma_start3A_280 = tpu.memref_squeeze %dma_start3A_279 : memref<1x32x128xi32, #tpu.memory_space<hbm>> -> memref<32x128xi32, #tpu.memory_space<hbm>>
        tpu.enqueue_dma source(%dma_start3A_280 : memref<32x128xi32, #tpu.memory_space<hbm>>) target(%dma_start3A_277 : memref<32x128xi32, #tpu.memory_space<vmem>>) target_semaphore(%run_scoped3A_268 : memref<!tpu.dma_semaphore, #tpu.memory_space<semaphore_mem>>)
        %dma_wait3A_281 = arith.constant 0 : i32
        %dma_wait3A_282 = arith.constant 0 : i32
        %dma_wait3A_283 = tpu.memref_slice %arg15[%dma_wait3A_281, %dma_wait3A_282] : memref<40x128xi32, #tpu.memory_space<vmem>> -> memref<32x128xi32, #tpu.memory_space<vmem>>
        %dma_wait3A_284 = arith.constant 0 : i32
        %dma_wait3A_285 = tpu.memref_slice %arg5[%run_scoped3A_50, %add3A_49, %dma_wait3A_284] : memref<2x2304x128xi32, #tpu.memory_space<hbm>> -> memref<1x32x128xi32, #tpu.memory_space<hbm>>
        %dma_wait3A_286 = tpu.memref_squeeze %dma_wait3A_285 : memref<1x32x128xi32, #tpu.memory_space<hbm>> -> memref<32x128xi32, #tpu.memory_space<hbm>>
        %dma_wait3A_287 = arith.constant 0 : i32
        %dma_wait3A_288 = arith.constant 0 : i32
        %dma_wait3A_289 = tpu.memref_slice %arg15[%dma_wait3A_287, %dma_wait3A_288] : memref<40x128xi32, #tpu.memory_space<vmem>> -> memref<32x128xi32, #tpu.memory_space<vmem>>
        %dma_wait3A_290 = arith.constant 0 : i32
        %dma_wait3A_291 = tpu.memref_slice %arg5[%run_scoped3A_50, %add3A_49, %dma_wait3A_290] : memref<2x2304x128xi32, #tpu.memory_space<hbm>> -> memref<1x32x128xi32, #tpu.memory_space<hbm>>
        %dma_wait3A_292 = tpu.memref_squeeze %dma_wait3A_291 : memref<1x32x128xi32, #tpu.memory_space<hbm>> -> memref<32x128xi32, #tpu.memory_space<hbm>>
        tpu.wait_dma2 semaphore(%run_scoped3A_268 : memref<!tpu.dma_semaphore, #tpu.memory_space<semaphore_mem>>) src(%dma_wait3A_292 : memref<32x128xi32, #tpu.memory_space<hbm>>) dst(%dma_wait3A_289 : memref<32x128xi32, #tpu.memory_space<vmem>>)
        tpu.yield
      }) : () -> ()
      %run_scoped3A_51 = arith.constant 1 : i32
      "tpu.region"() ({
        %run_scoped3A_268 = tpu.sem_alloc : memref<!tpu.dma_semaphore, #tpu.memory_space<semaphore_mem>>
        %dma_start3A_269 = arith.constant 0 : i32
        %dma_start3A_270 = arith.constant 0 : i32
        %dma_start3A_271 = tpu.memref_slice %arg16[%dma_start3A_269, %dma_start3A_270] : memref<40x128xi32, #tpu.memory_space<vmem>> -> memref<32x128xi32, #tpu.memory_space<vmem>>
        %dma_start3A_272 = arith.constant 0 : i32
        %dma_start3A_273 = tpu.memref_slice %arg5[%run_scoped3A_51, %add3A_49, %dma_start3A_272] : memref<2x2304x128xi32, #tpu.memory_space<hbm>> -> memref<1x32x128xi32, #tpu.memory_space<hbm>>
        %dma_start3A_274 = tpu.memref_squeeze %dma_start3A_273 : memref<1x32x128xi32, #tpu.memory_space<hbm>> -> memref<32x128xi32, #tpu.memory_space<hbm>>
        %dma_start3A_275 = arith.constant 0 : i32
        %dma_start3A_276 = arith.constant 0 : i32
        %dma_start3A_277 = tpu.memref_slice %arg16[%dma_start3A_275, %dma_start3A_276] : memref<40x128xi32, #tpu.memory_space<vmem>> -> memref<32x128xi32, #tpu.memory_space<vmem>>
        %dma_start3A_278 = arith.constant 0 : i32
        %dma_start3A_279 = tpu.memref_slice %arg5[%run_scoped3A_51, %add3A_49, %dma_start3A_278] : memref<2x2304x128xi32, #tpu.memory_space<hbm>> -> memref<1x32x128xi32, #tpu.memory_space<hbm>>
        %dma_start3A_280 = tpu.memref_squeeze %dma_start3A_279 : memref<1x32x128xi32, #tpu.memory_space<hbm>> -> memref<32x128xi32, #tpu.memory_space<hbm>>
        tpu.enqueue_dma source(%dma_start3A_280 : memref<32x128xi32, #tpu.memory_space<hbm>>) target(%dma_start3A_277 : memref<32x128xi32, #tpu.memory_space<vmem>>) target_semaphore(%run_scoped3A_268 : memref<!tpu.dma_semaphore, #tpu.memory_space<semaphore_mem>>)
        %dma_wait3A_281 = arith.constant 0 : i32
        %dma_wait3A_282 = arith.constant 0 : i32
        %dma_wait3A_283 = tpu.memref_slice %arg16[%dma_wait3A_281, %dma_wait3A_282] : memref<40x128xi32, #tpu.memory_space<vmem>> -> memref<32x128xi32, #tpu.memory_space<vmem>>
        %dma_wait3A_284 = arith.constant 0 : i32
        %dma_wait3A_285 = tpu.memref_slice %arg5[%run_scoped3A_51, %add3A_49, %dma_wait3A_284] : memref<2x2304x128xi32, #tpu.memory_space<hbm>> -> memref<1x32x128xi32, #tpu.memory_space<hbm>>
        %dma_wait3A_286 = tpu.memref_squeeze %dma_wait3A_285 : memref<1x32x128xi32, #tpu.memory_space<hbm>> -> memref<32x128xi32, #tpu.memory_space<hbm>>
        %dma_wait3A_287 = arith.constant 0 : i32
        %dma_wait3A_288 = arith.constant 0 : i32
        %dma_wait3A_289 = tpu.memref_slice %arg16[%dma_wait3A_287, %dma_wait3A_288] : memref<40x128xi32, #tpu.memory_space<vmem>> -> memref<32x128xi32, #tpu.memory_space<vmem>>
        %dma_wait3A_290 = arith.constant 0 : i32
        %dma_wait3A_291 = tpu.memref_slice %arg5[%run_scoped3A_51, %add3A_49, %dma_wait3A_290] : memref<2x2304x128xi32, #tpu.memory_space<hbm>> -> memref<1x32x128xi32, #tpu.memory_space<hbm>>
        %dma_wait3A_292 = tpu.memref_squeeze %dma_wait3A_291 : memref<1x32x128xi32, #tpu.memory_space<hbm>> -> memref<32x128xi32, #tpu.memory_space<hbm>>
        tpu.wait_dma2 semaphore(%run_scoped3A_268 : memref<!tpu.dma_semaphore, #tpu.memory_space<semaphore_mem>>) src(%dma_wait3A_292 : memref<32x128xi32, #tpu.memory_space<hbm>>) dst(%dma_wait3A_289 : memref<32x128xi32, #tpu.memory_space<vmem>>)
        tpu.yield
      }) : () -> ()
      %dma_start3A_52 = arith.constant 0 : i32
      %dma_start3A_53 = arith.constant 0 : i32
      %dma_start3A_54 = tpu.memref_slice %arg15[%dma_start3A_52, %dma_start3A_53] : memref<40x128xi32, #tpu.memory_space<vmem>> -> memref<1x128xi32, #tpu.memory_space<vmem>>
      %dma_start3A_55 = tpu.memref_squeeze %dma_start3A_54 : memref<1x128xi32, #tpu.memory_space<vmem>> -> memref<128xi32, #tpu.memory_space<vmem>>
      %dma_start3A_56 = arith.constant 0 : i32
      %dma_start3A_57 = arith.constant 0 : i32
      %dma_start3A_58 = tpu.memref_slice %arg2[%dma_start3A_56, %dma_start3A_57] : memref<10000x128xf32, #tpu.memory_space<hbm>> -> memref<10000x128xf32, #tpu.memory_space<hbm>>
      tpu.enqueue_indirect_dma source(%dma_start3A_58 : memref<10000x128xf32, #tpu.memory_space<hbm>>) target(%arg17 : memref<128x128xf32, #tpu.memory_space<vmem>>) offsets(%dma_start3A_55 : memref<128xi32, #tpu.memory_space<vmem>>) semaphore(%arg19 : memref<!tpu.dma_semaphore, #tpu.memory_space<semaphore_mem>>)
      %scan3A_59 = arith.constant 0 : i32
      %scan3A_60 = arith.constant 16 : i32
      %scan3A_61 = arith.addi %scan3A_59, %scan3A_60 : i32
      %scan3A_62 = arith.constant 1 : i32
      scf.for %scan3A_268 = %scan3A_59 to %scan3A_61 step %scan3A_62  : i32 {
        %mul3A_269 = arith.constant 2 : i32
        %mul3A_270 = arith.muli %mul3A_269, %scan3A_268 : i32
        %add3A_271 = arith.constant 0 : i32
        %add3A_272 = arith.addi %mul3A_270, %add3A_271 : i32
        %dma_wait3A_273 = arith.constant 0 : i32
        %dma_wait3A_274 = arith.constant 0 : i32
        %dma_wait3A_275 = tpu.memref_slice %arg15[%dma_wait3A_273, %dma_wait3A_274] : memref<40x128xi32, #tpu.memory_space<vmem>> -> memref<1x128xi32, #tpu.memory_space<vmem>>
        %dma_wait3A_276 = tpu.memref_squeeze %dma_wait3A_275 : memref<1x128xi32, #tpu.memory_space<vmem>> -> memref<128xi32, #tpu.memory_space<vmem>>
        %dma_wait3A_277 = arith.constant 0 : i32
        %dma_wait3A_278 = arith.constant 0 : i32
        %dma_wait3A_279 = tpu.memref_slice %arg2[%dma_wait3A_277, %dma_wait3A_278] : memref<10000x128xf32, #tpu.memory_space<hbm>> -> memref<10000x128xf32, #tpu.memory_space<hbm>>
        tpu.wait_indirect_dma semaphore(%arg19 : memref<!tpu.dma_semaphore, #tpu.memory_space<semaphore_mem>>) src(%dma_wait3A_279 : memref<10000x128xf32, #tpu.memory_space<hbm>>) dst(%arg17 : memref<128x128xf32, #tpu.memory_space<vmem>>)
        %dma_start3A_280 = arith.constant 0 : i32
        %dma_start3A_281 = tpu.memref_slice %arg16[%add3A_272, %dma_start3A_280] : memref<40x128xi32, #tpu.memory_space<vmem>> -> memref<1x128xi32, #tpu.memory_space<vmem>>
        %dma_start3A_282 = tpu.memref_squeeze %dma_start3A_281 : memref<1x128xi32, #tpu.memory_space<vmem>> -> memref<128xi32, #tpu.memory_space<vmem>>
        %dma_start3A_283 = arith.constant 0 : i32
        %dma_start3A_284 = arith.constant 0 : i32
        %dma_start3A_285 = tpu.memref_slice %arg14[%dma_start3A_283, %dma_start3A_284] : memref<10112x128xf32, #tpu.memory_space<vmem_shared>> -> memref<10112x128xf32, #tpu.memory_space<vmem_shared>>
        tpu.enqueue_indirect_dma source(%arg17 : memref<128x128xf32, #tpu.memory_space<vmem>>) target(%dma_start3A_285 : memref<10112x128xf32, #tpu.memory_space<vmem_shared>>) offsets(%dma_start3A_282 : memref<128xi32, #tpu.memory_space<vmem>>) semaphore(%arg21 : memref<!tpu.dma_semaphore, #tpu.memory_space<semaphore_mem>>) {add = true}
        %add3A_286 = arith.constant 1 : i32
        %add3A_287 = arith.addi %add3A_272, %add3A_286 : i32
        %lt3A = arith.constant 32 : i32
        %lt3A_288 = arith.cmpi slt, %add3A_287, %lt3A : i32
        %convert_element_type3A_289 = arith.extui %lt3A_288 : i1 to i32
        %cond3A_290 = arith.constant 0 : i32
        %cond3A_291 = arith.cmpi ne, %convert_element_type3A_289, %cond3A_290 : i32
        scf.if %cond3A_291 {
          %ge3A = arith.constant 1 : i32
          %ge3A_316 = arith.cmpi sge, %add3A_272, %ge3A : i32
          %convert_element_type3A_317 = arith.extui %ge3A_316 : i1 to i32
          %cond3A_318 = arith.constant 0 : i32
          %cond3A_319 = arith.cmpi ne, %convert_element_type3A_317, %cond3A_318 : i32
          scf.if %cond3A_319 {
            %dma_wait3A_328 = arith.constant 0 : i32
            %dma_wait3A_329 = arith.constant 0 : i32
            %dma_wait3A_330 = tpu.memref_slice %arg16[%dma_wait3A_328, %dma_wait3A_329] : memref<40x128xi32, #tpu.memory_space<vmem>> -> memref<1x128xi32, #tpu.memory_space<vmem>>
            %dma_wait3A_331 = tpu.memref_squeeze %dma_wait3A_330 : memref<1x128xi32, #tpu.memory_space<vmem>> -> memref<128xi32, #tpu.memory_space<vmem>>
            %dma_wait3A_332 = arith.constant 0 : i32
            %dma_wait3A_333 = arith.constant 0 : i32
            %dma_wait3A_334 = tpu.memref_slice %arg14[%dma_wait3A_332, %dma_wait3A_333] : memref<10112x128xf32, #tpu.memory_space<vmem_shared>> -> memref<10112x128xf32, #tpu.memory_space<vmem_shared>>
            tpu.wait_indirect_dma semaphore(%arg22 : memref<!tpu.dma_semaphore, #tpu.memory_space<semaphore_mem>>) src(%arg18 : memref<128x128xf32, #tpu.memory_space<vmem>>) dst(%dma_wait3A_334 : memref<10112x128xf32, #tpu.memory_space<vmem_shared>>)
          } else {
          }
          %add3A_320 = arith.constant 1 : i32
          %add3A_321 = arith.addi %add3A_272, %add3A_320 : i32
          %dma_start3A_322 = arith.constant 0 : i32
          %dma_start3A_323 = tpu.memref_slice %arg15[%add3A_321, %dma_start3A_322] : memref<40x128xi32, #tpu.memory_space<vmem>> -> memref<1x128xi32, #tpu.memory_space<vmem>>
          %dma_start3A_324 = tpu.memref_squeeze %dma_start3A_323 : memref<1x128xi32, #tpu.memory_space<vmem>> -> memref<128xi32, #tpu.memory_space<vmem>>
          %dma_start3A_325 = arith.constant 0 : i32
          %dma_start3A_326 = arith.constant 0 : i32
          %dma_start3A_327 = tpu.memref_slice %arg2[%dma_start3A_325, %dma_start3A_326] : memref<10000x128xf32, #tpu.memory_space<hbm>> -> memref<10000x128xf32, #tpu.memory_space<hbm>>
          tpu.enqueue_indirect_dma source(%dma_start3A_327 : memref<10000x128xf32, #tpu.memory_space<hbm>>) target(%arg18 : memref<128x128xf32, #tpu.memory_space<vmem>>) offsets(%dma_start3A_324 : memref<128xi32, #tpu.memory_space<vmem>>) semaphore(%arg20 : memref<!tpu.dma_semaphore, #tpu.memory_space<semaphore_mem>>)
        } else {
        }
        %mul3A_292 = arith.constant 2 : i32
        %mul3A_293 = arith.muli %mul3A_292, %scan3A_268 : i32
        %add3A_294 = arith.constant 1 : i32
        %add3A_295 = arith.addi %mul3A_293, %add3A_294 : i32
        %dma_wait3A_296 = arith.constant 0 : i32
        %dma_wait3A_297 = arith.constant 0 : i32
        %dma_wait3A_298 = tpu.memref_slice %arg15[%dma_wait3A_296, %dma_wait3A_297] : memref<40x128xi32, #tpu.memory_space<vmem>> -> memref<1x128xi32, #tpu.memory_space<vmem>>
        %dma_wait3A_299 = tpu.memref_squeeze %dma_wait3A_298 : memref<1x128xi32, #tpu.memory_space<vmem>> -> memref<128xi32, #tpu.memory_space<vmem>>
        %dma_wait3A_300 = arith.constant 0 : i32
        %dma_wait3A_301 = arith.constant 0 : i32
        %dma_wait3A_302 = tpu.memref_slice %arg2[%dma_wait3A_300, %dma_wait3A_301] : memref<10000x128xf32, #tpu.memory_space<hbm>> -> memref<10000x128xf32, #tpu.memory_space<hbm>>
        tpu.wait_indirect_dma semaphore(%arg20 : memref<!tpu.dma_semaphore, #tpu.memory_space<semaphore_mem>>) src(%dma_wait3A_302 : memref<10000x128xf32, #tpu.memory_space<hbm>>) dst(%arg18 : memref<128x128xf32, #tpu.memory_space<vmem>>)
        %dma_start3A_303 = arith.constant 0 : i32
        %dma_start3A_304 = tpu.memref_slice %arg16[%add3A_295, %dma_start3A_303] : memref<40x128xi32, #tpu.memory_space<vmem>> -> memref<1x128xi32, #tpu.memory_space<vmem>>
        %dma_start3A_305 = tpu.memref_squeeze %dma_start3A_304 : memref<1x128xi32, #tpu.memory_space<vmem>> -> memref<128xi32, #tpu.memory_space<vmem>>
        %dma_start3A_306 = arith.constant 0 : i32
        %dma_start3A_307 = arith.constant 0 : i32
        %dma_start3A_308 = tpu.memref_slice %arg14[%dma_start3A_306, %dma_start3A_307] : memref<10112x128xf32, #tpu.memory_space<vmem_shared>> -> memref<10112x128xf32, #tpu.memory_space<vmem_shared>>
        tpu.enqueue_indirect_dma source(%arg18 : memref<128x128xf32, #tpu.memory_space<vmem>>) target(%dma_start3A_308 : memref<10112x128xf32, #tpu.memory_space<vmem_shared>>) offsets(%dma_start3A_305 : memref<128xi32, #tpu.memory_space<vmem>>) semaphore(%arg22 : memref<!tpu.dma_semaphore, #tpu.memory_space<semaphore_mem>>) {add = true}
        %add3A_309 = arith.constant 1 : i32
        %add3A_310 = arith.addi %add3A_295, %add3A_309 : i32
        %lt3A_311 = arith.constant 32 : i32
        %lt3A_312 = arith.cmpi slt, %add3A_310, %lt3A_311 : i32
        %convert_element_type3A_313 = arith.extui %lt3A_312 : i1 to i32
        %cond3A_314 = arith.constant 0 : i32
        %cond3A_315 = arith.cmpi ne, %convert_element_type3A_313, %cond3A_314 : i32
        scf.if %cond3A_315 {
          %ge3A = arith.constant 1 : i32
          %ge3A_316 = arith.cmpi sge, %add3A_295, %ge3A : i32
          %convert_element_type3A_317 = arith.extui %ge3A_316 : i1 to i32
          %cond3A_318 = arith.constant 0 : i32
          %cond3A_319 = arith.cmpi ne, %convert_element_type3A_317, %cond3A_318 : i32
          scf.if %cond3A_319 {
            %dma_wait3A_328 = arith.constant 0 : i32
            %dma_wait3A_329 = arith.constant 0 : i32
            %dma_wait3A_330 = tpu.memref_slice %arg16[%dma_wait3A_328, %dma_wait3A_329] : memref<40x128xi32, #tpu.memory_space<vmem>> -> memref<1x128xi32, #tpu.memory_space<vmem>>
            %dma_wait3A_331 = tpu.memref_squeeze %dma_wait3A_330 : memref<1x128xi32, #tpu.memory_space<vmem>> -> memref<128xi32, #tpu.memory_space<vmem>>
            %dma_wait3A_332 = arith.constant 0 : i32
            %dma_wait3A_333 = arith.constant 0 : i32
            %dma_wait3A_334 = tpu.memref_slice %arg14[%dma_wait3A_332, %dma_wait3A_333] : memref<10112x128xf32, #tpu.memory_space<vmem_shared>> -> memref<10112x128xf32, #tpu.memory_space<vmem_shared>>
            tpu.wait_indirect_dma semaphore(%arg21 : memref<!tpu.dma_semaphore, #tpu.memory_space<semaphore_mem>>) src(%arg17 : memref<128x128xf32, #tpu.memory_space<vmem>>) dst(%dma_wait3A_334 : memref<10112x128xf32, #tpu.memory_space<vmem_shared>>)
          } else {
          }
          %add3A_320 = arith.constant 1 : i32
          %add3A_321 = arith.addi %add3A_295, %add3A_320 : i32
          %dma_start3A_322 = arith.constant 0 : i32
          %dma_start3A_323 = tpu.memref_slice %arg15[%add3A_321, %dma_start3A_322] : memref<40x128xi32, #tpu.memory_space<vmem>> -> memref<1x128xi32, #tpu.memory_space<vmem>>
          %dma_start3A_324 = tpu.memref_squeeze %dma_start3A_323 : memref<1x128xi32, #tpu.memory_space<vmem>> -> memref<128xi32, #tpu.memory_space<vmem>>
          %dma_start3A_325 = arith.constant 0 : i32
          %dma_start3A_326 = arith.constant 0 : i32
          %dma_start3A_327 = tpu.memref_slice %arg2[%dma_start3A_325, %dma_start3A_326] : memref<10000x128xf32, #tpu.memory_space<hbm>> -> memref<10000x128xf32, #tpu.memory_space<hbm>>
          tpu.enqueue_indirect_dma source(%dma_start3A_327 : memref<10000x128xf32, #tpu.memory_space<hbm>>) target(%arg17 : memref<128x128xf32, #tpu.memory_space<vmem>>) offsets(%dma_start3A_324 : memref<128xi32, #tpu.memory_space<vmem>>) semaphore(%arg19 : memref<!tpu.dma_semaphore, #tpu.memory_space<semaphore_mem>>)
        } else {
        }
      }
      %scan3A_63 = arith.constant 16 : i32
      %dma_wait3A_64 = arith.constant 0 : i32
      %dma_wait3A_65 = arith.constant 0 : i32
      %dma_wait3A_66 = tpu.memref_slice %arg16[%dma_wait3A_64, %dma_wait3A_65] : memref<40x128xi32, #tpu.memory_space<vmem>> -> memref<1x128xi32, #tpu.memory_space<vmem>>
      %dma_wait3A_67 = tpu.memref_squeeze %dma_wait3A_66 : memref<1x128xi32, #tpu.memory_space<vmem>> -> memref<128xi32, #tpu.memory_space<vmem>>
      %dma_wait3A_68 = arith.constant 0 : i32
      %dma_wait3A_69 = arith.constant 0 : i32
      %dma_wait3A_70 = tpu.memref_slice %arg14[%dma_wait3A_68, %dma_wait3A_69] : memref<10112x128xf32, #tpu.memory_space<vmem_shared>> -> memref<10112x128xf32, #tpu.memory_space<vmem_shared>>
      tpu.wait_indirect_dma semaphore(%arg21 : memref<!tpu.dma_semaphore, #tpu.memory_space<semaphore_mem>>) src(%arg17 : memref<128x128xf32, #tpu.memory_space<vmem>>) dst(%dma_wait3A_70 : memref<10112x128xf32, #tpu.memory_space<vmem_shared>>)
      %dma_wait3A_71 = arith.constant 0 : i32
      %dma_wait3A_72 = arith.constant 0 : i32
      %dma_wait3A_73 = tpu.memref_slice %arg16[%dma_wait3A_71, %dma_wait3A_72] : memref<40x128xi32, #tpu.memory_space<vmem>> -> memref<1x128xi32, #tpu.memory_space<vmem>>
      %dma_wait3A_74 = tpu.memref_squeeze %dma_wait3A_73 : memref<1x128xi32, #tpu.memory_space<vmem>> -> memref<128xi32, #tpu.memory_space<vmem>>
      %dma_wait3A_75 = arith.constant 0 : i32
      %dma_wait3A_76 = arith.constant 0 : i32
      %dma_wait3A_77 = tpu.memref_slice %arg14[%dma_wait3A_75, %dma_wait3A_76] : memref<10112x128xf32, #tpu.memory_space<vmem_shared>> -> memref<10112x128xf32, #tpu.memory_space<vmem_shared>>
      tpu.wait_indirect_dma semaphore(%arg22 : memref<!tpu.dma_semaphore, #tpu.memory_space<semaphore_mem>>) src(%arg18 : memref<128x128xf32, #tpu.memory_space<vmem>>) dst(%dma_wait3A_77 : memref<10112x128xf32, #tpu.memory_space<vmem_shared>>)
      %mul3A_78 = arith.constant 8 : i32
      %mul3A_79 = arith.muli %arg1, %mul3A_78 : i32
      %add3A_80 = arith.constant 0 : i32
      %add3A_81 = arith.addi %mul3A_79, %add3A_80 : i32
      %run_scoped3A_82 = arith.constant 0 : i32
      "tpu.region"() ({
        %run_scoped3A_268 = tpu.sem_alloc : memref<!tpu.dma_semaphore, #tpu.memory_space<semaphore_mem>>
        %dma_start3A_269 = arith.constant 0 : i32
        %dma_start3A_270 = arith.constant 0 : i32
        %dma_start3A_271 = tpu.memref_slice %arg15[%dma_start3A_269, %dma_start3A_270] : memref<40x128xi32, #tpu.memory_space<vmem>> -> memref<8x128xi32, #tpu.memory_space<vmem>>
        %dma_start3A_272 = arith.constant 0 : i32
        %dma_start3A_273 = tpu.memref_slice %arg8[%run_scoped3A_82, %add3A_81, %dma_start3A_272] : memref<2x256x128xi32, #tpu.memory_space<hbm>> -> memref<1x8x128xi32, #tpu.memory_space<hbm>>
        %dma_start3A_274 = tpu.memref_squeeze %dma_start3A_273 : memref<1x8x128xi32, #tpu.memory_space<hbm>> -> memref<8x128xi32, #tpu.memory_space<hbm>>
        %dma_start3A_275 = arith.constant 0 : i32
        %dma_start3A_276 = arith.constant 0 : i32
        %dma_start3A_277 = tpu.memref_slice %arg15[%dma_start3A_275, %dma_start3A_276] : memref<40x128xi32, #tpu.memory_space<vmem>> -> memref<8x128xi32, #tpu.memory_space<vmem>>
        %dma_start3A_278 = arith.constant 0 : i32
        %dma_start3A_279 = tpu.memref_slice %arg8[%run_scoped3A_82, %add3A_81, %dma_start3A_278] : memref<2x256x128xi32, #tpu.memory_space<hbm>> -> memref<1x8x128xi32, #tpu.memory_space<hbm>>
        %dma_start3A_280 = tpu.memref_squeeze %dma_start3A_279 : memref<1x8x128xi32, #tpu.memory_space<hbm>> -> memref<8x128xi32, #tpu.memory_space<hbm>>
        tpu.enqueue_dma source(%dma_start3A_280 : memref<8x128xi32, #tpu.memory_space<hbm>>) target(%dma_start3A_277 : memref<8x128xi32, #tpu.memory_space<vmem>>) target_semaphore(%run_scoped3A_268 : memref<!tpu.dma_semaphore, #tpu.memory_space<semaphore_mem>>)
        %dma_wait3A_281 = arith.constant 0 : i32
        %dma_wait3A_282 = arith.constant 0 : i32
        %dma_wait3A_283 = tpu.memref_slice %arg15[%dma_wait3A_281, %dma_wait3A_282] : memref<40x128xi32, #tpu.memory_space<vmem>> -> memref<8x128xi32, #tpu.memory_space<vmem>>
        %dma_wait3A_284 = arith.constant 0 : i32
        %dma_wait3A_285 = tpu.memref_slice %arg8[%run_scoped3A_82, %add3A_81, %dma_wait3A_284] : memref<2x256x128xi32, #tpu.memory_space<hbm>> -> memref<1x8x128xi32, #tpu.memory_space<hbm>>
        %dma_wait3A_286 = tpu.memref_squeeze %dma_wait3A_285 : memref<1x8x128xi32, #tpu.memory_space<hbm>> -> memref<8x128xi32, #tpu.memory_space<hbm>>
        %dma_wait3A_287 = arith.constant 0 : i32
        %dma_wait3A_288 = arith.constant 0 : i32
        %dma_wait3A_289 = tpu.memref_slice %arg15[%dma_wait3A_287, %dma_wait3A_288] : memref<40x128xi32, #tpu.memory_space<vmem>> -> memref<8x128xi32, #tpu.memory_space<vmem>>
        %dma_wait3A_290 = arith.constant 0 : i32
        %dma_wait3A_291 = tpu.memref_slice %arg8[%run_scoped3A_82, %add3A_81, %dma_wait3A_290] : memref<2x256x128xi32, #tpu.memory_space<hbm>> -> memref<1x8x128xi32, #tpu.memory_space<hbm>>
        %dma_wait3A_292 = tpu.memref_squeeze %dma_wait3A_291 : memref<1x8x128xi32, #tpu.memory_space<hbm>> -> memref<8x128xi32, #tpu.memory_space<hbm>>
        tpu.wait_dma2 semaphore(%run_scoped3A_268 : memref<!tpu.dma_semaphore, #tpu.memory_space<semaphore_mem>>) src(%dma_wait3A_292 : memref<8x128xi32, #tpu.memory_space<hbm>>) dst(%dma_wait3A_289 : memref<8x128xi32, #tpu.memory_space<vmem>>)
        tpu.yield
      }) : () -> ()
      %run_scoped3A_83 = arith.constant 1 : i32
      "tpu.region"() ({
        %run_scoped3A_268 = tpu.sem_alloc : memref<!tpu.dma_semaphore, #tpu.memory_space<semaphore_mem>>
        %dma_start3A_269 = arith.constant 0 : i32
        %dma_start3A_270 = arith.constant 0 : i32
        %dma_start3A_271 = tpu.memref_slice %arg16[%dma_start3A_269, %dma_start3A_270] : memref<40x128xi32, #tpu.memory_space<vmem>> -> memref<8x128xi32, #tpu.memory_space<vmem>>
        %dma_start3A_272 = arith.constant 0 : i32
        %dma_start3A_273 = tpu.memref_slice %arg8[%run_scoped3A_83, %add3A_81, %dma_start3A_272] : memref<2x256x128xi32, #tpu.memory_space<hbm>> -> memref<1x8x128xi32, #tpu.memory_space<hbm>>
        %dma_start3A_274 = tpu.memref_squeeze %dma_start3A_273 : memref<1x8x128xi32, #tpu.memory_space<hbm>> -> memref<8x128xi32, #tpu.memory_space<hbm>>
        %dma_start3A_275 = arith.constant 0 : i32
        %dma_start3A_276 = arith.constant 0 : i32
        %dma_start3A_277 = tpu.memref_slice %arg16[%dma_start3A_275, %dma_start3A_276] : memref<40x128xi32, #tpu.memory_space<vmem>> -> memref<8x128xi32, #tpu.memory_space<vmem>>
        %dma_start3A_278 = arith.constant 0 : i32
        %dma_start3A_279 = tpu.memref_slice %arg8[%run_scoped3A_83, %add3A_81, %dma_start3A_278] : memref<2x256x128xi32, #tpu.memory_space<hbm>> -> memref<1x8x128xi32, #tpu.memory_space<hbm>>
        %dma_start3A_280 = tpu.memref_squeeze %dma_start3A_279 : memref<1x8x128xi32, #tpu.memory_space<hbm>> -> memref<8x128xi32, #tpu.memory_space<hbm>>
        tpu.enqueue_dma source(%dma_start3A_280 : memref<8x128xi32, #tpu.memory_space<hbm>>) target(%dma_start3A_277 : memref<8x128xi32, #tpu.memory_space<vmem>>) target_semaphore(%run_scoped3A_268 : memref<!tpu.dma_semaphore, #tpu.memory_space<semaphore_mem>>)
        %dma_wait3A_281 = arith.constant 0 : i32
        %dma_wait3A_282 = arith.constant 0 : i32
        %dma_wait3A_283 = tpu.memref_slice %arg16[%dma_wait3A_281, %dma_wait3A_282] : memref<40x128xi32, #tpu.memory_space<vmem>> -> memref<8x128xi32, #tpu.memory_space<vmem>>
        %dma_wait3A_284 = arith.constant 0 : i32
        %dma_wait3A_285 = tpu.memref_slice %arg8[%run_scoped3A_83, %add3A_81, %dma_wait3A_284] : memref<2x256x128xi32, #tpu.memory_space<hbm>> -> memref<1x8x128xi32, #tpu.memory_space<hbm>>
        %dma_wait3A_286 = tpu.memref_squeeze %dma_wait3A_285 : memref<1x8x128xi32, #tpu.memory_space<hbm>> -> memref<8x128xi32, #tpu.memory_space<hbm>>
        %dma_wait3A_287 = arith.constant 0 : i32
        %dma_wait3A_288 = arith.constant 0 : i32
        %dma_wait3A_289 = tpu.memref_slice %arg16[%dma_wait3A_287, %dma_wait3A_288] : memref<40x128xi32, #tpu.memory_space<vmem>> -> memref<8x128xi32, #tpu.memory_space<vmem>>
        %dma_wait3A_290 = arith.constant 0 : i32
        %dma_wait3A_291 = tpu.memref_slice %arg8[%run_scoped3A_83, %add3A_81, %dma_wait3A_290] : memref<2x256x128xi32, #tpu.memory_space<hbm>> -> memref<1x8x128xi32, #tpu.memory_space<hbm>>
        %dma_wait3A_292 = tpu.memref_squeeze %dma_wait3A_291 : memref<1x8x128xi32, #tpu.memory_space<hbm>> -> memref<8x128xi32, #tpu.memory_space<hbm>>
        tpu.wait_dma2 semaphore(%run_scoped3A_268 : memref<!tpu.dma_semaphore, #tpu.memory_space<semaphore_mem>>) src(%dma_wait3A_292 : memref<8x128xi32, #tpu.memory_space<hbm>>) dst(%dma_wait3A_289 : memref<8x128xi32, #tpu.memory_space<vmem>>)
        tpu.yield
      }) : () -> ()
      %dma_start3A_84 = arith.constant 0 : i32
      %dma_start3A_85 = arith.constant 0 : i32
      %dma_start3A_86 = tpu.memref_slice %arg15[%dma_start3A_84, %dma_start3A_85] : memref<40x128xi32, #tpu.memory_space<vmem>> -> memref<1x128xi32, #tpu.memory_space<vmem>>
      %dma_start3A_87 = tpu.memref_squeeze %dma_start3A_86 : memref<1x128xi32, #tpu.memory_space<vmem>> -> memref<128xi32, #tpu.memory_space<vmem>>
      %dma_start3A_88 = arith.constant 0 : i32
      %dma_start3A_89 = arith.constant 0 : i32
      %dma_start3A_90 = tpu.memref_slice %arg2[%dma_start3A_88, %dma_start3A_89] : memref<10000x128xf32, #tpu.memory_space<hbm>> -> memref<10000x128xf32, #tpu.memory_space<hbm>>
      tpu.enqueue_indirect_dma source(%dma_start3A_90 : memref<10000x128xf32, #tpu.memory_space<hbm>>) target(%arg17 : memref<128x128xf32, #tpu.memory_space<vmem>>) offsets(%dma_start3A_87 : memref<128xi32, #tpu.memory_space<vmem>>) semaphore(%arg19 : memref<!tpu.dma_semaphore, #tpu.memory_space<semaphore_mem>>)
      %scan3A_91 = arith.constant 0 : i32
      %scan3A_92 = arith.constant 4 : i32
      %scan3A_93 = arith.addi %scan3A_91, %scan3A_92 : i32
      %scan3A_94 = arith.constant 1 : i32
      scf.for %scan3A_268 = %scan3A_91 to %scan3A_93 step %scan3A_94  : i32 {
        %mul3A_269 = arith.constant 2 : i32
        %mul3A_270 = arith.muli %mul3A_269, %scan3A_268 : i32
        %add3A_271 = arith.constant 0 : i32
        %add3A_272 = arith.addi %mul3A_270, %add3A_271 : i32
        %dma_wait3A_273 = arith.constant 0 : i32
        %dma_wait3A_274 = arith.constant 0 : i32
        %dma_wait3A_275 = tpu.memref_slice %arg15[%dma_wait3A_273, %dma_wait3A_274] : memref<40x128xi32, #tpu.memory_space<vmem>> -> memref<1x128xi32, #tpu.memory_space<vmem>>
        %dma_wait3A_276 = tpu.memref_squeeze %dma_wait3A_275 : memref<1x128xi32, #tpu.memory_space<vmem>> -> memref<128xi32, #tpu.memory_space<vmem>>
        %dma_wait3A_277 = arith.constant 0 : i32
        %dma_wait3A_278 = arith.constant 0 : i32
        %dma_wait3A_279 = tpu.memref_slice %arg2[%dma_wait3A_277, %dma_wait3A_278] : memref<10000x128xf32, #tpu.memory_space<hbm>> -> memref<10000x128xf32, #tpu.memory_space<hbm>>
        tpu.wait_indirect_dma semaphore(%arg19 : memref<!tpu.dma_semaphore, #tpu.memory_space<semaphore_mem>>) src(%dma_wait3A_279 : memref<10000x128xf32, #tpu.memory_space<hbm>>) dst(%arg17 : memref<128x128xf32, #tpu.memory_space<vmem>>)
        %dma_start3A_280 = arith.constant 0 : i32
        %dma_start3A_281 = tpu.memref_slice %arg16[%add3A_272, %dma_start3A_280] : memref<40x128xi32, #tpu.memory_space<vmem>> -> memref<1x128xi32, #tpu.memory_space<vmem>>
        %dma_start3A_282 = tpu.memref_squeeze %dma_start3A_281 : memref<1x128xi32, #tpu.memory_space<vmem>> -> memref<128xi32, #tpu.memory_space<vmem>>
        %dma_start3A_283 = arith.constant 0 : i32
        %dma_start3A_284 = arith.constant 0 : i32
        %dma_start3A_285 = tpu.memref_slice %arg14[%dma_start3A_283, %dma_start3A_284] : memref<10112x128xf32, #tpu.memory_space<vmem_shared>> -> memref<10112x128xf32, #tpu.memory_space<vmem_shared>>
        tpu.enqueue_indirect_dma source(%arg17 : memref<128x128xf32, #tpu.memory_space<vmem>>) target(%dma_start3A_285 : memref<10112x128xf32, #tpu.memory_space<vmem_shared>>) offsets(%dma_start3A_282 : memref<128xi32, #tpu.memory_space<vmem>>) semaphore(%arg21 : memref<!tpu.dma_semaphore, #tpu.memory_space<semaphore_mem>>) {add = true}
        %add3A_286 = arith.constant 1 : i32
        %add3A_287 = arith.addi %add3A_272, %add3A_286 : i32
        %lt3A = arith.constant 8 : i32
        %lt3A_288 = arith.cmpi slt, %add3A_287, %lt3A : i32
        %convert_element_type3A_289 = arith.extui %lt3A_288 : i1 to i32
        %cond3A_290 = arith.constant 0 : i32
        %cond3A_291 = arith.cmpi ne, %convert_element_type3A_289, %cond3A_290 : i32
        scf.if %cond3A_291 {
          %ge3A = arith.constant 1 : i32
          %ge3A_316 = arith.cmpi sge, %add3A_272, %ge3A : i32
          %convert_element_type3A_317 = arith.extui %ge3A_316 : i1 to i32
          %cond3A_318 = arith.constant 0 : i32
          %cond3A_319 = arith.cmpi ne, %convert_element_type3A_317, %cond3A_318 : i32
          scf.if %cond3A_319 {
            %dma_wait3A_328 = arith.constant 0 : i32
            %dma_wait3A_329 = arith.constant 0 : i32
            %dma_wait3A_330 = tpu.memref_slice %arg16[%dma_wait3A_328, %dma_wait3A_329] : memref<40x128xi32, #tpu.memory_space<vmem>> -> memref<1x128xi32, #tpu.memory_space<vmem>>
            %dma_wait3A_331 = tpu.memref_squeeze %dma_wait3A_330 : memref<1x128xi32, #tpu.memory_space<vmem>> -> memref<128xi32, #tpu.memory_space<vmem>>
            %dma_wait3A_332 = arith.constant 0 : i32
            %dma_wait3A_333 = arith.constant 0 : i32
            %dma_wait3A_334 = tpu.memref_slice %arg14[%dma_wait3A_332, %dma_wait3A_333] : memref<10112x128xf32, #tpu.memory_space<vmem_shared>> -> memref<10112x128xf32, #tpu.memory_space<vmem_shared>>
            tpu.wait_indirect_dma semaphore(%arg22 : memref<!tpu.dma_semaphore, #tpu.memory_space<semaphore_mem>>) src(%arg18 : memref<128x128xf32, #tpu.memory_space<vmem>>) dst(%dma_wait3A_334 : memref<10112x128xf32, #tpu.memory_space<vmem_shared>>)
          } else {
          }
          %add3A_320 = arith.constant 1 : i32
          %add3A_321 = arith.addi %add3A_272, %add3A_320 : i32
          %dma_start3A_322 = arith.constant 0 : i32
          %dma_start3A_323 = tpu.memref_slice %arg15[%add3A_321, %dma_start3A_322] : memref<40x128xi32, #tpu.memory_space<vmem>> -> memref<1x128xi32, #tpu.memory_space<vmem>>
          %dma_start3A_324 = tpu.memref_squeeze %dma_start3A_323 : memref<1x128xi32, #tpu.memory_space<vmem>> -> memref<128xi32, #tpu.memory_space<vmem>>
          %dma_start3A_325 = arith.constant 0 : i32
          %dma_start3A_326 = arith.constant 0 : i32
          %dma_start3A_327 = tpu.memref_slice %arg2[%dma_start3A_325, %dma_start3A_326] : memref<10000x128xf32, #tpu.memory_space<hbm>> -> memref<10000x128xf32, #tpu.memory_space<hbm>>
          tpu.enqueue_indirect_dma source(%dma_start3A_327 : memref<10000x128xf32, #tpu.memory_space<hbm>>) target(%arg18 : memref<128x128xf32, #tpu.memory_space<vmem>>) offsets(%dma_start3A_324 : memref<128xi32, #tpu.memory_space<vmem>>) semaphore(%arg20 : memref<!tpu.dma_semaphore, #tpu.memory_space<semaphore_mem>>)
        } else {
        }
        %mul3A_292 = arith.constant 2 : i32
        %mul3A_293 = arith.muli %mul3A_292, %scan3A_268 : i32
        %add3A_294 = arith.constant 1 : i32
        %add3A_295 = arith.addi %mul3A_293, %add3A_294 : i32
        %dma_wait3A_296 = arith.constant 0 : i32
        %dma_wait3A_297 = arith.constant 0 : i32
        %dma_wait3A_298 = tpu.memref_slice %arg15[%dma_wait3A_296, %dma_wait3A_297] : memref<40x128xi32, #tpu.memory_space<vmem>> -> memref<1x128xi32, #tpu.memory_space<vmem>>
        %dma_wait3A_299 = tpu.memref_squeeze %dma_wait3A_298 : memref<1x128xi32, #tpu.memory_space<vmem>> -> memref<128xi32, #tpu.memory_space<vmem>>
        %dma_wait3A_300 = arith.constant 0 : i32
        %dma_wait3A_301 = arith.constant 0 : i32
        %dma_wait3A_302 = tpu.memref_slice %arg2[%dma_wait3A_300, %dma_wait3A_301] : memref<10000x128xf32, #tpu.memory_space<hbm>> -> memref<10000x128xf32, #tpu.memory_space<hbm>>
        tpu.wait_indirect_dma semaphore(%arg20 : memref<!tpu.dma_semaphore, #tpu.memory_space<semaphore_mem>>) src(%dma_wait3A_302 : memref<10000x128xf32, #tpu.memory_space<hbm>>) dst(%arg18 : memref<128x128xf32, #tpu.memory_space<vmem>>)
        %dma_start3A_303 = arith.constant 0 : i32
        %dma_start3A_304 = tpu.memref_slice %arg16[%add3A_295, %dma_start3A_303] : memref<40x128xi32, #tpu.memory_space<vmem>> -> memref<1x128xi32, #tpu.memory_space<vmem>>
        %dma_start3A_305 = tpu.memref_squeeze %dma_start3A_304 : memref<1x128xi32, #tpu.memory_space<vmem>> -> memref<128xi32, #tpu.memory_space<vmem>>
        %dma_start3A_306 = arith.constant 0 : i32
        %dma_start3A_307 = arith.constant 0 : i32
        %dma_start3A_308 = tpu.memref_slice %arg14[%dma_start3A_306, %dma_start3A_307] : memref<10112x128xf32, #tpu.memory_space<vmem_shared>> -> memref<10112x128xf32, #tpu.memory_space<vmem_shared>>
        tpu.enqueue_indirect_dma source(%arg18 : memref<128x128xf32, #tpu.memory_space<vmem>>) target(%dma_start3A_308 : memref<10112x128xf32, #tpu.memory_space<vmem_shared>>) offsets(%dma_start3A_305 : memref<128xi32, #tpu.memory_space<vmem>>) semaphore(%arg22 : memref<!tpu.dma_semaphore, #tpu.memory_space<semaphore_mem>>) {add = true}
        %add3A_309 = arith.constant 1 : i32
        %add3A_310 = arith.addi %add3A_295, %add3A_309 : i32
        %lt3A_311 = arith.constant 8 : i32
        %lt3A_312 = arith.cmpi slt, %add3A_310, %lt3A_311 : i32
        %convert_element_type3A_313 = arith.extui %lt3A_312 : i1 to i32
        %cond3A_314 = arith.constant 0 : i32
        %cond3A_315 = arith.cmpi ne, %convert_element_type3A_313, %cond3A_314 : i32
        scf.if %cond3A_315 {
          %ge3A = arith.constant 1 : i32
          %ge3A_316 = arith.cmpi sge, %add3A_295, %ge3A : i32
          %convert_element_type3A_317 = arith.extui %ge3A_316 : i1 to i32
          %cond3A_318 = arith.constant 0 : i32
          %cond3A_319 = arith.cmpi ne, %convert_element_type3A_317, %cond3A_318 : i32
          scf.if %cond3A_319 {
            %dma_wait3A_328 = arith.constant 0 : i32
            %dma_wait3A_329 = arith.constant 0 : i32
            %dma_wait3A_330 = tpu.memref_slice %arg16[%dma_wait3A_328, %dma_wait3A_329] : memref<40x128xi32, #tpu.memory_space<vmem>> -> memref<1x128xi32, #tpu.memory_space<vmem>>
            %dma_wait3A_331 = tpu.memref_squeeze %dma_wait3A_330 : memref<1x128xi32, #tpu.memory_space<vmem>> -> memref<128xi32, #tpu.memory_space<vmem>>
            %dma_wait3A_332 = arith.constant 0 : i32
            %dma_wait3A_333 = arith.constant 0 : i32
            %dma_wait3A_334 = tpu.memref_slice %arg14[%dma_wait3A_332, %dma_wait3A_333] : memref<10112x128xf32, #tpu.memory_space<vmem_shared>> -> memref<10112x128xf32, #tpu.memory_space<vmem_shared>>
            tpu.wait_indirect_dma semaphore(%arg21 : memref<!tpu.dma_semaphore, #tpu.memory_space<semaphore_mem>>) src(%arg17 : memref<128x128xf32, #tpu.memory_space<vmem>>) dst(%dma_wait3A_334 : memref<10112x128xf32, #tpu.memory_space<vmem_shared>>)
          } else {
          }
          %add3A_320 = arith.constant 1 : i32
          %add3A_321 = arith.addi %add3A_295, %add3A_320 : i32
          %dma_start3A_322 = arith.constant 0 : i32
          %dma_start3A_323 = tpu.memref_slice %arg15[%add3A_321, %dma_start3A_322] : memref<40x128xi32, #tpu.memory_space<vmem>> -> memref<1x128xi32, #tpu.memory_space<vmem>>
          %dma_start3A_324 = tpu.memref_squeeze %dma_start3A_323 : memref<1x128xi32, #tpu.memory_space<vmem>> -> memref<128xi32, #tpu.memory_space<vmem>>
          %dma_start3A_325 = arith.constant 0 : i32
          %dma_start3A_326 = arith.constant 0 : i32
          %dma_start3A_327 = tpu.memref_slice %arg2[%dma_start3A_325, %dma_start3A_326] : memref<10000x128xf32, #tpu.memory_space<hbm>> -> memref<10000x128xf32, #tpu.memory_space<hbm>>
          tpu.enqueue_indirect_dma source(%dma_start3A_327 : memref<10000x128xf32, #tpu.memory_space<hbm>>) target(%arg17 : memref<128x128xf32, #tpu.memory_space<vmem>>) offsets(%dma_start3A_324 : memref<128xi32, #tpu.memory_space<vmem>>) semaphore(%arg19 : memref<!tpu.dma_semaphore, #tpu.memory_space<semaphore_mem>>)
        } else {
        }
      }
      %scan3A_95 = arith.constant 4 : i32
      %dma_wait3A_96 = arith.constant 0 : i32
      %dma_wait3A_97 = arith.constant 0 : i32
      %dma_wait3A_98 = tpu.memref_slice %arg16[%dma_wait3A_96, %dma_wait3A_97] : memref<40x128xi32, #tpu.memory_space<vmem>> -> memref<1x128xi32, #tpu.memory_space<vmem>>
      %dma_wait3A_99 = tpu.memref_squeeze %dma_wait3A_98 : memref<1x128xi32, #tpu.memory_space<vmem>> -> memref<128xi32, #tpu.memory_space<vmem>>
      %dma_wait3A_100 = arith.constant 0 : i32
      %dma_wait3A_101 = arith.constant 0 : i32
      %dma_wait3A_102 = tpu.memref_slice %arg14[%dma_wait3A_100, %dma_wait3A_101] : memref<10112x128xf32, #tpu.memory_space<vmem_shared>> -> memref<10112x128xf32, #tpu.memory_space<vmem_shared>>
      tpu.wait_indirect_dma semaphore(%arg21 : memref<!tpu.dma_semaphore, #tpu.memory_space<semaphore_mem>>) src(%arg17 : memref<128x128xf32, #tpu.memory_space<vmem>>) dst(%dma_wait3A_102 : memref<10112x128xf32, #tpu.memory_space<vmem_shared>>)
      %dma_wait3A_103 = arith.constant 0 : i32
      %dma_wait3A_104 = arith.constant 0 : i32
      %dma_wait3A_105 = tpu.memref_slice %arg16[%dma_wait3A_103, %dma_wait3A_104] : memref<40x128xi32, #tpu.memory_space<vmem>> -> memref<1x128xi32, #tpu.memory_space<vmem>>
      %dma_wait3A_106 = tpu.memref_squeeze %dma_wait3A_105 : memref<1x128xi32, #tpu.memory_space<vmem>> -> memref<128xi32, #tpu.memory_space<vmem>>
      %dma_wait3A_107 = arith.constant 0 : i32
      %dma_wait3A_108 = arith.constant 0 : i32
      %dma_wait3A_109 = tpu.memref_slice %arg14[%dma_wait3A_107, %dma_wait3A_108] : memref<10112x128xf32, #tpu.memory_space<vmem_shared>> -> memref<10112x128xf32, #tpu.memory_space<vmem_shared>>
      tpu.wait_indirect_dma semaphore(%arg22 : memref<!tpu.dma_semaphore, #tpu.memory_space<semaphore_mem>>) src(%arg18 : memref<128x128xf32, #tpu.memory_space<vmem>>) dst(%dma_wait3A_109 : memref<10112x128xf32, #tpu.memory_space<vmem_shared>>)
      %mul3A_110 = arith.constant 72 : i32
      %mul3A_111 = arith.muli %arg1, %mul3A_110 : i32
      %add3A_112 = arith.constant 0 : i32
      %add3A_113 = arith.addi %mul3A_111, %add3A_112 : i32
      %run_scoped3A_114 = arith.constant 0 : i32
      "tpu.region"() ({
        %run_scoped3A_268 = tpu.sem_alloc : memref<!tpu.dma_semaphore, #tpu.memory_space<semaphore_mem>>
        %dma_start3A_269 = arith.constant 0 : i32
        %dma_start3A_270 = arith.constant 0 : i32
        %dma_start3A_271 = tpu.memref_slice %arg15[%dma_start3A_269, %dma_start3A_270] : memref<40x128xi32, #tpu.memory_space<vmem>> -> memref<40x128xi32, #tpu.memory_space<vmem>>
        %dma_start3A_272 = arith.constant 0 : i32
        %dma_start3A_273 = tpu.memref_slice %arg6[%run_scoped3A_114, %add3A_113, %dma_start3A_272] : memref<2x2304x128xi32, #tpu.memory_space<hbm>> -> memref<1x40x128xi32, #tpu.memory_space<hbm>>
        %dma_start3A_274 = tpu.memref_squeeze %dma_start3A_273 : memref<1x40x128xi32, #tpu.memory_space<hbm>> -> memref<40x128xi32, #tpu.memory_space<hbm>>
        %dma_start3A_275 = arith.constant 0 : i32
        %dma_start3A_276 = arith.constant 0 : i32
        %dma_start3A_277 = tpu.memref_slice %arg15[%dma_start3A_275, %dma_start3A_276] : memref<40x128xi32, #tpu.memory_space<vmem>> -> memref<40x128xi32, #tpu.memory_space<vmem>>
        %dma_start3A_278 = arith.constant 0 : i32
        %dma_start3A_279 = tpu.memref_slice %arg6[%run_scoped3A_114, %add3A_113, %dma_start3A_278] : memref<2x2304x128xi32, #tpu.memory_space<hbm>> -> memref<1x40x128xi32, #tpu.memory_space<hbm>>
        %dma_start3A_280 = tpu.memref_squeeze %dma_start3A_279 : memref<1x40x128xi32, #tpu.memory_space<hbm>> -> memref<40x128xi32, #tpu.memory_space<hbm>>
        tpu.enqueue_dma source(%dma_start3A_280 : memref<40x128xi32, #tpu.memory_space<hbm>>) target(%dma_start3A_277 : memref<40x128xi32, #tpu.memory_space<vmem>>) target_semaphore(%run_scoped3A_268 : memref<!tpu.dma_semaphore, #tpu.memory_space<semaphore_mem>>)
        %dma_wait3A_281 = arith.constant 0 : i32
        %dma_wait3A_282 = arith.constant 0 : i32
        %dma_wait3A_283 = tpu.memref_slice %arg15[%dma_wait3A_281, %dma_wait3A_282] : memref<40x128xi32, #tpu.memory_space<vmem>> -> memref<40x128xi32, #tpu.memory_space<vmem>>
        %dma_wait3A_284 = arith.constant 0 : i32
        %dma_wait3A_285 = tpu.memref_slice %arg6[%run_scoped3A_114, %add3A_113, %dma_wait3A_284] : memref<2x2304x128xi32, #tpu.memory_space<hbm>> -> memref<1x40x128xi32, #tpu.memory_space<hbm>>
        %dma_wait3A_286 = tpu.memref_squeeze %dma_wait3A_285 : memref<1x40x128xi32, #tpu.memory_space<hbm>> -> memref<40x128xi32, #tpu.memory_space<hbm>>
        %dma_wait3A_287 = arith.constant 0 : i32
        %dma_wait3A_288 = arith.constant 0 : i32
        %dma_wait3A_289 = tpu.memref_slice %arg15[%dma_wait3A_287, %dma_wait3A_288] : memref<40x128xi32, #tpu.memory_space<vmem>> -> memref<40x128xi32, #tpu.memory_space<vmem>>
        %dma_wait3A_290 = arith.constant 0 : i32
        %dma_wait3A_291 = tpu.memref_slice %arg6[%run_scoped3A_114, %add3A_113, %dma_wait3A_290] : memref<2x2304x128xi32, #tpu.memory_space<hbm>> -> memref<1x40x128xi32, #tpu.memory_space<hbm>>
        %dma_wait3A_292 = tpu.memref_squeeze %dma_wait3A_291 : memref<1x40x128xi32, #tpu.memory_space<hbm>> -> memref<40x128xi32, #tpu.memory_space<hbm>>
        tpu.wait_dma2 semaphore(%run_scoped3A_268 : memref<!tpu.dma_semaphore, #tpu.memory_space<semaphore_mem>>) src(%dma_wait3A_292 : memref<40x128xi32, #tpu.memory_space<hbm>>) dst(%dma_wait3A_289 : memref<40x128xi32, #tpu.memory_space<vmem>>)
        tpu.yield
      }) : () -> ()
      %run_scoped3A_115 = arith.constant 1 : i32
      "tpu.region"() ({
        %run_scoped3A_268 = tpu.sem_alloc : memref<!tpu.dma_semaphore, #tpu.memory_space<semaphore_mem>>
        %dma_start3A_269 = arith.constant 0 : i32
        %dma_start3A_270 = arith.constant 0 : i32
        %dma_start3A_271 = tpu.memref_slice %arg16[%dma_start3A_269, %dma_start3A_270] : memref<40x128xi32, #tpu.memory_space<vmem>> -> memref<40x128xi32, #tpu.memory_space<vmem>>
        %dma_start3A_272 = arith.constant 0 : i32
        %dma_start3A_273 = tpu.memref_slice %arg6[%run_scoped3A_115, %add3A_113, %dma_start3A_272] : memref<2x2304x128xi32, #tpu.memory_space<hbm>> -> memref<1x40x128xi32, #tpu.memory_space<hbm>>
        %dma_start3A_274 = tpu.memref_squeeze %dma_start3A_273 : memref<1x40x128xi32, #tpu.memory_space<hbm>> -> memref<40x128xi32, #tpu.memory_space<hbm>>
        %dma_start3A_275 = arith.constant 0 : i32
        %dma_start3A_276 = arith.constant 0 : i32
        %dma_start3A_277 = tpu.memref_slice %arg16[%dma_start3A_275, %dma_start3A_276] : memref<40x128xi32, #tpu.memory_space<vmem>> -> memref<40x128xi32, #tpu.memory_space<vmem>>
        %dma_start3A_278 = arith.constant 0 : i32
        %dma_start3A_279 = tpu.memref_slice %arg6[%run_scoped3A_115, %add3A_113, %dma_start3A_278] : memref<2x2304x128xi32, #tpu.memory_space<hbm>> -> memref<1x40x128xi32, #tpu.memory_space<hbm>>
        %dma_start3A_280 = tpu.memref_squeeze %dma_start3A_279 : memref<1x40x128xi32, #tpu.memory_space<hbm>> -> memref<40x128xi32, #tpu.memory_space<hbm>>
        tpu.enqueue_dma source(%dma_start3A_280 : memref<40x128xi32, #tpu.memory_space<hbm>>) target(%dma_start3A_277 : memref<40x128xi32, #tpu.memory_space<vmem>>) target_semaphore(%run_scoped3A_268 : memref<!tpu.dma_semaphore, #tpu.memory_space<semaphore_mem>>)
        %dma_wait3A_281 = arith.constant 0 : i32
        %dma_wait3A_282 = arith.constant 0 : i32
        %dma_wait3A_283 = tpu.memref_slice %arg16[%dma_wait3A_281, %dma_wait3A_282] : memref<40x128xi32, #tpu.memory_space<vmem>> -> memref<40x128xi32, #tpu.memory_space<vmem>>
        %dma_wait3A_284 = arith.constant 0 : i32
        %dma_wait3A_285 = tpu.memref_slice %arg6[%run_scoped3A_115, %add3A_113, %dma_wait3A_284] : memref<2x2304x128xi32, #tpu.memory_space<hbm>> -> memref<1x40x128xi32, #tpu.memory_space<hbm>>
        %dma_wait3A_286 = tpu.memref_squeeze %dma_wait3A_285 : memref<1x40x128xi32, #tpu.memory_space<hbm>> -> memref<40x128xi32, #tpu.memory_space<hbm>>
        %dma_wait3A_287 = arith.constant 0 : i32
        %dma_wait3A_288 = arith.constant 0 : i32
        %dma_wait3A_289 = tpu.memref_slice %arg16[%dma_wait3A_287, %dma_wait3A_288] : memref<40x128xi32, #tpu.memory_space<vmem>> -> memref<40x128xi32, #tpu.memory_space<vmem>>
        %dma_wait3A_290 = arith.constant 0 : i32
        %dma_wait3A_291 = tpu.memref_slice %arg6[%run_scoped3A_115, %add3A_113, %dma_wait3A_290] : memref<2x2304x128xi32, #tpu.memory_space<hbm>> -> memref<1x40x128xi32, #tpu.memory_space<hbm>>
        %dma_wait3A_292 = tpu.memref_squeeze %dma_wait3A_291 : memref<1x40x128xi32, #tpu.memory_space<hbm>> -> memref<40x128xi32, #tpu.memory_space<hbm>>
        tpu.wait_dma2 semaphore(%run_scoped3A_268 : memref<!tpu.dma_semaphore, #tpu.memory_space<semaphore_mem>>) src(%dma_wait3A_292 : memref<40x128xi32, #tpu.memory_space<hbm>>) dst(%dma_wait3A_289 : memref<40x128xi32, #tpu.memory_space<vmem>>)
        tpu.yield
      }) : () -> ()
      %dma_start3A_116 = arith.constant 0 : i32
      %dma_start3A_117 = arith.constant 0 : i32
      %dma_start3A_118 = tpu.memref_slice %arg15[%dma_start3A_116, %dma_start3A_117] : memref<40x128xi32, #tpu.memory_space<vmem>> -> memref<1x128xi32, #tpu.memory_space<vmem>>
      %dma_start3A_119 = tpu.memref_squeeze %dma_start3A_118 : memref<1x128xi32, #tpu.memory_space<vmem>> -> memref<128xi32, #tpu.memory_space<vmem>>
      %dma_start3A_120 = arith.constant 0 : i32
      %dma_start3A_121 = arith.constant 0 : i32
      %dma_start3A_122 = tpu.memref_slice %arg3[%dma_start3A_120, %dma_start3A_121] : memref<10000x128xf32, #tpu.memory_space<hbm>> -> memref<10000x128xf32, #tpu.memory_space<hbm>>
      tpu.enqueue_indirect_dma source(%dma_start3A_122 : memref<10000x128xf32, #tpu.memory_space<hbm>>) target(%arg17 : memref<128x128xf32, #tpu.memory_space<vmem>>) offsets(%dma_start3A_119 : memref<128xi32, #tpu.memory_space<vmem>>) semaphore(%arg19 : memref<!tpu.dma_semaphore, #tpu.memory_space<semaphore_mem>>)
      %scan3A_123 = arith.constant 0 : i32
      %scan3A_124 = arith.constant 20 : i32
      %scan3A_125 = arith.addi %scan3A_123, %scan3A_124 : i32
      %scan3A_126 = arith.constant 1 : i32
      scf.for %scan3A_268 = %scan3A_123 to %scan3A_125 step %scan3A_126  : i32 {
        %mul3A_269 = arith.constant 2 : i32
        %mul3A_270 = arith.muli %mul3A_269, %scan3A_268 : i32
        %add3A_271 = arith.constant 0 : i32
        %add3A_272 = arith.addi %mul3A_270, %add3A_271 : i32
        %dma_wait3A_273 = arith.constant 0 : i32
        %dma_wait3A_274 = arith.constant 0 : i32
        %dma_wait3A_275 = tpu.memref_slice %arg15[%dma_wait3A_273, %dma_wait3A_274] : memref<40x128xi32, #tpu.memory_space<vmem>> -> memref<1x128xi32, #tpu.memory_space<vmem>>
        %dma_wait3A_276 = tpu.memref_squeeze %dma_wait3A_275 : memref<1x128xi32, #tpu.memory_space<vmem>> -> memref<128xi32, #tpu.memory_space<vmem>>
        %dma_wait3A_277 = arith.constant 0 : i32
        %dma_wait3A_278 = arith.constant 0 : i32
        %dma_wait3A_279 = tpu.memref_slice %arg3[%dma_wait3A_277, %dma_wait3A_278] : memref<10000x128xf32, #tpu.memory_space<hbm>> -> memref<10000x128xf32, #tpu.memory_space<hbm>>
        tpu.wait_indirect_dma semaphore(%arg19 : memref<!tpu.dma_semaphore, #tpu.memory_space<semaphore_mem>>) src(%dma_wait3A_279 : memref<10000x128xf32, #tpu.memory_space<hbm>>) dst(%arg17 : memref<128x128xf32, #tpu.memory_space<vmem>>)
        %dma_start3A_280 = arith.constant 0 : i32
        %dma_start3A_281 = tpu.memref_slice %arg16[%add3A_272, %dma_start3A_280] : memref<40x128xi32, #tpu.memory_space<vmem>> -> memref<1x128xi32, #tpu.memory_space<vmem>>
        %dma_start3A_282 = tpu.memref_squeeze %dma_start3A_281 : memref<1x128xi32, #tpu.memory_space<vmem>> -> memref<128xi32, #tpu.memory_space<vmem>>
        %dma_start3A_283 = arith.constant 0 : i32
        %dma_start3A_284 = arith.constant 0 : i32
        %dma_start3A_285 = tpu.memref_slice %arg14[%dma_start3A_283, %dma_start3A_284] : memref<10112x128xf32, #tpu.memory_space<vmem_shared>> -> memref<10112x128xf32, #tpu.memory_space<vmem_shared>>
        tpu.enqueue_indirect_dma source(%arg17 : memref<128x128xf32, #tpu.memory_space<vmem>>) target(%dma_start3A_285 : memref<10112x128xf32, #tpu.memory_space<vmem_shared>>) offsets(%dma_start3A_282 : memref<128xi32, #tpu.memory_space<vmem>>) semaphore(%arg21 : memref<!tpu.dma_semaphore, #tpu.memory_space<semaphore_mem>>) {add = true}
        %add3A_286 = arith.constant 1 : i32
        %add3A_287 = arith.addi %add3A_272, %add3A_286 : i32
        %lt3A = arith.constant 40 : i32
        %lt3A_288 = arith.cmpi slt, %add3A_287, %lt3A : i32
        %convert_element_type3A_289 = arith.extui %lt3A_288 : i1 to i32
        %cond3A_290 = arith.constant 0 : i32
        %cond3A_291 = arith.cmpi ne, %convert_element_type3A_289, %cond3A_290 : i32
        scf.if %cond3A_291 {
          %ge3A = arith.constant 1 : i32
          %ge3A_316 = arith.cmpi sge, %add3A_272, %ge3A : i32
          %convert_element_type3A_317 = arith.extui %ge3A_316 : i1 to i32
          %cond3A_318 = arith.constant 0 : i32
          %cond3A_319 = arith.cmpi ne, %convert_element_type3A_317, %cond3A_318 : i32
          scf.if %cond3A_319 {
            %dma_wait3A_328 = arith.constant 0 : i32
            %dma_wait3A_329 = arith.constant 0 : i32
            %dma_wait3A_330 = tpu.memref_slice %arg16[%dma_wait3A_328, %dma_wait3A_329] : memref<40x128xi32, #tpu.memory_space<vmem>> -> memref<1x128xi32, #tpu.memory_space<vmem>>
            %dma_wait3A_331 = tpu.memref_squeeze %dma_wait3A_330 : memref<1x128xi32, #tpu.memory_space<vmem>> -> memref<128xi32, #tpu.memory_space<vmem>>
            %dma_wait3A_332 = arith.constant 0 : i32
            %dma_wait3A_333 = arith.constant 0 : i32
            %dma_wait3A_334 = tpu.memref_slice %arg14[%dma_wait3A_332, %dma_wait3A_333] : memref<10112x128xf32, #tpu.memory_space<vmem_shared>> -> memref<10112x128xf32, #tpu.memory_space<vmem_shared>>
            tpu.wait_indirect_dma semaphore(%arg22 : memref<!tpu.dma_semaphore, #tpu.memory_space<semaphore_mem>>) src(%arg18 : memref<128x128xf32, #tpu.memory_space<vmem>>) dst(%dma_wait3A_334 : memref<10112x128xf32, #tpu.memory_space<vmem_shared>>)
          } else {
          }
          %add3A_320 = arith.constant 1 : i32
          %add3A_321 = arith.addi %add3A_272, %add3A_320 : i32
          %dma_start3A_322 = arith.constant 0 : i32
          %dma_start3A_323 = tpu.memref_slice %arg15[%add3A_321, %dma_start3A_322] : memref<40x128xi32, #tpu.memory_space<vmem>> -> memref<1x128xi32, #tpu.memory_space<vmem>>
          %dma_start3A_324 = tpu.memref_squeeze %dma_start3A_323 : memref<1x128xi32, #tpu.memory_space<vmem>> -> memref<128xi32, #tpu.memory_space<vmem>>
          %dma_start3A_325 = arith.constant 0 : i32
          %dma_start3A_326 = arith.constant 0 : i32
          %dma_start3A_327 = tpu.memref_slice %arg3[%dma_start3A_325, %dma_start3A_326] : memref<10000x128xf32, #tpu.memory_space<hbm>> -> memref<10000x128xf32, #tpu.memory_space<hbm>>
          tpu.enqueue_indirect_dma source(%dma_start3A_327 : memref<10000x128xf32, #tpu.memory_space<hbm>>) target(%arg18 : memref<128x128xf32, #tpu.memory_space<vmem>>) offsets(%dma_start3A_324 : memref<128xi32, #tpu.memory_space<vmem>>) semaphore(%arg20 : memref<!tpu.dma_semaphore, #tpu.memory_space<semaphore_mem>>)
        } else {
        }
        %mul3A_292 = arith.constant 2 : i32
        %mul3A_293 = arith.muli %mul3A_292, %scan3A_268 : i32
        %add3A_294 = arith.constant 1 : i32
        %add3A_295 = arith.addi %mul3A_293, %add3A_294 : i32
        %dma_wait3A_296 = arith.constant 0 : i32
        %dma_wait3A_297 = arith.constant 0 : i32
        %dma_wait3A_298 = tpu.memref_slice %arg15[%dma_wait3A_296, %dma_wait3A_297] : memref<40x128xi32, #tpu.memory_space<vmem>> -> memref<1x128xi32, #tpu.memory_space<vmem>>
        %dma_wait3A_299 = tpu.memref_squeeze %dma_wait3A_298 : memref<1x128xi32, #tpu.memory_space<vmem>> -> memref<128xi32, #tpu.memory_space<vmem>>
        %dma_wait3A_300 = arith.constant 0 : i32
        %dma_wait3A_301 = arith.constant 0 : i32
        %dma_wait3A_302 = tpu.memref_slice %arg3[%dma_wait3A_300, %dma_wait3A_301] : memref<10000x128xf32, #tpu.memory_space<hbm>> -> memref<10000x128xf32, #tpu.memory_space<hbm>>
        tpu.wait_indirect_dma semaphore(%arg20 : memref<!tpu.dma_semaphore, #tpu.memory_space<semaphore_mem>>) src(%dma_wait3A_302 : memref<10000x128xf32, #tpu.memory_space<hbm>>) dst(%arg18 : memref<128x128xf32, #tpu.memory_space<vmem>>)
        %dma_start3A_303 = arith.constant 0 : i32
        %dma_start3A_304 = tpu.memref_slice %arg16[%add3A_295, %dma_start3A_303] : memref<40x128xi32, #tpu.memory_space<vmem>> -> memref<1x128xi32, #tpu.memory_space<vmem>>
        %dma_start3A_305 = tpu.memref_squeeze %dma_start3A_304 : memref<1x128xi32, #tpu.memory_space<vmem>> -> memref<128xi32, #tpu.memory_space<vmem>>
        %dma_start3A_306 = arith.constant 0 : i32
        %dma_start3A_307 = arith.constant 0 : i32
        %dma_start3A_308 = tpu.memref_slice %arg14[%dma_start3A_306, %dma_start3A_307] : memref<10112x128xf32, #tpu.memory_space<vmem_shared>> -> memref<10112x128xf32, #tpu.memory_space<vmem_shared>>
        tpu.enqueue_indirect_dma source(%arg18 : memref<128x128xf32, #tpu.memory_space<vmem>>) target(%dma_start3A_308 : memref<10112x128xf32, #tpu.memory_space<vmem_shared>>) offsets(%dma_start3A_305 : memref<128xi32, #tpu.memory_space<vmem>>) semaphore(%arg22 : memref<!tpu.dma_semaphore, #tpu.memory_space<semaphore_mem>>) {add = true}
        %add3A_309 = arith.constant 1 : i32
        %add3A_310 = arith.addi %add3A_295, %add3A_309 : i32
        %lt3A_311 = arith.constant 40 : i32
        %lt3A_312 = arith.cmpi slt, %add3A_310, %lt3A_311 : i32
        %convert_element_type3A_313 = arith.extui %lt3A_312 : i1 to i32
        %cond3A_314 = arith.constant 0 : i32
        %cond3A_315 = arith.cmpi ne, %convert_element_type3A_313, %cond3A_314 : i32
        scf.if %cond3A_315 {
          %ge3A = arith.constant 1 : i32
          %ge3A_316 = arith.cmpi sge, %add3A_295, %ge3A : i32
          %convert_element_type3A_317 = arith.extui %ge3A_316 : i1 to i32
          %cond3A_318 = arith.constant 0 : i32
          %cond3A_319 = arith.cmpi ne, %convert_element_type3A_317, %cond3A_318 : i32
          scf.if %cond3A_319 {
            %dma_wait3A_328 = arith.constant 0 : i32
            %dma_wait3A_329 = arith.constant 0 : i32
            %dma_wait3A_330 = tpu.memref_slice %arg16[%dma_wait3A_328, %dma_wait3A_329] : memref<40x128xi32, #tpu.memory_space<vmem>> -> memref<1x128xi32, #tpu.memory_space<vmem>>
            %dma_wait3A_331 = tpu.memref_squeeze %dma_wait3A_330 : memref<1x128xi32, #tpu.memory_space<vmem>> -> memref<128xi32, #tpu.memory_space<vmem>>
            %dma_wait3A_332 = arith.constant 0 : i32
            %dma_wait3A_333 = arith.constant 0 : i32
            %dma_wait3A_334 = tpu.memref_slice %arg14[%dma_wait3A_332, %dma_wait3A_333] : memref<10112x128xf32, #tpu.memory_space<vmem_shared>> -> memref<10112x128xf32, #tpu.memory_space<vmem_shared>>
            tpu.wait_indirect_dma semaphore(%arg21 : memref<!tpu.dma_semaphore, #tpu.memory_space<semaphore_mem>>) src(%arg17 : memref<128x128xf32, #tpu.memory_space<vmem>>) dst(%dma_wait3A_334 : memref<10112x128xf32, #tpu.memory_space<vmem_shared>>)
          } else {
          }
          %add3A_320 = arith.constant 1 : i32
          %add3A_321 = arith.addi %add3A_295, %add3A_320 : i32
          %dma_start3A_322 = arith.constant 0 : i32
          %dma_start3A_323 = tpu.memref_slice %arg15[%add3A_321, %dma_start3A_322] : memref<40x128xi32, #tpu.memory_space<vmem>> -> memref<1x128xi32, #tpu.memory_space<vmem>>
          %dma_start3A_324 = tpu.memref_squeeze %dma_start3A_323 : memref<1x128xi32, #tpu.memory_space<vmem>> -> memref<128xi32, #tpu.memory_space<vmem>>
          %dma_start3A_325 = arith.constant 0 : i32
          %dma_start3A_326 = arith.constant 0 : i32
          %dma_start3A_327 = tpu.memref_slice %arg3[%dma_start3A_325, %dma_start3A_326] : memref<10000x128xf32, #tpu.memory_space<hbm>> -> memref<10000x128xf32, #tpu.memory_space<hbm>>
          tpu.enqueue_indirect_dma source(%dma_start3A_327 : memref<10000x128xf32, #tpu.memory_space<hbm>>) target(%arg17 : memref<128x128xf32, #tpu.memory_space<vmem>>) offsets(%dma_start3A_324 : memref<128xi32, #tpu.memory_space<vmem>>) semaphore(%arg19 : memref<!tpu.dma_semaphore, #tpu.memory_space<semaphore_mem>>)
        } else {
        }
      }
      %scan3A_127 = arith.constant 20 : i32
      %dma_wait3A_128 = arith.constant 0 : i32
      %dma_wait3A_129 = arith.constant 0 : i32
      %dma_wait3A_130 = tpu.memref_slice %arg16[%dma_wait3A_128, %dma_wait3A_129] : memref<40x128xi32, #tpu.memory_space<vmem>> -> memref<1x128xi32, #tpu.memory_space<vmem>>
      %dma_wait3A_131 = tpu.memref_squeeze %dma_wait3A_130 : memref<1x128xi32, #tpu.memory_space<vmem>> -> memref<128xi32, #tpu.memory_space<vmem>>
      %dma_wait3A_132 = arith.constant 0 : i32
      %dma_wait3A_133 = arith.constant 0 : i32
      %dma_wait3A_134 = tpu.memref_slice %arg14[%dma_wait3A_132, %dma_wait3A_133] : memref<10112x128xf32, #tpu.memory_space<vmem_shared>> -> memref<10112x128xf32, #tpu.memory_space<vmem_shared>>
      tpu.wait_indirect_dma semaphore(%arg21 : memref<!tpu.dma_semaphore, #tpu.memory_space<semaphore_mem>>) src(%arg17 : memref<128x128xf32, #tpu.memory_space<vmem>>) dst(%dma_wait3A_134 : memref<10112x128xf32, #tpu.memory_space<vmem_shared>>)
      %dma_wait3A_135 = arith.constant 0 : i32
      %dma_wait3A_136 = arith.constant 0 : i32
      %dma_wait3A_137 = tpu.memref_slice %arg16[%dma_wait3A_135, %dma_wait3A_136] : memref<40x128xi32, #tpu.memory_space<vmem>> -> memref<1x128xi32, #tpu.memory_space<vmem>>
      %dma_wait3A_138 = tpu.memref_squeeze %dma_wait3A_137 : memref<1x128xi32, #tpu.memory_space<vmem>> -> memref<128xi32, #tpu.memory_space<vmem>>
      %dma_wait3A_139 = arith.constant 0 : i32
      %dma_wait3A_140 = arith.constant 0 : i32
      %dma_wait3A_141 = tpu.memref_slice %arg14[%dma_wait3A_139, %dma_wait3A_140] : memref<10112x128xf32, #tpu.memory_space<vmem_shared>> -> memref<10112x128xf32, #tpu.memory_space<vmem_shared>>
      tpu.wait_indirect_dma semaphore(%arg22 : memref<!tpu.dma_semaphore, #tpu.memory_space<semaphore_mem>>) src(%arg18 : memref<128x128xf32, #tpu.memory_space<vmem>>) dst(%dma_wait3A_141 : memref<10112x128xf32, #tpu.memory_space<vmem_shared>>)
      %add3A_142 = arith.constant 40 : i32
      %add3A_143 = arith.addi %mul3A_111, %add3A_142 : i32
      %run_scoped3A_144 = arith.constant 0 : i32
      "tpu.region"() ({
        %run_scoped3A_268 = tpu.sem_alloc : memref<!tpu.dma_semaphore, #tpu.memory_space<semaphore_mem>>
        %dma_start3A_269 = arith.constant 0 : i32
        %dma_start3A_270 = arith.constant 0 : i32
        %dma_start3A_271 = tpu.memref_slice %arg15[%dma_start3A_269, %dma_start3A_270] : memref<40x128xi32, #tpu.memory_space<vmem>> -> memref<32x128xi32, #tpu.memory_space<vmem>>
        %dma_start3A_272 = arith.constant 0 : i32
        %dma_start3A_273 = tpu.memref_slice %arg6[%run_scoped3A_144, %add3A_143, %dma_start3A_272] : memref<2x2304x128xi32, #tpu.memory_space<hbm>> -> memref<1x32x128xi32, #tpu.memory_space<hbm>>
        %dma_start3A_274 = tpu.memref_squeeze %dma_start3A_273 : memref<1x32x128xi32, #tpu.memory_space<hbm>> -> memref<32x128xi32, #tpu.memory_space<hbm>>
        %dma_start3A_275 = arith.constant 0 : i32
        %dma_start3A_276 = arith.constant 0 : i32
        %dma_start3A_277 = tpu.memref_slice %arg15[%dma_start3A_275, %dma_start3A_276] : memref<40x128xi32, #tpu.memory_space<vmem>> -> memref<32x128xi32, #tpu.memory_space<vmem>>
        %dma_start3A_278 = arith.constant 0 : i32
        %dma_start3A_279 = tpu.memref_slice %arg6[%run_scoped3A_144, %add3A_143, %dma_start3A_278] : memref<2x2304x128xi32, #tpu.memory_space<hbm>> -> memref<1x32x128xi32, #tpu.memory_space<hbm>>
        %dma_start3A_280 = tpu.memref_squeeze %dma_start3A_279 : memref<1x32x128xi32, #tpu.memory_space<hbm>> -> memref<32x128xi32, #tpu.memory_space<hbm>>
        tpu.enqueue_dma source(%dma_start3A_280 : memref<32x128xi32, #tpu.memory_space<hbm>>) target(%dma_start3A_277 : memref<32x128xi32, #tpu.memory_space<vmem>>) target_semaphore(%run_scoped3A_268 : memref<!tpu.dma_semaphore, #tpu.memory_space<semaphore_mem>>)
        %dma_wait3A_281 = arith.constant 0 : i32
        %dma_wait3A_282 = arith.constant 0 : i32
        %dma_wait3A_283 = tpu.memref_slice %arg15[%dma_wait3A_281, %dma_wait3A_282] : memref<40x128xi32, #tpu.memory_space<vmem>> -> memref<32x128xi32, #tpu.memory_space<vmem>>
        %dma_wait3A_284 = arith.constant 0 : i32
        %dma_wait3A_285 = tpu.memref_slice %arg6[%run_scoped3A_144, %add3A_143, %dma_wait3A_284] : memref<2x2304x128xi32, #tpu.memory_space<hbm>> -> memref<1x32x128xi32, #tpu.memory_space<hbm>>
        %dma_wait3A_286 = tpu.memref_squeeze %dma_wait3A_285 : memref<1x32x128xi32, #tpu.memory_space<hbm>> -> memref<32x128xi32, #tpu.memory_space<hbm>>
        %dma_wait3A_287 = arith.constant 0 : i32
        %dma_wait3A_288 = arith.constant 0 : i32
        %dma_wait3A_289 = tpu.memref_slice %arg15[%dma_wait3A_287, %dma_wait3A_288] : memref<40x128xi32, #tpu.memory_space<vmem>> -> memref<32x128xi32, #tpu.memory_space<vmem>>
        %dma_wait3A_290 = arith.constant 0 : i32
        %dma_wait3A_291 = tpu.memref_slice %arg6[%run_scoped3A_144, %add3A_143, %dma_wait3A_290] : memref<2x2304x128xi32, #tpu.memory_space<hbm>> -> memref<1x32x128xi32, #tpu.memory_space<hbm>>
        %dma_wait3A_292 = tpu.memref_squeeze %dma_wait3A_291 : memref<1x32x128xi32, #tpu.memory_space<hbm>> -> memref<32x128xi32, #tpu.memory_space<hbm>>
        tpu.wait_dma2 semaphore(%run_scoped3A_268 : memref<!tpu.dma_semaphore, #tpu.memory_space<semaphore_mem>>) src(%dma_wait3A_292 : memref<32x128xi32, #tpu.memory_space<hbm>>) dst(%dma_wait3A_289 : memref<32x128xi32, #tpu.memory_space<vmem>>)
        tpu.yield
      }) : () -> ()
      %run_scoped3A_145 = arith.constant 1 : i32
      "tpu.region"() ({
        %run_scoped3A_268 = tpu.sem_alloc : memref<!tpu.dma_semaphore, #tpu.memory_space<semaphore_mem>>
        %dma_start3A_269 = arith.constant 0 : i32
        %dma_start3A_270 = arith.constant 0 : i32
        %dma_start3A_271 = tpu.memref_slice %arg16[%dma_start3A_269, %dma_start3A_270] : memref<40x128xi32, #tpu.memory_space<vmem>> -> memref<32x128xi32, #tpu.memory_space<vmem>>
        %dma_start3A_272 = arith.constant 0 : i32
        %dma_start3A_273 = tpu.memref_slice %arg6[%run_scoped3A_145, %add3A_143, %dma_start3A_272] : memref<2x2304x128xi32, #tpu.memory_space<hbm>> -> memref<1x32x128xi32, #tpu.memory_space<hbm>>
        %dma_start3A_274 = tpu.memref_squeeze %dma_start3A_273 : memref<1x32x128xi32, #tpu.memory_space<hbm>> -> memref<32x128xi32, #tpu.memory_space<hbm>>
        %dma_start3A_275 = arith.constant 0 : i32
        %dma_start3A_276 = arith.constant 0 : i32
        %dma_start3A_277 = tpu.memref_slice %arg16[%dma_start3A_275, %dma_start3A_276] : memref<40x128xi32, #tpu.memory_space<vmem>> -> memref<32x128xi32, #tpu.memory_space<vmem>>
        %dma_start3A_278 = arith.constant 0 : i32
        %dma_start3A_279 = tpu.memref_slice %arg6[%run_scoped3A_145, %add3A_143, %dma_start3A_278] : memref<2x2304x128xi32, #tpu.memory_space<hbm>> -> memref<1x32x128xi32, #tpu.memory_space<hbm>>
        %dma_start3A_280 = tpu.memref_squeeze %dma_start3A_279 : memref<1x32x128xi32, #tpu.memory_space<hbm>> -> memref<32x128xi32, #tpu.memory_space<hbm>>
        tpu.enqueue_dma source(%dma_start3A_280 : memref<32x128xi32, #tpu.memory_space<hbm>>) target(%dma_start3A_277 : memref<32x128xi32, #tpu.memory_space<vmem>>) target_semaphore(%run_scoped3A_268 : memref<!tpu.dma_semaphore, #tpu.memory_space<semaphore_mem>>)
        %dma_wait3A_281 = arith.constant 0 : i32
        %dma_wait3A_282 = arith.constant 0 : i32
        %dma_wait3A_283 = tpu.memref_slice %arg16[%dma_wait3A_281, %dma_wait3A_282] : memref<40x128xi32, #tpu.memory_space<vmem>> -> memref<32x128xi32, #tpu.memory_space<vmem>>
        %dma_wait3A_284 = arith.constant 0 : i32
        %dma_wait3A_285 = tpu.memref_slice %arg6[%run_scoped3A_145, %add3A_143, %dma_wait3A_284] : memref<2x2304x128xi32, #tpu.memory_space<hbm>> -> memref<1x32x128xi32, #tpu.memory_space<hbm>>
        %dma_wait3A_286 = tpu.memref_squeeze %dma_wait3A_285 : memref<1x32x128xi32, #tpu.memory_space<hbm>> -> memref<32x128xi32, #tpu.memory_space<hbm>>
        %dma_wait3A_287 = arith.constant 0 : i32
        %dma_wait3A_288 = arith.constant 0 : i32
        %dma_wait3A_289 = tpu.memref_slice %arg16[%dma_wait3A_287, %dma_wait3A_288] : memref<40x128xi32, #tpu.memory_space<vmem>> -> memref<32x128xi32, #tpu.memory_space<vmem>>
        %dma_wait3A_290 = arith.constant 0 : i32
        %dma_wait3A_291 = tpu.memref_slice %arg6[%run_scoped3A_145, %add3A_143, %dma_wait3A_290] : memref<2x2304x128xi32, #tpu.memory_space<hbm>> -> memref<1x32x128xi32, #tpu.memory_space<hbm>>
        %dma_wait3A_292 = tpu.memref_squeeze %dma_wait3A_291 : memref<1x32x128xi32, #tpu.memory_space<hbm>> -> memref<32x128xi32, #tpu.memory_space<hbm>>
        tpu.wait_dma2 semaphore(%run_scoped3A_268 : memref<!tpu.dma_semaphore, #tpu.memory_space<semaphore_mem>>) src(%dma_wait3A_292 : memref<32x128xi32, #tpu.memory_space<hbm>>) dst(%dma_wait3A_289 : memref<32x128xi32, #tpu.memory_space<vmem>>)
        tpu.yield
      }) : () -> ()
      %dma_start3A_146 = arith.constant 0 : i32
      %dma_start3A_147 = arith.constant 0 : i32
      %dma_start3A_148 = tpu.memref_slice %arg15[%dma_start3A_146, %dma_start3A_147] : memref<40x128xi32, #tpu.memory_space<vmem>> -> memref<1x128xi32, #tpu.memory_space<vmem>>
      %dma_start3A_149 = tpu.memref_squeeze %dma_start3A_148 : memref<1x128xi32, #tpu.memory_space<vmem>> -> memref<128xi32, #tpu.memory_space<vmem>>
      %dma_start3A_150 = arith.constant 0 : i32
      %dma_start3A_151 = arith.constant 0 : i32
      %dma_start3A_152 = tpu.memref_slice %arg3[%dma_start3A_150, %dma_start3A_151] : memref<10000x128xf32, #tpu.memory_space<hbm>> -> memref<10000x128xf32, #tpu.memory_space<hbm>>
      tpu.enqueue_indirect_dma source(%dma_start3A_152 : memref<10000x128xf32, #tpu.memory_space<hbm>>) target(%arg17 : memref<128x128xf32, #tpu.memory_space<vmem>>) offsets(%dma_start3A_149 : memref<128xi32, #tpu.memory_space<vmem>>) semaphore(%arg19 : memref<!tpu.dma_semaphore, #tpu.memory_space<semaphore_mem>>)
      %scan3A_153 = arith.constant 0 : i32
      %scan3A_154 = arith.constant 16 : i32
      %scan3A_155 = arith.addi %scan3A_153, %scan3A_154 : i32
      %scan3A_156 = arith.constant 1 : i32
      scf.for %scan3A_268 = %scan3A_153 to %scan3A_155 step %scan3A_156  : i32 {
        %mul3A_269 = arith.constant 2 : i32
        %mul3A_270 = arith.muli %mul3A_269, %scan3A_268 : i32
        %add3A_271 = arith.constant 0 : i32
        %add3A_272 = arith.addi %mul3A_270, %add3A_271 : i32
        %dma_wait3A_273 = arith.constant 0 : i32
        %dma_wait3A_274 = arith.constant 0 : i32
        %dma_wait3A_275 = tpu.memref_slice %arg15[%dma_wait3A_273, %dma_wait3A_274] : memref<40x128xi32, #tpu.memory_space<vmem>> -> memref<1x128xi32, #tpu.memory_space<vmem>>
        %dma_wait3A_276 = tpu.memref_squeeze %dma_wait3A_275 : memref<1x128xi32, #tpu.memory_space<vmem>> -> memref<128xi32, #tpu.memory_space<vmem>>
        %dma_wait3A_277 = arith.constant 0 : i32
        %dma_wait3A_278 = arith.constant 0 : i32
        %dma_wait3A_279 = tpu.memref_slice %arg3[%dma_wait3A_277, %dma_wait3A_278] : memref<10000x128xf32, #tpu.memory_space<hbm>> -> memref<10000x128xf32, #tpu.memory_space<hbm>>
        tpu.wait_indirect_dma semaphore(%arg19 : memref<!tpu.dma_semaphore, #tpu.memory_space<semaphore_mem>>) src(%dma_wait3A_279 : memref<10000x128xf32, #tpu.memory_space<hbm>>) dst(%arg17 : memref<128x128xf32, #tpu.memory_space<vmem>>)
        %dma_start3A_280 = arith.constant 0 : i32
        %dma_start3A_281 = tpu.memref_slice %arg16[%add3A_272, %dma_start3A_280] : memref<40x128xi32, #tpu.memory_space<vmem>> -> memref<1x128xi32, #tpu.memory_space<vmem>>
        %dma_start3A_282 = tpu.memref_squeeze %dma_start3A_281 : memref<1x128xi32, #tpu.memory_space<vmem>> -> memref<128xi32, #tpu.memory_space<vmem>>
        %dma_start3A_283 = arith.constant 0 : i32
        %dma_start3A_284 = arith.constant 0 : i32
        %dma_start3A_285 = tpu.memref_slice %arg14[%dma_start3A_283, %dma_start3A_284] : memref<10112x128xf32, #tpu.memory_space<vmem_shared>> -> memref<10112x128xf32, #tpu.memory_space<vmem_shared>>
        tpu.enqueue_indirect_dma source(%arg17 : memref<128x128xf32, #tpu.memory_space<vmem>>) target(%dma_start3A_285 : memref<10112x128xf32, #tpu.memory_space<vmem_shared>>) offsets(%dma_start3A_282 : memref<128xi32, #tpu.memory_space<vmem>>) semaphore(%arg21 : memref<!tpu.dma_semaphore, #tpu.memory_space<semaphore_mem>>) {add = true}
        %add3A_286 = arith.constant 1 : i32
        %add3A_287 = arith.addi %add3A_272, %add3A_286 : i32
        %lt3A = arith.constant 32 : i32
        %lt3A_288 = arith.cmpi slt, %add3A_287, %lt3A : i32
        %convert_element_type3A_289 = arith.extui %lt3A_288 : i1 to i32
        %cond3A_290 = arith.constant 0 : i32
        %cond3A_291 = arith.cmpi ne, %convert_element_type3A_289, %cond3A_290 : i32
        scf.if %cond3A_291 {
          %ge3A = arith.constant 1 : i32
          %ge3A_316 = arith.cmpi sge, %add3A_272, %ge3A : i32
          %convert_element_type3A_317 = arith.extui %ge3A_316 : i1 to i32
          %cond3A_318 = arith.constant 0 : i32
          %cond3A_319 = arith.cmpi ne, %convert_element_type3A_317, %cond3A_318 : i32
          scf.if %cond3A_319 {
            %dma_wait3A_328 = arith.constant 0 : i32
            %dma_wait3A_329 = arith.constant 0 : i32
            %dma_wait3A_330 = tpu.memref_slice %arg16[%dma_wait3A_328, %dma_wait3A_329] : memref<40x128xi32, #tpu.memory_space<vmem>> -> memref<1x128xi32, #tpu.memory_space<vmem>>
            %dma_wait3A_331 = tpu.memref_squeeze %dma_wait3A_330 : memref<1x128xi32, #tpu.memory_space<vmem>> -> memref<128xi32, #tpu.memory_space<vmem>>
            %dma_wait3A_332 = arith.constant 0 : i32
            %dma_wait3A_333 = arith.constant 0 : i32
            %dma_wait3A_334 = tpu.memref_slice %arg14[%dma_wait3A_332, %dma_wait3A_333] : memref<10112x128xf32, #tpu.memory_space<vmem_shared>> -> memref<10112x128xf32, #tpu.memory_space<vmem_shared>>
            tpu.wait_indirect_dma semaphore(%arg22 : memref<!tpu.dma_semaphore, #tpu.memory_space<semaphore_mem>>) src(%arg18 : memref<128x128xf32, #tpu.memory_space<vmem>>) dst(%dma_wait3A_334 : memref<10112x128xf32, #tpu.memory_space<vmem_shared>>)
          } else {
          }
          %add3A_320 = arith.constant 1 : i32
          %add3A_321 = arith.addi %add3A_272, %add3A_320 : i32
          %dma_start3A_322 = arith.constant 0 : i32
          %dma_start3A_323 = tpu.memref_slice %arg15[%add3A_321, %dma_start3A_322] : memref<40x128xi32, #tpu.memory_space<vmem>> -> memref<1x128xi32, #tpu.memory_space<vmem>>
          %dma_start3A_324 = tpu.memref_squeeze %dma_start3A_323 : memref<1x128xi32, #tpu.memory_space<vmem>> -> memref<128xi32, #tpu.memory_space<vmem>>
          %dma_start3A_325 = arith.constant 0 : i32
          %dma_start3A_326 = arith.constant 0 : i32
          %dma_start3A_327 = tpu.memref_slice %arg3[%dma_start3A_325, %dma_start3A_326] : memref<10000x128xf32, #tpu.memory_space<hbm>> -> memref<10000x128xf32, #tpu.memory_space<hbm>>
          tpu.enqueue_indirect_dma source(%dma_start3A_327 : memref<10000x128xf32, #tpu.memory_space<hbm>>) target(%arg18 : memref<128x128xf32, #tpu.memory_space<vmem>>) offsets(%dma_start3A_324 : memref<128xi32, #tpu.memory_space<vmem>>) semaphore(%arg20 : memref<!tpu.dma_semaphore, #tpu.memory_space<semaphore_mem>>)
        } else {
        }
        %mul3A_292 = arith.constant 2 : i32
        %mul3A_293 = arith.muli %mul3A_292, %scan3A_268 : i32
        %add3A_294 = arith.constant 1 : i32
        %add3A_295 = arith.addi %mul3A_293, %add3A_294 : i32
        %dma_wait3A_296 = arith.constant 0 : i32
        %dma_wait3A_297 = arith.constant 0 : i32
        %dma_wait3A_298 = tpu.memref_slice %arg15[%dma_wait3A_296, %dma_wait3A_297] : memref<40x128xi32, #tpu.memory_space<vmem>> -> memref<1x128xi32, #tpu.memory_space<vmem>>
        %dma_wait3A_299 = tpu.memref_squeeze %dma_wait3A_298 : memref<1x128xi32, #tpu.memory_space<vmem>> -> memref<128xi32, #tpu.memory_space<vmem>>
        %dma_wait3A_300 = arith.constant 0 : i32
        %dma_wait3A_301 = arith.constant 0 : i32
        %dma_wait3A_302 = tpu.memref_slice %arg3[%dma_wait3A_300, %dma_wait3A_301] : memref<10000x128xf32, #tpu.memory_space<hbm>> -> memref<10000x128xf32, #tpu.memory_space<hbm>>
        tpu.wait_indirect_dma semaphore(%arg20 : memref<!tpu.dma_semaphore, #tpu.memory_space<semaphore_mem>>) src(%dma_wait3A_302 : memref<10000x128xf32, #tpu.memory_space<hbm>>) dst(%arg18 : memref<128x128xf32, #tpu.memory_space<vmem>>)
        %dma_start3A_303 = arith.constant 0 : i32
        %dma_start3A_304 = tpu.memref_slice %arg16[%add3A_295, %dma_start3A_303] : memref<40x128xi32, #tpu.memory_space<vmem>> -> memref<1x128xi32, #tpu.memory_space<vmem>>
        %dma_start3A_305 = tpu.memref_squeeze %dma_start3A_304 : memref<1x128xi32, #tpu.memory_space<vmem>> -> memref<128xi32, #tpu.memory_space<vmem>>
        %dma_start3A_306 = arith.constant 0 : i32
        %dma_start3A_307 = arith.constant 0 : i32
        %dma_start3A_308 = tpu.memref_slice %arg14[%dma_start3A_306, %dma_start3A_307] : memref<10112x128xf32, #tpu.memory_space<vmem_shared>> -> memref<10112x128xf32, #tpu.memory_space<vmem_shared>>
        tpu.enqueue_indirect_dma source(%arg18 : memref<128x128xf32, #tpu.memory_space<vmem>>) target(%dma_start3A_308 : memref<10112x128xf32, #tpu.memory_space<vmem_shared>>) offsets(%dma_start3A_305 : memref<128xi32, #tpu.memory_space<vmem>>) semaphore(%arg22 : memref<!tpu.dma_semaphore, #tpu.memory_space<semaphore_mem>>) {add = true}
        %add3A_309 = arith.constant 1 : i32
        %add3A_310 = arith.addi %add3A_295, %add3A_309 : i32
        %lt3A_311 = arith.constant 32 : i32
        %lt3A_312 = arith.cmpi slt, %add3A_310, %lt3A_311 : i32
        %convert_element_type3A_313 = arith.extui %lt3A_312 : i1 to i32
        %cond3A_314 = arith.constant 0 : i32
        %cond3A_315 = arith.cmpi ne, %convert_element_type3A_313, %cond3A_314 : i32
        scf.if %cond3A_315 {
          %ge3A = arith.constant 1 : i32
          %ge3A_316 = arith.cmpi sge, %add3A_295, %ge3A : i32
          %convert_element_type3A_317 = arith.extui %ge3A_316 : i1 to i32
          %cond3A_318 = arith.constant 0 : i32
          %cond3A_319 = arith.cmpi ne, %convert_element_type3A_317, %cond3A_318 : i32
          scf.if %cond3A_319 {
            %dma_wait3A_328 = arith.constant 0 : i32
            %dma_wait3A_329 = arith.constant 0 : i32
            %dma_wait3A_330 = tpu.memref_slice %arg16[%dma_wait3A_328, %dma_wait3A_329] : memref<40x128xi32, #tpu.memory_space<vmem>> -> memref<1x128xi32, #tpu.memory_space<vmem>>
            %dma_wait3A_331 = tpu.memref_squeeze %dma_wait3A_330 : memref<1x128xi32, #tpu.memory_space<vmem>> -> memref<128xi32, #tpu.memory_space<vmem>>
            %dma_wait3A_332 = arith.constant 0 : i32
            %dma_wait3A_333 = arith.constant 0 : i32
            %dma_wait3A_334 = tpu.memref_slice %arg14[%dma_wait3A_332, %dma_wait3A_333] : memref<10112x128xf32, #tpu.memory_space<vmem_shared>> -> memref<10112x128xf32, #tpu.memory_space<vmem_shared>>
            tpu.wait_indirect_dma semaphore(%arg21 : memref<!tpu.dma_semaphore, #tpu.memory_space<semaphore_mem>>) src(%arg17 : memref<128x128xf32, #tpu.memory_space<vmem>>) dst(%dma_wait3A_334 : memref<10112x128xf32, #tpu.memory_space<vmem_shared>>)
          } else {
          }
          %add3A_320 = arith.constant 1 : i32
          %add3A_321 = arith.addi %add3A_295, %add3A_320 : i32
          %dma_start3A_322 = arith.constant 0 : i32
          %dma_start3A_323 = tpu.memref_slice %arg15[%add3A_321, %dma_start3A_322] : memref<40x128xi32, #tpu.memory_space<vmem>> -> memref<1x128xi32, #tpu.memory_space<vmem>>
          %dma_start3A_324 = tpu.memref_squeeze %dma_start3A_323 : memref<1x128xi32, #tpu.memory_space<vmem>> -> memref<128xi32, #tpu.memory_space<vmem>>
          %dma_start3A_325 = arith.constant 0 : i32
          %dma_start3A_326 = arith.constant 0 : i32
          %dma_start3A_327 = tpu.memref_slice %arg3[%dma_start3A_325, %dma_start3A_326] : memref<10000x128xf32, #tpu.memory_space<hbm>> -> memref<10000x128xf32, #tpu.memory_space<hbm>>
          tpu.enqueue_indirect_dma source(%dma_start3A_327 : memref<10000x128xf32, #tpu.memory_space<hbm>>) target(%arg17 : memref<128x128xf32, #tpu.memory_space<vmem>>) offsets(%dma_start3A_324 : memref<128xi32, #tpu.memory_space<vmem>>) semaphore(%arg19 : memref<!tpu.dma_semaphore, #tpu.memory_space<semaphore_mem>>)
        } else {
        }
      }
      %scan3A_157 = arith.constant 16 : i32
      %dma_wait3A_158 = arith.constant 0 : i32
      %dma_wait3A_159 = arith.constant 0 : i32
      %dma_wait3A_160 = tpu.memref_slice %arg16[%dma_wait3A_158, %dma_wait3A_159] : memref<40x128xi32, #tpu.memory_space<vmem>> -> memref<1x128xi32, #tpu.memory_space<vmem>>
      %dma_wait3A_161 = tpu.memref_squeeze %dma_wait3A_160 : memref<1x128xi32, #tpu.memory_space<vmem>> -> memref<128xi32, #tpu.memory_space<vmem>>
      %dma_wait3A_162 = arith.constant 0 : i32
      %dma_wait3A_163 = arith.constant 0 : i32
      %dma_wait3A_164 = tpu.memref_slice %arg14[%dma_wait3A_162, %dma_wait3A_163] : memref<10112x128xf32, #tpu.memory_space<vmem_shared>> -> memref<10112x128xf32, #tpu.memory_space<vmem_shared>>
      tpu.wait_indirect_dma semaphore(%arg21 : memref<!tpu.dma_semaphore, #tpu.memory_space<semaphore_mem>>) src(%arg17 : memref<128x128xf32, #tpu.memory_space<vmem>>) dst(%dma_wait3A_164 : memref<10112x128xf32, #tpu.memory_space<vmem_shared>>)
      %dma_wait3A_165 = arith.constant 0 : i32
      %dma_wait3A_166 = arith.constant 0 : i32
      %dma_wait3A_167 = tpu.memref_slice %arg16[%dma_wait3A_165, %dma_wait3A_166] : memref<40x128xi32, #tpu.memory_space<vmem>> -> memref<1x128xi32, #tpu.memory_space<vmem>>
      %dma_wait3A_168 = tpu.memref_squeeze %dma_wait3A_167 : memref<1x128xi32, #tpu.memory_space<vmem>> -> memref<128xi32, #tpu.memory_space<vmem>>
      %dma_wait3A_169 = arith.constant 0 : i32
      %dma_wait3A_170 = arith.constant 0 : i32
      %dma_wait3A_171 = tpu.memref_slice %arg14[%dma_wait3A_169, %dma_wait3A_170] : memref<10112x128xf32, #tpu.memory_space<vmem_shared>> -> memref<10112x128xf32, #tpu.memory_space<vmem_shared>>
      tpu.wait_indirect_dma semaphore(%arg22 : memref<!tpu.dma_semaphore, #tpu.memory_space<semaphore_mem>>) src(%arg18 : memref<128x128xf32, #tpu.memory_space<vmem>>) dst(%dma_wait3A_171 : memref<10112x128xf32, #tpu.memory_space<vmem_shared>>)
      %mul3A_172 = arith.constant 8 : i32
      %mul3A_173 = arith.muli %arg1, %mul3A_172 : i32
      %add3A_174 = arith.constant 0 : i32
      %add3A_175 = arith.addi %mul3A_173, %add3A_174 : i32
      %run_scoped3A_176 = arith.constant 0 : i32
      "tpu.region"() ({
        %run_scoped3A_268 = tpu.sem_alloc : memref<!tpu.dma_semaphore, #tpu.memory_space<semaphore_mem>>
        %dma_start3A_269 = arith.constant 0 : i32
        %dma_start3A_270 = arith.constant 0 : i32
        %dma_start3A_271 = tpu.memref_slice %arg15[%dma_start3A_269, %dma_start3A_270] : memref<40x128xi32, #tpu.memory_space<vmem>> -> memref<8x128xi32, #tpu.memory_space<vmem>>
        %dma_start3A_272 = arith.constant 0 : i32
        %dma_start3A_273 = tpu.memref_slice %arg9[%run_scoped3A_176, %add3A_175, %dma_start3A_272] : memref<2x256x128xi32, #tpu.memory_space<hbm>> -> memref<1x8x128xi32, #tpu.memory_space<hbm>>
        %dma_start3A_274 = tpu.memref_squeeze %dma_start3A_273 : memref<1x8x128xi32, #tpu.memory_space<hbm>> -> memref<8x128xi32, #tpu.memory_space<hbm>>
        %dma_start3A_275 = arith.constant 0 : i32
        %dma_start3A_276 = arith.constant 0 : i32
        %dma_start3A_277 = tpu.memref_slice %arg15[%dma_start3A_275, %dma_start3A_276] : memref<40x128xi32, #tpu.memory_space<vmem>> -> memref<8x128xi32, #tpu.memory_space<vmem>>
        %dma_start3A_278 = arith.constant 0 : i32
        %dma_start3A_279 = tpu.memref_slice %arg9[%run_scoped3A_176, %add3A_175, %dma_start3A_278] : memref<2x256x128xi32, #tpu.memory_space<hbm>> -> memref<1x8x128xi32, #tpu.memory_space<hbm>>
        %dma_start3A_280 = tpu.memref_squeeze %dma_start3A_279 : memref<1x8x128xi32, #tpu.memory_space<hbm>> -> memref<8x128xi32, #tpu.memory_space<hbm>>
        tpu.enqueue_dma source(%dma_start3A_280 : memref<8x128xi32, #tpu.memory_space<hbm>>) target(%dma_start3A_277 : memref<8x128xi32, #tpu.memory_space<vmem>>) target_semaphore(%run_scoped3A_268 : memref<!tpu.dma_semaphore, #tpu.memory_space<semaphore_mem>>)
        %dma_wait3A_281 = arith.constant 0 : i32
        %dma_wait3A_282 = arith.constant 0 : i32
        %dma_wait3A_283 = tpu.memref_slice %arg15[%dma_wait3A_281, %dma_wait3A_282] : memref<40x128xi32, #tpu.memory_space<vmem>> -> memref<8x128xi32, #tpu.memory_space<vmem>>
        %dma_wait3A_284 = arith.constant 0 : i32
        %dma_wait3A_285 = tpu.memref_slice %arg9[%run_scoped3A_176, %add3A_175, %dma_wait3A_284] : memref<2x256x128xi32, #tpu.memory_space<hbm>> -> memref<1x8x128xi32, #tpu.memory_space<hbm>>
        %dma_wait3A_286 = tpu.memref_squeeze %dma_wait3A_285 : memref<1x8x128xi32, #tpu.memory_space<hbm>> -> memref<8x128xi32, #tpu.memory_space<hbm>>
        %dma_wait3A_287 = arith.constant 0 : i32
        %dma_wait3A_288 = arith.constant 0 : i32
        %dma_wait3A_289 = tpu.memref_slice %arg15[%dma_wait3A_287, %dma_wait3A_288] : memref<40x128xi32, #tpu.memory_space<vmem>> -> memref<8x128xi32, #tpu.memory_space<vmem>>
        %dma_wait3A_290 = arith.constant 0 : i32
        %dma_wait3A_291 = tpu.memref_slice %arg9[%run_scoped3A_176, %add3A_175, %dma_wait3A_290] : memref<2x256x128xi32, #tpu.memory_space<hbm>> -> memref<1x8x128xi32, #tpu.memory_space<hbm>>
        %dma_wait3A_292 = tpu.memref_squeeze %dma_wait3A_291 : memref<1x8x128xi32, #tpu.memory_space<hbm>> -> memref<8x128xi32, #tpu.memory_space<hbm>>
        tpu.wait_dma2 semaphore(%run_scoped3A_268 : memref<!tpu.dma_semaphore, #tpu.memory_space<semaphore_mem>>) src(%dma_wait3A_292 : memref<8x128xi32, #tpu.memory_space<hbm>>) dst(%dma_wait3A_289 : memref<8x128xi32, #tpu.memory_space<vmem>>)
        tpu.yield
      }) : () -> ()
      %run_scoped3A_177 = arith.constant 1 : i32
      "tpu.region"() ({
        %run_scoped3A_268 = tpu.sem_alloc : memref<!tpu.dma_semaphore, #tpu.memory_space<semaphore_mem>>
        %dma_start3A_269 = arith.constant 0 : i32
        %dma_start3A_270 = arith.constant 0 : i32
        %dma_start3A_271 = tpu.memref_slice %arg16[%dma_start3A_269, %dma_start3A_270] : memref<40x128xi32, #tpu.memory_space<vmem>> -> memref<8x128xi32, #tpu.memory_space<vmem>>
        %dma_start3A_272 = arith.constant 0 : i32
        %dma_start3A_273 = tpu.memref_slice %arg9[%run_scoped3A_177, %add3A_175, %dma_start3A_272] : memref<2x256x128xi32, #tpu.memory_space<hbm>> -> memref<1x8x128xi32, #tpu.memory_space<hbm>>
        %dma_start3A_274 = tpu.memref_squeeze %dma_start3A_273 : memref<1x8x128xi32, #tpu.memory_space<hbm>> -> memref<8x128xi32, #tpu.memory_space<hbm>>
        %dma_start3A_275 = arith.constant 0 : i32
        %dma_start3A_276 = arith.constant 0 : i32
        %dma_start3A_277 = tpu.memref_slice %arg16[%dma_start3A_275, %dma_start3A_276] : memref<40x128xi32, #tpu.memory_space<vmem>> -> memref<8x128xi32, #tpu.memory_space<vmem>>
        %dma_start3A_278 = arith.constant 0 : i32
        %dma_start3A_279 = tpu.memref_slice %arg9[%run_scoped3A_177, %add3A_175, %dma_start3A_278] : memref<2x256x128xi32, #tpu.memory_space<hbm>> -> memref<1x8x128xi32, #tpu.memory_space<hbm>>
        %dma_start3A_280 = tpu.memref_squeeze %dma_start3A_279 : memref<1x8x128xi32, #tpu.memory_space<hbm>> -> memref<8x128xi32, #tpu.memory_space<hbm>>
        tpu.enqueue_dma source(%dma_start3A_280 : memref<8x128xi32, #tpu.memory_space<hbm>>) target(%dma_start3A_277 : memref<8x128xi32, #tpu.memory_space<vmem>>) target_semaphore(%run_scoped3A_268 : memref<!tpu.dma_semaphore, #tpu.memory_space<semaphore_mem>>)
        %dma_wait3A_281 = arith.constant 0 : i32
        %dma_wait3A_282 = arith.constant 0 : i32
        %dma_wait3A_283 = tpu.memref_slice %arg16[%dma_wait3A_281, %dma_wait3A_282] : memref<40x128xi32, #tpu.memory_space<vmem>> -> memref<8x128xi32, #tpu.memory_space<vmem>>
        %dma_wait3A_284 = arith.constant 0 : i32
        %dma_wait3A_285 = tpu.memref_slice %arg9[%run_scoped3A_177, %add3A_175, %dma_wait3A_284] : memref<2x256x128xi32, #tpu.memory_space<hbm>> -> memref<1x8x128xi32, #tpu.memory_space<hbm>>
        %dma_wait3A_286 = tpu.memref_squeeze %dma_wait3A_285 : memref<1x8x128xi32, #tpu.memory_space<hbm>> -> memref<8x128xi32, #tpu.memory_space<hbm>>
        %dma_wait3A_287 = arith.constant 0 : i32
        %dma_wait3A_288 = arith.constant 0 : i32
        %dma_wait3A_289 = tpu.memref_slice %arg16[%dma_wait3A_287, %dma_wait3A_288] : memref<40x128xi32, #tpu.memory_space<vmem>> -> memref<8x128xi32, #tpu.memory_space<vmem>>
        %dma_wait3A_290 = arith.constant 0 : i32
        %dma_wait3A_291 = tpu.memref_slice %arg9[%run_scoped3A_177, %add3A_175, %dma_wait3A_290] : memref<2x256x128xi32, #tpu.memory_space<hbm>> -> memref<1x8x128xi32, #tpu.memory_space<hbm>>
        %dma_wait3A_292 = tpu.memref_squeeze %dma_wait3A_291 : memref<1x8x128xi32, #tpu.memory_space<hbm>> -> memref<8x128xi32, #tpu.memory_space<hbm>>
        tpu.wait_dma2 semaphore(%run_scoped3A_268 : memref<!tpu.dma_semaphore, #tpu.memory_space<semaphore_mem>>) src(%dma_wait3A_292 : memref<8x128xi32, #tpu.memory_space<hbm>>) dst(%dma_wait3A_289 : memref<8x128xi32, #tpu.memory_space<vmem>>)
        tpu.yield
      }) : () -> ()
      %dma_start3A_178 = arith.constant 0 : i32
      %dma_start3A_179 = arith.constant 0 : i32
      %dma_start3A_180 = tpu.memref_slice %arg15[%dma_start3A_178, %dma_start3A_179] : memref<40x128xi32, #tpu.memory_space<vmem>> -> memref<1x128xi32, #tpu.memory_space<vmem>>
      %dma_start3A_181 = tpu.memref_squeeze %dma_start3A_180 : memref<1x128xi32, #tpu.memory_space<vmem>> -> memref<128xi32, #tpu.memory_space<vmem>>
      %dma_start3A_182 = arith.constant 0 : i32
      %dma_start3A_183 = arith.constant 0 : i32
      %dma_start3A_184 = tpu.memref_slice %arg3[%dma_start3A_182, %dma_start3A_183] : memref<10000x128xf32, #tpu.memory_space<hbm>> -> memref<10000x128xf32, #tpu.memory_space<hbm>>
      tpu.enqueue_indirect_dma source(%dma_start3A_184 : memref<10000x128xf32, #tpu.memory_space<hbm>>) target(%arg17 : memref<128x128xf32, #tpu.memory_space<vmem>>) offsets(%dma_start3A_181 : memref<128xi32, #tpu.memory_space<vmem>>) semaphore(%arg19 : memref<!tpu.dma_semaphore, #tpu.memory_space<semaphore_mem>>)
      %scan3A_185 = arith.constant 0 : i32
      %scan3A_186 = arith.constant 4 : i32
      %scan3A_187 = arith.addi %scan3A_185, %scan3A_186 : i32
      %scan3A_188 = arith.constant 1 : i32
      scf.for %scan3A_268 = %scan3A_185 to %scan3A_187 step %scan3A_188  : i32 {
        %mul3A_269 = arith.constant 2 : i32
        %mul3A_270 = arith.muli %mul3A_269, %scan3A_268 : i32
        %add3A_271 = arith.constant 0 : i32
        %add3A_272 = arith.addi %mul3A_270, %add3A_271 : i32
        %dma_wait3A_273 = arith.constant 0 : i32
        %dma_wait3A_274 = arith.constant 0 : i32
        %dma_wait3A_275 = tpu.memref_slice %arg15[%dma_wait3A_273, %dma_wait3A_274] : memref<40x128xi32, #tpu.memory_space<vmem>> -> memref<1x128xi32, #tpu.memory_space<vmem>>
        %dma_wait3A_276 = tpu.memref_squeeze %dma_wait3A_275 : memref<1x128xi32, #tpu.memory_space<vmem>> -> memref<128xi32, #tpu.memory_space<vmem>>
        %dma_wait3A_277 = arith.constant 0 : i32
        %dma_wait3A_278 = arith.constant 0 : i32
        %dma_wait3A_279 = tpu.memref_slice %arg3[%dma_wait3A_277, %dma_wait3A_278] : memref<10000x128xf32, #tpu.memory_space<hbm>> -> memref<10000x128xf32, #tpu.memory_space<hbm>>
        tpu.wait_indirect_dma semaphore(%arg19 : memref<!tpu.dma_semaphore, #tpu.memory_space<semaphore_mem>>) src(%dma_wait3A_279 : memref<10000x128xf32, #tpu.memory_space<hbm>>) dst(%arg17 : memref<128x128xf32, #tpu.memory_space<vmem>>)
        %dma_start3A_280 = arith.constant 0 : i32
        %dma_start3A_281 = tpu.memref_slice %arg16[%add3A_272, %dma_start3A_280] : memref<40x128xi32, #tpu.memory_space<vmem>> -> memref<1x128xi32, #tpu.memory_space<vmem>>
        %dma_start3A_282 = tpu.memref_squeeze %dma_start3A_281 : memref<1x128xi32, #tpu.memory_space<vmem>> -> memref<128xi32, #tpu.memory_space<vmem>>
        %dma_start3A_283 = arith.constant 0 : i32
        %dma_start3A_284 = arith.constant 0 : i32
        %dma_start3A_285 = tpu.memref_slice %arg14[%dma_start3A_283, %dma_start3A_284] : memref<10112x128xf32, #tpu.memory_space<vmem_shared>> -> memref<10112x128xf32, #tpu.memory_space<vmem_shared>>
        tpu.enqueue_indirect_dma source(%arg17 : memref<128x128xf32, #tpu.memory_space<vmem>>) target(%dma_start3A_285 : memref<10112x128xf32, #tpu.memory_space<vmem_shared>>) offsets(%dma_start3A_282 : memref<128xi32, #tpu.memory_space<vmem>>) semaphore(%arg21 : memref<!tpu.dma_semaphore, #tpu.memory_space<semaphore_mem>>) {add = true}
        %add3A_286 = arith.constant 1 : i32
        %add3A_287 = arith.addi %add3A_272, %add3A_286 : i32
        %lt3A = arith.constant 8 : i32
        %lt3A_288 = arith.cmpi slt, %add3A_287, %lt3A : i32
        %convert_element_type3A_289 = arith.extui %lt3A_288 : i1 to i32
        %cond3A_290 = arith.constant 0 : i32
        %cond3A_291 = arith.cmpi ne, %convert_element_type3A_289, %cond3A_290 : i32
        scf.if %cond3A_291 {
          %ge3A = arith.constant 1 : i32
          %ge3A_316 = arith.cmpi sge, %add3A_272, %ge3A : i32
          %convert_element_type3A_317 = arith.extui %ge3A_316 : i1 to i32
          %cond3A_318 = arith.constant 0 : i32
          %cond3A_319 = arith.cmpi ne, %convert_element_type3A_317, %cond3A_318 : i32
          scf.if %cond3A_319 {
            %dma_wait3A_328 = arith.constant 0 : i32
            %dma_wait3A_329 = arith.constant 0 : i32
            %dma_wait3A_330 = tpu.memref_slice %arg16[%dma_wait3A_328, %dma_wait3A_329] : memref<40x128xi32, #tpu.memory_space<vmem>> -> memref<1x128xi32, #tpu.memory_space<vmem>>
            %dma_wait3A_331 = tpu.memref_squeeze %dma_wait3A_330 : memref<1x128xi32, #tpu.memory_space<vmem>> -> memref<128xi32, #tpu.memory_space<vmem>>
            %dma_wait3A_332 = arith.constant 0 : i32
            %dma_wait3A_333 = arith.constant 0 : i32
            %dma_wait3A_334 = tpu.memref_slice %arg14[%dma_wait3A_332, %dma_wait3A_333] : memref<10112x128xf32, #tpu.memory_space<vmem_shared>> -> memref<10112x128xf32, #tpu.memory_space<vmem_shared>>
            tpu.wait_indirect_dma semaphore(%arg22 : memref<!tpu.dma_semaphore, #tpu.memory_space<semaphore_mem>>) src(%arg18 : memref<128x128xf32, #tpu.memory_space<vmem>>) dst(%dma_wait3A_334 : memref<10112x128xf32, #tpu.memory_space<vmem_shared>>)
          } else {
          }
          %add3A_320 = arith.constant 1 : i32
          %add3A_321 = arith.addi %add3A_272, %add3A_320 : i32
          %dma_start3A_322 = arith.constant 0 : i32
          %dma_start3A_323 = tpu.memref_slice %arg15[%add3A_321, %dma_start3A_322] : memref<40x128xi32, #tpu.memory_space<vmem>> -> memref<1x128xi32, #tpu.memory_space<vmem>>
          %dma_start3A_324 = tpu.memref_squeeze %dma_start3A_323 : memref<1x128xi32, #tpu.memory_space<vmem>> -> memref<128xi32, #tpu.memory_space<vmem>>
          %dma_start3A_325 = arith.constant 0 : i32
          %dma_start3A_326 = arith.constant 0 : i32
          %dma_start3A_327 = tpu.memref_slice %arg3[%dma_start3A_325, %dma_start3A_326] : memref<10000x128xf32, #tpu.memory_space<hbm>> -> memref<10000x128xf32, #tpu.memory_space<hbm>>
          tpu.enqueue_indirect_dma source(%dma_start3A_327 : memref<10000x128xf32, #tpu.memory_space<hbm>>) target(%arg18 : memref<128x128xf32, #tpu.memory_space<vmem>>) offsets(%dma_start3A_324 : memref<128xi32, #tpu.memory_space<vmem>>) semaphore(%arg20 : memref<!tpu.dma_semaphore, #tpu.memory_space<semaphore_mem>>)
        } else {
        }
        %mul3A_292 = arith.constant 2 : i32
        %mul3A_293 = arith.muli %mul3A_292, %scan3A_268 : i32
        %add3A_294 = arith.constant 1 : i32
        %add3A_295 = arith.addi %mul3A_293, %add3A_294 : i32
        %dma_wait3A_296 = arith.constant 0 : i32
        %dma_wait3A_297 = arith.constant 0 : i32
        %dma_wait3A_298 = tpu.memref_slice %arg15[%dma_wait3A_296, %dma_wait3A_297] : memref<40x128xi32, #tpu.memory_space<vmem>> -> memref<1x128xi32, #tpu.memory_space<vmem>>
        %dma_wait3A_299 = tpu.memref_squeeze %dma_wait3A_298 : memref<1x128xi32, #tpu.memory_space<vmem>> -> memref<128xi32, #tpu.memory_space<vmem>>
        %dma_wait3A_300 = arith.constant 0 : i32
        %dma_wait3A_301 = arith.constant 0 : i32
        %dma_wait3A_302 = tpu.memref_slice %arg3[%dma_wait3A_300, %dma_wait3A_301] : memref<10000x128xf32, #tpu.memory_space<hbm>> -> memref<10000x128xf32, #tpu.memory_space<hbm>>
        tpu.wait_indirect_dma semaphore(%arg20 : memref<!tpu.dma_semaphore, #tpu.memory_space<semaphore_mem>>) src(%dma_wait3A_302 : memref<10000x128xf32, #tpu.memory_space<hbm>>) dst(%arg18 : memref<128x128xf32, #tpu.memory_space<vmem>>)
        %dma_start3A_303 = arith.constant 0 : i32
        %dma_start3A_304 = tpu.memref_slice %arg16[%add3A_295, %dma_start3A_303] : memref<40x128xi32, #tpu.memory_space<vmem>> -> memref<1x128xi32, #tpu.memory_space<vmem>>
        %dma_start3A_305 = tpu.memref_squeeze %dma_start3A_304 : memref<1x128xi32, #tpu.memory_space<vmem>> -> memref<128xi32, #tpu.memory_space<vmem>>
        %dma_start3A_306 = arith.constant 0 : i32
        %dma_start3A_307 = arith.constant 0 : i32
        %dma_start3A_308 = tpu.memref_slice %arg14[%dma_start3A_306, %dma_start3A_307] : memref<10112x128xf32, #tpu.memory_space<vmem_shared>> -> memref<10112x128xf32, #tpu.memory_space<vmem_shared>>
        tpu.enqueue_indirect_dma source(%arg18 : memref<128x128xf32, #tpu.memory_space<vmem>>) target(%dma_start3A_308 : memref<10112x128xf32, #tpu.memory_space<vmem_shared>>) offsets(%dma_start3A_305 : memref<128xi32, #tpu.memory_space<vmem>>) semaphore(%arg22 : memref<!tpu.dma_semaphore, #tpu.memory_space<semaphore_mem>>) {add = true}
        %add3A_309 = arith.constant 1 : i32
        %add3A_310 = arith.addi %add3A_295, %add3A_309 : i32
        %lt3A_311 = arith.constant 8 : i32
        %lt3A_312 = arith.cmpi slt, %add3A_310, %lt3A_311 : i32
        %convert_element_type3A_313 = arith.extui %lt3A_312 : i1 to i32
        %cond3A_314 = arith.constant 0 : i32
        %cond3A_315 = arith.cmpi ne, %convert_element_type3A_313, %cond3A_314 : i32
        scf.if %cond3A_315 {
          %ge3A = arith.constant 1 : i32
          %ge3A_316 = arith.cmpi sge, %add3A_295, %ge3A : i32
          %convert_element_type3A_317 = arith.extui %ge3A_316 : i1 to i32
          %cond3A_318 = arith.constant 0 : i32
          %cond3A_319 = arith.cmpi ne, %convert_element_type3A_317, %cond3A_318 : i32
          scf.if %cond3A_319 {
            %dma_wait3A_328 = arith.constant 0 : i32
            %dma_wait3A_329 = arith.constant 0 : i32
            %dma_wait3A_330 = tpu.memref_slice %arg16[%dma_wait3A_328, %dma_wait3A_329] : memref<40x128xi32, #tpu.memory_space<vmem>> -> memref<1x128xi32, #tpu.memory_space<vmem>>
            %dma_wait3A_331 = tpu.memref_squeeze %dma_wait3A_330 : memref<1x128xi32, #tpu.memory_space<vmem>> -> memref<128xi32, #tpu.memory_space<vmem>>
            %dma_wait3A_332 = arith.constant 0 : i32
            %dma_wait3A_333 = arith.constant 0 : i32
            %dma_wait3A_334 = tpu.memref_slice %arg14[%dma_wait3A_332, %dma_wait3A_333] : memref<10112x128xf32, #tpu.memory_space<vmem_shared>> -> memref<10112x128xf32, #tpu.memory_space<vmem_shared>>
            tpu.wait_indirect_dma semaphore(%arg21 : memref<!tpu.dma_semaphore, #tpu.memory_space<semaphore_mem>>) src(%arg17 : memref<128x128xf32, #tpu.memory_space<vmem>>) dst(%dma_wait3A_334 : memref<10112x128xf32, #tpu.memory_space<vmem_shared>>)
          } else {
          }
          %add3A_320 = arith.constant 1 : i32
          %add3A_321 = arith.addi %add3A_295, %add3A_320 : i32
          %dma_start3A_322 = arith.constant 0 : i32
          %dma_start3A_323 = tpu.memref_slice %arg15[%add3A_321, %dma_start3A_322] : memref<40x128xi32, #tpu.memory_space<vmem>> -> memref<1x128xi32, #tpu.memory_space<vmem>>
          %dma_start3A_324 = tpu.memref_squeeze %dma_start3A_323 : memref<1x128xi32, #tpu.memory_space<vmem>> -> memref<128xi32, #tpu.memory_space<vmem>>
          %dma_start3A_325 = arith.constant 0 : i32
          %dma_start3A_326 = arith.constant 0 : i32
          %dma_start3A_327 = tpu.memref_slice %arg3[%dma_start3A_325, %dma_start3A_326] : memref<10000x128xf32, #tpu.memory_space<hbm>> -> memref<10000x128xf32, #tpu.memory_space<hbm>>
          tpu.enqueue_indirect_dma source(%dma_start3A_327 : memref<10000x128xf32, #tpu.memory_space<hbm>>) target(%arg17 : memref<128x128xf32, #tpu.memory_space<vmem>>) offsets(%dma_start3A_324 : memref<128xi32, #tpu.memory_space<vmem>>) semaphore(%arg19 : memref<!tpu.dma_semaphore, #tpu.memory_space<semaphore_mem>>)
        } else {
        }
      }
      %scan3A_189 = arith.constant 4 : i32
      %dma_wait3A_190 = arith.constant 0 : i32
      %dma_wait3A_191 = arith.constant 0 : i32
      %dma_wait3A_192 = tpu.memref_slice %arg16[%dma_wait3A_190, %dma_wait3A_191] : memref<40x128xi32, #tpu.memory_space<vmem>> -> memref<1x128xi32, #tpu.memory_space<vmem>>
      %dma_wait3A_193 = tpu.memref_squeeze %dma_wait3A_192 : memref<1x128xi32, #tpu.memory_space<vmem>> -> memref<128xi32, #tpu.memory_space<vmem>>
      %dma_wait3A_194 = arith.constant 0 : i32
      %dma_wait3A_195 = arith.constant 0 : i32
      %dma_wait3A_196 = tpu.memref_slice %arg14[%dma_wait3A_194, %dma_wait3A_195] : memref<10112x128xf32, #tpu.memory_space<vmem_shared>> -> memref<10112x128xf32, #tpu.memory_space<vmem_shared>>
      tpu.wait_indirect_dma semaphore(%arg21 : memref<!tpu.dma_semaphore, #tpu.memory_space<semaphore_mem>>) src(%arg17 : memref<128x128xf32, #tpu.memory_space<vmem>>) dst(%dma_wait3A_196 : memref<10112x128xf32, #tpu.memory_space<vmem_shared>>)
      %dma_wait3A_197 = arith.constant 0 : i32
      %dma_wait3A_198 = arith.constant 0 : i32
      %dma_wait3A_199 = tpu.memref_slice %arg16[%dma_wait3A_197, %dma_wait3A_198] : memref<40x128xi32, #tpu.memory_space<vmem>> -> memref<1x128xi32, #tpu.memory_space<vmem>>
      %dma_wait3A_200 = tpu.memref_squeeze %dma_wait3A_199 : memref<1x128xi32, #tpu.memory_space<vmem>> -> memref<128xi32, #tpu.memory_space<vmem>>
      %dma_wait3A_201 = arith.constant 0 : i32
      %dma_wait3A_202 = arith.constant 0 : i32
      %dma_wait3A_203 = tpu.memref_slice %arg14[%dma_wait3A_201, %dma_wait3A_202] : memref<10112x128xf32, #tpu.memory_space<vmem_shared>> -> memref<10112x128xf32, #tpu.memory_space<vmem_shared>>
      tpu.wait_indirect_dma semaphore(%arg22 : memref<!tpu.dma_semaphore, #tpu.memory_space<semaphore_mem>>) src(%arg18 : memref<128x128xf32, #tpu.memory_space<vmem>>) dst(%dma_wait3A_203 : memref<10112x128xf32, #tpu.memory_space<vmem_shared>>)
      %mul3A_204 = arith.constant 32 : i32
      %mul3A_205 = arith.muli %arg1, %mul3A_204 : i32
      %add3A_206 = arith.constant 0 : i32
      %add3A_207 = arith.addi %mul3A_205, %add3A_206 : i32
      %run_scoped3A_208 = arith.constant 0 : i32
      "tpu.region"() ({
        %run_scoped3A_268 = tpu.sem_alloc : memref<!tpu.dma_semaphore, #tpu.memory_space<semaphore_mem>>
        %dma_start3A_269 = arith.constant 0 : i32
        %dma_start3A_270 = arith.constant 0 : i32
        %dma_start3A_271 = tpu.memref_slice %arg15[%dma_start3A_269, %dma_start3A_270] : memref<40x128xi32, #tpu.memory_space<vmem>> -> memref<32x128xi32, #tpu.memory_space<vmem>>
        %dma_start3A_272 = arith.constant 0 : i32
        %dma_start3A_273 = tpu.memref_slice %arg7[%run_scoped3A_208, %add3A_207, %dma_start3A_272] : memref<2x1024x128xi32, #tpu.memory_space<hbm>> -> memref<1x32x128xi32, #tpu.memory_space<hbm>>
        %dma_start3A_274 = tpu.memref_squeeze %dma_start3A_273 : memref<1x32x128xi32, #tpu.memory_space<hbm>> -> memref<32x128xi32, #tpu.memory_space<hbm>>
        %dma_start3A_275 = arith.constant 0 : i32
        %dma_start3A_276 = arith.constant 0 : i32
        %dma_start3A_277 = tpu.memref_slice %arg15[%dma_start3A_275, %dma_start3A_276] : memref<40x128xi32, #tpu.memory_space<vmem>> -> memref<32x128xi32, #tpu.memory_space<vmem>>
        %dma_start3A_278 = arith.constant 0 : i32
        %dma_start3A_279 = tpu.memref_slice %arg7[%run_scoped3A_208, %add3A_207, %dma_start3A_278] : memref<2x1024x128xi32, #tpu.memory_space<hbm>> -> memref<1x32x128xi32, #tpu.memory_space<hbm>>
        %dma_start3A_280 = tpu.memref_squeeze %dma_start3A_279 : memref<1x32x128xi32, #tpu.memory_space<hbm>> -> memref<32x128xi32, #tpu.memory_space<hbm>>
        tpu.enqueue_dma source(%dma_start3A_280 : memref<32x128xi32, #tpu.memory_space<hbm>>) target(%dma_start3A_277 : memref<32x128xi32, #tpu.memory_space<vmem>>) target_semaphore(%run_scoped3A_268 : memref<!tpu.dma_semaphore, #tpu.memory_space<semaphore_mem>>)
        %dma_wait3A_281 = arith.constant 0 : i32
        %dma_wait3A_282 = arith.constant 0 : i32
        %dma_wait3A_283 = tpu.memref_slice %arg15[%dma_wait3A_281, %dma_wait3A_282] : memref<40x128xi32, #tpu.memory_space<vmem>> -> memref<32x128xi32, #tpu.memory_space<vmem>>
        %dma_wait3A_284 = arith.constant 0 : i32
        %dma_wait3A_285 = tpu.memref_slice %arg7[%run_scoped3A_208, %add3A_207, %dma_wait3A_284] : memref<2x1024x128xi32, #tpu.memory_space<hbm>> -> memref<1x32x128xi32, #tpu.memory_space<hbm>>
        %dma_wait3A_286 = tpu.memref_squeeze %dma_wait3A_285 : memref<1x32x128xi32, #tpu.memory_space<hbm>> -> memref<32x128xi32, #tpu.memory_space<hbm>>
        %dma_wait3A_287 = arith.constant 0 : i32
        %dma_wait3A_288 = arith.constant 0 : i32
        %dma_wait3A_289 = tpu.memref_slice %arg15[%dma_wait3A_287, %dma_wait3A_288] : memref<40x128xi32, #tpu.memory_space<vmem>> -> memref<32x128xi32, #tpu.memory_space<vmem>>
        %dma_wait3A_290 = arith.constant 0 : i32
        %dma_wait3A_291 = tpu.memref_slice %arg7[%run_scoped3A_208, %add3A_207, %dma_wait3A_290] : memref<2x1024x128xi32, #tpu.memory_space<hbm>> -> memref<1x32x128xi32, #tpu.memory_space<hbm>>
        %dma_wait3A_292 = tpu.memref_squeeze %dma_wait3A_291 : memref<1x32x128xi32, #tpu.memory_space<hbm>> -> memref<32x128xi32, #tpu.memory_space<hbm>>
        tpu.wait_dma2 semaphore(%run_scoped3A_268 : memref<!tpu.dma_semaphore, #tpu.memory_space<semaphore_mem>>) src(%dma_wait3A_292 : memref<32x128xi32, #tpu.memory_space<hbm>>) dst(%dma_wait3A_289 : memref<32x128xi32, #tpu.memory_space<vmem>>)
        tpu.yield
      }) : () -> ()
      %run_scoped3A_209 = arith.constant 1 : i32
      "tpu.region"() ({
        %run_scoped3A_268 = tpu.sem_alloc : memref<!tpu.dma_semaphore, #tpu.memory_space<semaphore_mem>>
        %dma_start3A_269 = arith.constant 0 : i32
        %dma_start3A_270 = arith.constant 0 : i32
        %dma_start3A_271 = tpu.memref_slice %arg16[%dma_start3A_269, %dma_start3A_270] : memref<40x128xi32, #tpu.memory_space<vmem>> -> memref<32x128xi32, #tpu.memory_space<vmem>>
        %dma_start3A_272 = arith.constant 0 : i32
        %dma_start3A_273 = tpu.memref_slice %arg7[%run_scoped3A_209, %add3A_207, %dma_start3A_272] : memref<2x1024x128xi32, #tpu.memory_space<hbm>> -> memref<1x32x128xi32, #tpu.memory_space<hbm>>
        %dma_start3A_274 = tpu.memref_squeeze %dma_start3A_273 : memref<1x32x128xi32, #tpu.memory_space<hbm>> -> memref<32x128xi32, #tpu.memory_space<hbm>>
        %dma_start3A_275 = arith.constant 0 : i32
        %dma_start3A_276 = arith.constant 0 : i32
        %dma_start3A_277 = tpu.memref_slice %arg16[%dma_start3A_275, %dma_start3A_276] : memref<40x128xi32, #tpu.memory_space<vmem>> -> memref<32x128xi32, #tpu.memory_space<vmem>>
        %dma_start3A_278 = arith.constant 0 : i32
        %dma_start3A_279 = tpu.memref_slice %arg7[%run_scoped3A_209, %add3A_207, %dma_start3A_278] : memref<2x1024x128xi32, #tpu.memory_space<hbm>> -> memref<1x32x128xi32, #tpu.memory_space<hbm>>
        %dma_start3A_280 = tpu.memref_squeeze %dma_start3A_279 : memref<1x32x128xi32, #tpu.memory_space<hbm>> -> memref<32x128xi32, #tpu.memory_space<hbm>>
        tpu.enqueue_dma source(%dma_start3A_280 : memref<32x128xi32, #tpu.memory_space<hbm>>) target(%dma_start3A_277 : memref<32x128xi32, #tpu.memory_space<vmem>>) target_semaphore(%run_scoped3A_268 : memref<!tpu.dma_semaphore, #tpu.memory_space<semaphore_mem>>)
        %dma_wait3A_281 = arith.constant 0 : i32
        %dma_wait3A_282 = arith.constant 0 : i32
        %dma_wait3A_283 = tpu.memref_slice %arg16[%dma_wait3A_281, %dma_wait3A_282] : memref<40x128xi32, #tpu.memory_space<vmem>> -> memref<32x128xi32, #tpu.memory_space<vmem>>
        %dma_wait3A_284 = arith.constant 0 : i32
        %dma_wait3A_285 = tpu.memref_slice %arg7[%run_scoped3A_209, %add3A_207, %dma_wait3A_284] : memref<2x1024x128xi32, #tpu.memory_space<hbm>> -> memref<1x32x128xi32, #tpu.memory_space<hbm>>
        %dma_wait3A_286 = tpu.memref_squeeze %dma_wait3A_285 : memref<1x32x128xi32, #tpu.memory_space<hbm>> -> memref<32x128xi32, #tpu.memory_space<hbm>>
        %dma_wait3A_287 = arith.constant 0 : i32
        %dma_wait3A_288 = arith.constant 0 : i32
        %dma_wait3A_289 = tpu.memref_slice %arg16[%dma_wait3A_287, %dma_wait3A_288] : memref<40x128xi32, #tpu.memory_space<vmem>> -> memref<32x128xi32, #tpu.memory_space<vmem>>
        %dma_wait3A_290 = arith.constant 0 : i32
        %dma_wait3A_291 = tpu.memref_slice %arg7[%run_scoped3A_209, %add3A_207, %dma_wait3A_290] : memref<2x1024x128xi32, #tpu.memory_space<hbm>> -> memref<1x32x128xi32, #tpu.memory_space<hbm>>
        %dma_wait3A_292 = tpu.memref_squeeze %dma_wait3A_291 : memref<1x32x128xi32, #tpu.memory_space<hbm>> -> memref<32x128xi32, #tpu.memory_space<hbm>>
        tpu.wait_dma2 semaphore(%run_scoped3A_268 : memref<!tpu.dma_semaphore, #tpu.memory_space<semaphore_mem>>) src(%dma_wait3A_292 : memref<32x128xi32, #tpu.memory_space<hbm>>) dst(%dma_wait3A_289 : memref<32x128xi32, #tpu.memory_space<vmem>>)
        tpu.yield
      }) : () -> ()
      %dma_start3A_210 = arith.constant 0 : i32
      %dma_start3A_211 = arith.constant 0 : i32
      %dma_start3A_212 = tpu.memref_slice %arg15[%dma_start3A_210, %dma_start3A_211] : memref<40x128xi32, #tpu.memory_space<vmem>> -> memref<1x128xi32, #tpu.memory_space<vmem>>
      %dma_start3A_213 = tpu.memref_squeeze %dma_start3A_212 : memref<1x128xi32, #tpu.memory_space<vmem>> -> memref<128xi32, #tpu.memory_space<vmem>>
      %dma_start3A_214 = arith.constant 0 : i32
      %dma_start3A_215 = arith.constant 0 : i32
      %dma_start3A_216 = tpu.memref_slice %arg4[%dma_start3A_214, %dma_start3A_215] : memref<10000x128xf32, #tpu.memory_space<hbm>> -> memref<10000x128xf32, #tpu.memory_space<hbm>>
      tpu.enqueue_indirect_dma source(%dma_start3A_216 : memref<10000x128xf32, #tpu.memory_space<hbm>>) target(%arg17 : memref<128x128xf32, #tpu.memory_space<vmem>>) offsets(%dma_start3A_213 : memref<128xi32, #tpu.memory_space<vmem>>) semaphore(%arg19 : memref<!tpu.dma_semaphore, #tpu.memory_space<semaphore_mem>>)
      %scan3A_217 = arith.constant 0 : i32
      %scan3A_218 = arith.constant 16 : i32
      %scan3A_219 = arith.addi %scan3A_217, %scan3A_218 : i32
      %scan3A_220 = arith.constant 1 : i32
      scf.for %scan3A_268 = %scan3A_217 to %scan3A_219 step %scan3A_220  : i32 {
        %mul3A_269 = arith.constant 2 : i32
        %mul3A_270 = arith.muli %mul3A_269, %scan3A_268 : i32
        %add3A_271 = arith.constant 0 : i32
        %add3A_272 = arith.addi %mul3A_270, %add3A_271 : i32
        %dma_wait3A_273 = arith.constant 0 : i32
        %dma_wait3A_274 = arith.constant 0 : i32
        %dma_wait3A_275 = tpu.memref_slice %arg15[%dma_wait3A_273, %dma_wait3A_274] : memref<40x128xi32, #tpu.memory_space<vmem>> -> memref<1x128xi32, #tpu.memory_space<vmem>>
        %dma_wait3A_276 = tpu.memref_squeeze %dma_wait3A_275 : memref<1x128xi32, #tpu.memory_space<vmem>> -> memref<128xi32, #tpu.memory_space<vmem>>
        %dma_wait3A_277 = arith.constant 0 : i32
        %dma_wait3A_278 = arith.constant 0 : i32
        %dma_wait3A_279 = tpu.memref_slice %arg4[%dma_wait3A_277, %dma_wait3A_278] : memref<10000x128xf32, #tpu.memory_space<hbm>> -> memref<10000x128xf32, #tpu.memory_space<hbm>>
        tpu.wait_indirect_dma semaphore(%arg19 : memref<!tpu.dma_semaphore, #tpu.memory_space<semaphore_mem>>) src(%dma_wait3A_279 : memref<10000x128xf32, #tpu.memory_space<hbm>>) dst(%arg17 : memref<128x128xf32, #tpu.memory_space<vmem>>)
        %dma_start3A_280 = arith.constant 0 : i32
        %dma_start3A_281 = tpu.memref_slice %arg16[%add3A_272, %dma_start3A_280] : memref<40x128xi32, #tpu.memory_space<vmem>> -> memref<1x128xi32, #tpu.memory_space<vmem>>
        %dma_start3A_282 = tpu.memref_squeeze %dma_start3A_281 : memref<1x128xi32, #tpu.memory_space<vmem>> -> memref<128xi32, #tpu.memory_space<vmem>>
        %dma_start3A_283 = arith.constant 0 : i32
        %dma_start3A_284 = arith.constant 0 : i32
        %dma_start3A_285 = tpu.memref_slice %arg14[%dma_start3A_283, %dma_start3A_284] : memref<10112x128xf32, #tpu.memory_space<vmem_shared>> -> memref<10112x128xf32, #tpu.memory_space<vmem_shared>>
        tpu.enqueue_indirect_dma source(%arg17 : memref<128x128xf32, #tpu.memory_space<vmem>>) target(%dma_start3A_285 : memref<10112x128xf32, #tpu.memory_space<vmem_shared>>) offsets(%dma_start3A_282 : memref<128xi32, #tpu.memory_space<vmem>>) semaphore(%arg21 : memref<!tpu.dma_semaphore, #tpu.memory_space<semaphore_mem>>) {add = true}
        %add3A_286 = arith.constant 1 : i32
        %add3A_287 = arith.addi %add3A_272, %add3A_286 : i32
        %lt3A = arith.constant 32 : i32
        %lt3A_288 = arith.cmpi slt, %add3A_287, %lt3A : i32
        %convert_element_type3A_289 = arith.extui %lt3A_288 : i1 to i32
        %cond3A_290 = arith.constant 0 : i32
        %cond3A_291 = arith.cmpi ne, %convert_element_type3A_289, %cond3A_290 : i32
        scf.if %cond3A_291 {
          %ge3A = arith.constant 1 : i32
          %ge3A_316 = arith.cmpi sge, %add3A_272, %ge3A : i32
          %convert_element_type3A_317 = arith.extui %ge3A_316 : i1 to i32
          %cond3A_318 = arith.constant 0 : i32
          %cond3A_319 = arith.cmpi ne, %convert_element_type3A_317, %cond3A_318 : i32
          scf.if %cond3A_319 {
            %dma_wait3A_328 = arith.constant 0 : i32
            %dma_wait3A_329 = arith.constant 0 : i32
            %dma_wait3A_330 = tpu.memref_slice %arg16[%dma_wait3A_328, %dma_wait3A_329] : memref<40x128xi32, #tpu.memory_space<vmem>> -> memref<1x128xi32, #tpu.memory_space<vmem>>
            %dma_wait3A_331 = tpu.memref_squeeze %dma_wait3A_330 : memref<1x128xi32, #tpu.memory_space<vmem>> -> memref<128xi32, #tpu.memory_space<vmem>>
            %dma_wait3A_332 = arith.constant 0 : i32
            %dma_wait3A_333 = arith.constant 0 : i32
            %dma_wait3A_334 = tpu.memref_slice %arg14[%dma_wait3A_332, %dma_wait3A_333] : memref<10112x128xf32, #tpu.memory_space<vmem_shared>> -> memref<10112x128xf32, #tpu.memory_space<vmem_shared>>
            tpu.wait_indirect_dma semaphore(%arg22 : memref<!tpu.dma_semaphore, #tpu.memory_space<semaphore_mem>>) src(%arg18 : memref<128x128xf32, #tpu.memory_space<vmem>>) dst(%dma_wait3A_334 : memref<10112x128xf32, #tpu.memory_space<vmem_shared>>)
          } else {
          }
          %add3A_320 = arith.constant 1 : i32
          %add3A_321 = arith.addi %add3A_272, %add3A_320 : i32
          %dma_start3A_322 = arith.constant 0 : i32
          %dma_start3A_323 = tpu.memref_slice %arg15[%add3A_321, %dma_start3A_322] : memref<40x128xi32, #tpu.memory_space<vmem>> -> memref<1x128xi32, #tpu.memory_space<vmem>>
          %dma_start3A_324 = tpu.memref_squeeze %dma_start3A_323 : memref<1x128xi32, #tpu.memory_space<vmem>> -> memref<128xi32, #tpu.memory_space<vmem>>
          %dma_start3A_325 = arith.constant 0 : i32
          %dma_start3A_326 = arith.constant 0 : i32
          %dma_start3A_327 = tpu.memref_slice %arg4[%dma_start3A_325, %dma_start3A_326] : memref<10000x128xf32, #tpu.memory_space<hbm>> -> memref<10000x128xf32, #tpu.memory_space<hbm>>
          tpu.enqueue_indirect_dma source(%dma_start3A_327 : memref<10000x128xf32, #tpu.memory_space<hbm>>) target(%arg18 : memref<128x128xf32, #tpu.memory_space<vmem>>) offsets(%dma_start3A_324 : memref<128xi32, #tpu.memory_space<vmem>>) semaphore(%arg20 : memref<!tpu.dma_semaphore, #tpu.memory_space<semaphore_mem>>)
        } else {
        }
        %mul3A_292 = arith.constant 2 : i32
        %mul3A_293 = arith.muli %mul3A_292, %scan3A_268 : i32
        %add3A_294 = arith.constant 1 : i32
        %add3A_295 = arith.addi %mul3A_293, %add3A_294 : i32
        %dma_wait3A_296 = arith.constant 0 : i32
        %dma_wait3A_297 = arith.constant 0 : i32
        %dma_wait3A_298 = tpu.memref_slice %arg15[%dma_wait3A_296, %dma_wait3A_297] : memref<40x128xi32, #tpu.memory_space<vmem>> -> memref<1x128xi32, #tpu.memory_space<vmem>>
        %dma_wait3A_299 = tpu.memref_squeeze %dma_wait3A_298 : memref<1x128xi32, #tpu.memory_space<vmem>> -> memref<128xi32, #tpu.memory_space<vmem>>
        %dma_wait3A_300 = arith.constant 0 : i32
        %dma_wait3A_301 = arith.constant 0 : i32
        %dma_wait3A_302 = tpu.memref_slice %arg4[%dma_wait3A_300, %dma_wait3A_301] : memref<10000x128xf32, #tpu.memory_space<hbm>> -> memref<10000x128xf32, #tpu.memory_space<hbm>>
        tpu.wait_indirect_dma semaphore(%arg20 : memref<!tpu.dma_semaphore, #tpu.memory_space<semaphore_mem>>) src(%dma_wait3A_302 : memref<10000x128xf32, #tpu.memory_space<hbm>>) dst(%arg18 : memref<128x128xf32, #tpu.memory_space<vmem>>)
        %dma_start3A_303 = arith.constant 0 : i32
        %dma_start3A_304 = tpu.memref_slice %arg16[%add3A_295, %dma_start3A_303] : memref<40x128xi32, #tpu.memory_space<vmem>> -> memref<1x128xi32, #tpu.memory_space<vmem>>
        %dma_start3A_305 = tpu.memref_squeeze %dma_start3A_304 : memref<1x128xi32, #tpu.memory_space<vmem>> -> memref<128xi32, #tpu.memory_space<vmem>>
        %dma_start3A_306 = arith.constant 0 : i32
        %dma_start3A_307 = arith.constant 0 : i32
        %dma_start3A_308 = tpu.memref_slice %arg14[%dma_start3A_306, %dma_start3A_307] : memref<10112x128xf32, #tpu.memory_space<vmem_shared>> -> memref<10112x128xf32, #tpu.memory_space<vmem_shared>>
        tpu.enqueue_indirect_dma source(%arg18 : memref<128x128xf32, #tpu.memory_space<vmem>>) target(%dma_start3A_308 : memref<10112x128xf32, #tpu.memory_space<vmem_shared>>) offsets(%dma_start3A_305 : memref<128xi32, #tpu.memory_space<vmem>>) semaphore(%arg22 : memref<!tpu.dma_semaphore, #tpu.memory_space<semaphore_mem>>) {add = true}
        %add3A_309 = arith.constant 1 : i32
        %add3A_310 = arith.addi %add3A_295, %add3A_309 : i32
        %lt3A_311 = arith.constant 32 : i32
        %lt3A_312 = arith.cmpi slt, %add3A_310, %lt3A_311 : i32
        %convert_element_type3A_313 = arith.extui %lt3A_312 : i1 to i32
        %cond3A_314 = arith.constant 0 : i32
        %cond3A_315 = arith.cmpi ne, %convert_element_type3A_313, %cond3A_314 : i32
        scf.if %cond3A_315 {
          %ge3A = arith.constant 1 : i32
          %ge3A_316 = arith.cmpi sge, %add3A_295, %ge3A : i32
          %convert_element_type3A_317 = arith.extui %ge3A_316 : i1 to i32
          %cond3A_318 = arith.constant 0 : i32
          %cond3A_319 = arith.cmpi ne, %convert_element_type3A_317, %cond3A_318 : i32
          scf.if %cond3A_319 {
            %dma_wait3A_328 = arith.constant 0 : i32
            %dma_wait3A_329 = arith.constant 0 : i32
            %dma_wait3A_330 = tpu.memref_slice %arg16[%dma_wait3A_328, %dma_wait3A_329] : memref<40x128xi32, #tpu.memory_space<vmem>> -> memref<1x128xi32, #tpu.memory_space<vmem>>
            %dma_wait3A_331 = tpu.memref_squeeze %dma_wait3A_330 : memref<1x128xi32, #tpu.memory_space<vmem>> -> memref<128xi32, #tpu.memory_space<vmem>>
            %dma_wait3A_332 = arith.constant 0 : i32
            %dma_wait3A_333 = arith.constant 0 : i32
            %dma_wait3A_334 = tpu.memref_slice %arg14[%dma_wait3A_332, %dma_wait3A_333] : memref<10112x128xf32, #tpu.memory_space<vmem_shared>> -> memref<10112x128xf32, #tpu.memory_space<vmem_shared>>
            tpu.wait_indirect_dma semaphore(%arg21 : memref<!tpu.dma_semaphore, #tpu.memory_space<semaphore_mem>>) src(%arg17 : memref<128x128xf32, #tpu.memory_space<vmem>>) dst(%dma_wait3A_334 : memref<10112x128xf32, #tpu.memory_space<vmem_shared>>)
          } else {
          }
          %add3A_320 = arith.constant 1 : i32
          %add3A_321 = arith.addi %add3A_295, %add3A_320 : i32
          %dma_start3A_322 = arith.constant 0 : i32
          %dma_start3A_323 = tpu.memref_slice %arg15[%add3A_321, %dma_start3A_322] : memref<40x128xi32, #tpu.memory_space<vmem>> -> memref<1x128xi32, #tpu.memory_space<vmem>>
          %dma_start3A_324 = tpu.memref_squeeze %dma_start3A_323 : memref<1x128xi32, #tpu.memory_space<vmem>> -> memref<128xi32, #tpu.memory_space<vmem>>
          %dma_start3A_325 = arith.constant 0 : i32
          %dma_start3A_326 = arith.constant 0 : i32
          %dma_start3A_327 = tpu.memref_slice %arg4[%dma_start3A_325, %dma_start3A_326] : memref<10000x128xf32, #tpu.memory_space<hbm>> -> memref<10000x128xf32, #tpu.memory_space<hbm>>
          tpu.enqueue_indirect_dma source(%dma_start3A_327 : memref<10000x128xf32, #tpu.memory_space<hbm>>) target(%arg17 : memref<128x128xf32, #tpu.memory_space<vmem>>) offsets(%dma_start3A_324 : memref<128xi32, #tpu.memory_space<vmem>>) semaphore(%arg19 : memref<!tpu.dma_semaphore, #tpu.memory_space<semaphore_mem>>)
        } else {
        }
      }
      %scan3A_221 = arith.constant 16 : i32
      %dma_wait3A_222 = arith.constant 0 : i32
      %dma_wait3A_223 = arith.constant 0 : i32
      %dma_wait3A_224 = tpu.memref_slice %arg16[%dma_wait3A_222, %dma_wait3A_223] : memref<40x128xi32, #tpu.memory_space<vmem>> -> memref<1x128xi32, #tpu.memory_space<vmem>>
      %dma_wait3A_225 = tpu.memref_squeeze %dma_wait3A_224 : memref<1x128xi32, #tpu.memory_space<vmem>> -> memref<128xi32, #tpu.memory_space<vmem>>
      %dma_wait3A_226 = arith.constant 0 : i32
      %dma_wait3A_227 = arith.constant 0 : i32
      %dma_wait3A_228 = tpu.memref_slice %arg14[%dma_wait3A_226, %dma_wait3A_227] : memref<10112x128xf32, #tpu.memory_space<vmem_shared>> -> memref<10112x128xf32, #tpu.memory_space<vmem_shared>>
      tpu.wait_indirect_dma semaphore(%arg21 : memref<!tpu.dma_semaphore, #tpu.memory_space<semaphore_mem>>) src(%arg17 : memref<128x128xf32, #tpu.memory_space<vmem>>) dst(%dma_wait3A_228 : memref<10112x128xf32, #tpu.memory_space<vmem_shared>>)
      %dma_wait3A_229 = arith.constant 0 : i32
      %dma_wait3A_230 = arith.constant 0 : i32
      %dma_wait3A_231 = tpu.memref_slice %arg16[%dma_wait3A_229, %dma_wait3A_230] : memref<40x128xi32, #tpu.memory_space<vmem>> -> memref<1x128xi32, #tpu.memory_space<vmem>>
      %dma_wait3A_232 = tpu.memref_squeeze %dma_wait3A_231 : memref<1x128xi32, #tpu.memory_space<vmem>> -> memref<128xi32, #tpu.memory_space<vmem>>
      %dma_wait3A_233 = arith.constant 0 : i32
      %dma_wait3A_234 = arith.constant 0 : i32
      %dma_wait3A_235 = tpu.memref_slice %arg14[%dma_wait3A_233, %dma_wait3A_234] : memref<10112x128xf32, #tpu.memory_space<vmem_shared>> -> memref<10112x128xf32, #tpu.memory_space<vmem_shared>>
      tpu.wait_indirect_dma semaphore(%arg22 : memref<!tpu.dma_semaphore, #tpu.memory_space<semaphore_mem>>) src(%arg18 : memref<128x128xf32, #tpu.memory_space<vmem>>) dst(%dma_wait3A_235 : memref<10112x128xf32, #tpu.memory_space<vmem_shared>>)
      %mul3A_236 = arith.constant 8 : i32
      %mul3A_237 = arith.muli %arg1, %mul3A_236 : i32
      %add3A_238 = arith.constant 0 : i32
      %add3A_239 = arith.addi %mul3A_237, %add3A_238 : i32
      %run_scoped3A_240 = arith.constant 0 : i32
      "tpu.region"() ({
        %run_scoped3A_268 = tpu.sem_alloc : memref<!tpu.dma_semaphore, #tpu.memory_space<semaphore_mem>>
        %dma_start3A_269 = arith.constant 0 : i32
        %dma_start3A_270 = arith.constant 0 : i32
        %dma_start3A_271 = tpu.memref_slice %arg15[%dma_start3A_269, %dma_start3A_270] : memref<40x128xi32, #tpu.memory_space<vmem>> -> memref<8x128xi32, #tpu.memory_space<vmem>>
        %dma_start3A_272 = arith.constant 0 : i32
        %dma_start3A_273 = tpu.memref_slice %arg10[%run_scoped3A_240, %add3A_239, %dma_start3A_272] : memref<2x256x128xi32, #tpu.memory_space<hbm>> -> memref<1x8x128xi32, #tpu.memory_space<hbm>>
        %dma_start3A_274 = tpu.memref_squeeze %dma_start3A_273 : memref<1x8x128xi32, #tpu.memory_space<hbm>> -> memref<8x128xi32, #tpu.memory_space<hbm>>
        %dma_start3A_275 = arith.constant 0 : i32
        %dma_start3A_276 = arith.constant 0 : i32
        %dma_start3A_277 = tpu.memref_slice %arg15[%dma_start3A_275, %dma_start3A_276] : memref<40x128xi32, #tpu.memory_space<vmem>> -> memref<8x128xi32, #tpu.memory_space<vmem>>
        %dma_start3A_278 = arith.constant 0 : i32
        %dma_start3A_279 = tpu.memref_slice %arg10[%run_scoped3A_240, %add3A_239, %dma_start3A_278] : memref<2x256x128xi32, #tpu.memory_space<hbm>> -> memref<1x8x128xi32, #tpu.memory_space<hbm>>
        %dma_start3A_280 = tpu.memref_squeeze %dma_start3A_279 : memref<1x8x128xi32, #tpu.memory_space<hbm>> -> memref<8x128xi32, #tpu.memory_space<hbm>>
        tpu.enqueue_dma source(%dma_start3A_280 : memref<8x128xi32, #tpu.memory_space<hbm>>) target(%dma_start3A_277 : memref<8x128xi32, #tpu.memory_space<vmem>>) target_semaphore(%run_scoped3A_268 : memref<!tpu.dma_semaphore, #tpu.memory_space<semaphore_mem>>)
        %dma_wait3A_281 = arith.constant 0 : i32
        %dma_wait3A_282 = arith.constant 0 : i32
        %dma_wait3A_283 = tpu.memref_slice %arg15[%dma_wait3A_281, %dma_wait3A_282] : memref<40x128xi32, #tpu.memory_space<vmem>> -> memref<8x128xi32, #tpu.memory_space<vmem>>
        %dma_wait3A_284 = arith.constant 0 : i32
        %dma_wait3A_285 = tpu.memref_slice %arg10[%run_scoped3A_240, %add3A_239, %dma_wait3A_284] : memref<2x256x128xi32, #tpu.memory_space<hbm>> -> memref<1x8x128xi32, #tpu.memory_space<hbm>>
        %dma_wait3A_286 = tpu.memref_squeeze %dma_wait3A_285 : memref<1x8x128xi32, #tpu.memory_space<hbm>> -> memref<8x128xi32, #tpu.memory_space<hbm>>
        %dma_wait3A_287 = arith.constant 0 : i32
        %dma_wait3A_288 = arith.constant 0 : i32
        %dma_wait3A_289 = tpu.memref_slice %arg15[%dma_wait3A_287, %dma_wait3A_288] : memref<40x128xi32, #tpu.memory_space<vmem>> -> memref<8x128xi32, #tpu.memory_space<vmem>>
        %dma_wait3A_290 = arith.constant 0 : i32
        %dma_wait3A_291 = tpu.memref_slice %arg10[%run_scoped3A_240, %add3A_239, %dma_wait3A_290] : memref<2x256x128xi32, #tpu.memory_space<hbm>> -> memref<1x8x128xi32, #tpu.memory_space<hbm>>
        %dma_wait3A_292 = tpu.memref_squeeze %dma_wait3A_291 : memref<1x8x128xi32, #tpu.memory_space<hbm>> -> memref<8x128xi32, #tpu.memory_space<hbm>>
        tpu.wait_dma2 semaphore(%run_scoped3A_268 : memref<!tpu.dma_semaphore, #tpu.memory_space<semaphore_mem>>) src(%dma_wait3A_292 : memref<8x128xi32, #tpu.memory_space<hbm>>) dst(%dma_wait3A_289 : memref<8x128xi32, #tpu.memory_space<vmem>>)
        tpu.yield
      }) : () -> ()
      %run_scoped3A_241 = arith.constant 1 : i32
      "tpu.region"() ({
        %run_scoped3A_268 = tpu.sem_alloc : memref<!tpu.dma_semaphore, #tpu.memory_space<semaphore_mem>>
        %dma_start3A_269 = arith.constant 0 : i32
        %dma_start3A_270 = arith.constant 0 : i32
        %dma_start3A_271 = tpu.memref_slice %arg16[%dma_start3A_269, %dma_start3A_270] : memref<40x128xi32, #tpu.memory_space<vmem>> -> memref<8x128xi32, #tpu.memory_space<vmem>>
        %dma_start3A_272 = arith.constant 0 : i32
        %dma_start3A_273 = tpu.memref_slice %arg10[%run_scoped3A_241, %add3A_239, %dma_start3A_272] : memref<2x256x128xi32, #tpu.memory_space<hbm>> -> memref<1x8x128xi32, #tpu.memory_space<hbm>>
        %dma_start3A_274 = tpu.memref_squeeze %dma_start3A_273 : memref<1x8x128xi32, #tpu.memory_space<hbm>> -> memref<8x128xi32, #tpu.memory_space<hbm>>
        %dma_start3A_275 = arith.constant 0 : i32
        %dma_start3A_276 = arith.constant 0 : i32
        %dma_start3A_277 = tpu.memref_slice %arg16[%dma_start3A_275, %dma_start3A_276] : memref<40x128xi32, #tpu.memory_space<vmem>> -> memref<8x128xi32, #tpu.memory_space<vmem>>
        %dma_start3A_278 = arith.constant 0 : i32
        %dma_start3A_279 = tpu.memref_slice %arg10[%run_scoped3A_241, %add3A_239, %dma_start3A_278] : memref<2x256x128xi32, #tpu.memory_space<hbm>> -> memref<1x8x128xi32, #tpu.memory_space<hbm>>
        %dma_start3A_280 = tpu.memref_squeeze %dma_start3A_279 : memref<1x8x128xi32, #tpu.memory_space<hbm>> -> memref<8x128xi32, #tpu.memory_space<hbm>>
        tpu.enqueue_dma source(%dma_start3A_280 : memref<8x128xi32, #tpu.memory_space<hbm>>) target(%dma_start3A_277 : memref<8x128xi32, #tpu.memory_space<vmem>>) target_semaphore(%run_scoped3A_268 : memref<!tpu.dma_semaphore, #tpu.memory_space<semaphore_mem>>)
        %dma_wait3A_281 = arith.constant 0 : i32
        %dma_wait3A_282 = arith.constant 0 : i32
        %dma_wait3A_283 = tpu.memref_slice %arg16[%dma_wait3A_281, %dma_wait3A_282] : memref<40x128xi32, #tpu.memory_space<vmem>> -> memref<8x128xi32, #tpu.memory_space<vmem>>
        %dma_wait3A_284 = arith.constant 0 : i32
        %dma_wait3A_285 = tpu.memref_slice %arg10[%run_scoped3A_241, %add3A_239, %dma_wait3A_284] : memref<2x256x128xi32, #tpu.memory_space<hbm>> -> memref<1x8x128xi32, #tpu.memory_space<hbm>>
        %dma_wait3A_286 = tpu.memref_squeeze %dma_wait3A_285 : memref<1x8x128xi32, #tpu.memory_space<hbm>> -> memref<8x128xi32, #tpu.memory_space<hbm>>
        %dma_wait3A_287 = arith.constant 0 : i32
        %dma_wait3A_288 = arith.constant 0 : i32
        %dma_wait3A_289 = tpu.memref_slice %arg16[%dma_wait3A_287, %dma_wait3A_288] : memref<40x128xi32, #tpu.memory_space<vmem>> -> memref<8x128xi32, #tpu.memory_space<vmem>>
        %dma_wait3A_290 = arith.constant 0 : i32
        %dma_wait3A_291 = tpu.memref_slice %arg10[%run_scoped3A_241, %add3A_239, %dma_wait3A_290] : memref<2x256x128xi32, #tpu.memory_space<hbm>> -> memref<1x8x128xi32, #tpu.memory_space<hbm>>
        %dma_wait3A_292 = tpu.memref_squeeze %dma_wait3A_291 : memref<1x8x128xi32, #tpu.memory_space<hbm>> -> memref<8x128xi32, #tpu.memory_space<hbm>>
        tpu.wait_dma2 semaphore(%run_scoped3A_268 : memref<!tpu.dma_semaphore, #tpu.memory_space<semaphore_mem>>) src(%dma_wait3A_292 : memref<8x128xi32, #tpu.memory_space<hbm>>) dst(%dma_wait3A_289 : memref<8x128xi32, #tpu.memory_space<vmem>>)
        tpu.yield
      }) : () -> ()
      %dma_start3A_242 = arith.constant 0 : i32
      %dma_start3A_243 = arith.constant 0 : i32
      %dma_start3A_244 = tpu.memref_slice %arg15[%dma_start3A_242, %dma_start3A_243] : memref<40x128xi32, #tpu.memory_space<vmem>> -> memref<1x128xi32, #tpu.memory_space<vmem>>
      %dma_start3A_245 = tpu.memref_squeeze %dma_start3A_244 : memref<1x128xi32, #tpu.memory_space<vmem>> -> memref<128xi32, #tpu.memory_space<vmem>>
      %dma_start3A_246 = arith.constant 0 : i32
      %dma_start3A_247 = arith.constant 0 : i32
      %dma_start3A_248 = tpu.memref_slice %arg4[%dma_start3A_246, %dma_start3A_247] : memref<10000x128xf32, #tpu.memory_space<hbm>> -> memref<10000x128xf32, #tpu.memory_space<hbm>>
      tpu.enqueue_indirect_dma source(%dma_start3A_248 : memref<10000x128xf32, #tpu.memory_space<hbm>>) target(%arg17 : memref<128x128xf32, #tpu.memory_space<vmem>>) offsets(%dma_start3A_245 : memref<128xi32, #tpu.memory_space<vmem>>) semaphore(%arg19 : memref<!tpu.dma_semaphore, #tpu.memory_space<semaphore_mem>>)
      %scan3A_249 = arith.constant 0 : i32
      %scan3A_250 = arith.constant 4 : i32
      %scan3A_251 = arith.addi %scan3A_249, %scan3A_250 : i32
      %scan3A_252 = arith.constant 1 : i32
      scf.for %scan3A_268 = %scan3A_249 to %scan3A_251 step %scan3A_252  : i32 {
        %mul3A_269 = arith.constant 2 : i32
        %mul3A_270 = arith.muli %mul3A_269, %scan3A_268 : i32
        %add3A_271 = arith.constant 0 : i32
        %add3A_272 = arith.addi %mul3A_270, %add3A_271 : i32
        %dma_wait3A_273 = arith.constant 0 : i32
        %dma_wait3A_274 = arith.constant 0 : i32
        %dma_wait3A_275 = tpu.memref_slice %arg15[%dma_wait3A_273, %dma_wait3A_274] : memref<40x128xi32, #tpu.memory_space<vmem>> -> memref<1x128xi32, #tpu.memory_space<vmem>>
        %dma_wait3A_276 = tpu.memref_squeeze %dma_wait3A_275 : memref<1x128xi32, #tpu.memory_space<vmem>> -> memref<128xi32, #tpu.memory_space<vmem>>
        %dma_wait3A_277 = arith.constant 0 : i32
        %dma_wait3A_278 = arith.constant 0 : i32
        %dma_wait3A_279 = tpu.memref_slice %arg4[%dma_wait3A_277, %dma_wait3A_278] : memref<10000x128xf32, #tpu.memory_space<hbm>> -> memref<10000x128xf32, #tpu.memory_space<hbm>>
        tpu.wait_indirect_dma semaphore(%arg19 : memref<!tpu.dma_semaphore, #tpu.memory_space<semaphore_mem>>) src(%dma_wait3A_279 : memref<10000x128xf32, #tpu.memory_space<hbm>>) dst(%arg17 : memref<128x128xf32, #tpu.memory_space<vmem>>)
        %dma_start3A_280 = arith.constant 0 : i32
        %dma_start3A_281 = tpu.memref_slice %arg16[%add3A_272, %dma_start3A_280] : memref<40x128xi32, #tpu.memory_space<vmem>> -> memref<1x128xi32, #tpu.memory_space<vmem>>
        %dma_start3A_282 = tpu.memref_squeeze %dma_start3A_281 : memref<1x128xi32, #tpu.memory_space<vmem>> -> memref<128xi32, #tpu.memory_space<vmem>>
        %dma_start3A_283 = arith.constant 0 : i32
        %dma_start3A_284 = arith.constant 0 : i32
        %dma_start3A_285 = tpu.memref_slice %arg14[%dma_start3A_283, %dma_start3A_284] : memref<10112x128xf32, #tpu.memory_space<vmem_shared>> -> memref<10112x128xf32, #tpu.memory_space<vmem_shared>>
        tpu.enqueue_indirect_dma source(%arg17 : memref<128x128xf32, #tpu.memory_space<vmem>>) target(%dma_start3A_285 : memref<10112x128xf32, #tpu.memory_space<vmem_shared>>) offsets(%dma_start3A_282 : memref<128xi32, #tpu.memory_space<vmem>>) semaphore(%arg21 : memref<!tpu.dma_semaphore, #tpu.memory_space<semaphore_mem>>) {add = true}
        %add3A_286 = arith.constant 1 : i32
        %add3A_287 = arith.addi %add3A_272, %add3A_286 : i32
        %lt3A = arith.constant 8 : i32
        %lt3A_288 = arith.cmpi slt, %add3A_287, %lt3A : i32
        %convert_element_type3A_289 = arith.extui %lt3A_288 : i1 to i32
        %cond3A_290 = arith.constant 0 : i32
        %cond3A_291 = arith.cmpi ne, %convert_element_type3A_289, %cond3A_290 : i32
        scf.if %cond3A_291 {
          %ge3A = arith.constant 1 : i32
          %ge3A_316 = arith.cmpi sge, %add3A_272, %ge3A : i32
          %convert_element_type3A_317 = arith.extui %ge3A_316 : i1 to i32
          %cond3A_318 = arith.constant 0 : i32
          %cond3A_319 = arith.cmpi ne, %convert_element_type3A_317, %cond3A_318 : i32
          scf.if %cond3A_319 {
            %dma_wait3A_328 = arith.constant 0 : i32
            %dma_wait3A_329 = arith.constant 0 : i32
            %dma_wait3A_330 = tpu.memref_slice %arg16[%dma_wait3A_328, %dma_wait3A_329] : memref<40x128xi32, #tpu.memory_space<vmem>> -> memref<1x128xi32, #tpu.memory_space<vmem>>
            %dma_wait3A_331 = tpu.memref_squeeze %dma_wait3A_330 : memref<1x128xi32, #tpu.memory_space<vmem>> -> memref<128xi32, #tpu.memory_space<vmem>>
            %dma_wait3A_332 = arith.constant 0 : i32
            %dma_wait3A_333 = arith.constant 0 : i32
            %dma_wait3A_334 = tpu.memref_slice %arg14[%dma_wait3A_332, %dma_wait3A_333] : memref<10112x128xf32, #tpu.memory_space<vmem_shared>> -> memref<10112x128xf32, #tpu.memory_space<vmem_shared>>
            tpu.wait_indirect_dma semaphore(%arg22 : memref<!tpu.dma_semaphore, #tpu.memory_space<semaphore_mem>>) src(%arg18 : memref<128x128xf32, #tpu.memory_space<vmem>>) dst(%dma_wait3A_334 : memref<10112x128xf32, #tpu.memory_space<vmem_shared>>)
          } else {
          }
          %add3A_320 = arith.constant 1 : i32
          %add3A_321 = arith.addi %add3A_272, %add3A_320 : i32
          %dma_start3A_322 = arith.constant 0 : i32
          %dma_start3A_323 = tpu.memref_slice %arg15[%add3A_321, %dma_start3A_322] : memref<40x128xi32, #tpu.memory_space<vmem>> -> memref<1x128xi32, #tpu.memory_space<vmem>>
          %dma_start3A_324 = tpu.memref_squeeze %dma_start3A_323 : memref<1x128xi32, #tpu.memory_space<vmem>> -> memref<128xi32, #tpu.memory_space<vmem>>
          %dma_start3A_325 = arith.constant 0 : i32
          %dma_start3A_326 = arith.constant 0 : i32
          %dma_start3A_327 = tpu.memref_slice %arg4[%dma_start3A_325, %dma_start3A_326] : memref<10000x128xf32, #tpu.memory_space<hbm>> -> memref<10000x128xf32, #tpu.memory_space<hbm>>
          tpu.enqueue_indirect_dma source(%dma_start3A_327 : memref<10000x128xf32, #tpu.memory_space<hbm>>) target(%arg18 : memref<128x128xf32, #tpu.memory_space<vmem>>) offsets(%dma_start3A_324 : memref<128xi32, #tpu.memory_space<vmem>>) semaphore(%arg20 : memref<!tpu.dma_semaphore, #tpu.memory_space<semaphore_mem>>)
        } else {
        }
        %mul3A_292 = arith.constant 2 : i32
        %mul3A_293 = arith.muli %mul3A_292, %scan3A_268 : i32
        %add3A_294 = arith.constant 1 : i32
        %add3A_295 = arith.addi %mul3A_293, %add3A_294 : i32
        %dma_wait3A_296 = arith.constant 0 : i32
        %dma_wait3A_297 = arith.constant 0 : i32
        %dma_wait3A_298 = tpu.memref_slice %arg15[%dma_wait3A_296, %dma_wait3A_297] : memref<40x128xi32, #tpu.memory_space<vmem>> -> memref<1x128xi32, #tpu.memory_space<vmem>>
        %dma_wait3A_299 = tpu.memref_squeeze %dma_wait3A_298 : memref<1x128xi32, #tpu.memory_space<vmem>> -> memref<128xi32, #tpu.memory_space<vmem>>
        %dma_wait3A_300 = arith.constant 0 : i32
        %dma_wait3A_301 = arith.constant 0 : i32
        %dma_wait3A_302 = tpu.memref_slice %arg4[%dma_wait3A_300, %dma_wait3A_301] : memref<10000x128xf32, #tpu.memory_space<hbm>> -> memref<10000x128xf32, #tpu.memory_space<hbm>>
        tpu.wait_indirect_dma semaphore(%arg20 : memref<!tpu.dma_semaphore, #tpu.memory_space<semaphore_mem>>) src(%dma_wait3A_302 : memref<10000x128xf32, #tpu.memory_space<hbm>>) dst(%arg18 : memref<128x128xf32, #tpu.memory_space<vmem>>)
        %dma_start3A_303 = arith.constant 0 : i32
        %dma_start3A_304 = tpu.memref_slice %arg16[%add3A_295, %dma_start3A_303] : memref<40x128xi32, #tpu.memory_space<vmem>> -> memref<1x128xi32, #tpu.memory_space<vmem>>
        %dma_start3A_305 = tpu.memref_squeeze %dma_start3A_304 : memref<1x128xi32, #tpu.memory_space<vmem>> -> memref<128xi32, #tpu.memory_space<vmem>>
        %dma_start3A_306 = arith.constant 0 : i32
        %dma_start3A_307 = arith.constant 0 : i32
        %dma_start3A_308 = tpu.memref_slice %arg14[%dma_start3A_306, %dma_start3A_307] : memref<10112x128xf32, #tpu.memory_space<vmem_shared>> -> memref<10112x128xf32, #tpu.memory_space<vmem_shared>>
        tpu.enqueue_indirect_dma source(%arg18 : memref<128x128xf32, #tpu.memory_space<vmem>>) target(%dma_start3A_308 : memref<10112x128xf32, #tpu.memory_space<vmem_shared>>) offsets(%dma_start3A_305 : memref<128xi32, #tpu.memory_space<vmem>>) semaphore(%arg22 : memref<!tpu.dma_semaphore, #tpu.memory_space<semaphore_mem>>) {add = true}
        %add3A_309 = arith.constant 1 : i32
        %add3A_310 = arith.addi %add3A_295, %add3A_309 : i32
        %lt3A_311 = arith.constant 8 : i32
        %lt3A_312 = arith.cmpi slt, %add3A_310, %lt3A_311 : i32
        %convert_element_type3A_313 = arith.extui %lt3A_312 : i1 to i32
        %cond3A_314 = arith.constant 0 : i32
        %cond3A_315 = arith.cmpi ne, %convert_element_type3A_313, %cond3A_314 : i32
        scf.if %cond3A_315 {
          %ge3A = arith.constant 1 : i32
          %ge3A_316 = arith.cmpi sge, %add3A_295, %ge3A : i32
          %convert_element_type3A_317 = arith.extui %ge3A_316 : i1 to i32
          %cond3A_318 = arith.constant 0 : i32
          %cond3A_319 = arith.cmpi ne, %convert_element_type3A_317, %cond3A_318 : i32
          scf.if %cond3A_319 {
            %dma_wait3A_328 = arith.constant 0 : i32
            %dma_wait3A_329 = arith.constant 0 : i32
            %dma_wait3A_330 = tpu.memref_slice %arg16[%dma_wait3A_328, %dma_wait3A_329] : memref<40x128xi32, #tpu.memory_space<vmem>> -> memref<1x128xi32, #tpu.memory_space<vmem>>
            %dma_wait3A_331 = tpu.memref_squeeze %dma_wait3A_330 : memref<1x128xi32, #tpu.memory_space<vmem>> -> memref<128xi32, #tpu.memory_space<vmem>>
            %dma_wait3A_332 = arith.constant 0 : i32
            %dma_wait3A_333 = arith.constant 0 : i32
            %dma_wait3A_334 = tpu.memref_slice %arg14[%dma_wait3A_332, %dma_wait3A_333] : memref<10112x128xf32, #tpu.memory_space<vmem_shared>> -> memref<10112x128xf32, #tpu.memory_space<vmem_shared>>
            tpu.wait_indirect_dma semaphore(%arg21 : memref<!tpu.dma_semaphore, #tpu.memory_space<semaphore_mem>>) src(%arg17 : memref<128x128xf32, #tpu.memory_space<vmem>>) dst(%dma_wait3A_334 : memref<10112x128xf32, #tpu.memory_space<vmem_shared>>)
          } else {
          }
          %add3A_320 = arith.constant 1 : i32
          %add3A_321 = arith.addi %add3A_295, %add3A_320 : i32
          %dma_start3A_322 = arith.constant 0 : i32
          %dma_start3A_323 = tpu.memref_slice %arg15[%add3A_321, %dma_start3A_322] : memref<40x128xi32, #tpu.memory_space<vmem>> -> memref<1x128xi32, #tpu.memory_space<vmem>>
          %dma_start3A_324 = tpu.memref_squeeze %dma_start3A_323 : memref<1x128xi32, #tpu.memory_space<vmem>> -> memref<128xi32, #tpu.memory_space<vmem>>
          %dma_start3A_325 = arith.constant 0 : i32
          %dma_start3A_326 = arith.constant 0 : i32
          %dma_start3A_327 = tpu.memref_slice %arg4[%dma_start3A_325, %dma_start3A_326] : memref<10000x128xf32, #tpu.memory_space<hbm>> -> memref<10000x128xf32, #tpu.memory_space<hbm>>
          tpu.enqueue_indirect_dma source(%dma_start3A_327 : memref<10000x128xf32, #tpu.memory_space<hbm>>) target(%arg17 : memref<128x128xf32, #tpu.memory_space<vmem>>) offsets(%dma_start3A_324 : memref<128xi32, #tpu.memory_space<vmem>>) semaphore(%arg19 : memref<!tpu.dma_semaphore, #tpu.memory_space<semaphore_mem>>)
        } else {
        }
      }
      %scan3A_253 = arith.constant 4 : i32
      %dma_wait3A_254 = arith.constant 0 : i32
      %dma_wait3A_255 = arith.constant 0 : i32
      %dma_wait3A_256 = tpu.memref_slice %arg16[%dma_wait3A_254, %dma_wait3A_255] : memref<40x128xi32, #tpu.memory_space<vmem>> -> memref<1x128xi32, #tpu.memory_space<vmem>>
      %dma_wait3A_257 = tpu.memref_squeeze %dma_wait3A_256 : memref<1x128xi32, #tpu.memory_space<vmem>> -> memref<128xi32, #tpu.memory_space<vmem>>
      %dma_wait3A_258 = arith.constant 0 : i32
      %dma_wait3A_259 = arith.constant 0 : i32
      %dma_wait3A_260 = tpu.memref_slice %arg14[%dma_wait3A_258, %dma_wait3A_259] : memref<10112x128xf32, #tpu.memory_space<vmem_shared>> -> memref<10112x128xf32, #tpu.memory_space<vmem_shared>>
      tpu.wait_indirect_dma semaphore(%arg21 : memref<!tpu.dma_semaphore, #tpu.memory_space<semaphore_mem>>) src(%arg17 : memref<128x128xf32, #tpu.memory_space<vmem>>) dst(%dma_wait3A_260 : memref<10112x128xf32, #tpu.memory_space<vmem_shared>>)
      %dma_wait3A_261 = arith.constant 0 : i32
      %dma_wait3A_262 = arith.constant 0 : i32
      %dma_wait3A_263 = tpu.memref_slice %arg16[%dma_wait3A_261, %dma_wait3A_262] : memref<40x128xi32, #tpu.memory_space<vmem>> -> memref<1x128xi32, #tpu.memory_space<vmem>>
      %dma_wait3A_264 = tpu.memref_squeeze %dma_wait3A_263 : memref<1x128xi32, #tpu.memory_space<vmem>> -> memref<128xi32, #tpu.memory_space<vmem>>
      %dma_wait3A_265 = arith.constant 0 : i32
      %dma_wait3A_266 = arith.constant 0 : i32
      %dma_wait3A_267 = tpu.memref_slice %arg14[%dma_wait3A_265, %dma_wait3A_266] : memref<10112x128xf32, #tpu.memory_space<vmem_shared>> -> memref<10112x128xf32, #tpu.memory_space<vmem_shared>>
      tpu.wait_indirect_dma semaphore(%arg22 : memref<!tpu.dma_semaphore, #tpu.memory_space<semaphore_mem>>) src(%arg18 : memref<128x128xf32, #tpu.memory_space<vmem>>) dst(%dma_wait3A_267 : memref<10112x128xf32, #tpu.memory_space<vmem_shared>>)
    } else {
    }
    %eq3A_3 = arith.constant 1 : i32
    %eq3A_4 = arith.cmpi eq, %arg0, %eq3A_3 : i32
    %convert_element_type3A_5 = arith.extui %eq3A_4 : i1 to i32
    %cond3A_6 = arith.constant 0 : i32
    %cond3A_7 = arith.cmpi ne, %convert_element_type3A_5, %cond3A_6 : i32
    scf.if %cond3A_7 {
      %mul3A_21 = arith.constant 72 : i32
      %mul3A_22 = arith.muli %arg1, %mul3A_21 : i32
      %add3A = arith.constant 1152 : i32
      %add3A_23 = arith.addi %add3A, %mul3A_22 : i32
      %add3A_24 = arith.constant 0 : i32
      %add3A_25 = arith.addi %add3A_23, %add3A_24 : i32
      %run_scoped3A = arith.constant 0 : i32
      "tpu.region"() ({
        %run_scoped3A_280 = tpu.sem_alloc : memref<!tpu.dma_semaphore, #tpu.memory_space<semaphore_mem>>
        %dma_start3A_281 = arith.constant 0 : i32
        %dma_start3A_282 = arith.constant 0 : i32
        %dma_start3A_283 = tpu.memref_slice %arg15[%dma_start3A_281, %dma_start3A_282] : memref<40x128xi32, #tpu.memory_space<vmem>> -> memref<40x128xi32, #tpu.memory_space<vmem>>
        %dma_start3A_284 = arith.constant 0 : i32
        %dma_start3A_285 = tpu.memref_slice %arg5[%run_scoped3A, %add3A_25, %dma_start3A_284] : memref<2x2304x128xi32, #tpu.memory_space<hbm>> -> memref<1x40x128xi32, #tpu.memory_space<hbm>>
        %dma_start3A_286 = tpu.memref_squeeze %dma_start3A_285 : memref<1x40x128xi32, #tpu.memory_space<hbm>> -> memref<40x128xi32, #tpu.memory_space<hbm>>
        %dma_start3A_287 = arith.constant 0 : i32
        %dma_start3A_288 = arith.constant 0 : i32
        %dma_start3A_289 = tpu.memref_slice %arg15[%dma_start3A_287, %dma_start3A_288] : memref<40x128xi32, #tpu.memory_space<vmem>> -> memref<40x128xi32, #tpu.memory_space<vmem>>
        %dma_start3A_290 = arith.constant 0 : i32
        %dma_start3A_291 = tpu.memref_slice %arg5[%run_scoped3A, %add3A_25, %dma_start3A_290] : memref<2x2304x128xi32, #tpu.memory_space<hbm>> -> memref<1x40x128xi32, #tpu.memory_space<hbm>>
        %dma_start3A_292 = tpu.memref_squeeze %dma_start3A_291 : memref<1x40x128xi32, #tpu.memory_space<hbm>> -> memref<40x128xi32, #tpu.memory_space<hbm>>
        tpu.enqueue_dma source(%dma_start3A_292 : memref<40x128xi32, #tpu.memory_space<hbm>>) target(%dma_start3A_289 : memref<40x128xi32, #tpu.memory_space<vmem>>) target_semaphore(%run_scoped3A_280 : memref<!tpu.dma_semaphore, #tpu.memory_space<semaphore_mem>>)
        %dma_wait3A_293 = arith.constant 0 : i32
        %dma_wait3A_294 = arith.constant 0 : i32
        %dma_wait3A_295 = tpu.memref_slice %arg15[%dma_wait3A_293, %dma_wait3A_294] : memref<40x128xi32, #tpu.memory_space<vmem>> -> memref<40x128xi32, #tpu.memory_space<vmem>>
        %dma_wait3A_296 = arith.constant 0 : i32
        %dma_wait3A_297 = tpu.memref_slice %arg5[%run_scoped3A, %add3A_25, %dma_wait3A_296] : memref<2x2304x128xi32, #tpu.memory_space<hbm>> -> memref<1x40x128xi32, #tpu.memory_space<hbm>>
        %dma_wait3A_298 = tpu.memref_squeeze %dma_wait3A_297 : memref<1x40x128xi32, #tpu.memory_space<hbm>> -> memref<40x128xi32, #tpu.memory_space<hbm>>
        %dma_wait3A_299 = arith.constant 0 : i32
        %dma_wait3A_300 = arith.constant 0 : i32
        %dma_wait3A_301 = tpu.memref_slice %arg15[%dma_wait3A_299, %dma_wait3A_300] : memref<40x128xi32, #tpu.memory_space<vmem>> -> memref<40x128xi32, #tpu.memory_space<vmem>>
        %dma_wait3A_302 = arith.constant 0 : i32
        %dma_wait3A_303 = tpu.memref_slice %arg5[%run_scoped3A, %add3A_25, %dma_wait3A_302] : memref<2x2304x128xi32, #tpu.memory_space<hbm>> -> memref<1x40x128xi32, #tpu.memory_space<hbm>>
        %dma_wait3A_304 = tpu.memref_squeeze %dma_wait3A_303 : memref<1x40x128xi32, #tpu.memory_space<hbm>> -> memref<40x128xi32, #tpu.memory_space<hbm>>
        tpu.wait_dma2 semaphore(%run_scoped3A_280 : memref<!tpu.dma_semaphore, #tpu.memory_space<semaphore_mem>>) src(%dma_wait3A_304 : memref<40x128xi32, #tpu.memory_space<hbm>>) dst(%dma_wait3A_301 : memref<40x128xi32, #tpu.memory_space<vmem>>)
        tpu.yield
      }) : () -> ()
      %run_scoped3A_26 = arith.constant 1 : i32
      "tpu.region"() ({
        %run_scoped3A_280 = tpu.sem_alloc : memref<!tpu.dma_semaphore, #tpu.memory_space<semaphore_mem>>
        %dma_start3A_281 = arith.constant 0 : i32
        %dma_start3A_282 = arith.constant 0 : i32
        %dma_start3A_283 = tpu.memref_slice %arg16[%dma_start3A_281, %dma_start3A_282] : memref<40x128xi32, #tpu.memory_space<vmem>> -> memref<40x128xi32, #tpu.memory_space<vmem>>
        %dma_start3A_284 = arith.constant 0 : i32
        %dma_start3A_285 = tpu.memref_slice %arg5[%run_scoped3A_26, %add3A_25, %dma_start3A_284] : memref<2x2304x128xi32, #tpu.memory_space<hbm>> -> memref<1x40x128xi32, #tpu.memory_space<hbm>>
        %dma_start3A_286 = tpu.memref_squeeze %dma_start3A_285 : memref<1x40x128xi32, #tpu.memory_space<hbm>> -> memref<40x128xi32, #tpu.memory_space<hbm>>
        %dma_start3A_287 = arith.constant 0 : i32
        %dma_start3A_288 = arith.constant 0 : i32
        %dma_start3A_289 = tpu.memref_slice %arg16[%dma_start3A_287, %dma_start3A_288] : memref<40x128xi32, #tpu.memory_space<vmem>> -> memref<40x128xi32, #tpu.memory_space<vmem>>
        %dma_start3A_290 = arith.constant 0 : i32
        %dma_start3A_291 = tpu.memref_slice %arg5[%run_scoped3A_26, %add3A_25, %dma_start3A_290] : memref<2x2304x128xi32, #tpu.memory_space<hbm>> -> memref<1x40x128xi32, #tpu.memory_space<hbm>>
        %dma_start3A_292 = tpu.memref_squeeze %dma_start3A_291 : memref<1x40x128xi32, #tpu.memory_space<hbm>> -> memref<40x128xi32, #tpu.memory_space<hbm>>
        tpu.enqueue_dma source(%dma_start3A_292 : memref<40x128xi32, #tpu.memory_space<hbm>>) target(%dma_start3A_289 : memref<40x128xi32, #tpu.memory_space<vmem>>) target_semaphore(%run_scoped3A_280 : memref<!tpu.dma_semaphore, #tpu.memory_space<semaphore_mem>>)
        %dma_wait3A_293 = arith.constant 0 : i32
        %dma_wait3A_294 = arith.constant 0 : i32
        %dma_wait3A_295 = tpu.memref_slice %arg16[%dma_wait3A_293, %dma_wait3A_294] : memref<40x128xi32, #tpu.memory_space<vmem>> -> memref<40x128xi32, #tpu.memory_space<vmem>>
        %dma_wait3A_296 = arith.constant 0 : i32
        %dma_wait3A_297 = tpu.memref_slice %arg5[%run_scoped3A_26, %add3A_25, %dma_wait3A_296] : memref<2x2304x128xi32, #tpu.memory_space<hbm>> -> memref<1x40x128xi32, #tpu.memory_space<hbm>>
        %dma_wait3A_298 = tpu.memref_squeeze %dma_wait3A_297 : memref<1x40x128xi32, #tpu.memory_space<hbm>> -> memref<40x128xi32, #tpu.memory_space<hbm>>
        %dma_wait3A_299 = arith.constant 0 : i32
        %dma_wait3A_300 = arith.constant 0 : i32
        %dma_wait3A_301 = tpu.memref_slice %arg16[%dma_wait3A_299, %dma_wait3A_300] : memref<40x128xi32, #tpu.memory_space<vmem>> -> memref<40x128xi32, #tpu.memory_space<vmem>>
        %dma_wait3A_302 = arith.constant 0 : i32
        %dma_wait3A_303 = tpu.memref_slice %arg5[%run_scoped3A_26, %add3A_25, %dma_wait3A_302] : memref<2x2304x128xi32, #tpu.memory_space<hbm>> -> memref<1x40x128xi32, #tpu.memory_space<hbm>>
        %dma_wait3A_304 = tpu.memref_squeeze %dma_wait3A_303 : memref<1x40x128xi32, #tpu.memory_space<hbm>> -> memref<40x128xi32, #tpu.memory_space<hbm>>
        tpu.wait_dma2 semaphore(%run_scoped3A_280 : memref<!tpu.dma_semaphore, #tpu.memory_space<semaphore_mem>>) src(%dma_wait3A_304 : memref<40x128xi32, #tpu.memory_space<hbm>>) dst(%dma_wait3A_301 : memref<40x128xi32, #tpu.memory_space<vmem>>)
        tpu.yield
      }) : () -> ()
      %dma_start3A = arith.constant 0 : i32
      %dma_start3A_27 = arith.constant 0 : i32
      %dma_start3A_28 = tpu.memref_slice %arg15[%dma_start3A, %dma_start3A_27] : memref<40x128xi32, #tpu.memory_space<vmem>> -> memref<1x128xi32, #tpu.memory_space<vmem>>
      %dma_start3A_29 = tpu.memref_squeeze %dma_start3A_28 : memref<1x128xi32, #tpu.memory_space<vmem>> -> memref<128xi32, #tpu.memory_space<vmem>>
      %dma_start3A_30 = arith.constant 0 : i32
      %dma_start3A_31 = arith.constant 0 : i32
      %dma_start3A_32 = tpu.memref_slice %arg2[%dma_start3A_30, %dma_start3A_31] : memref<10000x128xf32, #tpu.memory_space<hbm>> -> memref<10000x128xf32, #tpu.memory_space<hbm>>
      tpu.enqueue_indirect_dma source(%dma_start3A_32 : memref<10000x128xf32, #tpu.memory_space<hbm>>) target(%arg17 : memref<128x128xf32, #tpu.memory_space<vmem>>) offsets(%dma_start3A_29 : memref<128xi32, #tpu.memory_space<vmem>>) semaphore(%arg19 : memref<!tpu.dma_semaphore, #tpu.memory_space<semaphore_mem>>)
      %scan3A = arith.constant 0 : i32
      %scan3A_33 = arith.constant 20 : i32
      %scan3A_34 = arith.addi %scan3A, %scan3A_33 : i32
      %scan3A_35 = arith.constant 1 : i32
      scf.for %scan3A_280 = %scan3A to %scan3A_34 step %scan3A_35  : i32 {
        %mul3A_281 = arith.constant 2 : i32
        %mul3A_282 = arith.muli %mul3A_281, %scan3A_280 : i32
        %add3A_283 = arith.constant 0 : i32
        %add3A_284 = arith.addi %mul3A_282, %add3A_283 : i32
        %dma_wait3A_285 = arith.constant 0 : i32
        %dma_wait3A_286 = arith.constant 0 : i32
        %dma_wait3A_287 = tpu.memref_slice %arg15[%dma_wait3A_285, %dma_wait3A_286] : memref<40x128xi32, #tpu.memory_space<vmem>> -> memref<1x128xi32, #tpu.memory_space<vmem>>
        %dma_wait3A_288 = tpu.memref_squeeze %dma_wait3A_287 : memref<1x128xi32, #tpu.memory_space<vmem>> -> memref<128xi32, #tpu.memory_space<vmem>>
        %dma_wait3A_289 = arith.constant 0 : i32
        %dma_wait3A_290 = arith.constant 0 : i32
        %dma_wait3A_291 = tpu.memref_slice %arg2[%dma_wait3A_289, %dma_wait3A_290] : memref<10000x128xf32, #tpu.memory_space<hbm>> -> memref<10000x128xf32, #tpu.memory_space<hbm>>
        tpu.wait_indirect_dma semaphore(%arg19 : memref<!tpu.dma_semaphore, #tpu.memory_space<semaphore_mem>>) src(%dma_wait3A_291 : memref<10000x128xf32, #tpu.memory_space<hbm>>) dst(%arg17 : memref<128x128xf32, #tpu.memory_space<vmem>>)
        %dma_start3A_292 = arith.constant 0 : i32
        %dma_start3A_293 = tpu.memref_slice %arg16[%add3A_284, %dma_start3A_292] : memref<40x128xi32, #tpu.memory_space<vmem>> -> memref<1x128xi32, #tpu.memory_space<vmem>>
        %dma_start3A_294 = tpu.memref_squeeze %dma_start3A_293 : memref<1x128xi32, #tpu.memory_space<vmem>> -> memref<128xi32, #tpu.memory_space<vmem>>
        %dma_start3A_295 = arith.constant 0 : i32
        %dma_start3A_296 = arith.constant 0 : i32
        %dma_start3A_297 = tpu.memref_slice %arg14[%dma_start3A_295, %dma_start3A_296] : memref<10112x128xf32, #tpu.memory_space<vmem_shared>> -> memref<10112x128xf32, #tpu.memory_space<vmem_shared>>
        tpu.enqueue_indirect_dma source(%arg17 : memref<128x128xf32, #tpu.memory_space<vmem>>) target(%dma_start3A_297 : memref<10112x128xf32, #tpu.memory_space<vmem_shared>>) offsets(%dma_start3A_294 : memref<128xi32, #tpu.memory_space<vmem>>) semaphore(%arg21 : memref<!tpu.dma_semaphore, #tpu.memory_space<semaphore_mem>>) {add = true}
        %add3A_298 = arith.constant 1 : i32
        %add3A_299 = arith.addi %add3A_284, %add3A_298 : i32
        %lt3A = arith.constant 40 : i32
        %lt3A_300 = arith.cmpi slt, %add3A_299, %lt3A : i32
        %convert_element_type3A_301 = arith.extui %lt3A_300 : i1 to i32
        %cond3A_302 = arith.constant 0 : i32
        %cond3A_303 = arith.cmpi ne, %convert_element_type3A_301, %cond3A_302 : i32
        scf.if %cond3A_303 {
          %ge3A = arith.constant 1 : i32
          %ge3A_328 = arith.cmpi sge, %add3A_284, %ge3A : i32
          %convert_element_type3A_329 = arith.extui %ge3A_328 : i1 to i32
          %cond3A_330 = arith.constant 0 : i32
          %cond3A_331 = arith.cmpi ne, %convert_element_type3A_329, %cond3A_330 : i32
          scf.if %cond3A_331 {
            %dma_wait3A_340 = arith.constant 0 : i32
            %dma_wait3A_341 = arith.constant 0 : i32
            %dma_wait3A_342 = tpu.memref_slice %arg16[%dma_wait3A_340, %dma_wait3A_341] : memref<40x128xi32, #tpu.memory_space<vmem>> -> memref<1x128xi32, #tpu.memory_space<vmem>>
            %dma_wait3A_343 = tpu.memref_squeeze %dma_wait3A_342 : memref<1x128xi32, #tpu.memory_space<vmem>> -> memref<128xi32, #tpu.memory_space<vmem>>
            %dma_wait3A_344 = arith.constant 0 : i32
            %dma_wait3A_345 = arith.constant 0 : i32
            %dma_wait3A_346 = tpu.memref_slice %arg14[%dma_wait3A_344, %dma_wait3A_345] : memref<10112x128xf32, #tpu.memory_space<vmem_shared>> -> memref<10112x128xf32, #tpu.memory_space<vmem_shared>>
            tpu.wait_indirect_dma semaphore(%arg22 : memref<!tpu.dma_semaphore, #tpu.memory_space<semaphore_mem>>) src(%arg18 : memref<128x128xf32, #tpu.memory_space<vmem>>) dst(%dma_wait3A_346 : memref<10112x128xf32, #tpu.memory_space<vmem_shared>>)
          } else {
          }
          %add3A_332 = arith.constant 1 : i32
          %add3A_333 = arith.addi %add3A_284, %add3A_332 : i32
          %dma_start3A_334 = arith.constant 0 : i32
          %dma_start3A_335 = tpu.memref_slice %arg15[%add3A_333, %dma_start3A_334] : memref<40x128xi32, #tpu.memory_space<vmem>> -> memref<1x128xi32, #tpu.memory_space<vmem>>
          %dma_start3A_336 = tpu.memref_squeeze %dma_start3A_335 : memref<1x128xi32, #tpu.memory_space<vmem>> -> memref<128xi32, #tpu.memory_space<vmem>>
          %dma_start3A_337 = arith.constant 0 : i32
          %dma_start3A_338 = arith.constant 0 : i32
          %dma_start3A_339 = tpu.memref_slice %arg2[%dma_start3A_337, %dma_start3A_338] : memref<10000x128xf32, #tpu.memory_space<hbm>> -> memref<10000x128xf32, #tpu.memory_space<hbm>>
          tpu.enqueue_indirect_dma source(%dma_start3A_339 : memref<10000x128xf32, #tpu.memory_space<hbm>>) target(%arg18 : memref<128x128xf32, #tpu.memory_space<vmem>>) offsets(%dma_start3A_336 : memref<128xi32, #tpu.memory_space<vmem>>) semaphore(%arg20 : memref<!tpu.dma_semaphore, #tpu.memory_space<semaphore_mem>>)
        } else {
        }
        %mul3A_304 = arith.constant 2 : i32
        %mul3A_305 = arith.muli %mul3A_304, %scan3A_280 : i32
        %add3A_306 = arith.constant 1 : i32
        %add3A_307 = arith.addi %mul3A_305, %add3A_306 : i32
        %dma_wait3A_308 = arith.constant 0 : i32
        %dma_wait3A_309 = arith.constant 0 : i32
        %dma_wait3A_310 = tpu.memref_slice %arg15[%dma_wait3A_308, %dma_wait3A_309] : memref<40x128xi32, #tpu.memory_space<vmem>> -> memref<1x128xi32, #tpu.memory_space<vmem>>
        %dma_wait3A_311 = tpu.memref_squeeze %dma_wait3A_310 : memref<1x128xi32, #tpu.memory_space<vmem>> -> memref<128xi32, #tpu.memory_space<vmem>>
        %dma_wait3A_312 = arith.constant 0 : i32
        %dma_wait3A_313 = arith.constant 0 : i32
        %dma_wait3A_314 = tpu.memref_slice %arg2[%dma_wait3A_312, %dma_wait3A_313] : memref<10000x128xf32, #tpu.memory_space<hbm>> -> memref<10000x128xf32, #tpu.memory_space<hbm>>
        tpu.wait_indirect_dma semaphore(%arg20 : memref<!tpu.dma_semaphore, #tpu.memory_space<semaphore_mem>>) src(%dma_wait3A_314 : memref<10000x128xf32, #tpu.memory_space<hbm>>) dst(%arg18 : memref<128x128xf32, #tpu.memory_space<vmem>>)
        %dma_start3A_315 = arith.constant 0 : i32
        %dma_start3A_316 = tpu.memref_slice %arg16[%add3A_307, %dma_start3A_315] : memref<40x128xi32, #tpu.memory_space<vmem>> -> memref<1x128xi32, #tpu.memory_space<vmem>>
        %dma_start3A_317 = tpu.memref_squeeze %dma_start3A_316 : memref<1x128xi32, #tpu.memory_space<vmem>> -> memref<128xi32, #tpu.memory_space<vmem>>
        %dma_start3A_318 = arith.constant 0 : i32
        %dma_start3A_319 = arith.constant 0 : i32
        %dma_start3A_320 = tpu.memref_slice %arg14[%dma_start3A_318, %dma_start3A_319] : memref<10112x128xf32, #tpu.memory_space<vmem_shared>> -> memref<10112x128xf32, #tpu.memory_space<vmem_shared>>
        tpu.enqueue_indirect_dma source(%arg18 : memref<128x128xf32, #tpu.memory_space<vmem>>) target(%dma_start3A_320 : memref<10112x128xf32, #tpu.memory_space<vmem_shared>>) offsets(%dma_start3A_317 : memref<128xi32, #tpu.memory_space<vmem>>) semaphore(%arg22 : memref<!tpu.dma_semaphore, #tpu.memory_space<semaphore_mem>>) {add = true}
        %add3A_321 = arith.constant 1 : i32
        %add3A_322 = arith.addi %add3A_307, %add3A_321 : i32
        %lt3A_323 = arith.constant 40 : i32
        %lt3A_324 = arith.cmpi slt, %add3A_322, %lt3A_323 : i32
        %convert_element_type3A_325 = arith.extui %lt3A_324 : i1 to i32
        %cond3A_326 = arith.constant 0 : i32
        %cond3A_327 = arith.cmpi ne, %convert_element_type3A_325, %cond3A_326 : i32
        scf.if %cond3A_327 {
          %ge3A = arith.constant 1 : i32
          %ge3A_328 = arith.cmpi sge, %add3A_307, %ge3A : i32
          %convert_element_type3A_329 = arith.extui %ge3A_328 : i1 to i32
          %cond3A_330 = arith.constant 0 : i32
          %cond3A_331 = arith.cmpi ne, %convert_element_type3A_329, %cond3A_330 : i32
          scf.if %cond3A_331 {
            %dma_wait3A_340 = arith.constant 0 : i32
            %dma_wait3A_341 = arith.constant 0 : i32
            %dma_wait3A_342 = tpu.memref_slice %arg16[%dma_wait3A_340, %dma_wait3A_341] : memref<40x128xi32, #tpu.memory_space<vmem>> -> memref<1x128xi32, #tpu.memory_space<vmem>>
            %dma_wait3A_343 = tpu.memref_squeeze %dma_wait3A_342 : memref<1x128xi32, #tpu.memory_space<vmem>> -> memref<128xi32, #tpu.memory_space<vmem>>
            %dma_wait3A_344 = arith.constant 0 : i32
            %dma_wait3A_345 = arith.constant 0 : i32
            %dma_wait3A_346 = tpu.memref_slice %arg14[%dma_wait3A_344, %dma_wait3A_345] : memref<10112x128xf32, #tpu.memory_space<vmem_shared>> -> memref<10112x128xf32, #tpu.memory_space<vmem_shared>>
            tpu.wait_indirect_dma semaphore(%arg21 : memref<!tpu.dma_semaphore, #tpu.memory_space<semaphore_mem>>) src(%arg17 : memref<128x128xf32, #tpu.memory_space<vmem>>) dst(%dma_wait3A_346 : memref<10112x128xf32, #tpu.memory_space<vmem_shared>>)
          } else {
          }
          %add3A_332 = arith.constant 1 : i32
          %add3A_333 = arith.addi %add3A_307, %add3A_332 : i32
          %dma_start3A_334 = arith.constant 0 : i32
          %dma_start3A_335 = tpu.memref_slice %arg15[%add3A_333, %dma_start3A_334] : memref<40x128xi32, #tpu.memory_space<vmem>> -> memref<1x128xi32, #tpu.memory_space<vmem>>
          %dma_start3A_336 = tpu.memref_squeeze %dma_start3A_335 : memref<1x128xi32, #tpu.memory_space<vmem>> -> memref<128xi32, #tpu.memory_space<vmem>>
          %dma_start3A_337 = arith.constant 0 : i32
          %dma_start3A_338 = arith.constant 0 : i32
          %dma_start3A_339 = tpu.memref_slice %arg2[%dma_start3A_337, %dma_start3A_338] : memref<10000x128xf32, #tpu.memory_space<hbm>> -> memref<10000x128xf32, #tpu.memory_space<hbm>>
          tpu.enqueue_indirect_dma source(%dma_start3A_339 : memref<10000x128xf32, #tpu.memory_space<hbm>>) target(%arg17 : memref<128x128xf32, #tpu.memory_space<vmem>>) offsets(%dma_start3A_336 : memref<128xi32, #tpu.memory_space<vmem>>) semaphore(%arg19 : memref<!tpu.dma_semaphore, #tpu.memory_space<semaphore_mem>>)
        } else {
        }
      }
      %scan3A_36 = arith.constant 20 : i32
      %dma_wait3A = arith.constant 0 : i32
      %dma_wait3A_37 = arith.constant 0 : i32
      %dma_wait3A_38 = tpu.memref_slice %arg16[%dma_wait3A, %dma_wait3A_37] : memref<40x128xi32, #tpu.memory_space<vmem>> -> memref<1x128xi32, #tpu.memory_space<vmem>>
      %dma_wait3A_39 = tpu.memref_squeeze %dma_wait3A_38 : memref<1x128xi32, #tpu.memory_space<vmem>> -> memref<128xi32, #tpu.memory_space<vmem>>
      %dma_wait3A_40 = arith.constant 0 : i32
      %dma_wait3A_41 = arith.constant 0 : i32
      %dma_wait3A_42 = tpu.memref_slice %arg14[%dma_wait3A_40, %dma_wait3A_41] : memref<10112x128xf32, #tpu.memory_space<vmem_shared>> -> memref<10112x128xf32, #tpu.memory_space<vmem_shared>>
      tpu.wait_indirect_dma semaphore(%arg21 : memref<!tpu.dma_semaphore, #tpu.memory_space<semaphore_mem>>) src(%arg17 : memref<128x128xf32, #tpu.memory_space<vmem>>) dst(%dma_wait3A_42 : memref<10112x128xf32, #tpu.memory_space<vmem_shared>>)
      %dma_wait3A_43 = arith.constant 0 : i32
      %dma_wait3A_44 = arith.constant 0 : i32
      %dma_wait3A_45 = tpu.memref_slice %arg16[%dma_wait3A_43, %dma_wait3A_44] : memref<40x128xi32, #tpu.memory_space<vmem>> -> memref<1x128xi32, #tpu.memory_space<vmem>>
      %dma_wait3A_46 = tpu.memref_squeeze %dma_wait3A_45 : memref<1x128xi32, #tpu.memory_space<vmem>> -> memref<128xi32, #tpu.memory_space<vmem>>
      %dma_wait3A_47 = arith.constant 0 : i32
      %dma_wait3A_48 = arith.constant 0 : i32
      %dma_wait3A_49 = tpu.memref_slice %arg14[%dma_wait3A_47, %dma_wait3A_48] : memref<10112x128xf32, #tpu.memory_space<vmem_shared>> -> memref<10112x128xf32, #tpu.memory_space<vmem_shared>>
      tpu.wait_indirect_dma semaphore(%arg22 : memref<!tpu.dma_semaphore, #tpu.memory_space<semaphore_mem>>) src(%arg18 : memref<128x128xf32, #tpu.memory_space<vmem>>) dst(%dma_wait3A_49 : memref<10112x128xf32, #tpu.memory_space<vmem_shared>>)
      %add3A_50 = arith.constant 40 : i32
      %add3A_51 = arith.addi %add3A_23, %add3A_50 : i32
      %run_scoped3A_52 = arith.constant 0 : i32
      "tpu.region"() ({
        %run_scoped3A_280 = tpu.sem_alloc : memref<!tpu.dma_semaphore, #tpu.memory_space<semaphore_mem>>
        %dma_start3A_281 = arith.constant 0 : i32
        %dma_start3A_282 = arith.constant 0 : i32
        %dma_start3A_283 = tpu.memref_slice %arg15[%dma_start3A_281, %dma_start3A_282] : memref<40x128xi32, #tpu.memory_space<vmem>> -> memref<32x128xi32, #tpu.memory_space<vmem>>
        %dma_start3A_284 = arith.constant 0 : i32
        %dma_start3A_285 = tpu.memref_slice %arg5[%run_scoped3A_52, %add3A_51, %dma_start3A_284] : memref<2x2304x128xi32, #tpu.memory_space<hbm>> -> memref<1x32x128xi32, #tpu.memory_space<hbm>>
        %dma_start3A_286 = tpu.memref_squeeze %dma_start3A_285 : memref<1x32x128xi32, #tpu.memory_space<hbm>> -> memref<32x128xi32, #tpu.memory_space<hbm>>
        %dma_start3A_287 = arith.constant 0 : i32
        %dma_start3A_288 = arith.constant 0 : i32
        %dma_start3A_289 = tpu.memref_slice %arg15[%dma_start3A_287, %dma_start3A_288] : memref<40x128xi32, #tpu.memory_space<vmem>> -> memref<32x128xi32, #tpu.memory_space<vmem>>
        %dma_start3A_290 = arith.constant 0 : i32
        %dma_start3A_291 = tpu.memref_slice %arg5[%run_scoped3A_52, %add3A_51, %dma_start3A_290] : memref<2x2304x128xi32, #tpu.memory_space<hbm>> -> memref<1x32x128xi32, #tpu.memory_space<hbm>>
        %dma_start3A_292 = tpu.memref_squeeze %dma_start3A_291 : memref<1x32x128xi32, #tpu.memory_space<hbm>> -> memref<32x128xi32, #tpu.memory_space<hbm>>
        tpu.enqueue_dma source(%dma_start3A_292 : memref<32x128xi32, #tpu.memory_space<hbm>>) target(%dma_start3A_289 : memref<32x128xi32, #tpu.memory_space<vmem>>) target_semaphore(%run_scoped3A_280 : memref<!tpu.dma_semaphore, #tpu.memory_space<semaphore_mem>>)
        %dma_wait3A_293 = arith.constant 0 : i32
        %dma_wait3A_294 = arith.constant 0 : i32
        %dma_wait3A_295 = tpu.memref_slice %arg15[%dma_wait3A_293, %dma_wait3A_294] : memref<40x128xi32, #tpu.memory_space<vmem>> -> memref<32x128xi32, #tpu.memory_space<vmem>>
        %dma_wait3A_296 = arith.constant 0 : i32
        %dma_wait3A_297 = tpu.memref_slice %arg5[%run_scoped3A_52, %add3A_51, %dma_wait3A_296] : memref<2x2304x128xi32, #tpu.memory_space<hbm>> -> memref<1x32x128xi32, #tpu.memory_space<hbm>>
        %dma_wait3A_298 = tpu.memref_squeeze %dma_wait3A_297 : memref<1x32x128xi32, #tpu.memory_space<hbm>> -> memref<32x128xi32, #tpu.memory_space<hbm>>
        %dma_wait3A_299 = arith.constant 0 : i32
        %dma_wait3A_300 = arith.constant 0 : i32
        %dma_wait3A_301 = tpu.memref_slice %arg15[%dma_wait3A_299, %dma_wait3A_300] : memref<40x128xi32, #tpu.memory_space<vmem>> -> memref<32x128xi32, #tpu.memory_space<vmem>>
        %dma_wait3A_302 = arith.constant 0 : i32
        %dma_wait3A_303 = tpu.memref_slice %arg5[%run_scoped3A_52, %add3A_51, %dma_wait3A_302] : memref<2x2304x128xi32, #tpu.memory_space<hbm>> -> memref<1x32x128xi32, #tpu.memory_space<hbm>>
        %dma_wait3A_304 = tpu.memref_squeeze %dma_wait3A_303 : memref<1x32x128xi32, #tpu.memory_space<hbm>> -> memref<32x128xi32, #tpu.memory_space<hbm>>
        tpu.wait_dma2 semaphore(%run_scoped3A_280 : memref<!tpu.dma_semaphore, #tpu.memory_space<semaphore_mem>>) src(%dma_wait3A_304 : memref<32x128xi32, #tpu.memory_space<hbm>>) dst(%dma_wait3A_301 : memref<32x128xi32, #tpu.memory_space<vmem>>)
        tpu.yield
      }) : () -> ()
      %run_scoped3A_53 = arith.constant 1 : i32
      "tpu.region"() ({
        %run_scoped3A_280 = tpu.sem_alloc : memref<!tpu.dma_semaphore, #tpu.memory_space<semaphore_mem>>
        %dma_start3A_281 = arith.constant 0 : i32
        %dma_start3A_282 = arith.constant 0 : i32
        %dma_start3A_283 = tpu.memref_slice %arg16[%dma_start3A_281, %dma_start3A_282] : memref<40x128xi32, #tpu.memory_space<vmem>> -> memref<32x128xi32, #tpu.memory_space<vmem>>
        %dma_start3A_284 = arith.constant 0 : i32
        %dma_start3A_285 = tpu.memref_slice %arg5[%run_scoped3A_53, %add3A_51, %dma_start3A_284] : memref<2x2304x128xi32, #tpu.memory_space<hbm>> -> memref<1x32x128xi32, #tpu.memory_space<hbm>>
        %dma_start3A_286 = tpu.memref_squeeze %dma_start3A_285 : memref<1x32x128xi32, #tpu.memory_space<hbm>> -> memref<32x128xi32, #tpu.memory_space<hbm>>
        %dma_start3A_287 = arith.constant 0 : i32
        %dma_start3A_288 = arith.constant 0 : i32
        %dma_start3A_289 = tpu.memref_slice %arg16[%dma_start3A_287, %dma_start3A_288] : memref<40x128xi32, #tpu.memory_space<vmem>> -> memref<32x128xi32, #tpu.memory_space<vmem>>
        %dma_start3A_290 = arith.constant 0 : i32
        %dma_start3A_291 = tpu.memref_slice %arg5[%run_scoped3A_53, %add3A_51, %dma_start3A_290] : memref<2x2304x128xi32, #tpu.memory_space<hbm>> -> memref<1x32x128xi32, #tpu.memory_space<hbm>>
        %dma_start3A_292 = tpu.memref_squeeze %dma_start3A_291 : memref<1x32x128xi32, #tpu.memory_space<hbm>> -> memref<32x128xi32, #tpu.memory_space<hbm>>
        tpu.enqueue_dma source(%dma_start3A_292 : memref<32x128xi32, #tpu.memory_space<hbm>>) target(%dma_start3A_289 : memref<32x128xi32, #tpu.memory_space<vmem>>) target_semaphore(%run_scoped3A_280 : memref<!tpu.dma_semaphore, #tpu.memory_space<semaphore_mem>>)
        %dma_wait3A_293 = arith.constant 0 : i32
        %dma_wait3A_294 = arith.constant 0 : i32
        %dma_wait3A_295 = tpu.memref_slice %arg16[%dma_wait3A_293, %dma_wait3A_294] : memref<40x128xi32, #tpu.memory_space<vmem>> -> memref<32x128xi32, #tpu.memory_space<vmem>>
        %dma_wait3A_296 = arith.constant 0 : i32
        %dma_wait3A_297 = tpu.memref_slice %arg5[%run_scoped3A_53, %add3A_51, %dma_wait3A_296] : memref<2x2304x128xi32, #tpu.memory_space<hbm>> -> memref<1x32x128xi32, #tpu.memory_space<hbm>>
        %dma_wait3A_298 = tpu.memref_squeeze %dma_wait3A_297 : memref<1x32x128xi32, #tpu.memory_space<hbm>> -> memref<32x128xi32, #tpu.memory_space<hbm>>
        %dma_wait3A_299 = arith.constant 0 : i32
        %dma_wait3A_300 = arith.constant 0 : i32
        %dma_wait3A_301 = tpu.memref_slice %arg16[%dma_wait3A_299, %dma_wait3A_300] : memref<40x128xi32, #tpu.memory_space<vmem>> -> memref<32x128xi32, #tpu.memory_space<vmem>>
        %dma_wait3A_302 = arith.constant 0 : i32
        %dma_wait3A_303 = tpu.memref_slice %arg5[%run_scoped3A_53, %add3A_51, %dma_wait3A_302] : memref<2x2304x128xi32, #tpu.memory_space<hbm>> -> memref<1x32x128xi32, #tpu.memory_space<hbm>>
        %dma_wait3A_304 = tpu.memref_squeeze %dma_wait3A_303 : memref<1x32x128xi32, #tpu.memory_space<hbm>> -> memref<32x128xi32, #tpu.memory_space<hbm>>
        tpu.wait_dma2 semaphore(%run_scoped3A_280 : memref<!tpu.dma_semaphore, #tpu.memory_space<semaphore_mem>>) src(%dma_wait3A_304 : memref<32x128xi32, #tpu.memory_space<hbm>>) dst(%dma_wait3A_301 : memref<32x128xi32, #tpu.memory_space<vmem>>)
        tpu.yield
      }) : () -> ()
      %dma_start3A_54 = arith.constant 0 : i32
      %dma_start3A_55 = arith.constant 0 : i32
      %dma_start3A_56 = tpu.memref_slice %arg15[%dma_start3A_54, %dma_start3A_55] : memref<40x128xi32, #tpu.memory_space<vmem>> -> memref<1x128xi32, #tpu.memory_space<vmem>>
      %dma_start3A_57 = tpu.memref_squeeze %dma_start3A_56 : memref<1x128xi32, #tpu.memory_space<vmem>> -> memref<128xi32, #tpu.memory_space<vmem>>
      %dma_start3A_58 = arith.constant 0 : i32
      %dma_start3A_59 = arith.constant 0 : i32
      %dma_start3A_60 = tpu.memref_slice %arg2[%dma_start3A_58, %dma_start3A_59] : memref<10000x128xf32, #tpu.memory_space<hbm>> -> memref<10000x128xf32, #tpu.memory_space<hbm>>
      tpu.enqueue_indirect_dma source(%dma_start3A_60 : memref<10000x128xf32, #tpu.memory_space<hbm>>) target(%arg17 : memref<128x128xf32, #tpu.memory_space<vmem>>) offsets(%dma_start3A_57 : memref<128xi32, #tpu.memory_space<vmem>>) semaphore(%arg19 : memref<!tpu.dma_semaphore, #tpu.memory_space<semaphore_mem>>)
      %scan3A_61 = arith.constant 0 : i32
      %scan3A_62 = arith.constant 16 : i32
      %scan3A_63 = arith.addi %scan3A_61, %scan3A_62 : i32
      %scan3A_64 = arith.constant 1 : i32
      scf.for %scan3A_280 = %scan3A_61 to %scan3A_63 step %scan3A_64  : i32 {
        %mul3A_281 = arith.constant 2 : i32
        %mul3A_282 = arith.muli %mul3A_281, %scan3A_280 : i32
        %add3A_283 = arith.constant 0 : i32
        %add3A_284 = arith.addi %mul3A_282, %add3A_283 : i32
        %dma_wait3A_285 = arith.constant 0 : i32
        %dma_wait3A_286 = arith.constant 0 : i32
        %dma_wait3A_287 = tpu.memref_slice %arg15[%dma_wait3A_285, %dma_wait3A_286] : memref<40x128xi32, #tpu.memory_space<vmem>> -> memref<1x128xi32, #tpu.memory_space<vmem>>
        %dma_wait3A_288 = tpu.memref_squeeze %dma_wait3A_287 : memref<1x128xi32, #tpu.memory_space<vmem>> -> memref<128xi32, #tpu.memory_space<vmem>>
        %dma_wait3A_289 = arith.constant 0 : i32
        %dma_wait3A_290 = arith.constant 0 : i32
        %dma_wait3A_291 = tpu.memref_slice %arg2[%dma_wait3A_289, %dma_wait3A_290] : memref<10000x128xf32, #tpu.memory_space<hbm>> -> memref<10000x128xf32, #tpu.memory_space<hbm>>
        tpu.wait_indirect_dma semaphore(%arg19 : memref<!tpu.dma_semaphore, #tpu.memory_space<semaphore_mem>>) src(%dma_wait3A_291 : memref<10000x128xf32, #tpu.memory_space<hbm>>) dst(%arg17 : memref<128x128xf32, #tpu.memory_space<vmem>>)
        %dma_start3A_292 = arith.constant 0 : i32
        %dma_start3A_293 = tpu.memref_slice %arg16[%add3A_284, %dma_start3A_292] : memref<40x128xi32, #tpu.memory_space<vmem>> -> memref<1x128xi32, #tpu.memory_space<vmem>>
        %dma_start3A_294 = tpu.memref_squeeze %dma_start3A_293 : memref<1x128xi32, #tpu.memory_space<vmem>> -> memref<128xi32, #tpu.memory_space<vmem>>
        %dma_start3A_295 = arith.constant 0 : i32
        %dma_start3A_296 = arith.constant 0 : i32
        %dma_start3A_297 = tpu.memref_slice %arg14[%dma_start3A_295, %dma_start3A_296] : memref<10112x128xf32, #tpu.memory_space<vmem_shared>> -> memref<10112x128xf32, #tpu.memory_space<vmem_shared>>
        tpu.enqueue_indirect_dma source(%arg17 : memref<128x128xf32, #tpu.memory_space<vmem>>) target(%dma_start3A_297 : memref<10112x128xf32, #tpu.memory_space<vmem_shared>>) offsets(%dma_start3A_294 : memref<128xi32, #tpu.memory_space<vmem>>) semaphore(%arg21 : memref<!tpu.dma_semaphore, #tpu.memory_space<semaphore_mem>>) {add = true}
        %add3A_298 = arith.constant 1 : i32
        %add3A_299 = arith.addi %add3A_284, %add3A_298 : i32
        %lt3A = arith.constant 32 : i32
        %lt3A_300 = arith.cmpi slt, %add3A_299, %lt3A : i32
        %convert_element_type3A_301 = arith.extui %lt3A_300 : i1 to i32
        %cond3A_302 = arith.constant 0 : i32
        %cond3A_303 = arith.cmpi ne, %convert_element_type3A_301, %cond3A_302 : i32
        scf.if %cond3A_303 {
          %ge3A = arith.constant 1 : i32
          %ge3A_328 = arith.cmpi sge, %add3A_284, %ge3A : i32
          %convert_element_type3A_329 = arith.extui %ge3A_328 : i1 to i32
          %cond3A_330 = arith.constant 0 : i32
          %cond3A_331 = arith.cmpi ne, %convert_element_type3A_329, %cond3A_330 : i32
          scf.if %cond3A_331 {
            %dma_wait3A_340 = arith.constant 0 : i32
            %dma_wait3A_341 = arith.constant 0 : i32
            %dma_wait3A_342 = tpu.memref_slice %arg16[%dma_wait3A_340, %dma_wait3A_341] : memref<40x128xi32, #tpu.memory_space<vmem>> -> memref<1x128xi32, #tpu.memory_space<vmem>>
            %dma_wait3A_343 = tpu.memref_squeeze %dma_wait3A_342 : memref<1x128xi32, #tpu.memory_space<vmem>> -> memref<128xi32, #tpu.memory_space<vmem>>
            %dma_wait3A_344 = arith.constant 0 : i32
            %dma_wait3A_345 = arith.constant 0 : i32
            %dma_wait3A_346 = tpu.memref_slice %arg14[%dma_wait3A_344, %dma_wait3A_345] : memref<10112x128xf32, #tpu.memory_space<vmem_shared>> -> memref<10112x128xf32, #tpu.memory_space<vmem_shared>>
            tpu.wait_indirect_dma semaphore(%arg22 : memref<!tpu.dma_semaphore, #tpu.memory_space<semaphore_mem>>) src(%arg18 : memref<128x128xf32, #tpu.memory_space<vmem>>) dst(%dma_wait3A_346 : memref<10112x128xf32, #tpu.memory_space<vmem_shared>>)
          } else {
          }
          %add3A_332 = arith.constant 1 : i32
          %add3A_333 = arith.addi %add3A_284, %add3A_332 : i32
          %dma_start3A_334 = arith.constant 0 : i32
          %dma_start3A_335 = tpu.memref_slice %arg15[%add3A_333, %dma_start3A_334] : memref<40x128xi32, #tpu.memory_space<vmem>> -> memref<1x128xi32, #tpu.memory_space<vmem>>
          %dma_start3A_336 = tpu.memref_squeeze %dma_start3A_335 : memref<1x128xi32, #tpu.memory_space<vmem>> -> memref<128xi32, #tpu.memory_space<vmem>>
          %dma_start3A_337 = arith.constant 0 : i32
          %dma_start3A_338 = arith.constant 0 : i32
          %dma_start3A_339 = tpu.memref_slice %arg2[%dma_start3A_337, %dma_start3A_338] : memref<10000x128xf32, #tpu.memory_space<hbm>> -> memref<10000x128xf32, #tpu.memory_space<hbm>>
          tpu.enqueue_indirect_dma source(%dma_start3A_339 : memref<10000x128xf32, #tpu.memory_space<hbm>>) target(%arg18 : memref<128x128xf32, #tpu.memory_space<vmem>>) offsets(%dma_start3A_336 : memref<128xi32, #tpu.memory_space<vmem>>) semaphore(%arg20 : memref<!tpu.dma_semaphore, #tpu.memory_space<semaphore_mem>>)
        } else {
        }
        %mul3A_304 = arith.constant 2 : i32
        %mul3A_305 = arith.muli %mul3A_304, %scan3A_280 : i32
        %add3A_306 = arith.constant 1 : i32
        %add3A_307 = arith.addi %mul3A_305, %add3A_306 : i32
        %dma_wait3A_308 = arith.constant 0 : i32
        %dma_wait3A_309 = arith.constant 0 : i32
        %dma_wait3A_310 = tpu.memref_slice %arg15[%dma_wait3A_308, %dma_wait3A_309] : memref<40x128xi32, #tpu.memory_space<vmem>> -> memref<1x128xi32, #tpu.memory_space<vmem>>
        %dma_wait3A_311 = tpu.memref_squeeze %dma_wait3A_310 : memref<1x128xi32, #tpu.memory_space<vmem>> -> memref<128xi32, #tpu.memory_space<vmem>>
        %dma_wait3A_312 = arith.constant 0 : i32
        %dma_wait3A_313 = arith.constant 0 : i32
        %dma_wait3A_314 = tpu.memref_slice %arg2[%dma_wait3A_312, %dma_wait3A_313] : memref<10000x128xf32, #tpu.memory_space<hbm>> -> memref<10000x128xf32, #tpu.memory_space<hbm>>
        tpu.wait_indirect_dma semaphore(%arg20 : memref<!tpu.dma_semaphore, #tpu.memory_space<semaphore_mem>>) src(%dma_wait3A_314 : memref<10000x128xf32, #tpu.memory_space<hbm>>) dst(%arg18 : memref<128x128xf32, #tpu.memory_space<vmem>>)
        %dma_start3A_315 = arith.constant 0 : i32
        %dma_start3A_316 = tpu.memref_slice %arg16[%add3A_307, %dma_start3A_315] : memref<40x128xi32, #tpu.memory_space<vmem>> -> memref<1x128xi32, #tpu.memory_space<vmem>>
        %dma_start3A_317 = tpu.memref_squeeze %dma_start3A_316 : memref<1x128xi32, #tpu.memory_space<vmem>> -> memref<128xi32, #tpu.memory_space<vmem>>
        %dma_start3A_318 = arith.constant 0 : i32
        %dma_start3A_319 = arith.constant 0 : i32
        %dma_start3A_320 = tpu.memref_slice %arg14[%dma_start3A_318, %dma_start3A_319] : memref<10112x128xf32, #tpu.memory_space<vmem_shared>> -> memref<10112x128xf32, #tpu.memory_space<vmem_shared>>
        tpu.enqueue_indirect_dma source(%arg18 : memref<128x128xf32, #tpu.memory_space<vmem>>) target(%dma_start3A_320 : memref<10112x128xf32, #tpu.memory_space<vmem_shared>>) offsets(%dma_start3A_317 : memref<128xi32, #tpu.memory_space<vmem>>) semaphore(%arg22 : memref<!tpu.dma_semaphore, #tpu.memory_space<semaphore_mem>>) {add = true}
        %add3A_321 = arith.constant 1 : i32
        %add3A_322 = arith.addi %add3A_307, %add3A_321 : i32
        %lt3A_323 = arith.constant 32 : i32
        %lt3A_324 = arith.cmpi slt, %add3A_322, %lt3A_323 : i32
        %convert_element_type3A_325 = arith.extui %lt3A_324 : i1 to i32
        %cond3A_326 = arith.constant 0 : i32
        %cond3A_327 = arith.cmpi ne, %convert_element_type3A_325, %cond3A_326 : i32
        scf.if %cond3A_327 {
          %ge3A = arith.constant 1 : i32
          %ge3A_328 = arith.cmpi sge, %add3A_307, %ge3A : i32
          %convert_element_type3A_329 = arith.extui %ge3A_328 : i1 to i32
          %cond3A_330 = arith.constant 0 : i32
          %cond3A_331 = arith.cmpi ne, %convert_element_type3A_329, %cond3A_330 : i32
          scf.if %cond3A_331 {
            %dma_wait3A_340 = arith.constant 0 : i32
            %dma_wait3A_341 = arith.constant 0 : i32
            %dma_wait3A_342 = tpu.memref_slice %arg16[%dma_wait3A_340, %dma_wait3A_341] : memref<40x128xi32, #tpu.memory_space<vmem>> -> memref<1x128xi32, #tpu.memory_space<vmem>>
            %dma_wait3A_343 = tpu.memref_squeeze %dma_wait3A_342 : memref<1x128xi32, #tpu.memory_space<vmem>> -> memref<128xi32, #tpu.memory_space<vmem>>
            %dma_wait3A_344 = arith.constant 0 : i32
            %dma_wait3A_345 = arith.constant 0 : i32
            %dma_wait3A_346 = tpu.memref_slice %arg14[%dma_wait3A_344, %dma_wait3A_345] : memref<10112x128xf32, #tpu.memory_space<vmem_shared>> -> memref<10112x128xf32, #tpu.memory_space<vmem_shared>>
            tpu.wait_indirect_dma semaphore(%arg21 : memref<!tpu.dma_semaphore, #tpu.memory_space<semaphore_mem>>) src(%arg17 : memref<128x128xf32, #tpu.memory_space<vmem>>) dst(%dma_wait3A_346 : memref<10112x128xf32, #tpu.memory_space<vmem_shared>>)
          } else {
          }
          %add3A_332 = arith.constant 1 : i32
          %add3A_333 = arith.addi %add3A_307, %add3A_332 : i32
          %dma_start3A_334 = arith.constant 0 : i32
          %dma_start3A_335 = tpu.memref_slice %arg15[%add3A_333, %dma_start3A_334] : memref<40x128xi32, #tpu.memory_space<vmem>> -> memref<1x128xi32, #tpu.memory_space<vmem>>
          %dma_start3A_336 = tpu.memref_squeeze %dma_start3A_335 : memref<1x128xi32, #tpu.memory_space<vmem>> -> memref<128xi32, #tpu.memory_space<vmem>>
          %dma_start3A_337 = arith.constant 0 : i32
          %dma_start3A_338 = arith.constant 0 : i32
          %dma_start3A_339 = tpu.memref_slice %arg2[%dma_start3A_337, %dma_start3A_338] : memref<10000x128xf32, #tpu.memory_space<hbm>> -> memref<10000x128xf32, #tpu.memory_space<hbm>>
          tpu.enqueue_indirect_dma source(%dma_start3A_339 : memref<10000x128xf32, #tpu.memory_space<hbm>>) target(%arg17 : memref<128x128xf32, #tpu.memory_space<vmem>>) offsets(%dma_start3A_336 : memref<128xi32, #tpu.memory_space<vmem>>) semaphore(%arg19 : memref<!tpu.dma_semaphore, #tpu.memory_space<semaphore_mem>>)
        } else {
        }
      }
      %scan3A_65 = arith.constant 16 : i32
      %dma_wait3A_66 = arith.constant 0 : i32
      %dma_wait3A_67 = arith.constant 0 : i32
      %dma_wait3A_68 = tpu.memref_slice %arg16[%dma_wait3A_66, %dma_wait3A_67] : memref<40x128xi32, #tpu.memory_space<vmem>> -> memref<1x128xi32, #tpu.memory_space<vmem>>
      %dma_wait3A_69 = tpu.memref_squeeze %dma_wait3A_68 : memref<1x128xi32, #tpu.memory_space<vmem>> -> memref<128xi32, #tpu.memory_space<vmem>>
      %dma_wait3A_70 = arith.constant 0 : i32
      %dma_wait3A_71 = arith.constant 0 : i32
      %dma_wait3A_72 = tpu.memref_slice %arg14[%dma_wait3A_70, %dma_wait3A_71] : memref<10112x128xf32, #tpu.memory_space<vmem_shared>> -> memref<10112x128xf32, #tpu.memory_space<vmem_shared>>
      tpu.wait_indirect_dma semaphore(%arg21 : memref<!tpu.dma_semaphore, #tpu.memory_space<semaphore_mem>>) src(%arg17 : memref<128x128xf32, #tpu.memory_space<vmem>>) dst(%dma_wait3A_72 : memref<10112x128xf32, #tpu.memory_space<vmem_shared>>)
      %dma_wait3A_73 = arith.constant 0 : i32
      %dma_wait3A_74 = arith.constant 0 : i32
      %dma_wait3A_75 = tpu.memref_slice %arg16[%dma_wait3A_73, %dma_wait3A_74] : memref<40x128xi32, #tpu.memory_space<vmem>> -> memref<1x128xi32, #tpu.memory_space<vmem>>
      %dma_wait3A_76 = tpu.memref_squeeze %dma_wait3A_75 : memref<1x128xi32, #tpu.memory_space<vmem>> -> memref<128xi32, #tpu.memory_space<vmem>>
      %dma_wait3A_77 = arith.constant 0 : i32
      %dma_wait3A_78 = arith.constant 0 : i32
      %dma_wait3A_79 = tpu.memref_slice %arg14[%dma_wait3A_77, %dma_wait3A_78] : memref<10112x128xf32, #tpu.memory_space<vmem_shared>> -> memref<10112x128xf32, #tpu.memory_space<vmem_shared>>
      tpu.wait_indirect_dma semaphore(%arg22 : memref<!tpu.dma_semaphore, #tpu.memory_space<semaphore_mem>>) src(%arg18 : memref<128x128xf32, #tpu.memory_space<vmem>>) dst(%dma_wait3A_79 : memref<10112x128xf32, #tpu.memory_space<vmem_shared>>)
      %mul3A_80 = arith.constant 8 : i32
      %mul3A_81 = arith.muli %arg1, %mul3A_80 : i32
      %add3A_82 = arith.constant 128 : i32
      %add3A_83 = arith.addi %add3A_82, %mul3A_81 : i32
      %add3A_84 = arith.constant 0 : i32
      %add3A_85 = arith.addi %add3A_83, %add3A_84 : i32
      %run_scoped3A_86 = arith.constant 0 : i32
      "tpu.region"() ({
        %run_scoped3A_280 = tpu.sem_alloc : memref<!tpu.dma_semaphore, #tpu.memory_space<semaphore_mem>>
        %dma_start3A_281 = arith.constant 0 : i32
        %dma_start3A_282 = arith.constant 0 : i32
        %dma_start3A_283 = tpu.memref_slice %arg15[%dma_start3A_281, %dma_start3A_282] : memref<40x128xi32, #tpu.memory_space<vmem>> -> memref<8x128xi32, #tpu.memory_space<vmem>>
        %dma_start3A_284 = arith.constant 0 : i32
        %dma_start3A_285 = tpu.memref_slice %arg8[%run_scoped3A_86, %add3A_85, %dma_start3A_284] : memref<2x256x128xi32, #tpu.memory_space<hbm>> -> memref<1x8x128xi32, #tpu.memory_space<hbm>>
        %dma_start3A_286 = tpu.memref_squeeze %dma_start3A_285 : memref<1x8x128xi32, #tpu.memory_space<hbm>> -> memref<8x128xi32, #tpu.memory_space<hbm>>
        %dma_start3A_287 = arith.constant 0 : i32
        %dma_start3A_288 = arith.constant 0 : i32
        %dma_start3A_289 = tpu.memref_slice %arg15[%dma_start3A_287, %dma_start3A_288] : memref<40x128xi32, #tpu.memory_space<vmem>> -> memref<8x128xi32, #tpu.memory_space<vmem>>
        %dma_start3A_290 = arith.constant 0 : i32
        %dma_start3A_291 = tpu.memref_slice %arg8[%run_scoped3A_86, %add3A_85, %dma_start3A_290] : memref<2x256x128xi32, #tpu.memory_space<hbm>> -> memref<1x8x128xi32, #tpu.memory_space<hbm>>
        %dma_start3A_292 = tpu.memref_squeeze %dma_start3A_291 : memref<1x8x128xi32, #tpu.memory_space<hbm>> -> memref<8x128xi32, #tpu.memory_space<hbm>>
        tpu.enqueue_dma source(%dma_start3A_292 : memref<8x128xi32, #tpu.memory_space<hbm>>) target(%dma_start3A_289 : memref<8x128xi32, #tpu.memory_space<vmem>>) target_semaphore(%run_scoped3A_280 : memref<!tpu.dma_semaphore, #tpu.memory_space<semaphore_mem>>)
        %dma_wait3A_293 = arith.constant 0 : i32
        %dma_wait3A_294 = arith.constant 0 : i32
        %dma_wait3A_295 = tpu.memref_slice %arg15[%dma_wait3A_293, %dma_wait3A_294] : memref<40x128xi32, #tpu.memory_space<vmem>> -> memref<8x128xi32, #tpu.memory_space<vmem>>
        %dma_wait3A_296 = arith.constant 0 : i32
        %dma_wait3A_297 = tpu.memref_slice %arg8[%run_scoped3A_86, %add3A_85, %dma_wait3A_296] : memref<2x256x128xi32, #tpu.memory_space<hbm>> -> memref<1x8x128xi32, #tpu.memory_space<hbm>>
        %dma_wait3A_298 = tpu.memref_squeeze %dma_wait3A_297 : memref<1x8x128xi32, #tpu.memory_space<hbm>> -> memref<8x128xi32, #tpu.memory_space<hbm>>
        %dma_wait3A_299 = arith.constant 0 : i32
        %dma_wait3A_300 = arith.constant 0 : i32
        %dma_wait3A_301 = tpu.memref_slice %arg15[%dma_wait3A_299, %dma_wait3A_300] : memref<40x128xi32, #tpu.memory_space<vmem>> -> memref<8x128xi32, #tpu.memory_space<vmem>>
        %dma_wait3A_302 = arith.constant 0 : i32
        %dma_wait3A_303 = tpu.memref_slice %arg8[%run_scoped3A_86, %add3A_85, %dma_wait3A_302] : memref<2x256x128xi32, #tpu.memory_space<hbm>> -> memref<1x8x128xi32, #tpu.memory_space<hbm>>
        %dma_wait3A_304 = tpu.memref_squeeze %dma_wait3A_303 : memref<1x8x128xi32, #tpu.memory_space<hbm>> -> memref<8x128xi32, #tpu.memory_space<hbm>>
        tpu.wait_dma2 semaphore(%run_scoped3A_280 : memref<!tpu.dma_semaphore, #tpu.memory_space<semaphore_mem>>) src(%dma_wait3A_304 : memref<8x128xi32, #tpu.memory_space<hbm>>) dst(%dma_wait3A_301 : memref<8x128xi32, #tpu.memory_space<vmem>>)
        tpu.yield
      }) : () -> ()
      %run_scoped3A_87 = arith.constant 1 : i32
      "tpu.region"() ({
        %run_scoped3A_280 = tpu.sem_alloc : memref<!tpu.dma_semaphore, #tpu.memory_space<semaphore_mem>>
        %dma_start3A_281 = arith.constant 0 : i32
        %dma_start3A_282 = arith.constant 0 : i32
        %dma_start3A_283 = tpu.memref_slice %arg16[%dma_start3A_281, %dma_start3A_282] : memref<40x128xi32, #tpu.memory_space<vmem>> -> memref<8x128xi32, #tpu.memory_space<vmem>>
        %dma_start3A_284 = arith.constant 0 : i32
        %dma_start3A_285 = tpu.memref_slice %arg8[%run_scoped3A_87, %add3A_85, %dma_start3A_284] : memref<2x256x128xi32, #tpu.memory_space<hbm>> -> memref<1x8x128xi32, #tpu.memory_space<hbm>>
        %dma_start3A_286 = tpu.memref_squeeze %dma_start3A_285 : memref<1x8x128xi32, #tpu.memory_space<hbm>> -> memref<8x128xi32, #tpu.memory_space<hbm>>
        %dma_start3A_287 = arith.constant 0 : i32
        %dma_start3A_288 = arith.constant 0 : i32
        %dma_start3A_289 = tpu.memref_slice %arg16[%dma_start3A_287, %dma_start3A_288] : memref<40x128xi32, #tpu.memory_space<vmem>> -> memref<8x128xi32, #tpu.memory_space<vmem>>
        %dma_start3A_290 = arith.constant 0 : i32
        %dma_start3A_291 = tpu.memref_slice %arg8[%run_scoped3A_87, %add3A_85, %dma_start3A_290] : memref<2x256x128xi32, #tpu.memory_space<hbm>> -> memref<1x8x128xi32, #tpu.memory_space<hbm>>
        %dma_start3A_292 = tpu.memref_squeeze %dma_start3A_291 : memref<1x8x128xi32, #tpu.memory_space<hbm>> -> memref<8x128xi32, #tpu.memory_space<hbm>>
        tpu.enqueue_dma source(%dma_start3A_292 : memref<8x128xi32, #tpu.memory_space<hbm>>) target(%dma_start3A_289 : memref<8x128xi32, #tpu.memory_space<vmem>>) target_semaphore(%run_scoped3A_280 : memref<!tpu.dma_semaphore, #tpu.memory_space<semaphore_mem>>)
        %dma_wait3A_293 = arith.constant 0 : i32
        %dma_wait3A_294 = arith.constant 0 : i32
        %dma_wait3A_295 = tpu.memref_slice %arg16[%dma_wait3A_293, %dma_wait3A_294] : memref<40x128xi32, #tpu.memory_space<vmem>> -> memref<8x128xi32, #tpu.memory_space<vmem>>
        %dma_wait3A_296 = arith.constant 0 : i32
        %dma_wait3A_297 = tpu.memref_slice %arg8[%run_scoped3A_87, %add3A_85, %dma_wait3A_296] : memref<2x256x128xi32, #tpu.memory_space<hbm>> -> memref<1x8x128xi32, #tpu.memory_space<hbm>>
        %dma_wait3A_298 = tpu.memref_squeeze %dma_wait3A_297 : memref<1x8x128xi32, #tpu.memory_space<hbm>> -> memref<8x128xi32, #tpu.memory_space<hbm>>
        %dma_wait3A_299 = arith.constant 0 : i32
        %dma_wait3A_300 = arith.constant 0 : i32
        %dma_wait3A_301 = tpu.memref_slice %arg16[%dma_wait3A_299, %dma_wait3A_300] : memref<40x128xi32, #tpu.memory_space<vmem>> -> memref<8x128xi32, #tpu.memory_space<vmem>>
        %dma_wait3A_302 = arith.constant 0 : i32
        %dma_wait3A_303 = tpu.memref_slice %arg8[%run_scoped3A_87, %add3A_85, %dma_wait3A_302] : memref<2x256x128xi32, #tpu.memory_space<hbm>> -> memref<1x8x128xi32, #tpu.memory_space<hbm>>
        %dma_wait3A_304 = tpu.memref_squeeze %dma_wait3A_303 : memref<1x8x128xi32, #tpu.memory_space<hbm>> -> memref<8x128xi32, #tpu.memory_space<hbm>>
        tpu.wait_dma2 semaphore(%run_scoped3A_280 : memref<!tpu.dma_semaphore, #tpu.memory_space<semaphore_mem>>) src(%dma_wait3A_304 : memref<8x128xi32, #tpu.memory_space<hbm>>) dst(%dma_wait3A_301 : memref<8x128xi32, #tpu.memory_space<vmem>>)
        tpu.yield
      }) : () -> ()
      %dma_start3A_88 = arith.constant 0 : i32
      %dma_start3A_89 = arith.constant 0 : i32
      %dma_start3A_90 = tpu.memref_slice %arg15[%dma_start3A_88, %dma_start3A_89] : memref<40x128xi32, #tpu.memory_space<vmem>> -> memref<1x128xi32, #tpu.memory_space<vmem>>
      %dma_start3A_91 = tpu.memref_squeeze %dma_start3A_90 : memref<1x128xi32, #tpu.memory_space<vmem>> -> memref<128xi32, #tpu.memory_space<vmem>>
      %dma_start3A_92 = arith.constant 0 : i32
      %dma_start3A_93 = arith.constant 0 : i32
      %dma_start3A_94 = tpu.memref_slice %arg2[%dma_start3A_92, %dma_start3A_93] : memref<10000x128xf32, #tpu.memory_space<hbm>> -> memref<10000x128xf32, #tpu.memory_space<hbm>>
      tpu.enqueue_indirect_dma source(%dma_start3A_94 : memref<10000x128xf32, #tpu.memory_space<hbm>>) target(%arg17 : memref<128x128xf32, #tpu.memory_space<vmem>>) offsets(%dma_start3A_91 : memref<128xi32, #tpu.memory_space<vmem>>) semaphore(%arg19 : memref<!tpu.dma_semaphore, #tpu.memory_space<semaphore_mem>>)
      %scan3A_95 = arith.constant 0 : i32
      %scan3A_96 = arith.constant 4 : i32
      %scan3A_97 = arith.addi %scan3A_95, %scan3A_96 : i32
      %scan3A_98 = arith.constant 1 : i32
      scf.for %scan3A_280 = %scan3A_95 to %scan3A_97 step %scan3A_98  : i32 {
        %mul3A_281 = arith.constant 2 : i32
        %mul3A_282 = arith.muli %mul3A_281, %scan3A_280 : i32
        %add3A_283 = arith.constant 0 : i32
        %add3A_284 = arith.addi %mul3A_282, %add3A_283 : i32
        %dma_wait3A_285 = arith.constant 0 : i32
        %dma_wait3A_286 = arith.constant 0 : i32
        %dma_wait3A_287 = tpu.memref_slice %arg15[%dma_wait3A_285, %dma_wait3A_286] : memref<40x128xi32, #tpu.memory_space<vmem>> -> memref<1x128xi32, #tpu.memory_space<vmem>>
        %dma_wait3A_288 = tpu.memref_squeeze %dma_wait3A_287 : memref<1x128xi32, #tpu.memory_space<vmem>> -> memref<128xi32, #tpu.memory_space<vmem>>
        %dma_wait3A_289 = arith.constant 0 : i32
        %dma_wait3A_290 = arith.constant 0 : i32
        %dma_wait3A_291 = tpu.memref_slice %arg2[%dma_wait3A_289, %dma_wait3A_290] : memref<10000x128xf32, #tpu.memory_space<hbm>> -> memref<10000x128xf32, #tpu.memory_space<hbm>>
        tpu.wait_indirect_dma semaphore(%arg19 : memref<!tpu.dma_semaphore, #tpu.memory_space<semaphore_mem>>) src(%dma_wait3A_291 : memref<10000x128xf32, #tpu.memory_space<hbm>>) dst(%arg17 : memref<128x128xf32, #tpu.memory_space<vmem>>)
        %dma_start3A_292 = arith.constant 0 : i32
        %dma_start3A_293 = tpu.memref_slice %arg16[%add3A_284, %dma_start3A_292] : memref<40x128xi32, #tpu.memory_space<vmem>> -> memref<1x128xi32, #tpu.memory_space<vmem>>
        %dma_start3A_294 = tpu.memref_squeeze %dma_start3A_293 : memref<1x128xi32, #tpu.memory_space<vmem>> -> memref<128xi32, #tpu.memory_space<vmem>>
        %dma_start3A_295 = arith.constant 0 : i32
        %dma_start3A_296 = arith.constant 0 : i32
        %dma_start3A_297 = tpu.memref_slice %arg14[%dma_start3A_295, %dma_start3A_296] : memref<10112x128xf32, #tpu.memory_space<vmem_shared>> -> memref<10112x128xf32, #tpu.memory_space<vmem_shared>>
        tpu.enqueue_indirect_dma source(%arg17 : memref<128x128xf32, #tpu.memory_space<vmem>>) target(%dma_start3A_297 : memref<10112x128xf32, #tpu.memory_space<vmem_shared>>) offsets(%dma_start3A_294 : memref<128xi32, #tpu.memory_space<vmem>>) semaphore(%arg21 : memref<!tpu.dma_semaphore, #tpu.memory_space<semaphore_mem>>) {add = true}
        %add3A_298 = arith.constant 1 : i32
        %add3A_299 = arith.addi %add3A_284, %add3A_298 : i32
        %lt3A = arith.constant 8 : i32
        %lt3A_300 = arith.cmpi slt, %add3A_299, %lt3A : i32
        %convert_element_type3A_301 = arith.extui %lt3A_300 : i1 to i32
        %cond3A_302 = arith.constant 0 : i32
        %cond3A_303 = arith.cmpi ne, %convert_element_type3A_301, %cond3A_302 : i32
        scf.if %cond3A_303 {
          %ge3A = arith.constant 1 : i32
          %ge3A_328 = arith.cmpi sge, %add3A_284, %ge3A : i32
          %convert_element_type3A_329 = arith.extui %ge3A_328 : i1 to i32
          %cond3A_330 = arith.constant 0 : i32
          %cond3A_331 = arith.cmpi ne, %convert_element_type3A_329, %cond3A_330 : i32
          scf.if %cond3A_331 {
            %dma_wait3A_340 = arith.constant 0 : i32
            %dma_wait3A_341 = arith.constant 0 : i32
            %dma_wait3A_342 = tpu.memref_slice %arg16[%dma_wait3A_340, %dma_wait3A_341] : memref<40x128xi32, #tpu.memory_space<vmem>> -> memref<1x128xi32, #tpu.memory_space<vmem>>
            %dma_wait3A_343 = tpu.memref_squeeze %dma_wait3A_342 : memref<1x128xi32, #tpu.memory_space<vmem>> -> memref<128xi32, #tpu.memory_space<vmem>>
            %dma_wait3A_344 = arith.constant 0 : i32
            %dma_wait3A_345 = arith.constant 0 : i32
            %dma_wait3A_346 = tpu.memref_slice %arg14[%dma_wait3A_344, %dma_wait3A_345] : memref<10112x128xf32, #tpu.memory_space<vmem_shared>> -> memref<10112x128xf32, #tpu.memory_space<vmem_shared>>
            tpu.wait_indirect_dma semaphore(%arg22 : memref<!tpu.dma_semaphore, #tpu.memory_space<semaphore_mem>>) src(%arg18 : memref<128x128xf32, #tpu.memory_space<vmem>>) dst(%dma_wait3A_346 : memref<10112x128xf32, #tpu.memory_space<vmem_shared>>)
          } else {
          }
          %add3A_332 = arith.constant 1 : i32
          %add3A_333 = arith.addi %add3A_284, %add3A_332 : i32
          %dma_start3A_334 = arith.constant 0 : i32
          %dma_start3A_335 = tpu.memref_slice %arg15[%add3A_333, %dma_start3A_334] : memref<40x128xi32, #tpu.memory_space<vmem>> -> memref<1x128xi32, #tpu.memory_space<vmem>>
          %dma_start3A_336 = tpu.memref_squeeze %dma_start3A_335 : memref<1x128xi32, #tpu.memory_space<vmem>> -> memref<128xi32, #tpu.memory_space<vmem>>
          %dma_start3A_337 = arith.constant 0 : i32
          %dma_start3A_338 = arith.constant 0 : i32
          %dma_start3A_339 = tpu.memref_slice %arg2[%dma_start3A_337, %dma_start3A_338] : memref<10000x128xf32, #tpu.memory_space<hbm>> -> memref<10000x128xf32, #tpu.memory_space<hbm>>
          tpu.enqueue_indirect_dma source(%dma_start3A_339 : memref<10000x128xf32, #tpu.memory_space<hbm>>) target(%arg18 : memref<128x128xf32, #tpu.memory_space<vmem>>) offsets(%dma_start3A_336 : memref<128xi32, #tpu.memory_space<vmem>>) semaphore(%arg20 : memref<!tpu.dma_semaphore, #tpu.memory_space<semaphore_mem>>)
        } else {
        }
        %mul3A_304 = arith.constant 2 : i32
        %mul3A_305 = arith.muli %mul3A_304, %scan3A_280 : i32
        %add3A_306 = arith.constant 1 : i32
        %add3A_307 = arith.addi %mul3A_305, %add3A_306 : i32
        %dma_wait3A_308 = arith.constant 0 : i32
        %dma_wait3A_309 = arith.constant 0 : i32
        %dma_wait3A_310 = tpu.memref_slice %arg15[%dma_wait3A_308, %dma_wait3A_309] : memref<40x128xi32, #tpu.memory_space<vmem>> -> memref<1x128xi32, #tpu.memory_space<vmem>>
        %dma_wait3A_311 = tpu.memref_squeeze %dma_wait3A_310 : memref<1x128xi32, #tpu.memory_space<vmem>> -> memref<128xi32, #tpu.memory_space<vmem>>
        %dma_wait3A_312 = arith.constant 0 : i32
        %dma_wait3A_313 = arith.constant 0 : i32
        %dma_wait3A_314 = tpu.memref_slice %arg2[%dma_wait3A_312, %dma_wait3A_313] : memref<10000x128xf32, #tpu.memory_space<hbm>> -> memref<10000x128xf32, #tpu.memory_space<hbm>>
        tpu.wait_indirect_dma semaphore(%arg20 : memref<!tpu.dma_semaphore, #tpu.memory_space<semaphore_mem>>) src(%dma_wait3A_314 : memref<10000x128xf32, #tpu.memory_space<hbm>>) dst(%arg18 : memref<128x128xf32, #tpu.memory_space<vmem>>)
        %dma_start3A_315 = arith.constant 0 : i32
        %dma_start3A_316 = tpu.memref_slice %arg16[%add3A_307, %dma_start3A_315] : memref<40x128xi32, #tpu.memory_space<vmem>> -> memref<1x128xi32, #tpu.memory_space<vmem>>
        %dma_start3A_317 = tpu.memref_squeeze %dma_start3A_316 : memref<1x128xi32, #tpu.memory_space<vmem>> -> memref<128xi32, #tpu.memory_space<vmem>>
        %dma_start3A_318 = arith.constant 0 : i32
        %dma_start3A_319 = arith.constant 0 : i32
        %dma_start3A_320 = tpu.memref_slice %arg14[%dma_start3A_318, %dma_start3A_319] : memref<10112x128xf32, #tpu.memory_space<vmem_shared>> -> memref<10112x128xf32, #tpu.memory_space<vmem_shared>>
        tpu.enqueue_indirect_dma source(%arg18 : memref<128x128xf32, #tpu.memory_space<vmem>>) target(%dma_start3A_320 : memref<10112x128xf32, #tpu.memory_space<vmem_shared>>) offsets(%dma_start3A_317 : memref<128xi32, #tpu.memory_space<vmem>>) semaphore(%arg22 : memref<!tpu.dma_semaphore, #tpu.memory_space<semaphore_mem>>) {add = true}
        %add3A_321 = arith.constant 1 : i32
        %add3A_322 = arith.addi %add3A_307, %add3A_321 : i32
        %lt3A_323 = arith.constant 8 : i32
        %lt3A_324 = arith.cmpi slt, %add3A_322, %lt3A_323 : i32
        %convert_element_type3A_325 = arith.extui %lt3A_324 : i1 to i32
        %cond3A_326 = arith.constant 0 : i32
        %cond3A_327 = arith.cmpi ne, %convert_element_type3A_325, %cond3A_326 : i32
        scf.if %cond3A_327 {
          %ge3A = arith.constant 1 : i32
          %ge3A_328 = arith.cmpi sge, %add3A_307, %ge3A : i32
          %convert_element_type3A_329 = arith.extui %ge3A_328 : i1 to i32
          %cond3A_330 = arith.constant 0 : i32
          %cond3A_331 = arith.cmpi ne, %convert_element_type3A_329, %cond3A_330 : i32
          scf.if %cond3A_331 {
            %dma_wait3A_340 = arith.constant 0 : i32
            %dma_wait3A_341 = arith.constant 0 : i32
            %dma_wait3A_342 = tpu.memref_slice %arg16[%dma_wait3A_340, %dma_wait3A_341] : memref<40x128xi32, #tpu.memory_space<vmem>> -> memref<1x128xi32, #tpu.memory_space<vmem>>
            %dma_wait3A_343 = tpu.memref_squeeze %dma_wait3A_342 : memref<1x128xi32, #tpu.memory_space<vmem>> -> memref<128xi32, #tpu.memory_space<vmem>>
            %dma_wait3A_344 = arith.constant 0 : i32
            %dma_wait3A_345 = arith.constant 0 : i32
            %dma_wait3A_346 = tpu.memref_slice %arg14[%dma_wait3A_344, %dma_wait3A_345] : memref<10112x128xf32, #tpu.memory_space<vmem_shared>> -> memref<10112x128xf32, #tpu.memory_space<vmem_shared>>
            tpu.wait_indirect_dma semaphore(%arg21 : memref<!tpu.dma_semaphore, #tpu.memory_space<semaphore_mem>>) src(%arg17 : memref<128x128xf32, #tpu.memory_space<vmem>>) dst(%dma_wait3A_346 : memref<10112x128xf32, #tpu.memory_space<vmem_shared>>)
          } else {
          }
          %add3A_332 = arith.constant 1 : i32
          %add3A_333 = arith.addi %add3A_307, %add3A_332 : i32
          %dma_start3A_334 = arith.constant 0 : i32
          %dma_start3A_335 = tpu.memref_slice %arg15[%add3A_333, %dma_start3A_334] : memref<40x128xi32, #tpu.memory_space<vmem>> -> memref<1x128xi32, #tpu.memory_space<vmem>>
          %dma_start3A_336 = tpu.memref_squeeze %dma_start3A_335 : memref<1x128xi32, #tpu.memory_space<vmem>> -> memref<128xi32, #tpu.memory_space<vmem>>
          %dma_start3A_337 = arith.constant 0 : i32
          %dma_start3A_338 = arith.constant 0 : i32
          %dma_start3A_339 = tpu.memref_slice %arg2[%dma_start3A_337, %dma_start3A_338] : memref<10000x128xf32, #tpu.memory_space<hbm>> -> memref<10000x128xf32, #tpu.memory_space<hbm>>
          tpu.enqueue_indirect_dma source(%dma_start3A_339 : memref<10000x128xf32, #tpu.memory_space<hbm>>) target(%arg17 : memref<128x128xf32, #tpu.memory_space<vmem>>) offsets(%dma_start3A_336 : memref<128xi32, #tpu.memory_space<vmem>>) semaphore(%arg19 : memref<!tpu.dma_semaphore, #tpu.memory_space<semaphore_mem>>)
        } else {
        }
      }
      %scan3A_99 = arith.constant 4 : i32
      %dma_wait3A_100 = arith.constant 0 : i32
      %dma_wait3A_101 = arith.constant 0 : i32
      %dma_wait3A_102 = tpu.memref_slice %arg16[%dma_wait3A_100, %dma_wait3A_101] : memref<40x128xi32, #tpu.memory_space<vmem>> -> memref<1x128xi32, #tpu.memory_space<vmem>>
      %dma_wait3A_103 = tpu.memref_squeeze %dma_wait3A_102 : memref<1x128xi32, #tpu.memory_space<vmem>> -> memref<128xi32, #tpu.memory_space<vmem>>
      %dma_wait3A_104 = arith.constant 0 : i32
      %dma_wait3A_105 = arith.constant 0 : i32
      %dma_wait3A_106 = tpu.memref_slice %arg14[%dma_wait3A_104, %dma_wait3A_105] : memref<10112x128xf32, #tpu.memory_space<vmem_shared>> -> memref<10112x128xf32, #tpu.memory_space<vmem_shared>>
      tpu.wait_indirect_dma semaphore(%arg21 : memref<!tpu.dma_semaphore, #tpu.memory_space<semaphore_mem>>) src(%arg17 : memref<128x128xf32, #tpu.memory_space<vmem>>) dst(%dma_wait3A_106 : memref<10112x128xf32, #tpu.memory_space<vmem_shared>>)
      %dma_wait3A_107 = arith.constant 0 : i32
      %dma_wait3A_108 = arith.constant 0 : i32
      %dma_wait3A_109 = tpu.memref_slice %arg16[%dma_wait3A_107, %dma_wait3A_108] : memref<40x128xi32, #tpu.memory_space<vmem>> -> memref<1x128xi32, #tpu.memory_space<vmem>>
      %dma_wait3A_110 = tpu.memref_squeeze %dma_wait3A_109 : memref<1x128xi32, #tpu.memory_space<vmem>> -> memref<128xi32, #tpu.memory_space<vmem>>
      %dma_wait3A_111 = arith.constant 0 : i32
      %dma_wait3A_112 = arith.constant 0 : i32
      %dma_wait3A_113 = tpu.memref_slice %arg14[%dma_wait3A_111, %dma_wait3A_112] : memref<10112x128xf32, #tpu.memory_space<vmem_shared>> -> memref<10112x128xf32, #tpu.memory_space<vmem_shared>>
      tpu.wait_indirect_dma semaphore(%arg22 : memref<!tpu.dma_semaphore, #tpu.memory_space<semaphore_mem>>) src(%arg18 : memref<128x128xf32, #tpu.memory_space<vmem>>) dst(%dma_wait3A_113 : memref<10112x128xf32, #tpu.memory_space<vmem_shared>>)
      %mul3A_114 = arith.constant 72 : i32
      %mul3A_115 = arith.muli %arg1, %mul3A_114 : i32
      %add3A_116 = arith.constant 1152 : i32
      %add3A_117 = arith.addi %add3A_116, %mul3A_115 : i32
      %add3A_118 = arith.constant 0 : i32
      %add3A_119 = arith.addi %add3A_117, %add3A_118 : i32
      %run_scoped3A_120 = arith.constant 0 : i32
      "tpu.region"() ({
        %run_scoped3A_280 = tpu.sem_alloc : memref<!tpu.dma_semaphore, #tpu.memory_space<semaphore_mem>>
        %dma_start3A_281 = arith.constant 0 : i32
        %dma_start3A_282 = arith.constant 0 : i32
        %dma_start3A_283 = tpu.memref_slice %arg15[%dma_start3A_281, %dma_start3A_282] : memref<40x128xi32, #tpu.memory_space<vmem>> -> memref<40x128xi32, #tpu.memory_space<vmem>>
        %dma_start3A_284 = arith.constant 0 : i32
        %dma_start3A_285 = tpu.memref_slice %arg6[%run_scoped3A_120, %add3A_119, %dma_start3A_284] : memref<2x2304x128xi32, #tpu.memory_space<hbm>> -> memref<1x40x128xi32, #tpu.memory_space<hbm>>
        %dma_start3A_286 = tpu.memref_squeeze %dma_start3A_285 : memref<1x40x128xi32, #tpu.memory_space<hbm>> -> memref<40x128xi32, #tpu.memory_space<hbm>>
        %dma_start3A_287 = arith.constant 0 : i32
        %dma_start3A_288 = arith.constant 0 : i32
        %dma_start3A_289 = tpu.memref_slice %arg15[%dma_start3A_287, %dma_start3A_288] : memref<40x128xi32, #tpu.memory_space<vmem>> -> memref<40x128xi32, #tpu.memory_space<vmem>>
        %dma_start3A_290 = arith.constant 0 : i32
        %dma_start3A_291 = tpu.memref_slice %arg6[%run_scoped3A_120, %add3A_119, %dma_start3A_290] : memref<2x2304x128xi32, #tpu.memory_space<hbm>> -> memref<1x40x128xi32, #tpu.memory_space<hbm>>
        %dma_start3A_292 = tpu.memref_squeeze %dma_start3A_291 : memref<1x40x128xi32, #tpu.memory_space<hbm>> -> memref<40x128xi32, #tpu.memory_space<hbm>>
        tpu.enqueue_dma source(%dma_start3A_292 : memref<40x128xi32, #tpu.memory_space<hbm>>) target(%dma_start3A_289 : memref<40x128xi32, #tpu.memory_space<vmem>>) target_semaphore(%run_scoped3A_280 : memref<!tpu.dma_semaphore, #tpu.memory_space<semaphore_mem>>)
        %dma_wait3A_293 = arith.constant 0 : i32
        %dma_wait3A_294 = arith.constant 0 : i32
        %dma_wait3A_295 = tpu.memref_slice %arg15[%dma_wait3A_293, %dma_wait3A_294] : memref<40x128xi32, #tpu.memory_space<vmem>> -> memref<40x128xi32, #tpu.memory_space<vmem>>
        %dma_wait3A_296 = arith.constant 0 : i32
        %dma_wait3A_297 = tpu.memref_slice %arg6[%run_scoped3A_120, %add3A_119, %dma_wait3A_296] : memref<2x2304x128xi32, #tpu.memory_space<hbm>> -> memref<1x40x128xi32, #tpu.memory_space<hbm>>
        %dma_wait3A_298 = tpu.memref_squeeze %dma_wait3A_297 : memref<1x40x128xi32, #tpu.memory_space<hbm>> -> memref<40x128xi32, #tpu.memory_space<hbm>>
        %dma_wait3A_299 = arith.constant 0 : i32
        %dma_wait3A_300 = arith.constant 0 : i32
        %dma_wait3A_301 = tpu.memref_slice %arg15[%dma_wait3A_299, %dma_wait3A_300] : memref<40x128xi32, #tpu.memory_space<vmem>> -> memref<40x128xi32, #tpu.memory_space<vmem>>
        %dma_wait3A_302 = arith.constant 0 : i32
        %dma_wait3A_303 = tpu.memref_slice %arg6[%run_scoped3A_120, %add3A_119, %dma_wait3A_302] : memref<2x2304x128xi32, #tpu.memory_space<hbm>> -> memref<1x40x128xi32, #tpu.memory_space<hbm>>
        %dma_wait3A_304 = tpu.memref_squeeze %dma_wait3A_303 : memref<1x40x128xi32, #tpu.memory_space<hbm>> -> memref<40x128xi32, #tpu.memory_space<hbm>>
        tpu.wait_dma2 semaphore(%run_scoped3A_280 : memref<!tpu.dma_semaphore, #tpu.memory_space<semaphore_mem>>) src(%dma_wait3A_304 : memref<40x128xi32, #tpu.memory_space<hbm>>) dst(%dma_wait3A_301 : memref<40x128xi32, #tpu.memory_space<vmem>>)
        tpu.yield
      }) : () -> ()
      %run_scoped3A_121 = arith.constant 1 : i32
      "tpu.region"() ({
        %run_scoped3A_280 = tpu.sem_alloc : memref<!tpu.dma_semaphore, #tpu.memory_space<semaphore_mem>>
        %dma_start3A_281 = arith.constant 0 : i32
        %dma_start3A_282 = arith.constant 0 : i32
        %dma_start3A_283 = tpu.memref_slice %arg16[%dma_start3A_281, %dma_start3A_282] : memref<40x128xi32, #tpu.memory_space<vmem>> -> memref<40x128xi32, #tpu.memory_space<vmem>>
        %dma_start3A_284 = arith.constant 0 : i32
        %dma_start3A_285 = tpu.memref_slice %arg6[%run_scoped3A_121, %add3A_119, %dma_start3A_284] : memref<2x2304x128xi32, #tpu.memory_space<hbm>> -> memref<1x40x128xi32, #tpu.memory_space<hbm>>
        %dma_start3A_286 = tpu.memref_squeeze %dma_start3A_285 : memref<1x40x128xi32, #tpu.memory_space<hbm>> -> memref<40x128xi32, #tpu.memory_space<hbm>>
        %dma_start3A_287 = arith.constant 0 : i32
        %dma_start3A_288 = arith.constant 0 : i32
        %dma_start3A_289 = tpu.memref_slice %arg16[%dma_start3A_287, %dma_start3A_288] : memref<40x128xi32, #tpu.memory_space<vmem>> -> memref<40x128xi32, #tpu.memory_space<vmem>>
        %dma_start3A_290 = arith.constant 0 : i32
        %dma_start3A_291 = tpu.memref_slice %arg6[%run_scoped3A_121, %add3A_119, %dma_start3A_290] : memref<2x2304x128xi32, #tpu.memory_space<hbm>> -> memref<1x40x128xi32, #tpu.memory_space<hbm>>
        %dma_start3A_292 = tpu.memref_squeeze %dma_start3A_291 : memref<1x40x128xi32, #tpu.memory_space<hbm>> -> memref<40x128xi32, #tpu.memory_space<hbm>>
        tpu.enqueue_dma source(%dma_start3A_292 : memref<40x128xi32, #tpu.memory_space<hbm>>) target(%dma_start3A_289 : memref<40x128xi32, #tpu.memory_space<vmem>>) target_semaphore(%run_scoped3A_280 : memref<!tpu.dma_semaphore, #tpu.memory_space<semaphore_mem>>)
        %dma_wait3A_293 = arith.constant 0 : i32
        %dma_wait3A_294 = arith.constant 0 : i32
        %dma_wait3A_295 = tpu.memref_slice %arg16[%dma_wait3A_293, %dma_wait3A_294] : memref<40x128xi32, #tpu.memory_space<vmem>> -> memref<40x128xi32, #tpu.memory_space<vmem>>
        %dma_wait3A_296 = arith.constant 0 : i32
        %dma_wait3A_297 = tpu.memref_slice %arg6[%run_scoped3A_121, %add3A_119, %dma_wait3A_296] : memref<2x2304x128xi32, #tpu.memory_space<hbm>> -> memref<1x40x128xi32, #tpu.memory_space<hbm>>
        %dma_wait3A_298 = tpu.memref_squeeze %dma_wait3A_297 : memref<1x40x128xi32, #tpu.memory_space<hbm>> -> memref<40x128xi32, #tpu.memory_space<hbm>>
        %dma_wait3A_299 = arith.constant 0 : i32
        %dma_wait3A_300 = arith.constant 0 : i32
        %dma_wait3A_301 = tpu.memref_slice %arg16[%dma_wait3A_299, %dma_wait3A_300] : memref<40x128xi32, #tpu.memory_space<vmem>> -> memref<40x128xi32, #tpu.memory_space<vmem>>
        %dma_wait3A_302 = arith.constant 0 : i32
        %dma_wait3A_303 = tpu.memref_slice %arg6[%run_scoped3A_121, %add3A_119, %dma_wait3A_302] : memref<2x2304x128xi32, #tpu.memory_space<hbm>> -> memref<1x40x128xi32, #tpu.memory_space<hbm>>
        %dma_wait3A_304 = tpu.memref_squeeze %dma_wait3A_303 : memref<1x40x128xi32, #tpu.memory_space<hbm>> -> memref<40x128xi32, #tpu.memory_space<hbm>>
        tpu.wait_dma2 semaphore(%run_scoped3A_280 : memref<!tpu.dma_semaphore, #tpu.memory_space<semaphore_mem>>) src(%dma_wait3A_304 : memref<40x128xi32, #tpu.memory_space<hbm>>) dst(%dma_wait3A_301 : memref<40x128xi32, #tpu.memory_space<vmem>>)
        tpu.yield
      }) : () -> ()
      %dma_start3A_122 = arith.constant 0 : i32
      %dma_start3A_123 = arith.constant 0 : i32
      %dma_start3A_124 = tpu.memref_slice %arg15[%dma_start3A_122, %dma_start3A_123] : memref<40x128xi32, #tpu.memory_space<vmem>> -> memref<1x128xi32, #tpu.memory_space<vmem>>
      %dma_start3A_125 = tpu.memref_squeeze %dma_start3A_124 : memref<1x128xi32, #tpu.memory_space<vmem>> -> memref<128xi32, #tpu.memory_space<vmem>>
      %dma_start3A_126 = arith.constant 0 : i32
      %dma_start3A_127 = arith.constant 0 : i32
      %dma_start3A_128 = tpu.memref_slice %arg3[%dma_start3A_126, %dma_start3A_127] : memref<10000x128xf32, #tpu.memory_space<hbm>> -> memref<10000x128xf32, #tpu.memory_space<hbm>>
      tpu.enqueue_indirect_dma source(%dma_start3A_128 : memref<10000x128xf32, #tpu.memory_space<hbm>>) target(%arg17 : memref<128x128xf32, #tpu.memory_space<vmem>>) offsets(%dma_start3A_125 : memref<128xi32, #tpu.memory_space<vmem>>) semaphore(%arg19 : memref<!tpu.dma_semaphore, #tpu.memory_space<semaphore_mem>>)
      %scan3A_129 = arith.constant 0 : i32
      %scan3A_130 = arith.constant 20 : i32
      %scan3A_131 = arith.addi %scan3A_129, %scan3A_130 : i32
      %scan3A_132 = arith.constant 1 : i32
      scf.for %scan3A_280 = %scan3A_129 to %scan3A_131 step %scan3A_132  : i32 {
        %mul3A_281 = arith.constant 2 : i32
        %mul3A_282 = arith.muli %mul3A_281, %scan3A_280 : i32
        %add3A_283 = arith.constant 0 : i32
        %add3A_284 = arith.addi %mul3A_282, %add3A_283 : i32
        %dma_wait3A_285 = arith.constant 0 : i32
        %dma_wait3A_286 = arith.constant 0 : i32
        %dma_wait3A_287 = tpu.memref_slice %arg15[%dma_wait3A_285, %dma_wait3A_286] : memref<40x128xi32, #tpu.memory_space<vmem>> -> memref<1x128xi32, #tpu.memory_space<vmem>>
        %dma_wait3A_288 = tpu.memref_squeeze %dma_wait3A_287 : memref<1x128xi32, #tpu.memory_space<vmem>> -> memref<128xi32, #tpu.memory_space<vmem>>
        %dma_wait3A_289 = arith.constant 0 : i32
        %dma_wait3A_290 = arith.constant 0 : i32
        %dma_wait3A_291 = tpu.memref_slice %arg3[%dma_wait3A_289, %dma_wait3A_290] : memref<10000x128xf32, #tpu.memory_space<hbm>> -> memref<10000x128xf32, #tpu.memory_space<hbm>>
        tpu.wait_indirect_dma semaphore(%arg19 : memref<!tpu.dma_semaphore, #tpu.memory_space<semaphore_mem>>) src(%dma_wait3A_291 : memref<10000x128xf32, #tpu.memory_space<hbm>>) dst(%arg17 : memref<128x128xf32, #tpu.memory_space<vmem>>)
        %dma_start3A_292 = arith.constant 0 : i32
        %dma_start3A_293 = tpu.memref_slice %arg16[%add3A_284, %dma_start3A_292] : memref<40x128xi32, #tpu.memory_space<vmem>> -> memref<1x128xi32, #tpu.memory_space<vmem>>
        %dma_start3A_294 = tpu.memref_squeeze %dma_start3A_293 : memref<1x128xi32, #tpu.memory_space<vmem>> -> memref<128xi32, #tpu.memory_space<vmem>>
        %dma_start3A_295 = arith.constant 0 : i32
        %dma_start3A_296 = arith.constant 0 : i32
        %dma_start3A_297 = tpu.memref_slice %arg14[%dma_start3A_295, %dma_start3A_296] : memref<10112x128xf32, #tpu.memory_space<vmem_shared>> -> memref<10112x128xf32, #tpu.memory_space<vmem_shared>>
        tpu.enqueue_indirect_dma source(%arg17 : memref<128x128xf32, #tpu.memory_space<vmem>>) target(%dma_start3A_297 : memref<10112x128xf32, #tpu.memory_space<vmem_shared>>) offsets(%dma_start3A_294 : memref<128xi32, #tpu.memory_space<vmem>>) semaphore(%arg21 : memref<!tpu.dma_semaphore, #tpu.memory_space<semaphore_mem>>) {add = true}
        %add3A_298 = arith.constant 1 : i32
        %add3A_299 = arith.addi %add3A_284, %add3A_298 : i32
        %lt3A = arith.constant 40 : i32
        %lt3A_300 = arith.cmpi slt, %add3A_299, %lt3A : i32
        %convert_element_type3A_301 = arith.extui %lt3A_300 : i1 to i32
        %cond3A_302 = arith.constant 0 : i32
        %cond3A_303 = arith.cmpi ne, %convert_element_type3A_301, %cond3A_302 : i32
        scf.if %cond3A_303 {
          %ge3A = arith.constant 1 : i32
          %ge3A_328 = arith.cmpi sge, %add3A_284, %ge3A : i32
          %convert_element_type3A_329 = arith.extui %ge3A_328 : i1 to i32
          %cond3A_330 = arith.constant 0 : i32
          %cond3A_331 = arith.cmpi ne, %convert_element_type3A_329, %cond3A_330 : i32
          scf.if %cond3A_331 {
            %dma_wait3A_340 = arith.constant 0 : i32
            %dma_wait3A_341 = arith.constant 0 : i32
            %dma_wait3A_342 = tpu.memref_slice %arg16[%dma_wait3A_340, %dma_wait3A_341] : memref<40x128xi32, #tpu.memory_space<vmem>> -> memref<1x128xi32, #tpu.memory_space<vmem>>
            %dma_wait3A_343 = tpu.memref_squeeze %dma_wait3A_342 : memref<1x128xi32, #tpu.memory_space<vmem>> -> memref<128xi32, #tpu.memory_space<vmem>>
            %dma_wait3A_344 = arith.constant 0 : i32
            %dma_wait3A_345 = arith.constant 0 : i32
            %dma_wait3A_346 = tpu.memref_slice %arg14[%dma_wait3A_344, %dma_wait3A_345] : memref<10112x128xf32, #tpu.memory_space<vmem_shared>> -> memref<10112x128xf32, #tpu.memory_space<vmem_shared>>
            tpu.wait_indirect_dma semaphore(%arg22 : memref<!tpu.dma_semaphore, #tpu.memory_space<semaphore_mem>>) src(%arg18 : memref<128x128xf32, #tpu.memory_space<vmem>>) dst(%dma_wait3A_346 : memref<10112x128xf32, #tpu.memory_space<vmem_shared>>)
          } else {
          }
          %add3A_332 = arith.constant 1 : i32
          %add3A_333 = arith.addi %add3A_284, %add3A_332 : i32
          %dma_start3A_334 = arith.constant 0 : i32
          %dma_start3A_335 = tpu.memref_slice %arg15[%add3A_333, %dma_start3A_334] : memref<40x128xi32, #tpu.memory_space<vmem>> -> memref<1x128xi32, #tpu.memory_space<vmem>>
          %dma_start3A_336 = tpu.memref_squeeze %dma_start3A_335 : memref<1x128xi32, #tpu.memory_space<vmem>> -> memref<128xi32, #tpu.memory_space<vmem>>
          %dma_start3A_337 = arith.constant 0 : i32
          %dma_start3A_338 = arith.constant 0 : i32
          %dma_start3A_339 = tpu.memref_slice %arg3[%dma_start3A_337, %dma_start3A_338] : memref<10000x128xf32, #tpu.memory_space<hbm>> -> memref<10000x128xf32, #tpu.memory_space<hbm>>
          tpu.enqueue_indirect_dma source(%dma_start3A_339 : memref<10000x128xf32, #tpu.memory_space<hbm>>) target(%arg18 : memref<128x128xf32, #tpu.memory_space<vmem>>) offsets(%dma_start3A_336 : memref<128xi32, #tpu.memory_space<vmem>>) semaphore(%arg20 : memref<!tpu.dma_semaphore, #tpu.memory_space<semaphore_mem>>)
        } else {
        }
        %mul3A_304 = arith.constant 2 : i32
        %mul3A_305 = arith.muli %mul3A_304, %scan3A_280 : i32
        %add3A_306 = arith.constant 1 : i32
        %add3A_307 = arith.addi %mul3A_305, %add3A_306 : i32
        %dma_wait3A_308 = arith.constant 0 : i32
        %dma_wait3A_309 = arith.constant 0 : i32
        %dma_wait3A_310 = tpu.memref_slice %arg15[%dma_wait3A_308, %dma_wait3A_309] : memref<40x128xi32, #tpu.memory_space<vmem>> -> memref<1x128xi32, #tpu.memory_space<vmem>>
        %dma_wait3A_311 = tpu.memref_squeeze %dma_wait3A_310 : memref<1x128xi32, #tpu.memory_space<vmem>> -> memref<128xi32, #tpu.memory_space<vmem>>
        %dma_wait3A_312 = arith.constant 0 : i32
        %dma_wait3A_313 = arith.constant 0 : i32
        %dma_wait3A_314 = tpu.memref_slice %arg3[%dma_wait3A_312, %dma_wait3A_313] : memref<10000x128xf32, #tpu.memory_space<hbm>> -> memref<10000x128xf32, #tpu.memory_space<hbm>>
        tpu.wait_indirect_dma semaphore(%arg20 : memref<!tpu.dma_semaphore, #tpu.memory_space<semaphore_mem>>) src(%dma_wait3A_314 : memref<10000x128xf32, #tpu.memory_space<hbm>>) dst(%arg18 : memref<128x128xf32, #tpu.memory_space<vmem>>)
        %dma_start3A_315 = arith.constant 0 : i32
        %dma_start3A_316 = tpu.memref_slice %arg16[%add3A_307, %dma_start3A_315] : memref<40x128xi32, #tpu.memory_space<vmem>> -> memref<1x128xi32, #tpu.memory_space<vmem>>
        %dma_start3A_317 = tpu.memref_squeeze %dma_start3A_316 : memref<1x128xi32, #tpu.memory_space<vmem>> -> memref<128xi32, #tpu.memory_space<vmem>>
        %dma_start3A_318 = arith.constant 0 : i32
        %dma_start3A_319 = arith.constant 0 : i32
        %dma_start3A_320 = tpu.memref_slice %arg14[%dma_start3A_318, %dma_start3A_319] : memref<10112x128xf32, #tpu.memory_space<vmem_shared>> -> memref<10112x128xf32, #tpu.memory_space<vmem_shared>>
        tpu.enqueue_indirect_dma source(%arg18 : memref<128x128xf32, #tpu.memory_space<vmem>>) target(%dma_start3A_320 : memref<10112x128xf32, #tpu.memory_space<vmem_shared>>) offsets(%dma_start3A_317 : memref<128xi32, #tpu.memory_space<vmem>>) semaphore(%arg22 : memref<!tpu.dma_semaphore, #tpu.memory_space<semaphore_mem>>) {add = true}
        %add3A_321 = arith.constant 1 : i32
        %add3A_322 = arith.addi %add3A_307, %add3A_321 : i32
        %lt3A_323 = arith.constant 40 : i32
        %lt3A_324 = arith.cmpi slt, %add3A_322, %lt3A_323 : i32
        %convert_element_type3A_325 = arith.extui %lt3A_324 : i1 to i32
        %cond3A_326 = arith.constant 0 : i32
        %cond3A_327 = arith.cmpi ne, %convert_element_type3A_325, %cond3A_326 : i32
        scf.if %cond3A_327 {
          %ge3A = arith.constant 1 : i32
          %ge3A_328 = arith.cmpi sge, %add3A_307, %ge3A : i32
          %convert_element_type3A_329 = arith.extui %ge3A_328 : i1 to i32
          %cond3A_330 = arith.constant 0 : i32
          %cond3A_331 = arith.cmpi ne, %convert_element_type3A_329, %cond3A_330 : i32
          scf.if %cond3A_331 {
            %dma_wait3A_340 = arith.constant 0 : i32
            %dma_wait3A_341 = arith.constant 0 : i32
            %dma_wait3A_342 = tpu.memref_slice %arg16[%dma_wait3A_340, %dma_wait3A_341] : memref<40x128xi32, #tpu.memory_space<vmem>> -> memref<1x128xi32, #tpu.memory_space<vmem>>
            %dma_wait3A_343 = tpu.memref_squeeze %dma_wait3A_342 : memref<1x128xi32, #tpu.memory_space<vmem>> -> memref<128xi32, #tpu.memory_space<vmem>>
            %dma_wait3A_344 = arith.constant 0 : i32
            %dma_wait3A_345 = arith.constant 0 : i32
            %dma_wait3A_346 = tpu.memref_slice %arg14[%dma_wait3A_344, %dma_wait3A_345] : memref<10112x128xf32, #tpu.memory_space<vmem_shared>> -> memref<10112x128xf32, #tpu.memory_space<vmem_shared>>
            tpu.wait_indirect_dma semaphore(%arg21 : memref<!tpu.dma_semaphore, #tpu.memory_space<semaphore_mem>>) src(%arg17 : memref<128x128xf32, #tpu.memory_space<vmem>>) dst(%dma_wait3A_346 : memref<10112x128xf32, #tpu.memory_space<vmem_shared>>)
          } else {
          }
          %add3A_332 = arith.constant 1 : i32
          %add3A_333 = arith.addi %add3A_307, %add3A_332 : i32
          %dma_start3A_334 = arith.constant 0 : i32
          %dma_start3A_335 = tpu.memref_slice %arg15[%add3A_333, %dma_start3A_334] : memref<40x128xi32, #tpu.memory_space<vmem>> -> memref<1x128xi32, #tpu.memory_space<vmem>>
          %dma_start3A_336 = tpu.memref_squeeze %dma_start3A_335 : memref<1x128xi32, #tpu.memory_space<vmem>> -> memref<128xi32, #tpu.memory_space<vmem>>
          %dma_start3A_337 = arith.constant 0 : i32
          %dma_start3A_338 = arith.constant 0 : i32
          %dma_start3A_339 = tpu.memref_slice %arg3[%dma_start3A_337, %dma_start3A_338] : memref<10000x128xf32, #tpu.memory_space<hbm>> -> memref<10000x128xf32, #tpu.memory_space<hbm>>
          tpu.enqueue_indirect_dma source(%dma_start3A_339 : memref<10000x128xf32, #tpu.memory_space<hbm>>) target(%arg17 : memref<128x128xf32, #tpu.memory_space<vmem>>) offsets(%dma_start3A_336 : memref<128xi32, #tpu.memory_space<vmem>>) semaphore(%arg19 : memref<!tpu.dma_semaphore, #tpu.memory_space<semaphore_mem>>)
        } else {
        }
      }
      %scan3A_133 = arith.constant 20 : i32
      %dma_wait3A_134 = arith.constant 0 : i32
      %dma_wait3A_135 = arith.constant 0 : i32
      %dma_wait3A_136 = tpu.memref_slice %arg16[%dma_wait3A_134, %dma_wait3A_135] : memref<40x128xi32, #tpu.memory_space<vmem>> -> memref<1x128xi32, #tpu.memory_space<vmem>>
      %dma_wait3A_137 = tpu.memref_squeeze %dma_wait3A_136 : memref<1x128xi32, #tpu.memory_space<vmem>> -> memref<128xi32, #tpu.memory_space<vmem>>
      %dma_wait3A_138 = arith.constant 0 : i32
      %dma_wait3A_139 = arith.constant 0 : i32
      %dma_wait3A_140 = tpu.memref_slice %arg14[%dma_wait3A_138, %dma_wait3A_139] : memref<10112x128xf32, #tpu.memory_space<vmem_shared>> -> memref<10112x128xf32, #tpu.memory_space<vmem_shared>>
      tpu.wait_indirect_dma semaphore(%arg21 : memref<!tpu.dma_semaphore, #tpu.memory_space<semaphore_mem>>) src(%arg17 : memref<128x128xf32, #tpu.memory_space<vmem>>) dst(%dma_wait3A_140 : memref<10112x128xf32, #tpu.memory_space<vmem_shared>>)
      %dma_wait3A_141 = arith.constant 0 : i32
      %dma_wait3A_142 = arith.constant 0 : i32
      %dma_wait3A_143 = tpu.memref_slice %arg16[%dma_wait3A_141, %dma_wait3A_142] : memref<40x128xi32, #tpu.memory_space<vmem>> -> memref<1x128xi32, #tpu.memory_space<vmem>>
      %dma_wait3A_144 = tpu.memref_squeeze %dma_wait3A_143 : memref<1x128xi32, #tpu.memory_space<vmem>> -> memref<128xi32, #tpu.memory_space<vmem>>
      %dma_wait3A_145 = arith.constant 0 : i32
      %dma_wait3A_146 = arith.constant 0 : i32
      %dma_wait3A_147 = tpu.memref_slice %arg14[%dma_wait3A_145, %dma_wait3A_146] : memref<10112x128xf32, #tpu.memory_space<vmem_shared>> -> memref<10112x128xf32, #tpu.memory_space<vmem_shared>>
      tpu.wait_indirect_dma semaphore(%arg22 : memref<!tpu.dma_semaphore, #tpu.memory_space<semaphore_mem>>) src(%arg18 : memref<128x128xf32, #tpu.memory_space<vmem>>) dst(%dma_wait3A_147 : memref<10112x128xf32, #tpu.memory_space<vmem_shared>>)
      %add3A_148 = arith.constant 40 : i32
      %add3A_149 = arith.addi %add3A_117, %add3A_148 : i32
      %run_scoped3A_150 = arith.constant 0 : i32
      "tpu.region"() ({
        %run_scoped3A_280 = tpu.sem_alloc : memref<!tpu.dma_semaphore, #tpu.memory_space<semaphore_mem>>
        %dma_start3A_281 = arith.constant 0 : i32
        %dma_start3A_282 = arith.constant 0 : i32
        %dma_start3A_283 = tpu.memref_slice %arg15[%dma_start3A_281, %dma_start3A_282] : memref<40x128xi32, #tpu.memory_space<vmem>> -> memref<32x128xi32, #tpu.memory_space<vmem>>
        %dma_start3A_284 = arith.constant 0 : i32
        %dma_start3A_285 = tpu.memref_slice %arg6[%run_scoped3A_150, %add3A_149, %dma_start3A_284] : memref<2x2304x128xi32, #tpu.memory_space<hbm>> -> memref<1x32x128xi32, #tpu.memory_space<hbm>>
        %dma_start3A_286 = tpu.memref_squeeze %dma_start3A_285 : memref<1x32x128xi32, #tpu.memory_space<hbm>> -> memref<32x128xi32, #tpu.memory_space<hbm>>
        %dma_start3A_287 = arith.constant 0 : i32
        %dma_start3A_288 = arith.constant 0 : i32
        %dma_start3A_289 = tpu.memref_slice %arg15[%dma_start3A_287, %dma_start3A_288] : memref<40x128xi32, #tpu.memory_space<vmem>> -> memref<32x128xi32, #tpu.memory_space<vmem>>
        %dma_start3A_290 = arith.constant 0 : i32
        %dma_start3A_291 = tpu.memref_slice %arg6[%run_scoped3A_150, %add3A_149, %dma_start3A_290] : memref<2x2304x128xi32, #tpu.memory_space<hbm>> -> memref<1x32x128xi32, #tpu.memory_space<hbm>>
        %dma_start3A_292 = tpu.memref_squeeze %dma_start3A_291 : memref<1x32x128xi32, #tpu.memory_space<hbm>> -> memref<32x128xi32, #tpu.memory_space<hbm>>
        tpu.enqueue_dma source(%dma_start3A_292 : memref<32x128xi32, #tpu.memory_space<hbm>>) target(%dma_start3A_289 : memref<32x128xi32, #tpu.memory_space<vmem>>) target_semaphore(%run_scoped3A_280 : memref<!tpu.dma_semaphore, #tpu.memory_space<semaphore_mem>>)
        %dma_wait3A_293 = arith.constant 0 : i32
        %dma_wait3A_294 = arith.constant 0 : i32
        %dma_wait3A_295 = tpu.memref_slice %arg15[%dma_wait3A_293, %dma_wait3A_294] : memref<40x128xi32, #tpu.memory_space<vmem>> -> memref<32x128xi32, #tpu.memory_space<vmem>>
        %dma_wait3A_296 = arith.constant 0 : i32
        %dma_wait3A_297 = tpu.memref_slice %arg6[%run_scoped3A_150, %add3A_149, %dma_wait3A_296] : memref<2x2304x128xi32, #tpu.memory_space<hbm>> -> memref<1x32x128xi32, #tpu.memory_space<hbm>>
        %dma_wait3A_298 = tpu.memref_squeeze %dma_wait3A_297 : memref<1x32x128xi32, #tpu.memory_space<hbm>> -> memref<32x128xi32, #tpu.memory_space<hbm>>
        %dma_wait3A_299 = arith.constant 0 : i32
        %dma_wait3A_300 = arith.constant 0 : i32
        %dma_wait3A_301 = tpu.memref_slice %arg15[%dma_wait3A_299, %dma_wait3A_300] : memref<40x128xi32, #tpu.memory_space<vmem>> -> memref<32x128xi32, #tpu.memory_space<vmem>>
        %dma_wait3A_302 = arith.constant 0 : i32
        %dma_wait3A_303 = tpu.memref_slice %arg6[%run_scoped3A_150, %add3A_149, %dma_wait3A_302] : memref<2x2304x128xi32, #tpu.memory_space<hbm>> -> memref<1x32x128xi32, #tpu.memory_space<hbm>>
        %dma_wait3A_304 = tpu.memref_squeeze %dma_wait3A_303 : memref<1x32x128xi32, #tpu.memory_space<hbm>> -> memref<32x128xi32, #tpu.memory_space<hbm>>
        tpu.wait_dma2 semaphore(%run_scoped3A_280 : memref<!tpu.dma_semaphore, #tpu.memory_space<semaphore_mem>>) src(%dma_wait3A_304 : memref<32x128xi32, #tpu.memory_space<hbm>>) dst(%dma_wait3A_301 : memref<32x128xi32, #tpu.memory_space<vmem>>)
        tpu.yield
      }) : () -> ()
      %run_scoped3A_151 = arith.constant 1 : i32
      "tpu.region"() ({
        %run_scoped3A_280 = tpu.sem_alloc : memref<!tpu.dma_semaphore, #tpu.memory_space<semaphore_mem>>
        %dma_start3A_281 = arith.constant 0 : i32
        %dma_start3A_282 = arith.constant 0 : i32
        %dma_start3A_283 = tpu.memref_slice %arg16[%dma_start3A_281, %dma_start3A_282] : memref<40x128xi32, #tpu.memory_space<vmem>> -> memref<32x128xi32, #tpu.memory_space<vmem>>
        %dma_start3A_284 = arith.constant 0 : i32
        %dma_start3A_285 = tpu.memref_slice %arg6[%run_scoped3A_151, %add3A_149, %dma_start3A_284] : memref<2x2304x128xi32, #tpu.memory_space<hbm>> -> memref<1x32x128xi32, #tpu.memory_space<hbm>>
        %dma_start3A_286 = tpu.memref_squeeze %dma_start3A_285 : memref<1x32x128xi32, #tpu.memory_space<hbm>> -> memref<32x128xi32, #tpu.memory_space<hbm>>
        %dma_start3A_287 = arith.constant 0 : i32
        %dma_start3A_288 = arith.constant 0 : i32
        %dma_start3A_289 = tpu.memref_slice %arg16[%dma_start3A_287, %dma_start3A_288] : memref<40x128xi32, #tpu.memory_space<vmem>> -> memref<32x128xi32, #tpu.memory_space<vmem>>
        %dma_start3A_290 = arith.constant 0 : i32
        %dma_start3A_291 = tpu.memref_slice %arg6[%run_scoped3A_151, %add3A_149, %dma_start3A_290] : memref<2x2304x128xi32, #tpu.memory_space<hbm>> -> memref<1x32x128xi32, #tpu.memory_space<hbm>>
        %dma_start3A_292 = tpu.memref_squeeze %dma_start3A_291 : memref<1x32x128xi32, #tpu.memory_space<hbm>> -> memref<32x128xi32, #tpu.memory_space<hbm>>
        tpu.enqueue_dma source(%dma_start3A_292 : memref<32x128xi32, #tpu.memory_space<hbm>>) target(%dma_start3A_289 : memref<32x128xi32, #tpu.memory_space<vmem>>) target_semaphore(%run_scoped3A_280 : memref<!tpu.dma_semaphore, #tpu.memory_space<semaphore_mem>>)
        %dma_wait3A_293 = arith.constant 0 : i32
        %dma_wait3A_294 = arith.constant 0 : i32
        %dma_wait3A_295 = tpu.memref_slice %arg16[%dma_wait3A_293, %dma_wait3A_294] : memref<40x128xi32, #tpu.memory_space<vmem>> -> memref<32x128xi32, #tpu.memory_space<vmem>>
        %dma_wait3A_296 = arith.constant 0 : i32
        %dma_wait3A_297 = tpu.memref_slice %arg6[%run_scoped3A_151, %add3A_149, %dma_wait3A_296] : memref<2x2304x128xi32, #tpu.memory_space<hbm>> -> memref<1x32x128xi32, #tpu.memory_space<hbm>>
        %dma_wait3A_298 = tpu.memref_squeeze %dma_wait3A_297 : memref<1x32x128xi32, #tpu.memory_space<hbm>> -> memref<32x128xi32, #tpu.memory_space<hbm>>
        %dma_wait3A_299 = arith.constant 0 : i32
        %dma_wait3A_300 = arith.constant 0 : i32
        %dma_wait3A_301 = tpu.memref_slice %arg16[%dma_wait3A_299, %dma_wait3A_300] : memref<40x128xi32, #tpu.memory_space<vmem>> -> memref<32x128xi32, #tpu.memory_space<vmem>>
        %dma_wait3A_302 = arith.constant 0 : i32
        %dma_wait3A_303 = tpu.memref_slice %arg6[%run_scoped3A_151, %add3A_149, %dma_wait3A_302] : memref<2x2304x128xi32, #tpu.memory_space<hbm>> -> memref<1x32x128xi32, #tpu.memory_space<hbm>>
        %dma_wait3A_304 = tpu.memref_squeeze %dma_wait3A_303 : memref<1x32x128xi32, #tpu.memory_space<hbm>> -> memref<32x128xi32, #tpu.memory_space<hbm>>
        tpu.wait_dma2 semaphore(%run_scoped3A_280 : memref<!tpu.dma_semaphore, #tpu.memory_space<semaphore_mem>>) src(%dma_wait3A_304 : memref<32x128xi32, #tpu.memory_space<hbm>>) dst(%dma_wait3A_301 : memref<32x128xi32, #tpu.memory_space<vmem>>)
        tpu.yield
      }) : () -> ()
      %dma_start3A_152 = arith.constant 0 : i32
      %dma_start3A_153 = arith.constant 0 : i32
      %dma_start3A_154 = tpu.memref_slice %arg15[%dma_start3A_152, %dma_start3A_153] : memref<40x128xi32, #tpu.memory_space<vmem>> -> memref<1x128xi32, #tpu.memory_space<vmem>>
      %dma_start3A_155 = tpu.memref_squeeze %dma_start3A_154 : memref<1x128xi32, #tpu.memory_space<vmem>> -> memref<128xi32, #tpu.memory_space<vmem>>
      %dma_start3A_156 = arith.constant 0 : i32
      %dma_start3A_157 = arith.constant 0 : i32
      %dma_start3A_158 = tpu.memref_slice %arg3[%dma_start3A_156, %dma_start3A_157] : memref<10000x128xf32, #tpu.memory_space<hbm>> -> memref<10000x128xf32, #tpu.memory_space<hbm>>
      tpu.enqueue_indirect_dma source(%dma_start3A_158 : memref<10000x128xf32, #tpu.memory_space<hbm>>) target(%arg17 : memref<128x128xf32, #tpu.memory_space<vmem>>) offsets(%dma_start3A_155 : memref<128xi32, #tpu.memory_space<vmem>>) semaphore(%arg19 : memref<!tpu.dma_semaphore, #tpu.memory_space<semaphore_mem>>)
      %scan3A_159 = arith.constant 0 : i32
      %scan3A_160 = arith.constant 16 : i32
      %scan3A_161 = arith.addi %scan3A_159, %scan3A_160 : i32
      %scan3A_162 = arith.constant 1 : i32
      scf.for %scan3A_280 = %scan3A_159 to %scan3A_161 step %scan3A_162  : i32 {
        %mul3A_281 = arith.constant 2 : i32
        %mul3A_282 = arith.muli %mul3A_281, %scan3A_280 : i32
        %add3A_283 = arith.constant 0 : i32
        %add3A_284 = arith.addi %mul3A_282, %add3A_283 : i32
        %dma_wait3A_285 = arith.constant 0 : i32
        %dma_wait3A_286 = arith.constant 0 : i32
        %dma_wait3A_287 = tpu.memref_slice %arg15[%dma_wait3A_285, %dma_wait3A_286] : memref<40x128xi32, #tpu.memory_space<vmem>> -> memref<1x128xi32, #tpu.memory_space<vmem>>
        %dma_wait3A_288 = tpu.memref_squeeze %dma_wait3A_287 : memref<1x128xi32, #tpu.memory_space<vmem>> -> memref<128xi32, #tpu.memory_space<vmem>>
        %dma_wait3A_289 = arith.constant 0 : i32
        %dma_wait3A_290 = arith.constant 0 : i32
        %dma_wait3A_291 = tpu.memref_slice %arg3[%dma_wait3A_289, %dma_wait3A_290] : memref<10000x128xf32, #tpu.memory_space<hbm>> -> memref<10000x128xf32, #tpu.memory_space<hbm>>
        tpu.wait_indirect_dma semaphore(%arg19 : memref<!tpu.dma_semaphore, #tpu.memory_space<semaphore_mem>>) src(%dma_wait3A_291 : memref<10000x128xf32, #tpu.memory_space<hbm>>) dst(%arg17 : memref<128x128xf32, #tpu.memory_space<vmem>>)
        %dma_start3A_292 = arith.constant 0 : i32
        %dma_start3A_293 = tpu.memref_slice %arg16[%add3A_284, %dma_start3A_292] : memref<40x128xi32, #tpu.memory_space<vmem>> -> memref<1x128xi32, #tpu.memory_space<vmem>>
        %dma_start3A_294 = tpu.memref_squeeze %dma_start3A_293 : memref<1x128xi32, #tpu.memory_space<vmem>> -> memref<128xi32, #tpu.memory_space<vmem>>
        %dma_start3A_295 = arith.constant 0 : i32
        %dma_start3A_296 = arith.constant 0 : i32
        %dma_start3A_297 = tpu.memref_slice %arg14[%dma_start3A_295, %dma_start3A_296] : memref<10112x128xf32, #tpu.memory_space<vmem_shared>> -> memref<10112x128xf32, #tpu.memory_space<vmem_shared>>
        tpu.enqueue_indirect_dma source(%arg17 : memref<128x128xf32, #tpu.memory_space<vmem>>) target(%dma_start3A_297 : memref<10112x128xf32, #tpu.memory_space<vmem_shared>>) offsets(%dma_start3A_294 : memref<128xi32, #tpu.memory_space<vmem>>) semaphore(%arg21 : memref<!tpu.dma_semaphore, #tpu.memory_space<semaphore_mem>>) {add = true}
        %add3A_298 = arith.constant 1 : i32
        %add3A_299 = arith.addi %add3A_284, %add3A_298 : i32
        %lt3A = arith.constant 32 : i32
        %lt3A_300 = arith.cmpi slt, %add3A_299, %lt3A : i32
        %convert_element_type3A_301 = arith.extui %lt3A_300 : i1 to i32
        %cond3A_302 = arith.constant 0 : i32
        %cond3A_303 = arith.cmpi ne, %convert_element_type3A_301, %cond3A_302 : i32
        scf.if %cond3A_303 {
          %ge3A = arith.constant 1 : i32
          %ge3A_328 = arith.cmpi sge, %add3A_284, %ge3A : i32
          %convert_element_type3A_329 = arith.extui %ge3A_328 : i1 to i32
          %cond3A_330 = arith.constant 0 : i32
          %cond3A_331 = arith.cmpi ne, %convert_element_type3A_329, %cond3A_330 : i32
          scf.if %cond3A_331 {
            %dma_wait3A_340 = arith.constant 0 : i32
            %dma_wait3A_341 = arith.constant 0 : i32
            %dma_wait3A_342 = tpu.memref_slice %arg16[%dma_wait3A_340, %dma_wait3A_341] : memref<40x128xi32, #tpu.memory_space<vmem>> -> memref<1x128xi32, #tpu.memory_space<vmem>>
            %dma_wait3A_343 = tpu.memref_squeeze %dma_wait3A_342 : memref<1x128xi32, #tpu.memory_space<vmem>> -> memref<128xi32, #tpu.memory_space<vmem>>
            %dma_wait3A_344 = arith.constant 0 : i32
            %dma_wait3A_345 = arith.constant 0 : i32
            %dma_wait3A_346 = tpu.memref_slice %arg14[%dma_wait3A_344, %dma_wait3A_345] : memref<10112x128xf32, #tpu.memory_space<vmem_shared>> -> memref<10112x128xf32, #tpu.memory_space<vmem_shared>>
            tpu.wait_indirect_dma semaphore(%arg22 : memref<!tpu.dma_semaphore, #tpu.memory_space<semaphore_mem>>) src(%arg18 : memref<128x128xf32, #tpu.memory_space<vmem>>) dst(%dma_wait3A_346 : memref<10112x128xf32, #tpu.memory_space<vmem_shared>>)
          } else {
          }
          %add3A_332 = arith.constant 1 : i32
          %add3A_333 = arith.addi %add3A_284, %add3A_332 : i32
          %dma_start3A_334 = arith.constant 0 : i32
          %dma_start3A_335 = tpu.memref_slice %arg15[%add3A_333, %dma_start3A_334] : memref<40x128xi32, #tpu.memory_space<vmem>> -> memref<1x128xi32, #tpu.memory_space<vmem>>
          %dma_start3A_336 = tpu.memref_squeeze %dma_start3A_335 : memref<1x128xi32, #tpu.memory_space<vmem>> -> memref<128xi32, #tpu.memory_space<vmem>>
          %dma_start3A_337 = arith.constant 0 : i32
          %dma_start3A_338 = arith.constant 0 : i32
          %dma_start3A_339 = tpu.memref_slice %arg3[%dma_start3A_337, %dma_start3A_338] : memref<10000x128xf32, #tpu.memory_space<hbm>> -> memref<10000x128xf32, #tpu.memory_space<hbm>>
          tpu.enqueue_indirect_dma source(%dma_start3A_339 : memref<10000x128xf32, #tpu.memory_space<hbm>>) target(%arg18 : memref<128x128xf32, #tpu.memory_space<vmem>>) offsets(%dma_start3A_336 : memref<128xi32, #tpu.memory_space<vmem>>) semaphore(%arg20 : memref<!tpu.dma_semaphore, #tpu.memory_space<semaphore_mem>>)
        } else {
        }
        %mul3A_304 = arith.constant 2 : i32
        %mul3A_305 = arith.muli %mul3A_304, %scan3A_280 : i32
        %add3A_306 = arith.constant 1 : i32
        %add3A_307 = arith.addi %mul3A_305, %add3A_306 : i32
        %dma_wait3A_308 = arith.constant 0 : i32
        %dma_wait3A_309 = arith.constant 0 : i32
        %dma_wait3A_310 = tpu.memref_slice %arg15[%dma_wait3A_308, %dma_wait3A_309] : memref<40x128xi32, #tpu.memory_space<vmem>> -> memref<1x128xi32, #tpu.memory_space<vmem>>
        %dma_wait3A_311 = tpu.memref_squeeze %dma_wait3A_310 : memref<1x128xi32, #tpu.memory_space<vmem>> -> memref<128xi32, #tpu.memory_space<vmem>>
        %dma_wait3A_312 = arith.constant 0 : i32
        %dma_wait3A_313 = arith.constant 0 : i32
        %dma_wait3A_314 = tpu.memref_slice %arg3[%dma_wait3A_312, %dma_wait3A_313] : memref<10000x128xf32, #tpu.memory_space<hbm>> -> memref<10000x128xf32, #tpu.memory_space<hbm>>
        tpu.wait_indirect_dma semaphore(%arg20 : memref<!tpu.dma_semaphore, #tpu.memory_space<semaphore_mem>>) src(%dma_wait3A_314 : memref<10000x128xf32, #tpu.memory_space<hbm>>) dst(%arg18 : memref<128x128xf32, #tpu.memory_space<vmem>>)
        %dma_start3A_315 = arith.constant 0 : i32
        %dma_start3A_316 = tpu.memref_slice %arg16[%add3A_307, %dma_start3A_315] : memref<40x128xi32, #tpu.memory_space<vmem>> -> memref<1x128xi32, #tpu.memory_space<vmem>>
        %dma_start3A_317 = tpu.memref_squeeze %dma_start3A_316 : memref<1x128xi32, #tpu.memory_space<vmem>> -> memref<128xi32, #tpu.memory_space<vmem>>
        %dma_start3A_318 = arith.constant 0 : i32
        %dma_start3A_319 = arith.constant 0 : i32
        %dma_start3A_320 = tpu.memref_slice %arg14[%dma_start3A_318, %dma_start3A_319] : memref<10112x128xf32, #tpu.memory_space<vmem_shared>> -> memref<10112x128xf32, #tpu.memory_space<vmem_shared>>
        tpu.enqueue_indirect_dma source(%arg18 : memref<128x128xf32, #tpu.memory_space<vmem>>) target(%dma_start3A_320 : memref<10112x128xf32, #tpu.memory_space<vmem_shared>>) offsets(%dma_start3A_317 : memref<128xi32, #tpu.memory_space<vmem>>) semaphore(%arg22 : memref<!tpu.dma_semaphore, #tpu.memory_space<semaphore_mem>>) {add = true}
        %add3A_321 = arith.constant 1 : i32
        %add3A_322 = arith.addi %add3A_307, %add3A_321 : i32
        %lt3A_323 = arith.constant 32 : i32
        %lt3A_324 = arith.cmpi slt, %add3A_322, %lt3A_323 : i32
        %convert_element_type3A_325 = arith.extui %lt3A_324 : i1 to i32
        %cond3A_326 = arith.constant 0 : i32
        %cond3A_327 = arith.cmpi ne, %convert_element_type3A_325, %cond3A_326 : i32
        scf.if %cond3A_327 {
          %ge3A = arith.constant 1 : i32
          %ge3A_328 = arith.cmpi sge, %add3A_307, %ge3A : i32
          %convert_element_type3A_329 = arith.extui %ge3A_328 : i1 to i32
          %cond3A_330 = arith.constant 0 : i32
          %cond3A_331 = arith.cmpi ne, %convert_element_type3A_329, %cond3A_330 : i32
          scf.if %cond3A_331 {
            %dma_wait3A_340 = arith.constant 0 : i32
            %dma_wait3A_341 = arith.constant 0 : i32
            %dma_wait3A_342 = tpu.memref_slice %arg16[%dma_wait3A_340, %dma_wait3A_341] : memref<40x128xi32, #tpu.memory_space<vmem>> -> memref<1x128xi32, #tpu.memory_space<vmem>>
            %dma_wait3A_343 = tpu.memref_squeeze %dma_wait3A_342 : memref<1x128xi32, #tpu.memory_space<vmem>> -> memref<128xi32, #tpu.memory_space<vmem>>
            %dma_wait3A_344 = arith.constant 0 : i32
            %dma_wait3A_345 = arith.constant 0 : i32
            %dma_wait3A_346 = tpu.memref_slice %arg14[%dma_wait3A_344, %dma_wait3A_345] : memref<10112x128xf32, #tpu.memory_space<vmem_shared>> -> memref<10112x128xf32, #tpu.memory_space<vmem_shared>>
            tpu.wait_indirect_dma semaphore(%arg21 : memref<!tpu.dma_semaphore, #tpu.memory_space<semaphore_mem>>) src(%arg17 : memref<128x128xf32, #tpu.memory_space<vmem>>) dst(%dma_wait3A_346 : memref<10112x128xf32, #tpu.memory_space<vmem_shared>>)
          } else {
          }
          %add3A_332 = arith.constant 1 : i32
          %add3A_333 = arith.addi %add3A_307, %add3A_332 : i32
          %dma_start3A_334 = arith.constant 0 : i32
          %dma_start3A_335 = tpu.memref_slice %arg15[%add3A_333, %dma_start3A_334] : memref<40x128xi32, #tpu.memory_space<vmem>> -> memref<1x128xi32, #tpu.memory_space<vmem>>
          %dma_start3A_336 = tpu.memref_squeeze %dma_start3A_335 : memref<1x128xi32, #tpu.memory_space<vmem>> -> memref<128xi32, #tpu.memory_space<vmem>>
          %dma_start3A_337 = arith.constant 0 : i32
          %dma_start3A_338 = arith.constant 0 : i32
          %dma_start3A_339 = tpu.memref_slice %arg3[%dma_start3A_337, %dma_start3A_338] : memref<10000x128xf32, #tpu.memory_space<hbm>> -> memref<10000x128xf32, #tpu.memory_space<hbm>>
          tpu.enqueue_indirect_dma source(%dma_start3A_339 : memref<10000x128xf32, #tpu.memory_space<hbm>>) target(%arg17 : memref<128x128xf32, #tpu.memory_space<vmem>>) offsets(%dma_start3A_336 : memref<128xi32, #tpu.memory_space<vmem>>) semaphore(%arg19 : memref<!tpu.dma_semaphore, #tpu.memory_space<semaphore_mem>>)
        } else {
        }
      }
      %scan3A_163 = arith.constant 16 : i32
      %dma_wait3A_164 = arith.constant 0 : i32
      %dma_wait3A_165 = arith.constant 0 : i32
      %dma_wait3A_166 = tpu.memref_slice %arg16[%dma_wait3A_164, %dma_wait3A_165] : memref<40x128xi32, #tpu.memory_space<vmem>> -> memref<1x128xi32, #tpu.memory_space<vmem>>
      %dma_wait3A_167 = tpu.memref_squeeze %dma_wait3A_166 : memref<1x128xi32, #tpu.memory_space<vmem>> -> memref<128xi32, #tpu.memory_space<vmem>>
      %dma_wait3A_168 = arith.constant 0 : i32
      %dma_wait3A_169 = arith.constant 0 : i32
      %dma_wait3A_170 = tpu.memref_slice %arg14[%dma_wait3A_168, %dma_wait3A_169] : memref<10112x128xf32, #tpu.memory_space<vmem_shared>> -> memref<10112x128xf32, #tpu.memory_space<vmem_shared>>
      tpu.wait_indirect_dma semaphore(%arg21 : memref<!tpu.dma_semaphore, #tpu.memory_space<semaphore_mem>>) src(%arg17 : memref<128x128xf32, #tpu.memory_space<vmem>>) dst(%dma_wait3A_170 : memref<10112x128xf32, #tpu.memory_space<vmem_shared>>)
      %dma_wait3A_171 = arith.constant 0 : i32
      %dma_wait3A_172 = arith.constant 0 : i32
      %dma_wait3A_173 = tpu.memref_slice %arg16[%dma_wait3A_171, %dma_wait3A_172] : memref<40x128xi32, #tpu.memory_space<vmem>> -> memref<1x128xi32, #tpu.memory_space<vmem>>
      %dma_wait3A_174 = tpu.memref_squeeze %dma_wait3A_173 : memref<1x128xi32, #tpu.memory_space<vmem>> -> memref<128xi32, #tpu.memory_space<vmem>>
      %dma_wait3A_175 = arith.constant 0 : i32
      %dma_wait3A_176 = arith.constant 0 : i32
      %dma_wait3A_177 = tpu.memref_slice %arg14[%dma_wait3A_175, %dma_wait3A_176] : memref<10112x128xf32, #tpu.memory_space<vmem_shared>> -> memref<10112x128xf32, #tpu.memory_space<vmem_shared>>
      tpu.wait_indirect_dma semaphore(%arg22 : memref<!tpu.dma_semaphore, #tpu.memory_space<semaphore_mem>>) src(%arg18 : memref<128x128xf32, #tpu.memory_space<vmem>>) dst(%dma_wait3A_177 : memref<10112x128xf32, #tpu.memory_space<vmem_shared>>)
      %mul3A_178 = arith.constant 8 : i32
      %mul3A_179 = arith.muli %arg1, %mul3A_178 : i32
      %add3A_180 = arith.constant 128 : i32
      %add3A_181 = arith.addi %add3A_180, %mul3A_179 : i32
      %add3A_182 = arith.constant 0 : i32
      %add3A_183 = arith.addi %add3A_181, %add3A_182 : i32
      %run_scoped3A_184 = arith.constant 0 : i32
      "tpu.region"() ({
        %run_scoped3A_280 = tpu.sem_alloc : memref<!tpu.dma_semaphore, #tpu.memory_space<semaphore_mem>>
        %dma_start3A_281 = arith.constant 0 : i32
        %dma_start3A_282 = arith.constant 0 : i32
        %dma_start3A_283 = tpu.memref_slice %arg15[%dma_start3A_281, %dma_start3A_282] : memref<40x128xi32, #tpu.memory_space<vmem>> -> memref<8x128xi32, #tpu.memory_space<vmem>>
        %dma_start3A_284 = arith.constant 0 : i32
        %dma_start3A_285 = tpu.memref_slice %arg9[%run_scoped3A_184, %add3A_183, %dma_start3A_284] : memref<2x256x128xi32, #tpu.memory_space<hbm>> -> memref<1x8x128xi32, #tpu.memory_space<hbm>>
        %dma_start3A_286 = tpu.memref_squeeze %dma_start3A_285 : memref<1x8x128xi32, #tpu.memory_space<hbm>> -> memref<8x128xi32, #tpu.memory_space<hbm>>
        %dma_start3A_287 = arith.constant 0 : i32
        %dma_start3A_288 = arith.constant 0 : i32
        %dma_start3A_289 = tpu.memref_slice %arg15[%dma_start3A_287, %dma_start3A_288] : memref<40x128xi32, #tpu.memory_space<vmem>> -> memref<8x128xi32, #tpu.memory_space<vmem>>
        %dma_start3A_290 = arith.constant 0 : i32
        %dma_start3A_291 = tpu.memref_slice %arg9[%run_scoped3A_184, %add3A_183, %dma_start3A_290] : memref<2x256x128xi32, #tpu.memory_space<hbm>> -> memref<1x8x128xi32, #tpu.memory_space<hbm>>
        %dma_start3A_292 = tpu.memref_squeeze %dma_start3A_291 : memref<1x8x128xi32, #tpu.memory_space<hbm>> -> memref<8x128xi32, #tpu.memory_space<hbm>>
        tpu.enqueue_dma source(%dma_start3A_292 : memref<8x128xi32, #tpu.memory_space<hbm>>) target(%dma_start3A_289 : memref<8x128xi32, #tpu.memory_space<vmem>>) target_semaphore(%run_scoped3A_280 : memref<!tpu.dma_semaphore, #tpu.memory_space<semaphore_mem>>)
        %dma_wait3A_293 = arith.constant 0 : i32
        %dma_wait3A_294 = arith.constant 0 : i32
        %dma_wait3A_295 = tpu.memref_slice %arg15[%dma_wait3A_293, %dma_wait3A_294] : memref<40x128xi32, #tpu.memory_space<vmem>> -> memref<8x128xi32, #tpu.memory_space<vmem>>
        %dma_wait3A_296 = arith.constant 0 : i32
        %dma_wait3A_297 = tpu.memref_slice %arg9[%run_scoped3A_184, %add3A_183, %dma_wait3A_296] : memref<2x256x128xi32, #tpu.memory_space<hbm>> -> memref<1x8x128xi32, #tpu.memory_space<hbm>>
        %dma_wait3A_298 = tpu.memref_squeeze %dma_wait3A_297 : memref<1x8x128xi32, #tpu.memory_space<hbm>> -> memref<8x128xi32, #tpu.memory_space<hbm>>
        %dma_wait3A_299 = arith.constant 0 : i32
        %dma_wait3A_300 = arith.constant 0 : i32
        %dma_wait3A_301 = tpu.memref_slice %arg15[%dma_wait3A_299, %dma_wait3A_300] : memref<40x128xi32, #tpu.memory_space<vmem>> -> memref<8x128xi32, #tpu.memory_space<vmem>>
        %dma_wait3A_302 = arith.constant 0 : i32
        %dma_wait3A_303 = tpu.memref_slice %arg9[%run_scoped3A_184, %add3A_183, %dma_wait3A_302] : memref<2x256x128xi32, #tpu.memory_space<hbm>> -> memref<1x8x128xi32, #tpu.memory_space<hbm>>
        %dma_wait3A_304 = tpu.memref_squeeze %dma_wait3A_303 : memref<1x8x128xi32, #tpu.memory_space<hbm>> -> memref<8x128xi32, #tpu.memory_space<hbm>>
        tpu.wait_dma2 semaphore(%run_scoped3A_280 : memref<!tpu.dma_semaphore, #tpu.memory_space<semaphore_mem>>) src(%dma_wait3A_304 : memref<8x128xi32, #tpu.memory_space<hbm>>) dst(%dma_wait3A_301 : memref<8x128xi32, #tpu.memory_space<vmem>>)
        tpu.yield
      }) : () -> ()
      %run_scoped3A_185 = arith.constant 1 : i32
      "tpu.region"() ({
        %run_scoped3A_280 = tpu.sem_alloc : memref<!tpu.dma_semaphore, #tpu.memory_space<semaphore_mem>>
        %dma_start3A_281 = arith.constant 0 : i32
        %dma_start3A_282 = arith.constant 0 : i32
        %dma_start3A_283 = tpu.memref_slice %arg16[%dma_start3A_281, %dma_start3A_282] : memref<40x128xi32, #tpu.memory_space<vmem>> -> memref<8x128xi32, #tpu.memory_space<vmem>>
        %dma_start3A_284 = arith.constant 0 : i32
        %dma_start3A_285 = tpu.memref_slice %arg9[%run_scoped3A_185, %add3A_183, %dma_start3A_284] : memref<2x256x128xi32, #tpu.memory_space<hbm>> -> memref<1x8x128xi32, #tpu.memory_space<hbm>>
        %dma_start3A_286 = tpu.memref_squeeze %dma_start3A_285 : memref<1x8x128xi32, #tpu.memory_space<hbm>> -> memref<8x128xi32, #tpu.memory_space<hbm>>
        %dma_start3A_287 = arith.constant 0 : i32
        %dma_start3A_288 = arith.constant 0 : i32
        %dma_start3A_289 = tpu.memref_slice %arg16[%dma_start3A_287, %dma_start3A_288] : memref<40x128xi32, #tpu.memory_space<vmem>> -> memref<8x128xi32, #tpu.memory_space<vmem>>
        %dma_start3A_290 = arith.constant 0 : i32
        %dma_start3A_291 = tpu.memref_slice %arg9[%run_scoped3A_185, %add3A_183, %dma_start3A_290] : memref<2x256x128xi32, #tpu.memory_space<hbm>> -> memref<1x8x128xi32, #tpu.memory_space<hbm>>
        %dma_start3A_292 = tpu.memref_squeeze %dma_start3A_291 : memref<1x8x128xi32, #tpu.memory_space<hbm>> -> memref<8x128xi32, #tpu.memory_space<hbm>>
        tpu.enqueue_dma source(%dma_start3A_292 : memref<8x128xi32, #tpu.memory_space<hbm>>) target(%dma_start3A_289 : memref<8x128xi32, #tpu.memory_space<vmem>>) target_semaphore(%run_scoped3A_280 : memref<!tpu.dma_semaphore, #tpu.memory_space<semaphore_mem>>)
        %dma_wait3A_293 = arith.constant 0 : i32
        %dma_wait3A_294 = arith.constant 0 : i32
        %dma_wait3A_295 = tpu.memref_slice %arg16[%dma_wait3A_293, %dma_wait3A_294] : memref<40x128xi32, #tpu.memory_space<vmem>> -> memref<8x128xi32, #tpu.memory_space<vmem>>
        %dma_wait3A_296 = arith.constant 0 : i32
        %dma_wait3A_297 = tpu.memref_slice %arg9[%run_scoped3A_185, %add3A_183, %dma_wait3A_296] : memref<2x256x128xi32, #tpu.memory_space<hbm>> -> memref<1x8x128xi32, #tpu.memory_space<hbm>>
        %dma_wait3A_298 = tpu.memref_squeeze %dma_wait3A_297 : memref<1x8x128xi32, #tpu.memory_space<hbm>> -> memref<8x128xi32, #tpu.memory_space<hbm>>
        %dma_wait3A_299 = arith.constant 0 : i32
        %dma_wait3A_300 = arith.constant 0 : i32
        %dma_wait3A_301 = tpu.memref_slice %arg16[%dma_wait3A_299, %dma_wait3A_300] : memref<40x128xi32, #tpu.memory_space<vmem>> -> memref<8x128xi32, #tpu.memory_space<vmem>>
        %dma_wait3A_302 = arith.constant 0 : i32
        %dma_wait3A_303 = tpu.memref_slice %arg9[%run_scoped3A_185, %add3A_183, %dma_wait3A_302] : memref<2x256x128xi32, #tpu.memory_space<hbm>> -> memref<1x8x128xi32, #tpu.memory_space<hbm>>
        %dma_wait3A_304 = tpu.memref_squeeze %dma_wait3A_303 : memref<1x8x128xi32, #tpu.memory_space<hbm>> -> memref<8x128xi32, #tpu.memory_space<hbm>>
        tpu.wait_dma2 semaphore(%run_scoped3A_280 : memref<!tpu.dma_semaphore, #tpu.memory_space<semaphore_mem>>) src(%dma_wait3A_304 : memref<8x128xi32, #tpu.memory_space<hbm>>) dst(%dma_wait3A_301 : memref<8x128xi32, #tpu.memory_space<vmem>>)
        tpu.yield
      }) : () -> ()
      %dma_start3A_186 = arith.constant 0 : i32
      %dma_start3A_187 = arith.constant 0 : i32
      %dma_start3A_188 = tpu.memref_slice %arg15[%dma_start3A_186, %dma_start3A_187] : memref<40x128xi32, #tpu.memory_space<vmem>> -> memref<1x128xi32, #tpu.memory_space<vmem>>
      %dma_start3A_189 = tpu.memref_squeeze %dma_start3A_188 : memref<1x128xi32, #tpu.memory_space<vmem>> -> memref<128xi32, #tpu.memory_space<vmem>>
      %dma_start3A_190 = arith.constant 0 : i32
      %dma_start3A_191 = arith.constant 0 : i32
      %dma_start3A_192 = tpu.memref_slice %arg3[%dma_start3A_190, %dma_start3A_191] : memref<10000x128xf32, #tpu.memory_space<hbm>> -> memref<10000x128xf32, #tpu.memory_space<hbm>>
      tpu.enqueue_indirect_dma source(%dma_start3A_192 : memref<10000x128xf32, #tpu.memory_space<hbm>>) target(%arg17 : memref<128x128xf32, #tpu.memory_space<vmem>>) offsets(%dma_start3A_189 : memref<128xi32, #tpu.memory_space<vmem>>) semaphore(%arg19 : memref<!tpu.dma_semaphore, #tpu.memory_space<semaphore_mem>>)
      %scan3A_193 = arith.constant 0 : i32
      %scan3A_194 = arith.constant 4 : i32
      %scan3A_195 = arith.addi %scan3A_193, %scan3A_194 : i32
      %scan3A_196 = arith.constant 1 : i32
      scf.for %scan3A_280 = %scan3A_193 to %scan3A_195 step %scan3A_196  : i32 {
        %mul3A_281 = arith.constant 2 : i32
        %mul3A_282 = arith.muli %mul3A_281, %scan3A_280 : i32
        %add3A_283 = arith.constant 0 : i32
        %add3A_284 = arith.addi %mul3A_282, %add3A_283 : i32
        %dma_wait3A_285 = arith.constant 0 : i32
        %dma_wait3A_286 = arith.constant 0 : i32
        %dma_wait3A_287 = tpu.memref_slice %arg15[%dma_wait3A_285, %dma_wait3A_286] : memref<40x128xi32, #tpu.memory_space<vmem>> -> memref<1x128xi32, #tpu.memory_space<vmem>>
        %dma_wait3A_288 = tpu.memref_squeeze %dma_wait3A_287 : memref<1x128xi32, #tpu.memory_space<vmem>> -> memref<128xi32, #tpu.memory_space<vmem>>
        %dma_wait3A_289 = arith.constant 0 : i32
        %dma_wait3A_290 = arith.constant 0 : i32
        %dma_wait3A_291 = tpu.memref_slice %arg3[%dma_wait3A_289, %dma_wait3A_290] : memref<10000x128xf32, #tpu.memory_space<hbm>> -> memref<10000x128xf32, #tpu.memory_space<hbm>>
        tpu.wait_indirect_dma semaphore(%arg19 : memref<!tpu.dma_semaphore, #tpu.memory_space<semaphore_mem>>) src(%dma_wait3A_291 : memref<10000x128xf32, #tpu.memory_space<hbm>>) dst(%arg17 : memref<128x128xf32, #tpu.memory_space<vmem>>)
        %dma_start3A_292 = arith.constant 0 : i32
        %dma_start3A_293 = tpu.memref_slice %arg16[%add3A_284, %dma_start3A_292] : memref<40x128xi32, #tpu.memory_space<vmem>> -> memref<1x128xi32, #tpu.memory_space<vmem>>
        %dma_start3A_294 = tpu.memref_squeeze %dma_start3A_293 : memref<1x128xi32, #tpu.memory_space<vmem>> -> memref<128xi32, #tpu.memory_space<vmem>>
        %dma_start3A_295 = arith.constant 0 : i32
        %dma_start3A_296 = arith.constant 0 : i32
        %dma_start3A_297 = tpu.memref_slice %arg14[%dma_start3A_295, %dma_start3A_296] : memref<10112x128xf32, #tpu.memory_space<vmem_shared>> -> memref<10112x128xf32, #tpu.memory_space<vmem_shared>>
        tpu.enqueue_indirect_dma source(%arg17 : memref<128x128xf32, #tpu.memory_space<vmem>>) target(%dma_start3A_297 : memref<10112x128xf32, #tpu.memory_space<vmem_shared>>) offsets(%dma_start3A_294 : memref<128xi32, #tpu.memory_space<vmem>>) semaphore(%arg21 : memref<!tpu.dma_semaphore, #tpu.memory_space<semaphore_mem>>) {add = true}
        %add3A_298 = arith.constant 1 : i32
        %add3A_299 = arith.addi %add3A_284, %add3A_298 : i32
        %lt3A = arith.constant 8 : i32
        %lt3A_300 = arith.cmpi slt, %add3A_299, %lt3A : i32
        %convert_element_type3A_301 = arith.extui %lt3A_300 : i1 to i32
        %cond3A_302 = arith.constant 0 : i32
        %cond3A_303 = arith.cmpi ne, %convert_element_type3A_301, %cond3A_302 : i32
        scf.if %cond3A_303 {
          %ge3A = arith.constant 1 : i32
          %ge3A_328 = arith.cmpi sge, %add3A_284, %ge3A : i32
          %convert_element_type3A_329 = arith.extui %ge3A_328 : i1 to i32
          %cond3A_330 = arith.constant 0 : i32
          %cond3A_331 = arith.cmpi ne, %convert_element_type3A_329, %cond3A_330 : i32
          scf.if %cond3A_331 {
            %dma_wait3A_340 = arith.constant 0 : i32
            %dma_wait3A_341 = arith.constant 0 : i32
            %dma_wait3A_342 = tpu.memref_slice %arg16[%dma_wait3A_340, %dma_wait3A_341] : memref<40x128xi32, #tpu.memory_space<vmem>> -> memref<1x128xi32, #tpu.memory_space<vmem>>
            %dma_wait3A_343 = tpu.memref_squeeze %dma_wait3A_342 : memref<1x128xi32, #tpu.memory_space<vmem>> -> memref<128xi32, #tpu.memory_space<vmem>>
            %dma_wait3A_344 = arith.constant 0 : i32
            %dma_wait3A_345 = arith.constant 0 : i32
            %dma_wait3A_346 = tpu.memref_slice %arg14[%dma_wait3A_344, %dma_wait3A_345] : memref<10112x128xf32, #tpu.memory_space<vmem_shared>> -> memref<10112x128xf32, #tpu.memory_space<vmem_shared>>
            tpu.wait_indirect_dma semaphore(%arg22 : memref<!tpu.dma_semaphore, #tpu.memory_space<semaphore_mem>>) src(%arg18 : memref<128x128xf32, #tpu.memory_space<vmem>>) dst(%dma_wait3A_346 : memref<10112x128xf32, #tpu.memory_space<vmem_shared>>)
          } else {
          }
          %add3A_332 = arith.constant 1 : i32
          %add3A_333 = arith.addi %add3A_284, %add3A_332 : i32
          %dma_start3A_334 = arith.constant 0 : i32
          %dma_start3A_335 = tpu.memref_slice %arg15[%add3A_333, %dma_start3A_334] : memref<40x128xi32, #tpu.memory_space<vmem>> -> memref<1x128xi32, #tpu.memory_space<vmem>>
          %dma_start3A_336 = tpu.memref_squeeze %dma_start3A_335 : memref<1x128xi32, #tpu.memory_space<vmem>> -> memref<128xi32, #tpu.memory_space<vmem>>
          %dma_start3A_337 = arith.constant 0 : i32
          %dma_start3A_338 = arith.constant 0 : i32
          %dma_start3A_339 = tpu.memref_slice %arg3[%dma_start3A_337, %dma_start3A_338] : memref<10000x128xf32, #tpu.memory_space<hbm>> -> memref<10000x128xf32, #tpu.memory_space<hbm>>
          tpu.enqueue_indirect_dma source(%dma_start3A_339 : memref<10000x128xf32, #tpu.memory_space<hbm>>) target(%arg18 : memref<128x128xf32, #tpu.memory_space<vmem>>) offsets(%dma_start3A_336 : memref<128xi32, #tpu.memory_space<vmem>>) semaphore(%arg20 : memref<!tpu.dma_semaphore, #tpu.memory_space<semaphore_mem>>)
        } else {
        }
        %mul3A_304 = arith.constant 2 : i32
        %mul3A_305 = arith.muli %mul3A_304, %scan3A_280 : i32
        %add3A_306 = arith.constant 1 : i32
        %add3A_307 = arith.addi %mul3A_305, %add3A_306 : i32
        %dma_wait3A_308 = arith.constant 0 : i32
        %dma_wait3A_309 = arith.constant 0 : i32
        %dma_wait3A_310 = tpu.memref_slice %arg15[%dma_wait3A_308, %dma_wait3A_309] : memref<40x128xi32, #tpu.memory_space<vmem>> -> memref<1x128xi32, #tpu.memory_space<vmem>>
        %dma_wait3A_311 = tpu.memref_squeeze %dma_wait3A_310 : memref<1x128xi32, #tpu.memory_space<vmem>> -> memref<128xi32, #tpu.memory_space<vmem>>
        %dma_wait3A_312 = arith.constant 0 : i32
        %dma_wait3A_313 = arith.constant 0 : i32
        %dma_wait3A_314 = tpu.memref_slice %arg3[%dma_wait3A_312, %dma_wait3A_313] : memref<10000x128xf32, #tpu.memory_space<hbm>> -> memref<10000x128xf32, #tpu.memory_space<hbm>>
        tpu.wait_indirect_dma semaphore(%arg20 : memref<!tpu.dma_semaphore, #tpu.memory_space<semaphore_mem>>) src(%dma_wait3A_314 : memref<10000x128xf32, #tpu.memory_space<hbm>>) dst(%arg18 : memref<128x128xf32, #tpu.memory_space<vmem>>)
        %dma_start3A_315 = arith.constant 0 : i32
        %dma_start3A_316 = tpu.memref_slice %arg16[%add3A_307, %dma_start3A_315] : memref<40x128xi32, #tpu.memory_space<vmem>> -> memref<1x128xi32, #tpu.memory_space<vmem>>
        %dma_start3A_317 = tpu.memref_squeeze %dma_start3A_316 : memref<1x128xi32, #tpu.memory_space<vmem>> -> memref<128xi32, #tpu.memory_space<vmem>>
        %dma_start3A_318 = arith.constant 0 : i32
        %dma_start3A_319 = arith.constant 0 : i32
        %dma_start3A_320 = tpu.memref_slice %arg14[%dma_start3A_318, %dma_start3A_319] : memref<10112x128xf32, #tpu.memory_space<vmem_shared>> -> memref<10112x128xf32, #tpu.memory_space<vmem_shared>>
        tpu.enqueue_indirect_dma source(%arg18 : memref<128x128xf32, #tpu.memory_space<vmem>>) target(%dma_start3A_320 : memref<10112x128xf32, #tpu.memory_space<vmem_shared>>) offsets(%dma_start3A_317 : memref<128xi32, #tpu.memory_space<vmem>>) semaphore(%arg22 : memref<!tpu.dma_semaphore, #tpu.memory_space<semaphore_mem>>) {add = true}
        %add3A_321 = arith.constant 1 : i32
        %add3A_322 = arith.addi %add3A_307, %add3A_321 : i32
        %lt3A_323 = arith.constant 8 : i32
        %lt3A_324 = arith.cmpi slt, %add3A_322, %lt3A_323 : i32
        %convert_element_type3A_325 = arith.extui %lt3A_324 : i1 to i32
        %cond3A_326 = arith.constant 0 : i32
        %cond3A_327 = arith.cmpi ne, %convert_element_type3A_325, %cond3A_326 : i32
        scf.if %cond3A_327 {
          %ge3A = arith.constant 1 : i32
          %ge3A_328 = arith.cmpi sge, %add3A_307, %ge3A : i32
          %convert_element_type3A_329 = arith.extui %ge3A_328 : i1 to i32
          %cond3A_330 = arith.constant 0 : i32
          %cond3A_331 = arith.cmpi ne, %convert_element_type3A_329, %cond3A_330 : i32
          scf.if %cond3A_331 {
            %dma_wait3A_340 = arith.constant 0 : i32
            %dma_wait3A_341 = arith.constant 0 : i32
            %dma_wait3A_342 = tpu.memref_slice %arg16[%dma_wait3A_340, %dma_wait3A_341] : memref<40x128xi32, #tpu.memory_space<vmem>> -> memref<1x128xi32, #tpu.memory_space<vmem>>
            %dma_wait3A_343 = tpu.memref_squeeze %dma_wait3A_342 : memref<1x128xi32, #tpu.memory_space<vmem>> -> memref<128xi32, #tpu.memory_space<vmem>>
            %dma_wait3A_344 = arith.constant 0 : i32
            %dma_wait3A_345 = arith.constant 0 : i32
            %dma_wait3A_346 = tpu.memref_slice %arg14[%dma_wait3A_344, %dma_wait3A_345] : memref<10112x128xf32, #tpu.memory_space<vmem_shared>> -> memref<10112x128xf32, #tpu.memory_space<vmem_shared>>
            tpu.wait_indirect_dma semaphore(%arg21 : memref<!tpu.dma_semaphore, #tpu.memory_space<semaphore_mem>>) src(%arg17 : memref<128x128xf32, #tpu.memory_space<vmem>>) dst(%dma_wait3A_346 : memref<10112x128xf32, #tpu.memory_space<vmem_shared>>)
          } else {
          }
          %add3A_332 = arith.constant 1 : i32
          %add3A_333 = arith.addi %add3A_307, %add3A_332 : i32
          %dma_start3A_334 = arith.constant 0 : i32
          %dma_start3A_335 = tpu.memref_slice %arg15[%add3A_333, %dma_start3A_334] : memref<40x128xi32, #tpu.memory_space<vmem>> -> memref<1x128xi32, #tpu.memory_space<vmem>>
          %dma_start3A_336 = tpu.memref_squeeze %dma_start3A_335 : memref<1x128xi32, #tpu.memory_space<vmem>> -> memref<128xi32, #tpu.memory_space<vmem>>
          %dma_start3A_337 = arith.constant 0 : i32
          %dma_start3A_338 = arith.constant 0 : i32
          %dma_start3A_339 = tpu.memref_slice %arg3[%dma_start3A_337, %dma_start3A_338] : memref<10000x128xf32, #tpu.memory_space<hbm>> -> memref<10000x128xf32, #tpu.memory_space<hbm>>
          tpu.enqueue_indirect_dma source(%dma_start3A_339 : memref<10000x128xf32, #tpu.memory_space<hbm>>) target(%arg17 : memref<128x128xf32, #tpu.memory_space<vmem>>) offsets(%dma_start3A_336 : memref<128xi32, #tpu.memory_space<vmem>>) semaphore(%arg19 : memref<!tpu.dma_semaphore, #tpu.memory_space<semaphore_mem>>)
        } else {
        }
      }
      %scan3A_197 = arith.constant 4 : i32
      %dma_wait3A_198 = arith.constant 0 : i32
      %dma_wait3A_199 = arith.constant 0 : i32
      %dma_wait3A_200 = tpu.memref_slice %arg16[%dma_wait3A_198, %dma_wait3A_199] : memref<40x128xi32, #tpu.memory_space<vmem>> -> memref<1x128xi32, #tpu.memory_space<vmem>>
      %dma_wait3A_201 = tpu.memref_squeeze %dma_wait3A_200 : memref<1x128xi32, #tpu.memory_space<vmem>> -> memref<128xi32, #tpu.memory_space<vmem>>
      %dma_wait3A_202 = arith.constant 0 : i32
      %dma_wait3A_203 = arith.constant 0 : i32
      %dma_wait3A_204 = tpu.memref_slice %arg14[%dma_wait3A_202, %dma_wait3A_203] : memref<10112x128xf32, #tpu.memory_space<vmem_shared>> -> memref<10112x128xf32, #tpu.memory_space<vmem_shared>>
      tpu.wait_indirect_dma semaphore(%arg21 : memref<!tpu.dma_semaphore, #tpu.memory_space<semaphore_mem>>) src(%arg17 : memref<128x128xf32, #tpu.memory_space<vmem>>) dst(%dma_wait3A_204 : memref<10112x128xf32, #tpu.memory_space<vmem_shared>>)
      %dma_wait3A_205 = arith.constant 0 : i32
      %dma_wait3A_206 = arith.constant 0 : i32
      %dma_wait3A_207 = tpu.memref_slice %arg16[%dma_wait3A_205, %dma_wait3A_206] : memref<40x128xi32, #tpu.memory_space<vmem>> -> memref<1x128xi32, #tpu.memory_space<vmem>>
      %dma_wait3A_208 = tpu.memref_squeeze %dma_wait3A_207 : memref<1x128xi32, #tpu.memory_space<vmem>> -> memref<128xi32, #tpu.memory_space<vmem>>
      %dma_wait3A_209 = arith.constant 0 : i32
      %dma_wait3A_210 = arith.constant 0 : i32
      %dma_wait3A_211 = tpu.memref_slice %arg14[%dma_wait3A_209, %dma_wait3A_210] : memref<10112x128xf32, #tpu.memory_space<vmem_shared>> -> memref<10112x128xf32, #tpu.memory_space<vmem_shared>>
      tpu.wait_indirect_dma semaphore(%arg22 : memref<!tpu.dma_semaphore, #tpu.memory_space<semaphore_mem>>) src(%arg18 : memref<128x128xf32, #tpu.memory_space<vmem>>) dst(%dma_wait3A_211 : memref<10112x128xf32, #tpu.memory_space<vmem_shared>>)
      %mul3A_212 = arith.constant 32 : i32
      %mul3A_213 = arith.muli %arg1, %mul3A_212 : i32
      %add3A_214 = arith.constant 512 : i32
      %add3A_215 = arith.addi %add3A_214, %mul3A_213 : i32
      %add3A_216 = arith.constant 0 : i32
      %add3A_217 = arith.addi %add3A_215, %add3A_216 : i32
      %run_scoped3A_218 = arith.constant 0 : i32
      "tpu.region"() ({
        %run_scoped3A_280 = tpu.sem_alloc : memref<!tpu.dma_semaphore, #tpu.memory_space<semaphore_mem>>
        %dma_start3A_281 = arith.constant 0 : i32
        %dma_start3A_282 = arith.constant 0 : i32
        %dma_start3A_283 = tpu.memref_slice %arg15[%dma_start3A_281, %dma_start3A_282] : memref<40x128xi32, #tpu.memory_space<vmem>> -> memref<32x128xi32, #tpu.memory_space<vmem>>
        %dma_start3A_284 = arith.constant 0 : i32
        %dma_start3A_285 = tpu.memref_slice %arg7[%run_scoped3A_218, %add3A_217, %dma_start3A_284] : memref<2x1024x128xi32, #tpu.memory_space<hbm>> -> memref<1x32x128xi32, #tpu.memory_space<hbm>>
        %dma_start3A_286 = tpu.memref_squeeze %dma_start3A_285 : memref<1x32x128xi32, #tpu.memory_space<hbm>> -> memref<32x128xi32, #tpu.memory_space<hbm>>
        %dma_start3A_287 = arith.constant 0 : i32
        %dma_start3A_288 = arith.constant 0 : i32
        %dma_start3A_289 = tpu.memref_slice %arg15[%dma_start3A_287, %dma_start3A_288] : memref<40x128xi32, #tpu.memory_space<vmem>> -> memref<32x128xi32, #tpu.memory_space<vmem>>
        %dma_start3A_290 = arith.constant 0 : i32
        %dma_start3A_291 = tpu.memref_slice %arg7[%run_scoped3A_218, %add3A_217, %dma_start3A_290] : memref<2x1024x128xi32, #tpu.memory_space<hbm>> -> memref<1x32x128xi32, #tpu.memory_space<hbm>>
        %dma_start3A_292 = tpu.memref_squeeze %dma_start3A_291 : memref<1x32x128xi32, #tpu.memory_space<hbm>> -> memref<32x128xi32, #tpu.memory_space<hbm>>
        tpu.enqueue_dma source(%dma_start3A_292 : memref<32x128xi32, #tpu.memory_space<hbm>>) target(%dma_start3A_289 : memref<32x128xi32, #tpu.memory_space<vmem>>) target_semaphore(%run_scoped3A_280 : memref<!tpu.dma_semaphore, #tpu.memory_space<semaphore_mem>>)
        %dma_wait3A_293 = arith.constant 0 : i32
        %dma_wait3A_294 = arith.constant 0 : i32
        %dma_wait3A_295 = tpu.memref_slice %arg15[%dma_wait3A_293, %dma_wait3A_294] : memref<40x128xi32, #tpu.memory_space<vmem>> -> memref<32x128xi32, #tpu.memory_space<vmem>>
        %dma_wait3A_296 = arith.constant 0 : i32
        %dma_wait3A_297 = tpu.memref_slice %arg7[%run_scoped3A_218, %add3A_217, %dma_wait3A_296] : memref<2x1024x128xi32, #tpu.memory_space<hbm>> -> memref<1x32x128xi32, #tpu.memory_space<hbm>>
        %dma_wait3A_298 = tpu.memref_squeeze %dma_wait3A_297 : memref<1x32x128xi32, #tpu.memory_space<hbm>> -> memref<32x128xi32, #tpu.memory_space<hbm>>
        %dma_wait3A_299 = arith.constant 0 : i32
        %dma_wait3A_300 = arith.constant 0 : i32
        %dma_wait3A_301 = tpu.memref_slice %arg15[%dma_wait3A_299, %dma_wait3A_300] : memref<40x128xi32, #tpu.memory_space<vmem>> -> memref<32x128xi32, #tpu.memory_space<vmem>>
        %dma_wait3A_302 = arith.constant 0 : i32
        %dma_wait3A_303 = tpu.memref_slice %arg7[%run_scoped3A_218, %add3A_217, %dma_wait3A_302] : memref<2x1024x128xi32, #tpu.memory_space<hbm>> -> memref<1x32x128xi32, #tpu.memory_space<hbm>>
        %dma_wait3A_304 = tpu.memref_squeeze %dma_wait3A_303 : memref<1x32x128xi32, #tpu.memory_space<hbm>> -> memref<32x128xi32, #tpu.memory_space<hbm>>
        tpu.wait_dma2 semaphore(%run_scoped3A_280 : memref<!tpu.dma_semaphore, #tpu.memory_space<semaphore_mem>>) src(%dma_wait3A_304 : memref<32x128xi32, #tpu.memory_space<hbm>>) dst(%dma_wait3A_301 : memref<32x128xi32, #tpu.memory_space<vmem>>)
        tpu.yield
      }) : () -> ()
      %run_scoped3A_219 = arith.constant 1 : i32
      "tpu.region"() ({
        %run_scoped3A_280 = tpu.sem_alloc : memref<!tpu.dma_semaphore, #tpu.memory_space<semaphore_mem>>
        %dma_start3A_281 = arith.constant 0 : i32
        %dma_start3A_282 = arith.constant 0 : i32
        %dma_start3A_283 = tpu.memref_slice %arg16[%dma_start3A_281, %dma_start3A_282] : memref<40x128xi32, #tpu.memory_space<vmem>> -> memref<32x128xi32, #tpu.memory_space<vmem>>
        %dma_start3A_284 = arith.constant 0 : i32
        %dma_start3A_285 = tpu.memref_slice %arg7[%run_scoped3A_219, %add3A_217, %dma_start3A_284] : memref<2x1024x128xi32, #tpu.memory_space<hbm>> -> memref<1x32x128xi32, #tpu.memory_space<hbm>>
        %dma_start3A_286 = tpu.memref_squeeze %dma_start3A_285 : memref<1x32x128xi32, #tpu.memory_space<hbm>> -> memref<32x128xi32, #tpu.memory_space<hbm>>
        %dma_start3A_287 = arith.constant 0 : i32
        %dma_start3A_288 = arith.constant 0 : i32
        %dma_start3A_289 = tpu.memref_slice %arg16[%dma_start3A_287, %dma_start3A_288] : memref<40x128xi32, #tpu.memory_space<vmem>> -> memref<32x128xi32, #tpu.memory_space<vmem>>
        %dma_start3A_290 = arith.constant 0 : i32
        %dma_start3A_291 = tpu.memref_slice %arg7[%run_scoped3A_219, %add3A_217, %dma_start3A_290] : memref<2x1024x128xi32, #tpu.memory_space<hbm>> -> memref<1x32x128xi32, #tpu.memory_space<hbm>>
        %dma_start3A_292 = tpu.memref_squeeze %dma_start3A_291 : memref<1x32x128xi32, #tpu.memory_space<hbm>> -> memref<32x128xi32, #tpu.memory_space<hbm>>
        tpu.enqueue_dma source(%dma_start3A_292 : memref<32x128xi32, #tpu.memory_space<hbm>>) target(%dma_start3A_289 : memref<32x128xi32, #tpu.memory_space<vmem>>) target_semaphore(%run_scoped3A_280 : memref<!tpu.dma_semaphore, #tpu.memory_space<semaphore_mem>>)
        %dma_wait3A_293 = arith.constant 0 : i32
        %dma_wait3A_294 = arith.constant 0 : i32
        %dma_wait3A_295 = tpu.memref_slice %arg16[%dma_wait3A_293, %dma_wait3A_294] : memref<40x128xi32, #tpu.memory_space<vmem>> -> memref<32x128xi32, #tpu.memory_space<vmem>>
        %dma_wait3A_296 = arith.constant 0 : i32
        %dma_wait3A_297 = tpu.memref_slice %arg7[%run_scoped3A_219, %add3A_217, %dma_wait3A_296] : memref<2x1024x128xi32, #tpu.memory_space<hbm>> -> memref<1x32x128xi32, #tpu.memory_space<hbm>>
        %dma_wait3A_298 = tpu.memref_squeeze %dma_wait3A_297 : memref<1x32x128xi32, #tpu.memory_space<hbm>> -> memref<32x128xi32, #tpu.memory_space<hbm>>
        %dma_wait3A_299 = arith.constant 0 : i32
        %dma_wait3A_300 = arith.constant 0 : i32
        %dma_wait3A_301 = tpu.memref_slice %arg16[%dma_wait3A_299, %dma_wait3A_300] : memref<40x128xi32, #tpu.memory_space<vmem>> -> memref<32x128xi32, #tpu.memory_space<vmem>>
        %dma_wait3A_302 = arith.constant 0 : i32
        %dma_wait3A_303 = tpu.memref_slice %arg7[%run_scoped3A_219, %add3A_217, %dma_wait3A_302] : memref<2x1024x128xi32, #tpu.memory_space<hbm>> -> memref<1x32x128xi32, #tpu.memory_space<hbm>>
        %dma_wait3A_304 = tpu.memref_squeeze %dma_wait3A_303 : memref<1x32x128xi32, #tpu.memory_space<hbm>> -> memref<32x128xi32, #tpu.memory_space<hbm>>
        tpu.wait_dma2 semaphore(%run_scoped3A_280 : memref<!tpu.dma_semaphore, #tpu.memory_space<semaphore_mem>>) src(%dma_wait3A_304 : memref<32x128xi32, #tpu.memory_space<hbm>>) dst(%dma_wait3A_301 : memref<32x128xi32, #tpu.memory_space<vmem>>)
        tpu.yield
      }) : () -> ()
      %dma_start3A_220 = arith.constant 0 : i32
      %dma_start3A_221 = arith.constant 0 : i32
      %dma_start3A_222 = tpu.memref_slice %arg15[%dma_start3A_220, %dma_start3A_221] : memref<40x128xi32, #tpu.memory_space<vmem>> -> memref<1x128xi32, #tpu.memory_space<vmem>>
      %dma_start3A_223 = tpu.memref_squeeze %dma_start3A_222 : memref<1x128xi32, #tpu.memory_space<vmem>> -> memref<128xi32, #tpu.memory_space<vmem>>
      %dma_start3A_224 = arith.constant 0 : i32
      %dma_start3A_225 = arith.constant 0 : i32
      %dma_start3A_226 = tpu.memref_slice %arg4[%dma_start3A_224, %dma_start3A_225] : memref<10000x128xf32, #tpu.memory_space<hbm>> -> memref<10000x128xf32, #tpu.memory_space<hbm>>
      tpu.enqueue_indirect_dma source(%dma_start3A_226 : memref<10000x128xf32, #tpu.memory_space<hbm>>) target(%arg17 : memref<128x128xf32, #tpu.memory_space<vmem>>) offsets(%dma_start3A_223 : memref<128xi32, #tpu.memory_space<vmem>>) semaphore(%arg19 : memref<!tpu.dma_semaphore, #tpu.memory_space<semaphore_mem>>)
      %scan3A_227 = arith.constant 0 : i32
      %scan3A_228 = arith.constant 16 : i32
      %scan3A_229 = arith.addi %scan3A_227, %scan3A_228 : i32
      %scan3A_230 = arith.constant 1 : i32
      scf.for %scan3A_280 = %scan3A_227 to %scan3A_229 step %scan3A_230  : i32 {
        %mul3A_281 = arith.constant 2 : i32
        %mul3A_282 = arith.muli %mul3A_281, %scan3A_280 : i32
        %add3A_283 = arith.constant 0 : i32
        %add3A_284 = arith.addi %mul3A_282, %add3A_283 : i32
        %dma_wait3A_285 = arith.constant 0 : i32
        %dma_wait3A_286 = arith.constant 0 : i32
        %dma_wait3A_287 = tpu.memref_slice %arg15[%dma_wait3A_285, %dma_wait3A_286] : memref<40x128xi32, #tpu.memory_space<vmem>> -> memref<1x128xi32, #tpu.memory_space<vmem>>
        %dma_wait3A_288 = tpu.memref_squeeze %dma_wait3A_287 : memref<1x128xi32, #tpu.memory_space<vmem>> -> memref<128xi32, #tpu.memory_space<vmem>>
        %dma_wait3A_289 = arith.constant 0 : i32
        %dma_wait3A_290 = arith.constant 0 : i32
        %dma_wait3A_291 = tpu.memref_slice %arg4[%dma_wait3A_289, %dma_wait3A_290] : memref<10000x128xf32, #tpu.memory_space<hbm>> -> memref<10000x128xf32, #tpu.memory_space<hbm>>
        tpu.wait_indirect_dma semaphore(%arg19 : memref<!tpu.dma_semaphore, #tpu.memory_space<semaphore_mem>>) src(%dma_wait3A_291 : memref<10000x128xf32, #tpu.memory_space<hbm>>) dst(%arg17 : memref<128x128xf32, #tpu.memory_space<vmem>>)
        %dma_start3A_292 = arith.constant 0 : i32
        %dma_start3A_293 = tpu.memref_slice %arg16[%add3A_284, %dma_start3A_292] : memref<40x128xi32, #tpu.memory_space<vmem>> -> memref<1x128xi32, #tpu.memory_space<vmem>>
        %dma_start3A_294 = tpu.memref_squeeze %dma_start3A_293 : memref<1x128xi32, #tpu.memory_space<vmem>> -> memref<128xi32, #tpu.memory_space<vmem>>
        %dma_start3A_295 = arith.constant 0 : i32
        %dma_start3A_296 = arith.constant 0 : i32
        %dma_start3A_297 = tpu.memref_slice %arg14[%dma_start3A_295, %dma_start3A_296] : memref<10112x128xf32, #tpu.memory_space<vmem_shared>> -> memref<10112x128xf32, #tpu.memory_space<vmem_shared>>
        tpu.enqueue_indirect_dma source(%arg17 : memref<128x128xf32, #tpu.memory_space<vmem>>) target(%dma_start3A_297 : memref<10112x128xf32, #tpu.memory_space<vmem_shared>>) offsets(%dma_start3A_294 : memref<128xi32, #tpu.memory_space<vmem>>) semaphore(%arg21 : memref<!tpu.dma_semaphore, #tpu.memory_space<semaphore_mem>>) {add = true}
        %add3A_298 = arith.constant 1 : i32
        %add3A_299 = arith.addi %add3A_284, %add3A_298 : i32
        %lt3A = arith.constant 32 : i32
        %lt3A_300 = arith.cmpi slt, %add3A_299, %lt3A : i32
        %convert_element_type3A_301 = arith.extui %lt3A_300 : i1 to i32
        %cond3A_302 = arith.constant 0 : i32
        %cond3A_303 = arith.cmpi ne, %convert_element_type3A_301, %cond3A_302 : i32
        scf.if %cond3A_303 {
          %ge3A = arith.constant 1 : i32
          %ge3A_328 = arith.cmpi sge, %add3A_284, %ge3A : i32
          %convert_element_type3A_329 = arith.extui %ge3A_328 : i1 to i32
          %cond3A_330 = arith.constant 0 : i32
          %cond3A_331 = arith.cmpi ne, %convert_element_type3A_329, %cond3A_330 : i32
          scf.if %cond3A_331 {
            %dma_wait3A_340 = arith.constant 0 : i32
            %dma_wait3A_341 = arith.constant 0 : i32
            %dma_wait3A_342 = tpu.memref_slice %arg16[%dma_wait3A_340, %dma_wait3A_341] : memref<40x128xi32, #tpu.memory_space<vmem>> -> memref<1x128xi32, #tpu.memory_space<vmem>>
            %dma_wait3A_343 = tpu.memref_squeeze %dma_wait3A_342 : memref<1x128xi32, #tpu.memory_space<vmem>> -> memref<128xi32, #tpu.memory_space<vmem>>
            %dma_wait3A_344 = arith.constant 0 : i32
            %dma_wait3A_345 = arith.constant 0 : i32
            %dma_wait3A_346 = tpu.memref_slice %arg14[%dma_wait3A_344, %dma_wait3A_345] : memref<10112x128xf32, #tpu.memory_space<vmem_shared>> -> memref<10112x128xf32, #tpu.memory_space<vmem_shared>>
            tpu.wait_indirect_dma semaphore(%arg22 : memref<!tpu.dma_semaphore, #tpu.memory_space<semaphore_mem>>) src(%arg18 : memref<128x128xf32, #tpu.memory_space<vmem>>) dst(%dma_wait3A_346 : memref<10112x128xf32, #tpu.memory_space<vmem_shared>>)
          } else {
          }
          %add3A_332 = arith.constant 1 : i32
          %add3A_333 = arith.addi %add3A_284, %add3A_332 : i32
          %dma_start3A_334 = arith.constant 0 : i32
          %dma_start3A_335 = tpu.memref_slice %arg15[%add3A_333, %dma_start3A_334] : memref<40x128xi32, #tpu.memory_space<vmem>> -> memref<1x128xi32, #tpu.memory_space<vmem>>
          %dma_start3A_336 = tpu.memref_squeeze %dma_start3A_335 : memref<1x128xi32, #tpu.memory_space<vmem>> -> memref<128xi32, #tpu.memory_space<vmem>>
          %dma_start3A_337 = arith.constant 0 : i32
          %dma_start3A_338 = arith.constant 0 : i32
          %dma_start3A_339 = tpu.memref_slice %arg4[%dma_start3A_337, %dma_start3A_338] : memref<10000x128xf32, #tpu.memory_space<hbm>> -> memref<10000x128xf32, #tpu.memory_space<hbm>>
          tpu.enqueue_indirect_dma source(%dma_start3A_339 : memref<10000x128xf32, #tpu.memory_space<hbm>>) target(%arg18 : memref<128x128xf32, #tpu.memory_space<vmem>>) offsets(%dma_start3A_336 : memref<128xi32, #tpu.memory_space<vmem>>) semaphore(%arg20 : memref<!tpu.dma_semaphore, #tpu.memory_space<semaphore_mem>>)
        } else {
        }
        %mul3A_304 = arith.constant 2 : i32
        %mul3A_305 = arith.muli %mul3A_304, %scan3A_280 : i32
        %add3A_306 = arith.constant 1 : i32
        %add3A_307 = arith.addi %mul3A_305, %add3A_306 : i32
        %dma_wait3A_308 = arith.constant 0 : i32
        %dma_wait3A_309 = arith.constant 0 : i32
        %dma_wait3A_310 = tpu.memref_slice %arg15[%dma_wait3A_308, %dma_wait3A_309] : memref<40x128xi32, #tpu.memory_space<vmem>> -> memref<1x128xi32, #tpu.memory_space<vmem>>
        %dma_wait3A_311 = tpu.memref_squeeze %dma_wait3A_310 : memref<1x128xi32, #tpu.memory_space<vmem>> -> memref<128xi32, #tpu.memory_space<vmem>>
        %dma_wait3A_312 = arith.constant 0 : i32
        %dma_wait3A_313 = arith.constant 0 : i32
        %dma_wait3A_314 = tpu.memref_slice %arg4[%dma_wait3A_312, %dma_wait3A_313] : memref<10000x128xf32, #tpu.memory_space<hbm>> -> memref<10000x128xf32, #tpu.memory_space<hbm>>
        tpu.wait_indirect_dma semaphore(%arg20 : memref<!tpu.dma_semaphore, #tpu.memory_space<semaphore_mem>>) src(%dma_wait3A_314 : memref<10000x128xf32, #tpu.memory_space<hbm>>) dst(%arg18 : memref<128x128xf32, #tpu.memory_space<vmem>>)
        %dma_start3A_315 = arith.constant 0 : i32
        %dma_start3A_316 = tpu.memref_slice %arg16[%add3A_307, %dma_start3A_315] : memref<40x128xi32, #tpu.memory_space<vmem>> -> memref<1x128xi32, #tpu.memory_space<vmem>>
        %dma_start3A_317 = tpu.memref_squeeze %dma_start3A_316 : memref<1x128xi32, #tpu.memory_space<vmem>> -> memref<128xi32, #tpu.memory_space<vmem>>
        %dma_start3A_318 = arith.constant 0 : i32
        %dma_start3A_319 = arith.constant 0 : i32
        %dma_start3A_320 = tpu.memref_slice %arg14[%dma_start3A_318, %dma_start3A_319] : memref<10112x128xf32, #tpu.memory_space<vmem_shared>> -> memref<10112x128xf32, #tpu.memory_space<vmem_shared>>
        tpu.enqueue_indirect_dma source(%arg18 : memref<128x128xf32, #tpu.memory_space<vmem>>) target(%dma_start3A_320 : memref<10112x128xf32, #tpu.memory_space<vmem_shared>>) offsets(%dma_start3A_317 : memref<128xi32, #tpu.memory_space<vmem>>) semaphore(%arg22 : memref<!tpu.dma_semaphore, #tpu.memory_space<semaphore_mem>>) {add = true}
        %add3A_321 = arith.constant 1 : i32
        %add3A_322 = arith.addi %add3A_307, %add3A_321 : i32
        %lt3A_323 = arith.constant 32 : i32
        %lt3A_324 = arith.cmpi slt, %add3A_322, %lt3A_323 : i32
        %convert_element_type3A_325 = arith.extui %lt3A_324 : i1 to i32
        %cond3A_326 = arith.constant 0 : i32
        %cond3A_327 = arith.cmpi ne, %convert_element_type3A_325, %cond3A_326 : i32
        scf.if %cond3A_327 {
          %ge3A = arith.constant 1 : i32
          %ge3A_328 = arith.cmpi sge, %add3A_307, %ge3A : i32
          %convert_element_type3A_329 = arith.extui %ge3A_328 : i1 to i32
          %cond3A_330 = arith.constant 0 : i32
          %cond3A_331 = arith.cmpi ne, %convert_element_type3A_329, %cond3A_330 : i32
          scf.if %cond3A_331 {
            %dma_wait3A_340 = arith.constant 0 : i32
            %dma_wait3A_341 = arith.constant 0 : i32
            %dma_wait3A_342 = tpu.memref_slice %arg16[%dma_wait3A_340, %dma_wait3A_341] : memref<40x128xi32, #tpu.memory_space<vmem>> -> memref<1x128xi32, #tpu.memory_space<vmem>>
            %dma_wait3A_343 = tpu.memref_squeeze %dma_wait3A_342 : memref<1x128xi32, #tpu.memory_space<vmem>> -> memref<128xi32, #tpu.memory_space<vmem>>
            %dma_wait3A_344 = arith.constant 0 : i32
            %dma_wait3A_345 = arith.constant 0 : i32
            %dma_wait3A_346 = tpu.memref_slice %arg14[%dma_wait3A_344, %dma_wait3A_345] : memref<10112x128xf32, #tpu.memory_space<vmem_shared>> -> memref<10112x128xf32, #tpu.memory_space<vmem_shared>>
            tpu.wait_indirect_dma semaphore(%arg21 : memref<!tpu.dma_semaphore, #tpu.memory_space<semaphore_mem>>) src(%arg17 : memref<128x128xf32, #tpu.memory_space<vmem>>) dst(%dma_wait3A_346 : memref<10112x128xf32, #tpu.memory_space<vmem_shared>>)
          } else {
          }
          %add3A_332 = arith.constant 1 : i32
          %add3A_333 = arith.addi %add3A_307, %add3A_332 : i32
          %dma_start3A_334 = arith.constant 0 : i32
          %dma_start3A_335 = tpu.memref_slice %arg15[%add3A_333, %dma_start3A_334] : memref<40x128xi32, #tpu.memory_space<vmem>> -> memref<1x128xi32, #tpu.memory_space<vmem>>
          %dma_start3A_336 = tpu.memref_squeeze %dma_start3A_335 : memref<1x128xi32, #tpu.memory_space<vmem>> -> memref<128xi32, #tpu.memory_space<vmem>>
          %dma_start3A_337 = arith.constant 0 : i32
          %dma_start3A_338 = arith.constant 0 : i32
          %dma_start3A_339 = tpu.memref_slice %arg4[%dma_start3A_337, %dma_start3A_338] : memref<10000x128xf32, #tpu.memory_space<hbm>> -> memref<10000x128xf32, #tpu.memory_space<hbm>>
          tpu.enqueue_indirect_dma source(%dma_start3A_339 : memref<10000x128xf32, #tpu.memory_space<hbm>>) target(%arg17 : memref<128x128xf32, #tpu.memory_space<vmem>>) offsets(%dma_start3A_336 : memref<128xi32, #tpu.memory_space<vmem>>) semaphore(%arg19 : memref<!tpu.dma_semaphore, #tpu.memory_space<semaphore_mem>>)
        } else {
        }
      }
      %scan3A_231 = arith.constant 16 : i32
      %dma_wait3A_232 = arith.constant 0 : i32
      %dma_wait3A_233 = arith.constant 0 : i32
      %dma_wait3A_234 = tpu.memref_slice %arg16[%dma_wait3A_232, %dma_wait3A_233] : memref<40x128xi32, #tpu.memory_space<vmem>> -> memref<1x128xi32, #tpu.memory_space<vmem>>
      %dma_wait3A_235 = tpu.memref_squeeze %dma_wait3A_234 : memref<1x128xi32, #tpu.memory_space<vmem>> -> memref<128xi32, #tpu.memory_space<vmem>>
      %dma_wait3A_236 = arith.constant 0 : i32
      %dma_wait3A_237 = arith.constant 0 : i32
      %dma_wait3A_238 = tpu.memref_slice %arg14[%dma_wait3A_236, %dma_wait3A_237] : memref<10112x128xf32, #tpu.memory_space<vmem_shared>> -> memref<10112x128xf32, #tpu.memory_space<vmem_shared>>
      tpu.wait_indirect_dma semaphore(%arg21 : memref<!tpu.dma_semaphore, #tpu.memory_space<semaphore_mem>>) src(%arg17 : memref<128x128xf32, #tpu.memory_space<vmem>>) dst(%dma_wait3A_238 : memref<10112x128xf32, #tpu.memory_space<vmem_shared>>)
      %dma_wait3A_239 = arith.constant 0 : i32
      %dma_wait3A_240 = arith.constant 0 : i32
      %dma_wait3A_241 = tpu.memref_slice %arg16[%dma_wait3A_239, %dma_wait3A_240] : memref<40x128xi32, #tpu.memory_space<vmem>> -> memref<1x128xi32, #tpu.memory_space<vmem>>
      %dma_wait3A_242 = tpu.memref_squeeze %dma_wait3A_241 : memref<1x128xi32, #tpu.memory_space<vmem>> -> memref<128xi32, #tpu.memory_space<vmem>>
      %dma_wait3A_243 = arith.constant 0 : i32
      %dma_wait3A_244 = arith.constant 0 : i32
      %dma_wait3A_245 = tpu.memref_slice %arg14[%dma_wait3A_243, %dma_wait3A_244] : memref<10112x128xf32, #tpu.memory_space<vmem_shared>> -> memref<10112x128xf32, #tpu.memory_space<vmem_shared>>
      tpu.wait_indirect_dma semaphore(%arg22 : memref<!tpu.dma_semaphore, #tpu.memory_space<semaphore_mem>>) src(%arg18 : memref<128x128xf32, #tpu.memory_space<vmem>>) dst(%dma_wait3A_245 : memref<10112x128xf32, #tpu.memory_space<vmem_shared>>)
      %mul3A_246 = arith.constant 8 : i32
      %mul3A_247 = arith.muli %arg1, %mul3A_246 : i32
      %add3A_248 = arith.constant 128 : i32
      %add3A_249 = arith.addi %add3A_248, %mul3A_247 : i32
      %add3A_250 = arith.constant 0 : i32
      %add3A_251 = arith.addi %add3A_249, %add3A_250 : i32
      %run_scoped3A_252 = arith.constant 0 : i32
      "tpu.region"() ({
        %run_scoped3A_280 = tpu.sem_alloc : memref<!tpu.dma_semaphore, #tpu.memory_space<semaphore_mem>>
        %dma_start3A_281 = arith.constant 0 : i32
        %dma_start3A_282 = arith.constant 0 : i32
        %dma_start3A_283 = tpu.memref_slice %arg15[%dma_start3A_281, %dma_start3A_282] : memref<40x128xi32, #tpu.memory_space<vmem>> -> memref<8x128xi32, #tpu.memory_space<vmem>>
        %dma_start3A_284 = arith.constant 0 : i32
        %dma_start3A_285 = tpu.memref_slice %arg10[%run_scoped3A_252, %add3A_251, %dma_start3A_284] : memref<2x256x128xi32, #tpu.memory_space<hbm>> -> memref<1x8x128xi32, #tpu.memory_space<hbm>>
        %dma_start3A_286 = tpu.memref_squeeze %dma_start3A_285 : memref<1x8x128xi32, #tpu.memory_space<hbm>> -> memref<8x128xi32, #tpu.memory_space<hbm>>
        %dma_start3A_287 = arith.constant 0 : i32
        %dma_start3A_288 = arith.constant 0 : i32
        %dma_start3A_289 = tpu.memref_slice %arg15[%dma_start3A_287, %dma_start3A_288] : memref<40x128xi32, #tpu.memory_space<vmem>> -> memref<8x128xi32, #tpu.memory_space<vmem>>
        %dma_start3A_290 = arith.constant 0 : i32
        %dma_start3A_291 = tpu.memref_slice %arg10[%run_scoped3A_252, %add3A_251, %dma_start3A_290] : memref<2x256x128xi32, #tpu.memory_space<hbm>> -> memref<1x8x128xi32, #tpu.memory_space<hbm>>
        %dma_start3A_292 = tpu.memref_squeeze %dma_start3A_291 : memref<1x8x128xi32, #tpu.memory_space<hbm>> -> memref<8x128xi32, #tpu.memory_space<hbm>>
        tpu.enqueue_dma source(%dma_start3A_292 : memref<8x128xi32, #tpu.memory_space<hbm>>) target(%dma_start3A_289 : memref<8x128xi32, #tpu.memory_space<vmem>>) target_semaphore(%run_scoped3A_280 : memref<!tpu.dma_semaphore, #tpu.memory_space<semaphore_mem>>)
        %dma_wait3A_293 = arith.constant 0 : i32
        %dma_wait3A_294 = arith.constant 0 : i32
        %dma_wait3A_295 = tpu.memref_slice %arg15[%dma_wait3A_293, %dma_wait3A_294] : memref<40x128xi32, #tpu.memory_space<vmem>> -> memref<8x128xi32, #tpu.memory_space<vmem>>
        %dma_wait3A_296 = arith.constant 0 : i32
        %dma_wait3A_297 = tpu.memref_slice %arg10[%run_scoped3A_252, %add3A_251, %dma_wait3A_296] : memref<2x256x128xi32, #tpu.memory_space<hbm>> -> memref<1x8x128xi32, #tpu.memory_space<hbm>>
        %dma_wait3A_298 = tpu.memref_squeeze %dma_wait3A_297 : memref<1x8x128xi32, #tpu.memory_space<hbm>> -> memref<8x128xi32, #tpu.memory_space<hbm>>
        %dma_wait3A_299 = arith.constant 0 : i32
        %dma_wait3A_300 = arith.constant 0 : i32
        %dma_wait3A_301 = tpu.memref_slice %arg15[%dma_wait3A_299, %dma_wait3A_300] : memref<40x128xi32, #tpu.memory_space<vmem>> -> memref<8x128xi32, #tpu.memory_space<vmem>>
        %dma_wait3A_302 = arith.constant 0 : i32
        %dma_wait3A_303 = tpu.memref_slice %arg10[%run_scoped3A_252, %add3A_251, %dma_wait3A_302] : memref<2x256x128xi32, #tpu.memory_space<hbm>> -> memref<1x8x128xi32, #tpu.memory_space<hbm>>
        %dma_wait3A_304 = tpu.memref_squeeze %dma_wait3A_303 : memref<1x8x128xi32, #tpu.memory_space<hbm>> -> memref<8x128xi32, #tpu.memory_space<hbm>>
        tpu.wait_dma2 semaphore(%run_scoped3A_280 : memref<!tpu.dma_semaphore, #tpu.memory_space<semaphore_mem>>) src(%dma_wait3A_304 : memref<8x128xi32, #tpu.memory_space<hbm>>) dst(%dma_wait3A_301 : memref<8x128xi32, #tpu.memory_space<vmem>>)
        tpu.yield
      }) : () -> ()
      %run_scoped3A_253 = arith.constant 1 : i32
      "tpu.region"() ({
        %run_scoped3A_280 = tpu.sem_alloc : memref<!tpu.dma_semaphore, #tpu.memory_space<semaphore_mem>>
        %dma_start3A_281 = arith.constant 0 : i32
        %dma_start3A_282 = arith.constant 0 : i32
        %dma_start3A_283 = tpu.memref_slice %arg16[%dma_start3A_281, %dma_start3A_282] : memref<40x128xi32, #tpu.memory_space<vmem>> -> memref<8x128xi32, #tpu.memory_space<vmem>>
        %dma_start3A_284 = arith.constant 0 : i32
        %dma_start3A_285 = tpu.memref_slice %arg10[%run_scoped3A_253, %add3A_251, %dma_start3A_284] : memref<2x256x128xi32, #tpu.memory_space<hbm>> -> memref<1x8x128xi32, #tpu.memory_space<hbm>>
        %dma_start3A_286 = tpu.memref_squeeze %dma_start3A_285 : memref<1x8x128xi32, #tpu.memory_space<hbm>> -> memref<8x128xi32, #tpu.memory_space<hbm>>
        %dma_start3A_287 = arith.constant 0 : i32
        %dma_start3A_288 = arith.constant 0 : i32
        %dma_start3A_289 = tpu.memref_slice %arg16[%dma_start3A_287, %dma_start3A_288] : memref<40x128xi32, #tpu.memory_space<vmem>> -> memref<8x128xi32, #tpu.memory_space<vmem>>
        %dma_start3A_290 = arith.constant 0 : i32
        %dma_start3A_291 = tpu.memref_slice %arg10[%run_scoped3A_253, %add3A_251, %dma_start3A_290] : memref<2x256x128xi32, #tpu.memory_space<hbm>> -> memref<1x8x128xi32, #tpu.memory_space<hbm>>
        %dma_start3A_292 = tpu.memref_squeeze %dma_start3A_291 : memref<1x8x128xi32, #tpu.memory_space<hbm>> -> memref<8x128xi32, #tpu.memory_space<hbm>>
        tpu.enqueue_dma source(%dma_start3A_292 : memref<8x128xi32, #tpu.memory_space<hbm>>) target(%dma_start3A_289 : memref<8x128xi32, #tpu.memory_space<vmem>>) target_semaphore(%run_scoped3A_280 : memref<!tpu.dma_semaphore, #tpu.memory_space<semaphore_mem>>)
        %dma_wait3A_293 = arith.constant 0 : i32
        %dma_wait3A_294 = arith.constant 0 : i32
        %dma_wait3A_295 = tpu.memref_slice %arg16[%dma_wait3A_293, %dma_wait3A_294] : memref<40x128xi32, #tpu.memory_space<vmem>> -> memref<8x128xi32, #tpu.memory_space<vmem>>
        %dma_wait3A_296 = arith.constant 0 : i32
        %dma_wait3A_297 = tpu.memref_slice %arg10[%run_scoped3A_253, %add3A_251, %dma_wait3A_296] : memref<2x256x128xi32, #tpu.memory_space<hbm>> -> memref<1x8x128xi32, #tpu.memory_space<hbm>>
        %dma_wait3A_298 = tpu.memref_squeeze %dma_wait3A_297 : memref<1x8x128xi32, #tpu.memory_space<hbm>> -> memref<8x128xi32, #tpu.memory_space<hbm>>
        %dma_wait3A_299 = arith.constant 0 : i32
        %dma_wait3A_300 = arith.constant 0 : i32
        %dma_wait3A_301 = tpu.memref_slice %arg16[%dma_wait3A_299, %dma_wait3A_300] : memref<40x128xi32, #tpu.memory_space<vmem>> -> memref<8x128xi32, #tpu.memory_space<vmem>>
        %dma_wait3A_302 = arith.constant 0 : i32
        %dma_wait3A_303 = tpu.memref_slice %arg10[%run_scoped3A_253, %add3A_251, %dma_wait3A_302] : memref<2x256x128xi32, #tpu.memory_space<hbm>> -> memref<1x8x128xi32, #tpu.memory_space<hbm>>
        %dma_wait3A_304 = tpu.memref_squeeze %dma_wait3A_303 : memref<1x8x128xi32, #tpu.memory_space<hbm>> -> memref<8x128xi32, #tpu.memory_space<hbm>>
        tpu.wait_dma2 semaphore(%run_scoped3A_280 : memref<!tpu.dma_semaphore, #tpu.memory_space<semaphore_mem>>) src(%dma_wait3A_304 : memref<8x128xi32, #tpu.memory_space<hbm>>) dst(%dma_wait3A_301 : memref<8x128xi32, #tpu.memory_space<vmem>>)
        tpu.yield
      }) : () -> ()
      %dma_start3A_254 = arith.constant 0 : i32
      %dma_start3A_255 = arith.constant 0 : i32
      %dma_start3A_256 = tpu.memref_slice %arg15[%dma_start3A_254, %dma_start3A_255] : memref<40x128xi32, #tpu.memory_space<vmem>> -> memref<1x128xi32, #tpu.memory_space<vmem>>
      %dma_start3A_257 = tpu.memref_squeeze %dma_start3A_256 : memref<1x128xi32, #tpu.memory_space<vmem>> -> memref<128xi32, #tpu.memory_space<vmem>>
      %dma_start3A_258 = arith.constant 0 : i32
      %dma_start3A_259 = arith.constant 0 : i32
      %dma_start3A_260 = tpu.memref_slice %arg4[%dma_start3A_258, %dma_start3A_259] : memref<10000x128xf32, #tpu.memory_space<hbm>> -> memref<10000x128xf32, #tpu.memory_space<hbm>>
      tpu.enqueue_indirect_dma source(%dma_start3A_260 : memref<10000x128xf32, #tpu.memory_space<hbm>>) target(%arg17 : memref<128x128xf32, #tpu.memory_space<vmem>>) offsets(%dma_start3A_257 : memref<128xi32, #tpu.memory_space<vmem>>) semaphore(%arg19 : memref<!tpu.dma_semaphore, #tpu.memory_space<semaphore_mem>>)
      %scan3A_261 = arith.constant 0 : i32
      %scan3A_262 = arith.constant 4 : i32
      %scan3A_263 = arith.addi %scan3A_261, %scan3A_262 : i32
      %scan3A_264 = arith.constant 1 : i32
      scf.for %scan3A_280 = %scan3A_261 to %scan3A_263 step %scan3A_264  : i32 {
        %mul3A_281 = arith.constant 2 : i32
        %mul3A_282 = arith.muli %mul3A_281, %scan3A_280 : i32
        %add3A_283 = arith.constant 0 : i32
        %add3A_284 = arith.addi %mul3A_282, %add3A_283 : i32
        %dma_wait3A_285 = arith.constant 0 : i32
        %dma_wait3A_286 = arith.constant 0 : i32
        %dma_wait3A_287 = tpu.memref_slice %arg15[%dma_wait3A_285, %dma_wait3A_286] : memref<40x128xi32, #tpu.memory_space<vmem>> -> memref<1x128xi32, #tpu.memory_space<vmem>>
        %dma_wait3A_288 = tpu.memref_squeeze %dma_wait3A_287 : memref<1x128xi32, #tpu.memory_space<vmem>> -> memref<128xi32, #tpu.memory_space<vmem>>
        %dma_wait3A_289 = arith.constant 0 : i32
        %dma_wait3A_290 = arith.constant 0 : i32
        %dma_wait3A_291 = tpu.memref_slice %arg4[%dma_wait3A_289, %dma_wait3A_290] : memref<10000x128xf32, #tpu.memory_space<hbm>> -> memref<10000x128xf32, #tpu.memory_space<hbm>>
        tpu.wait_indirect_dma semaphore(%arg19 : memref<!tpu.dma_semaphore, #tpu.memory_space<semaphore_mem>>) src(%dma_wait3A_291 : memref<10000x128xf32, #tpu.memory_space<hbm>>) dst(%arg17 : memref<128x128xf32, #tpu.memory_space<vmem>>)
        %dma_start3A_292 = arith.constant 0 : i32
        %dma_start3A_293 = tpu.memref_slice %arg16[%add3A_284, %dma_start3A_292] : memref<40x128xi32, #tpu.memory_space<vmem>> -> memref<1x128xi32, #tpu.memory_space<vmem>>
        %dma_start3A_294 = tpu.memref_squeeze %dma_start3A_293 : memref<1x128xi32, #tpu.memory_space<vmem>> -> memref<128xi32, #tpu.memory_space<vmem>>
        %dma_start3A_295 = arith.constant 0 : i32
        %dma_start3A_296 = arith.constant 0 : i32
        %dma_start3A_297 = tpu.memref_slice %arg14[%dma_start3A_295, %dma_start3A_296] : memref<10112x128xf32, #tpu.memory_space<vmem_shared>> -> memref<10112x128xf32, #tpu.memory_space<vmem_shared>>
        tpu.enqueue_indirect_dma source(%arg17 : memref<128x128xf32, #tpu.memory_space<vmem>>) target(%dma_start3A_297 : memref<10112x128xf32, #tpu.memory_space<vmem_shared>>) offsets(%dma_start3A_294 : memref<128xi32, #tpu.memory_space<vmem>>) semaphore(%arg21 : memref<!tpu.dma_semaphore, #tpu.memory_space<semaphore_mem>>) {add = true}
        %add3A_298 = arith.constant 1 : i32
        %add3A_299 = arith.addi %add3A_284, %add3A_298 : i32
        %lt3A = arith.constant 8 : i32
        %lt3A_300 = arith.cmpi slt, %add3A_299, %lt3A : i32
        %convert_element_type3A_301 = arith.extui %lt3A_300 : i1 to i32
        %cond3A_302 = arith.constant 0 : i32
        %cond3A_303 = arith.cmpi ne, %convert_element_type3A_301, %cond3A_302 : i32
        scf.if %cond3A_303 {
          %ge3A = arith.constant 1 : i32
          %ge3A_328 = arith.cmpi sge, %add3A_284, %ge3A : i32
          %convert_element_type3A_329 = arith.extui %ge3A_328 : i1 to i32
          %cond3A_330 = arith.constant 0 : i32
          %cond3A_331 = arith.cmpi ne, %convert_element_type3A_329, %cond3A_330 : i32
          scf.if %cond3A_331 {
            %dma_wait3A_340 = arith.constant 0 : i32
            %dma_wait3A_341 = arith.constant 0 : i32
            %dma_wait3A_342 = tpu.memref_slice %arg16[%dma_wait3A_340, %dma_wait3A_341] : memref<40x128xi32, #tpu.memory_space<vmem>> -> memref<1x128xi32, #tpu.memory_space<vmem>>
            %dma_wait3A_343 = tpu.memref_squeeze %dma_wait3A_342 : memref<1x128xi32, #tpu.memory_space<vmem>> -> memref<128xi32, #tpu.memory_space<vmem>>
            %dma_wait3A_344 = arith.constant 0 : i32
            %dma_wait3A_345 = arith.constant 0 : i32
            %dma_wait3A_346 = tpu.memref_slice %arg14[%dma_wait3A_344, %dma_wait3A_345] : memref<10112x128xf32, #tpu.memory_space<vmem_shared>> -> memref<10112x128xf32, #tpu.memory_space<vmem_shared>>
            tpu.wait_indirect_dma semaphore(%arg22 : memref<!tpu.dma_semaphore, #tpu.memory_space<semaphore_mem>>) src(%arg18 : memref<128x128xf32, #tpu.memory_space<vmem>>) dst(%dma_wait3A_346 : memref<10112x128xf32, #tpu.memory_space<vmem_shared>>)
          } else {
          }
          %add3A_332 = arith.constant 1 : i32
          %add3A_333 = arith.addi %add3A_284, %add3A_332 : i32
          %dma_start3A_334 = arith.constant 0 : i32
          %dma_start3A_335 = tpu.memref_slice %arg15[%add3A_333, %dma_start3A_334] : memref<40x128xi32, #tpu.memory_space<vmem>> -> memref<1x128xi32, #tpu.memory_space<vmem>>
          %dma_start3A_336 = tpu.memref_squeeze %dma_start3A_335 : memref<1x128xi32, #tpu.memory_space<vmem>> -> memref<128xi32, #tpu.memory_space<vmem>>
          %dma_start3A_337 = arith.constant 0 : i32
          %dma_start3A_338 = arith.constant 0 : i32
          %dma_start3A_339 = tpu.memref_slice %arg4[%dma_start3A_337, %dma_start3A_338] : memref<10000x128xf32, #tpu.memory_space<hbm>> -> memref<10000x128xf32, #tpu.memory_space<hbm>>
          tpu.enqueue_indirect_dma source(%dma_start3A_339 : memref<10000x128xf32, #tpu.memory_space<hbm>>) target(%arg18 : memref<128x128xf32, #tpu.memory_space<vmem>>) offsets(%dma_start3A_336 : memref<128xi32, #tpu.memory_space<vmem>>) semaphore(%arg20 : memref<!tpu.dma_semaphore, #tpu.memory_space<semaphore_mem>>)
        } else {
        }
        %mul3A_304 = arith.constant 2 : i32
        %mul3A_305 = arith.muli %mul3A_304, %scan3A_280 : i32
        %add3A_306 = arith.constant 1 : i32
        %add3A_307 = arith.addi %mul3A_305, %add3A_306 : i32
        %dma_wait3A_308 = arith.constant 0 : i32
        %dma_wait3A_309 = arith.constant 0 : i32
        %dma_wait3A_310 = tpu.memref_slice %arg15[%dma_wait3A_308, %dma_wait3A_309] : memref<40x128xi32, #tpu.memory_space<vmem>> -> memref<1x128xi32, #tpu.memory_space<vmem>>
        %dma_wait3A_311 = tpu.memref_squeeze %dma_wait3A_310 : memref<1x128xi32, #tpu.memory_space<vmem>> -> memref<128xi32, #tpu.memory_space<vmem>>
        %dma_wait3A_312 = arith.constant 0 : i32
        %dma_wait3A_313 = arith.constant 0 : i32
        %dma_wait3A_314 = tpu.memref_slice %arg4[%dma_wait3A_312, %dma_wait3A_313] : memref<10000x128xf32, #tpu.memory_space<hbm>> -> memref<10000x128xf32, #tpu.memory_space<hbm>>
        tpu.wait_indirect_dma semaphore(%arg20 : memref<!tpu.dma_semaphore, #tpu.memory_space<semaphore_mem>>) src(%dma_wait3A_314 : memref<10000x128xf32, #tpu.memory_space<hbm>>) dst(%arg18 : memref<128x128xf32, #tpu.memory_space<vmem>>)
        %dma_start3A_315 = arith.constant 0 : i32
        %dma_start3A_316 = tpu.memref_slice %arg16[%add3A_307, %dma_start3A_315] : memref<40x128xi32, #tpu.memory_space<vmem>> -> memref<1x128xi32, #tpu.memory_space<vmem>>
        %dma_start3A_317 = tpu.memref_squeeze %dma_start3A_316 : memref<1x128xi32, #tpu.memory_space<vmem>> -> memref<128xi32, #tpu.memory_space<vmem>>
        %dma_start3A_318 = arith.constant 0 : i32
        %dma_start3A_319 = arith.constant 0 : i32
        %dma_start3A_320 = tpu.memref_slice %arg14[%dma_start3A_318, %dma_start3A_319] : memref<10112x128xf32, #tpu.memory_space<vmem_shared>> -> memref<10112x128xf32, #tpu.memory_space<vmem_shared>>
        tpu.enqueue_indirect_dma source(%arg18 : memref<128x128xf32, #tpu.memory_space<vmem>>) target(%dma_start3A_320 : memref<10112x128xf32, #tpu.memory_space<vmem_shared>>) offsets(%dma_start3A_317 : memref<128xi32, #tpu.memory_space<vmem>>) semaphore(%arg22 : memref<!tpu.dma_semaphore, #tpu.memory_space<semaphore_mem>>) {add = true}
        %add3A_321 = arith.constant 1 : i32
        %add3A_322 = arith.addi %add3A_307, %add3A_321 : i32
        %lt3A_323 = arith.constant 8 : i32
        %lt3A_324 = arith.cmpi slt, %add3A_322, %lt3A_323 : i32
        %convert_element_type3A_325 = arith.extui %lt3A_324 : i1 to i32
        %cond3A_326 = arith.constant 0 : i32
        %cond3A_327 = arith.cmpi ne, %convert_element_type3A_325, %cond3A_326 : i32
        scf.if %cond3A_327 {
          %ge3A = arith.constant 1 : i32
          %ge3A_328 = arith.cmpi sge, %add3A_307, %ge3A : i32
          %convert_element_type3A_329 = arith.extui %ge3A_328 : i1 to i32
          %cond3A_330 = arith.constant 0 : i32
          %cond3A_331 = arith.cmpi ne, %convert_element_type3A_329, %cond3A_330 : i32
          scf.if %cond3A_331 {
            %dma_wait3A_340 = arith.constant 0 : i32
            %dma_wait3A_341 = arith.constant 0 : i32
            %dma_wait3A_342 = tpu.memref_slice %arg16[%dma_wait3A_340, %dma_wait3A_341] : memref<40x128xi32, #tpu.memory_space<vmem>> -> memref<1x128xi32, #tpu.memory_space<vmem>>
            %dma_wait3A_343 = tpu.memref_squeeze %dma_wait3A_342 : memref<1x128xi32, #tpu.memory_space<vmem>> -> memref<128xi32, #tpu.memory_space<vmem>>
            %dma_wait3A_344 = arith.constant 0 : i32
            %dma_wait3A_345 = arith.constant 0 : i32
            %dma_wait3A_346 = tpu.memref_slice %arg14[%dma_wait3A_344, %dma_wait3A_345] : memref<10112x128xf32, #tpu.memory_space<vmem_shared>> -> memref<10112x128xf32, #tpu.memory_space<vmem_shared>>
            tpu.wait_indirect_dma semaphore(%arg21 : memref<!tpu.dma_semaphore, #tpu.memory_space<semaphore_mem>>) src(%arg17 : memref<128x128xf32, #tpu.memory_space<vmem>>) dst(%dma_wait3A_346 : memref<10112x128xf32, #tpu.memory_space<vmem_shared>>)
          } else {
          }
          %add3A_332 = arith.constant 1 : i32
          %add3A_333 = arith.addi %add3A_307, %add3A_332 : i32
          %dma_start3A_334 = arith.constant 0 : i32
          %dma_start3A_335 = tpu.memref_slice %arg15[%add3A_333, %dma_start3A_334] : memref<40x128xi32, #tpu.memory_space<vmem>> -> memref<1x128xi32, #tpu.memory_space<vmem>>
          %dma_start3A_336 = tpu.memref_squeeze %dma_start3A_335 : memref<1x128xi32, #tpu.memory_space<vmem>> -> memref<128xi32, #tpu.memory_space<vmem>>
          %dma_start3A_337 = arith.constant 0 : i32
          %dma_start3A_338 = arith.constant 0 : i32
          %dma_start3A_339 = tpu.memref_slice %arg4[%dma_start3A_337, %dma_start3A_338] : memref<10000x128xf32, #tpu.memory_space<hbm>> -> memref<10000x128xf32, #tpu.memory_space<hbm>>
          tpu.enqueue_indirect_dma source(%dma_start3A_339 : memref<10000x128xf32, #tpu.memory_space<hbm>>) target(%arg17 : memref<128x128xf32, #tpu.memory_space<vmem>>) offsets(%dma_start3A_336 : memref<128xi32, #tpu.memory_space<vmem>>) semaphore(%arg19 : memref<!tpu.dma_semaphore, #tpu.memory_space<semaphore_mem>>)
        } else {
        }
      }
      %scan3A_265 = arith.constant 4 : i32
      %dma_wait3A_266 = arith.constant 0 : i32
      %dma_wait3A_267 = arith.constant 0 : i32
      %dma_wait3A_268 = tpu.memref_slice %arg16[%dma_wait3A_266, %dma_wait3A_267] : memref<40x128xi32, #tpu.memory_space<vmem>> -> memref<1x128xi32, #tpu.memory_space<vmem>>
      %dma_wait3A_269 = tpu.memref_squeeze %dma_wait3A_268 : memref<1x128xi32, #tpu.memory_space<vmem>> -> memref<128xi32, #tpu.memory_space<vmem>>
      %dma_wait3A_270 = arith.constant 0 : i32
      %dma_wait3A_271 = arith.constant 0 : i32
      %dma_wait3A_272 = tpu.memref_slice %arg14[%dma_wait3A_270, %dma_wait3A_271] : memref<10112x128xf32, #tpu.memory_space<vmem_shared>> -> memref<10112x128xf32, #tpu.memory_space<vmem_shared>>
      tpu.wait_indirect_dma semaphore(%arg21 : memref<!tpu.dma_semaphore, #tpu.memory_space<semaphore_mem>>) src(%arg17 : memref<128x128xf32, #tpu.memory_space<vmem>>) dst(%dma_wait3A_272 : memref<10112x128xf32, #tpu.memory_space<vmem_shared>>)
      %dma_wait3A_273 = arith.constant 0 : i32
      %dma_wait3A_274 = arith.constant 0 : i32
      %dma_wait3A_275 = tpu.memref_slice %arg16[%dma_wait3A_273, %dma_wait3A_274] : memref<40x128xi32, #tpu.memory_space<vmem>> -> memref<1x128xi32, #tpu.memory_space<vmem>>
      %dma_wait3A_276 = tpu.memref_squeeze %dma_wait3A_275 : memref<1x128xi32, #tpu.memory_space<vmem>> -> memref<128xi32, #tpu.memory_space<vmem>>
      %dma_wait3A_277 = arith.constant 0 : i32
      %dma_wait3A_278 = arith.constant 0 : i32
      %dma_wait3A_279 = tpu.memref_slice %arg14[%dma_wait3A_277, %dma_wait3A_278] : memref<10112x128xf32, #tpu.memory_space<vmem_shared>> -> memref<10112x128xf32, #tpu.memory_space<vmem_shared>>
      tpu.wait_indirect_dma semaphore(%arg22 : memref<!tpu.dma_semaphore, #tpu.memory_space<semaphore_mem>>) src(%arg18 : memref<128x128xf32, #tpu.memory_space<vmem>>) dst(%dma_wait3A_279 : memref<10112x128xf32, #tpu.memory_space<vmem_shared>>)
    } else {
    }
    %barrier3A_8 = arith.constant 0 : index
    tpu.barrier barrier_id(%barrier3A_8)
    %mul3A_9 = arith.constant 632 : i32
    %mul3A_10 = arith.muli %arg1, %mul3A_9 : i32
    %eq3A_11 = arith.constant 0 : i32
    %eq3A_12 = arith.cmpi eq, %arg0, %eq3A_11 : i32
    %convert_element_type3A_13 = arith.extui %eq3A_12 : i1 to i32
    %cond3A_14 = arith.constant 0 : i32
    %cond3A_15 = arith.cmpi ne, %convert_element_type3A_13, %cond3A_14 : i32
    scf.if %cond3A_15 {
      "tpu.region"() ({
        %run_scoped3A = tpu.sem_alloc : memref<!tpu.dma_semaphore, #tpu.memory_space<semaphore_mem>>
        %dma_start3A = arith.constant 0 : i32
        %dma_start3A_21 = tpu.memref_slice %arg12[%mul3A_10, %dma_start3A] : memref<10112x128xf32, #tpu.memory_space<hbm>> -> memref<632x128xf32, #tpu.memory_space<hbm>>
        %dma_start3A_22 = arith.constant 0 : i32
        %dma_start3A_23 = tpu.memref_slice %arg14[%mul3A_10, %dma_start3A_22] : memref<10112x128xf32, #tpu.memory_space<vmem_shared>> -> memref<632x128xf32, #tpu.memory_space<vmem_shared>>
        tpu.enqueue_dma source(%dma_start3A_23 : memref<632x128xf32, #tpu.memory_space<vmem_shared>>) target(%dma_start3A_21 : memref<632x128xf32, #tpu.memory_space<hbm>>) target_semaphore(%run_scoped3A : memref<!tpu.dma_semaphore, #tpu.memory_space<semaphore_mem>>)
        %dma_wait3A = arith.constant 0 : i32
        %dma_wait3A_24 = tpu.memref_slice %arg12[%mul3A_10, %dma_wait3A] : memref<10112x128xf32, #tpu.memory_space<hbm>> -> memref<632x128xf32, #tpu.memory_space<hbm>>
        %dma_wait3A_25 = arith.constant 0 : i32
        %dma_wait3A_26 = tpu.memref_slice %arg14[%mul3A_10, %dma_wait3A_25] : memref<10112x128xf32, #tpu.memory_space<vmem_shared>> -> memref<632x128xf32, #tpu.memory_space<vmem_shared>>
        tpu.wait_dma2 semaphore(%run_scoped3A : memref<!tpu.dma_semaphore, #tpu.memory_space<semaphore_mem>>) src(%dma_wait3A_26 : memref<632x128xf32, #tpu.memory_space<vmem_shared>>) dst(%dma_wait3A_24 : memref<632x128xf32, #tpu.memory_space<hbm>>)
        tpu.yield
      }) : () -> ()
    } else {
    }
    %eq3A_16 = arith.constant 1 : i32
    %eq3A_17 = arith.cmpi eq, %arg0, %eq3A_16 : i32
    %convert_element_type3A_18 = arith.extui %eq3A_17 : i1 to i32
    %cond3A_19 = arith.constant 0 : i32
    %cond3A_20 = arith.cmpi ne, %convert_element_type3A_18, %cond3A_19 : i32
    scf.if %cond3A_20 {
      "tpu.region"() ({
        %run_scoped3A = tpu.sem_alloc : memref<!tpu.dma_semaphore, #tpu.memory_space<semaphore_mem>>
        %dma_start3A = arith.constant 0 : i32
        %dma_start3A_21 = tpu.memref_slice %arg13[%mul3A_10, %dma_start3A] : memref<10112x128xf32, #tpu.memory_space<hbm>> -> memref<632x128xf32, #tpu.memory_space<hbm>>
        %dma_start3A_22 = arith.constant 0 : i32
        %dma_start3A_23 = tpu.memref_slice %arg14[%mul3A_10, %dma_start3A_22] : memref<10112x128xf32, #tpu.memory_space<vmem_shared>> -> memref<632x128xf32, #tpu.memory_space<vmem_shared>>
        tpu.enqueue_dma source(%dma_start3A_23 : memref<632x128xf32, #tpu.memory_space<vmem_shared>>) target(%dma_start3A_21 : memref<632x128xf32, #tpu.memory_space<hbm>>) target_semaphore(%run_scoped3A : memref<!tpu.dma_semaphore, #tpu.memory_space<semaphore_mem>>)
        %dma_wait3A = arith.constant 0 : i32
        %dma_wait3A_24 = tpu.memref_slice %arg13[%mul3A_10, %dma_wait3A] : memref<10112x128xf32, #tpu.memory_space<hbm>> -> memref<632x128xf32, #tpu.memory_space<hbm>>
        %dma_wait3A_25 = arith.constant 0 : i32
        %dma_wait3A_26 = tpu.memref_slice %arg14[%mul3A_10, %dma_wait3A_25] : memref<10112x128xf32, #tpu.memory_space<vmem_shared>> -> memref<632x128xf32, #tpu.memory_space<vmem_shared>>
        tpu.wait_dma2 semaphore(%run_scoped3A : memref<!tpu.dma_semaphore, #tpu.memory_space<semaphore_mem>>) src(%dma_wait3A_26 : memref<632x128xf32, #tpu.memory_space<vmem_shared>>) dst(%dma_wait3A_24 : memref<632x128xf32, #tpu.memory_space<hbm>>)
        tpu.yield
      }) : () -> ()
    } else {
    }
    return
  }
}

module attributes {stable_mosaic.version = 14 : i64} {
  func.func @_matmul_body(%arg0: i32, %arg1: memref<2000x128xf32, #tpu.memory_space<vmem>>, %arg2: memref<128x128xf32, #tpu.memory_space<vmem>>, %arg3: memref<128x128xf32, #tpu.memory_space<vmem>>, %arg4: memref<128x128xf32, #tpu.memory_space<vmem>>, %arg5: memref<2000x128xf32, #tpu.memory_space<vmem>>, %arg6: memref<2000x128xf32, #tpu.memory_space<vmem>>, %arg7: memref<2000x128xf32, #tpu.memory_space<vmem>>) attributes {dimension_semantics = [#tpu.dimension_semantics<arbitrary>], iteration_bounds = array<i64: 5>, scalar_prefetch = 0 : i64, scratch_operands = 0 : i64, tpu.core_type = #tpu.core_type<tc>, window_params = [{transform_indices = @transform_0, window_bounds = array<i64: 2000, 128>}, {pipeline_mode = #tpu.pipeline_mode<synchronous>, transform_indices = @transform_1, window_bounds = array<i64: 128, 128>}, {pipeline_mode = #tpu.pipeline_mode<synchronous>, transform_indices = @transform_2, window_bounds = array<i64: 128, 128>}, {pipeline_mode = #tpu.pipeline_mode<synchronous>, transform_indices = @transform_3, window_bounds = array<i64: 128, 128>}, {transform_indices = @transform_4, window_bounds = array<i64: 2000, 128>}, {transform_indices = @transform_5, window_bounds = array<i64: 2000, 128>}, {transform_indices = @transform_6, window_bounds = array<i64: 2000, 128>}]} {
    %get3A = arith.constant 0 : index
    %get3A_0 = arith.constant 0 : index
    %get3A_1 = vector.load %arg1[%get3A, %get3A_0] : memref<2000x128xf32, #tpu.memory_space<vmem>>, vector<2000x128xf32>
    %get3A_2 = arith.constant 0 : index
    %get3A_3 = arith.constant 0 : index
    %get3A_4 = vector.load %arg2[%get3A_2, %get3A_3] : memref<128x128xf32, #tpu.memory_space<vmem>>, vector<128x128xf32>
    %dot_general3A = arith.constant dense<0.000000e+00> : vector<2000x128xf32>
    %dot_general3A_5 = tpu.matmul %get3A_1, %get3A_4, %dot_general3A {dimension_numbers = #tpu.dot_dimension_numbers<[1], [0], [0], [1], [0, 0, 1, 1], [], []>, transpose_lhs_hint = false} : vector<2000x128xf32>, vector<128x128xf32>, vector<2000x128xf32> -> vector<2000x128xf32>
    %swap3A = arith.constant 0 : index
    %swap3A_6 = arith.constant 0 : index
    %swap3A_7 = vector.load %arg5[%swap3A, %swap3A_6] : memref<2000x128xf32, #tpu.memory_space<vmem>>, vector<2000x128xf32>
    tpu.vector_store %arg5[%swap3A, %swap3A_6], %dot_general3A_5 {strides = array<i32>} : memref<2000x128xf32, #tpu.memory_space<vmem>>, vector<2000x128xf32>,
    %get3A_8 = arith.constant 0 : index
    %get3A_9 = arith.constant 0 : index
    %get3A_10 = vector.load %arg3[%get3A_8, %get3A_9] : memref<128x128xf32, #tpu.memory_space<vmem>>, vector<128x128xf32>
    %dot_general3A_11 = arith.constant dense<0.000000e+00> : vector<2000x128xf32>
    %dot_general3A_12 = tpu.matmul %get3A_1, %get3A_10, %dot_general3A_11 {dimension_numbers = #tpu.dot_dimension_numbers<[1], [0], [0], [1], [0, 0, 1, 1], [], []>, transpose_lhs_hint = false} : vector<2000x128xf32>, vector<128x128xf32>, vector<2000x128xf32> -> vector<2000x128xf32>
    %swap3A_13 = arith.constant 0 : index
    %swap3A_14 = arith.constant 0 : index
    %swap3A_15 = vector.load %arg6[%swap3A_13, %swap3A_14] : memref<2000x128xf32, #tpu.memory_space<vmem>>, vector<2000x128xf32>
    tpu.vector_store %arg6[%swap3A_13, %swap3A_14], %dot_general3A_12 {strides = array<i32>} : memref<2000x128xf32, #tpu.memory_space<vmem>>, vector<2000x128xf32>,
    %get3A_16 = arith.constant 0 : index
    %get3A_17 = arith.constant 0 : index
    %get3A_18 = vector.load %arg4[%get3A_16, %get3A_17] : memref<128x128xf32, #tpu.memory_space<vmem>>, vector<128x128xf32>
    %dot_general3A_19 = arith.constant dense<0.000000e+00> : vector<2000x128xf32>
    %dot_general3A_20 = tpu.matmul %get3A_1, %get3A_18, %dot_general3A_19 {dimension_numbers = #tpu.dot_dimension_numbers<[1], [0], [0], [1], [0, 0, 1, 1], [], []>, transpose_lhs_hint = false} : vector<2000x128xf32>, vector<128x128xf32>, vector<2000x128xf32> -> vector<2000x128xf32>
    %swap3A_21 = arith.constant 0 : index
    %swap3A_22 = arith.constant 0 : index
    %swap3A_23 = vector.load %arg7[%swap3A_21, %swap3A_22] : memref<2000x128xf32, #tpu.memory_space<vmem>>, vector<2000x128xf32>
    tpu.vector_store %arg7[%swap3A_21, %swap3A_22], %dot_general3A_20 {strides = array<i32>} : memref<2000x128xf32, #tpu.memory_space<vmem>>, vector<2000x128xf32>,
    return
  }
  func.func @transform_0(%arg0: i32) -> (i32, i32) {
    %c0_i32 = arith.constant 0 : i32
    %c0_i32_0 = arith.constant 0 : i32
    return %arg0, %c0_i32 : i32, i32
  }
  func.func @transform_1(%arg0: i32) -> (i32, i32) {
    %c0_i32 = arith.constant 0 : i32
    %c0_i32_0 = arith.constant 0 : i32
    %c0_i32_1 = arith.constant 0 : i32
    return %c0_i32, %c0_i32_0 : i32, i32
  }
  func.func @transform_2(%arg0: i32) -> (i32, i32) {
    %c0_i32 = arith.constant 0 : i32
    %c0_i32_0 = arith.constant 0 : i32
    %c0_i32_1 = arith.constant 0 : i32
    return %c0_i32, %c0_i32_0 : i32, i32
  }
  func.func @transform_3(%arg0: i32) -> (i32, i32) {
    %c0_i32 = arith.constant 0 : i32
    %c0_i32_0 = arith.constant 0 : i32
    %c0_i32_1 = arith.constant 0 : i32
    return %c0_i32, %c0_i32_0 : i32, i32
  }
  func.func @transform_4(%arg0: i32) -> (i32, i32) {
    %c0_i32 = arith.constant 0 : i32
    %c0_i32_0 = arith.constant 0 : i32
    return %arg0, %c0_i32 : i32, i32
  }
  func.func @transform_5(%arg0: i32) -> (i32, i32) {
    %c0_i32 = arith.constant 0 : i32
    %c0_i32_0 = arith.constant 0 : i32
    return %arg0, %c0_i32 : i32, i32
  }
  func.func @transform_6(%arg0: i32) -> (i32, i32) {
    %c0_i32 = arith.constant 0 : i32
    %c0_i32_0 = arith.constant 0 : i32
    return %arg0, %c0_i32 : i32, i32
  }
}

module attributes {stable_mosaic.version = 14 : i64} {
  func.func @_combine_body(%arg0: i32, %arg1: memref<1000x128xf32, #tpu.memory_space<vmem>>, %arg2: memref<1000x128xf32, #tpu.memory_space<vmem>>, %arg3: memref<1x128xf32, #tpu.memory_space<vmem>>, %arg4: memref<1000x128xf32, #tpu.memory_space<vmem>>) attributes {dimension_semantics = [#tpu.dimension_semantics<arbitrary>], iteration_bounds = array<i64: 10>, scalar_prefetch = 0 : i64, scratch_operands = 0 : i64, tpu.core_type = #tpu.core_type<tc>, window_params = [{transform_indices = @transform_0, window_bounds = array<i64: 1000, 128>}, {transform_indices = @transform_1, window_bounds = array<i64: 1000, 128>}, {pipeline_mode = #tpu.pipeline_mode<synchronous>, transform_indices = @transform_2, window_bounds = array<i64: 1, 128>}, {transform_indices = @transform_3, window_bounds = array<i64: 1000, 128>}]} {
    %get3A = arith.constant 0 : index
    %get3A_0 = arith.constant 0 : index
    %get3A_1 = vector.load %arg1[%get3A, %get3A_0] : memref<1000x128xf32, #tpu.memory_space<vmem>>, vector<1000x128xf32>
    %get3A_2 = arith.constant 0 : index
    %get3A_3 = arith.constant 0 : index
    %get3A_4 = vector.load %arg2[%get3A_2, %get3A_3] : memref<1000x128xf32, #tpu.memory_space<vmem>>, vector<1000x128xf32>
    %add3A = arith.addf %get3A_1, %get3A_4 : vector<1000x128xf32>
    %get3A_5 = arith.constant 0 : index
    %get3A_6 = arith.constant 0 : index
    %get3A_7 = vector.load %arg3[%get3A_5, %get3A_6] : memref<1x128xf32, #tpu.memory_space<vmem>>, vector<1x128xf32>
    %add3A_8 = vector.broadcast %get3A_7 : vector<1x128xf32> to vector<1000x128xf32>
    %add3A_9 = arith.addf %add3A, %add3A_8 : vector<1000x128xf32>
    %swap3A = arith.constant 0 : index
    %swap3A_10 = arith.constant 0 : index
    %swap3A_11 = vector.load %arg4[%swap3A, %swap3A_10] : memref<1000x128xf32, #tpu.memory_space<vmem>>, vector<1000x128xf32>
    tpu.vector_store %arg4[%swap3A, %swap3A_10], %add3A_9 {strides = array<i32>} : memref<1000x128xf32, #tpu.memory_space<vmem>>, vector<1000x128xf32>,
    return
  }
  func.func @transform_0(%arg0: i32) -> (i32, i32) {
    %c0_i32 = arith.constant 0 : i32
    %c0_i32_0 = arith.constant 0 : i32
    return %arg0, %c0_i32 : i32, i32
  }
  func.func @transform_1(%arg0: i32) -> (i32, i32) {
    %c0_i32 = arith.constant 0 : i32
    %c0_i32_0 = arith.constant 0 : i32
    return %arg0, %c0_i32 : i32, i32
  }
  func.func @transform_2(%arg0: i32) -> (i32, i32) {
    %c0_i32 = arith.constant 0 : i32
    %c0_i32_0 = arith.constant 0 : i32
    %c0_i32_1 = arith.constant 0 : i32
    return %c0_i32, %c0_i32_0 : i32, i32
  }
  func.func @transform_3(%arg0: i32) -> (i32, i32) {
    %c0_i32 = arith.constant 0 : i32
    %c0_i32_0 = arith.constant 0 : i32
    return %arg0, %c0_i32 : i32, i32
  }
}

</mosaic_0001>

<sc_bundles>
// kernel: kernel.5.cloned.1.call-start
scs
__scs_entry_jumppad:
0x0: {  	(pc) =	sbr.rel $0x88, $3  }
0x1: {  	(tag) =	ssettag $0x0;
	lr =	simm.s32 $0x1  }
0x2: {  	[smem:$0x3F99] =	sst lr;
	_ =	strace $0xD0000000  }
0x3: {  	_ = 	snop  }
0x4: {  	_ = 	snop  }
0x5: {  	_ = 	snop  }
0x6: {  	_ = 	snop  }
0x7: {  	_ = 	snop  }
__scs_overlays_trampoline_lowered:
0x8: {  	[smem:$0x3FA8] =	sst s0  }
0x9: {  	[smem:$0x3FA9] =	sst s1  }
0xa: {  	[smem:$0x3FAA] =	sst s2  }
0xb: {  	[smem:$0x3FAB] =	sst s3  }
0xc: {  	[smem:$0x3FAC] =	sst s4  }
0xd: {  	[smem:$0x3FAD] =	sst s5  }
0xe: {  	[smem:$0x3FAE] =	sst s6  }
0xf: {  	[smem:$0x3FAF] =	sst s7  }
0x10: {  	[smem:$0x3FB0] =	sst s8  }
0x11: {  	[smem:$0x3FB1] =	sst s9;
	s0 =	simm.s32 @!p0 $0x0  }
0x12: {  	s1 =	sld [smem:$0x3F97];
	s0 =	simm.s32 @p0 $0x1  }
0x13: {  	[smem:$0x3FB2] =	sst s0;
	s0 =	simm.s32 @!p1 $0x0  }
0x14: {  	s2 =	sld [smem:$0x3F96];
	s0 =	simm.s32 @p1 $0x1  }
0x15: {  	[smem:$0x3FB3] =	sst s0;
	s0 =	simm.s32 @!p2 $0x0  }
0x16: {  	s3 =	sld [smem:$0x3FDB];
	s0 =	simm.s32 @p2 $0x1  }
0x17: {  	s4 =	simm.s32 $0x1BF5;
	[smem:$0x3FB5] =	sst s0  }
0x18: {  	s0 =	sld [smem:$0x3F98];
	_ =	swait.ge [sflag:s4], $0x0  }
0x19: {  	s7 =	sld [smem:$0x3F99]  }
0x1a: {  	s8 =	sadd.s32 $0xFFFFE003, lr  }
0x1b: {  	s9 =	sadd.s32 $0xFFFFFEF7, lr;
	s5 =	simm.s32 $0xFFFFFFFF;
	p2 =	slt.u32 s8, $0xFFFFF086  }
0x1c: {  	p1 =	slt.u32 s9, $0xF7A;
	s5 =	simm.s32 @!p2 $0x0  }
0x1d: {  	s5 =	simm.s32 @p1 $0x1;
	p0 =	seq.s32 s7, s2  }
0x1e: {  	s7 =	smul.u32 @!p0 $0xF7A, s2;
	p2 =	seq.s32 @!p0 s5, $0x0  }
0x1f: {  	s9 =	smul.u32 $0xF7A, s1;
	s8 =	simm.s32 @!p0 $0x1BF5;
	p2 =	por !p2, p0  }
0x20: {  	[sflag:s8] =	ssyncset.s32 @!p0 $0xFFFFF086;
	s6 =	sadd.s32 @!p0 s3, s7;
	s7 =	simm.s32 @!p0 $0x108  }
0x21: {  	s3 =	sadd.s32 s3, s9;
	s6 =	sadd.s32 @!p0 $0x88, s6;
	s7 =	simm.s32 @p2 $0x1082  }
0x22: {  	[simem:s7], [sflag:s8] =	dma.local @!p0 [hbm:s6], $0xF7A  }
0x23: {  	s9 =	sor.u32 $0xD0000000, s2;
	s6 =	simm.s32 $0x108;
	_ =	swait.ge @!p0 [sflag:s8], $0x0  }
0x24: {  	s3 =	sadd.s32 $0x88, s3;
	s6 =	simm.s32 @!p1 $0x1082;
	[sflag:s4] =	ssyncset.s32 $0xFFFFF086  }
0x25: {  	[simem:s6], [sflag:s4] =	dma.local [hbm:s3], $0xF7A  }
0x26: {  	[smem:$0x3F99] =	sst s1;
	(tag) =	ssettag s2;
	_ =	strace s9  }
0x27: {  	s1 =	sld [smem:$0x3FA9]  }
0x28: {  	s2 =	sld [smem:$0x3FAA]  }
0x29: {  	s4 =	sld [smem:$0x3FAC]  }
0x2a: {  	p0 =	seq.s32 s5, $0x0;
	s5 =	sld [smem:$0x3FAD]  }
0x2b: {  	s6 =	sld [smem:$0x3FAE]  }
0x2c: {  	s7 =	sld [smem:$0x3FAF]  }
0x2d: {  	s3 =	simm.s32 $0x108;
	s8 =	sld [smem:$0x3FB0]  }
0x2e: {  	s3 =	simm.s32 @!p0 $0x1082;
	s9 =	sld [smem:$0x3FB1]  }
0x2f: {  	lr =	sadd.s32 s0, s3;
	s0 =	sld [smem:$0x3FA8]  }
0x30: {  	s3 =	sld [smem:$0x3FAB]  }
0x31: {  	[smem:$0x3FB4] =	sst s10  }
0x32: {  	s10 =	sld [smem:$0x3FB2];
	_ =	sdelay $0x3  }
0x33: {  	p0 =	seq.s32 s10, $0x1;
	s10 =	sld [smem:$0x3FB4];
	_ =	sdelay $0x3  }
0x34: {  	[smem:$0x3FB4] =	sst s10  }
0x35: {  	s10 =	sld [smem:$0x3FB3];
	_ =	sdelay $0x3  }
0x36: {  	p1 =	seq.s32 s10, $0x1;
	s10 =	sld [smem:$0x3FB4];
	_ =	sdelay $0x3  }
0x37: {  	[smem:$0x3FB4] =	sst s10  }
0x38: {  	s10 =	sld [smem:$0x3FB5]  }
0x39: {  	_ = 	snop;
	(pc) =	sbr.ind lr, $3  }
0x3a: {  	_ = 	snop  }
0x3b: {  	_ = 	snop  }
0x3c: {  	p2 =	seq.s32 s10, $0x1;
	s10 =	sld [smem:$0x3FB4]  }
0x3d: {  	_ =	shalt  }
0x3e: {  	_ =	shalt  }
0x3f: {  	_ =	shalt  }
0x40: {  	_ =	shalt  }
0x41: {  	_ =	shalt  }
0x42: {  	_ =	shalt  }
0x43: {  	_ =	shalt  }
0x44: {  	_ =	shalt  }
0x45: {  	_ =	shalt  }
0x46: {  	_ =	shalt  }
0x47: {  	_ =	shalt  }
0x48: {  	_ =	shalt  }
0x49: {  	_ =	shalt  }
0x4a: {  	_ =	shalt  }
0x4b: {  	_ =	shalt  }
0x4c: {  	_ =	shalt  }
0x4d: {  	_ =	shalt  }
0x4e: {  	_ =	shalt  }
0x4f: {  	_ =	shalt  }
0x50: {  	_ =	shalt  }
0x51: {  	_ =	shalt  }
0x52: {  	_ =	shalt  }
0x53: {  	_ =	shalt  }
0x54: {  	_ =	shalt  }
0x55: {  	_ =	shalt  }
0x56: {  	_ =	shalt  }
0x57: {  	_ =	shalt  }
0x58: {  	_ =	shalt  }
0x59: {  	_ =	shalt  }
0x5a: {  	_ =	shalt  }
0x5b: {  	_ =	shalt  }
0x5c: {  	_ =	shalt  }
0x5d: {  	_ =	shalt  }
0x5e: {  	_ =	shalt  }
0x5f: {  	_ =	shalt  }
0x60: {  	_ =	shalt  }
0x61: {  	_ =	shalt  }
0x62: {  	_ =	shalt  }
0x63: {  	_ =	shalt  }
0x64: {  	_ =	shalt  }
0x65: {  	_ =	shalt  }
0x66: {  	_ =	shalt  }
0x67: {  	_ =	shalt  }
0x68: {  	_ =	shalt  }
0x69: {  	_ =	shalt  }
0x6a: {  	_ =	shalt  }
0x6b: {  	_ =	shalt  }
0x6c: {  	_ =	shalt  }
0x6d: {  	_ =	shalt  }
0x6e: {  	_ =	shalt  }
0x6f: {  	_ =	shalt  }
0x70: {  	_ =	shalt  }
0x71: {  	_ =	shalt  }
0x72: {  	_ =	shalt  }
0x73: {  	_ =	shalt  }
0x74: {  	_ =	shalt  }
0x75: {  	_ =	shalt  }
0x76: {  	_ =	shalt  }
0x77: {  	_ =	shalt  }
0x78: {  	_ =	shalt  }
0x79: {  	_ =	shalt  }
0x7a: {  	_ =	shalt  }
0x7b: {  	_ =	shalt  }
0x7c: {  	_ =	shalt  }
0x7d: {  	_ =	shalt  }
0x7e: {  	_ =	shalt  }
0x7f: {  	_ =	shalt  }
0x80: {  	_ =	shalt  }
0x81: {  	_ =	shalt  }
0x82: {  	_ =	shalt  }
0x83: {  	_ =	shalt  }
0x84: {  	_ =	shalt  }
0x85: {  	_ =	shalt  }
0x86: {  	_ =	shalt  }
0x87: {  	_ =	shalt  }
.Lfunc_end0:
.L_simem_size_0:
called_computation_lowered:
.L_overlay_start_0:
0x88: {  	s2 =	sld [smem:$0x3FD9]  }
0x89: {  	s3 =	sld [smem:$0x3FFE];
	_ =	sdelay $0x1  }
0x8a: {  	s1 =	srdreg.scid  }
0x8b: {  	s0 =	sand.u32 $0x1, s1  }
0x8c: {  	s17 =	sshll.u32 s0, $0xA;
	s2 =	sadd.s32 s3, s2  }
0x8d: {  	s2 =	sadd.s32 s2, s17  }
0x8e: {  	[smem:$0x3FC0] =	sst s2  }
0x8f: {  	_ = 	snop  }
0x90: {  	s2 =	sld [smem:$0x3FD0];
	(tm) =	ssettm $0x1  }
0x91: {  	s18 =	sld [smem:$0x3FFB];
	_ =	sdelay $0x3  }
0x92: {  	_ =	strace s18  }
0x93: {  	s3 =	sld [smem:$0x3FFC];
	_ =	sdelay $0x3  }
0x94: {  	_ =	strace s3  }
0x95: {  	s3 =	sld [smem:$0x3FFD];
	_ =	sdelay $0x3  }
0x96: {  	_ =	strace s3  }
0x97: {  	_ =	strace $0x8FFFFFFF  }
0x98: {  	s19 =	sld [smem:$0x3FDB];
	_ =	sdelay $0x1  }
0x99: {  	s4 =	simm.s32 $_scs_section_size  }
0x9a: {  	s5 =	simm.s32 $_size__tile_overlayer_lowered;
	s6 =	simm.s32 $_tile_overlayer_lowered  }
0x9b: {  	s22 =	simm.s32 $0x1BFF;
	s21 =	sshll.u32 s6, $0x1;
	s3 =	sadd.s32 s4, s19  }
0x9c: {  	s7 =	simm.s32 $0x0;
	s20 =	sshll.u32 s5, $0x1;
	s5 =	sadd.s32 s21, s3  }
0x9d: {  	[timem:s7], [sflag:s22] =	dma.local [hbm:s5], s20  }
0x9e: {  	_ =	swait.ge [sflag:s22], s20  }
0x9f: {  	s4 =	ssub.s32 $0x0, s20;
	[sflag:s22] =	ssyncset.done $0x0  }
0xa0: {  	[sflag:s22] =	ssyncadd.s32 s4;
	_ =	sdelay $0x1  }
0xa1: {  	s23 =	simm.s32 $0x1B8B  }
0xa2: {  	_ =	swait.ge [sflag:s23], $0x1  }
0xa3: {  	[sflag:s23] =	ssyncset.done $0x0  }
0xa4: {  	s25 =	simm.s32 $0x1B8E;
	s24 =	sld [smem:$0x3FFE];
	[sflag:s23] =	ssyncadd.s32 $0xFFFFFFFF  }
0xa5: {  	s26 =	simm.s32 $execute0_lowered;
	[smem:$0x3FD2] =	sst s25  }
0xa6: {  	s5 =	sshll.u32 s26, $0x1;
	_ =	strace $0x80000046;
	[dreg:$0x1] =	wrdreg $0xFFFFFFFF  }
0xa7: {  	s28 =	simm.s32 $_size_execute0_lowered;
	s3 =	sadd.s32 s3, s5;
	[dreg:$0x0] =	wrdreg $0x0  }
0xa8: {  	s5 =	sshll.u32 s28, $0x1;
	[dreg:$0x2] =	wrdreg s3  }
0xa9: {  	[dreg:$0x3] =	wrdreg s5  }
0xaa: {  	[dreg:$0x4] =	wrdreg $0xC0  }
0xab: {  	_ =	task [dreg:s7], $0x5FFFF  }
0xac: {  	[dreg:$0x1] =	wrdreg $0xFFFFFFFF  }
0xad: {  	[dreg:$0x0] =	wrdreg $0x60  }
0xae: {  	[dreg:$0x2] =	wrdreg s2  }
0xaf: {  	[dreg:$0x3] =	wrdreg s24  }
0xb0: {  	[dreg:$0x4] =	wrdreg $0x0  }
0xb1: {  	[dreg:$0x5] =	wrdreg $0x9  }
0xb2: {  	_ =	task.clear_ibuf [dreg:s7], $0x6FFFF;
	_ =	strace $0x90000046  }
0xb3: {  	s29 =	simm.s32 $0x9;
	_ =	strace $0x80000048  }
0xb4: {  	_ =	swait.ge [sflag:s29], $0x1  }
0xb5: {  	[sflag:s29] =	ssyncadd.s32 $0xFFFFFFFF  }
0xb6: {  	_ =	strace $0x90000048  }
0xb7: {  	_ =	sfence  }
0xb8: {  	s30 =	sld [smem:$0x0];
	_ =	sdelay $0x2  }
0xb9: {  	s31 =	sshll.u32 s1, $0xD;
	s1 =	sshrl.u32 s1, $0x2  }
0xba: {  	s3 =	sand.u32 $0x4000, s31;
	s1 =	sadd.s32 s1, s30  }
0xbb: {  	s0 =	sor.u32 s3, s0;
	s1 =	sshll.u32 s1, $0x11  }
0xbc: {  	s0 =	sor.u32 s1, s0  }
0xbd: {  	s0 =	sadd.s32 $0x8F2B, s0  }
0xbe: {  	[sflag:s0] =	ssyncadd.remote.s32 $0x1  }
0xbf: {  	_ =	sfence.sel $0xFFFF  }
0xc0: {  	[dreg:$0x0] =	wrdreg $0xFFFFFFFF;
	(pc) =	sbr.abs _section_cstart, $3  }
0xc1: {  	[dreg:$0x1] =	wrdreg $0xFFFFFFFF  }
0xc2: {  	_ =	task.clear_ibuf [dreg:s7], $0x2FFFF;
	_ =	strace $0x9FFFFFFF  }
0xc3: {  	(tm) =	ssettm $0x7FFFFFFF  }
tec
execute0_lowered:
.L_overlay_start_1:
0x0: {  	(tag) =	ssettag $0x1  }
0x1: {  	s1 =	rddreg [dreg:$0x0];
	s14 =	stileid.u32  }
0x2: {  	s0 =	rddreg [dreg:$0x1];
	s6 =	smul.u32 $0x2400, s14  }
0x3: {  	s3 =	rddreg [dreg:$0x2];
	s4 =	simm.s32 $0x0  }
0x4: {  	[smem:$0x7FF] =	sst s4;
	s7 =	sadd.s32 $0x21A00, s0;
	s6 =	sshrl.u32 s6, $0x3  }
0x5: {  	s9 =	sadd.s32 $0xFA00, s0;
	_ =	strace $0x80000047;
	s11 =	sadd.s32 $0x4800, s6  }
0x6: {  	s17 =	sadd.s32 $0xD800, s6;
	s18 =	sadd.s32 $0x4A80, s6;
	s13 =	sadd.s32 $0xDA80, s6  }
0x7: {  	s22 =	sadd.s32 s7, s6;
	s23 =	sadd.s32 $0x9000, s6;
	s24 =	sadd.s32 $0x280, s6  }
0x8: {  	s30 =	sadd.s32 $0x9280, s6;
	s6 =	sadd.s32 s9, s6;
	[dreg:$0xc] =	wrdreg s22  }
0x9: {  	s16 =	sadd.s32 s7, s11;
	[dreg:$0x10] =	wrdreg s6  }
0xa: {  	s2 =	srdreg.scid;
	s12 =	sadd.s32 s7, s17;
	[dreg:$0x4] =	wrdreg s16  }
0xb: {  	s2 =	sand.u32 $0x1, s2;
	s15 =	sadd.s32 s7, s18;
	[dreg:$0x5] =	wrdreg s12  }
0xc: {  	s8 =	ssub.s32 $0x2, s2;
	s19 =	sadd.s32 s7, s13;
	[dreg:$0x6] =	wrdreg s15  }
0xd: {  	s10 =	sshrl.u32 s8, $0x1;
	s11 =	sadd.s32 s9, s11;
	[dreg:$0x7] =	wrdreg s19  }
0xe: {  	s8 =	ssub.s32 s8, s10;
	s10 =	sadd.s32 s9, s17;
	[dreg:$0x8] =	wrdreg s11  }
0xf: {  	s20 =	sadd.s32 s9, s18;
	[dreg:$0x9] =	wrdreg s10  }
0x10: {  	s21 =	sadd.s32 s9, s13;
	[dreg:$0xa] =	wrdreg s20  }
0x11: {  	s28 =	simm.s32 $0x15280;
	s25 =	sadd.s32 s7, s23;
	[dreg:$0xb] =	wrdreg s21  }
0x12: {  	s5 =	sadd.s32 $0x33A00, s0;
	s26 =	sadd.s32 s7, s24;
	[dreg:$0xd] =	wrdreg s25  }
0x13: {  	p0 =	sne.s32 s2, $0x0;
	s7 =	sadd.s32 s7, s30;
	[dreg:$0xe] =	wrdreg s26  }
0x14: {  	s13 =	sadd.s32 s9, s23;
	s17 =	sshll.u32 s14, $0x9;
	[dreg:$0xf] =	wrdreg s7  }
0x15: {  	s22 =	sadd.s32 $0x5AC00, s0;
	[dreg:$0x11] =	wrdreg s13;
	s15 =	sadd.s32 s9, s24  }
0x16: {  	s18 =	sadd.s32 $0xDA00, s0;
	s16 =	sadd.s32 s9, s30;
	[dreg:$0x12] =	wrdreg s15  }
0x17: {  	s23 =	sadd.s32 $0xBA00, s0;
	s20 =	sadd.s32 $0x81E00, s0;
	[dreg:$0x13] =	wrdreg s16  }
0x18: {  	s2 =	sadd.s32 s17, s0;
	s21 =	sadd.s32 $0x84600, s0;
	[dreg:$0x14] =	wrdreg s20  }
0x19: {  	s7 =	sadd.s32 $0x9A00, s0;
	s0 =	sadd.s32 $0xABE00, s0;
	[dreg:$0x15] =	wrdreg s21  }
0x1a: {  	s29 =	simm.s32 $0x15300;
	s25 =	sshll.u32 s14, $0x7;
	[dreg:$0x16] =	wrdreg s0  }
0x1b: {  	s19 =	smul.u32 $0x4F000, s14;
	s15 =	sadd.s32 s18, s25;
	[dreg:$0x17] =	wrdreg s25  }
0x1c: {  	s26 =	sshll.u32 s14, $0x6;
	s30 =	sor.u32 $0x800, s25;
	[dreg:$0x1d] =	wrdreg s15  }
0x1d: {  	s9 =	simm.s32 $0x1A400;
	s12 =	sor.u32 $0x1800, s25;
	[dreg:$0x19] =	wrdreg s30  }
0x1e: {  	s10 =	simm.s32 $0x2;
	s16 =	sor.u32 $0x1000, s25;
	[dreg:$0x1b] =	wrdreg s12  }
0x1f: {  	s31 =	sor.u32 $0x1C05, s26;
	s20 =	sadd.s32 $0x3A00, s2;
	[dreg:$0x1e] =	wrdreg s16  }
0x20: {  	s21 =	sadd.s32 $0x7A00, s2;
	s26 =	smax.u32 s8, $0x1;
	[smem:$0x7F8] =	sst s20  }
0x21: {  	s8 =	simm.s32 $0x13E80;
	s24 =	sshrl.u32 s19, $0x2;
	[smem:$0x7F9] =	sst s21  }
0x22: {  	s11 =	sadd.s32 s18, s30;
	s13 =	sadd.s32 s18, s12;
	[smem:$0x7FC] =	sst s26  }
0x23: {  	s6 =	sadd.s32 s18, s16;
	s17 =	sadd.s32 s7, s30;
	[dreg:$0x1a] =	wrdreg s11  }
0x24: {  	s18 =	sadd.s32 s7, s25;
	s19 =	sadd.s32 s7, s16;
	[dreg:$0x1c] =	wrdreg s13  }
0x25: {  	s25 =	sadd.s32 $0x5A00, s2;
	s30 =	smul.u32 $0x2780, s14;
	[dreg:$0x1f] =	wrdreg s6  }
0x26: {  	s20 =	simm.s32 $0x5;
	s21 =	simm.s32 $0x13C00;
	[smem:$0x7F4] =	sst s17  }
0x27: {  	s26 =	simm.s32 $0x1;
	s14 =	simm.s32 $0x4;
	[smem:$0x7F6] =	sst s18  }
0x28: {  	s15 =	simm.s32 $0x0;
	s0 =	sadd.s32 s24, s3;
	[smem:$0x7F7] =	sst s19  }
0x29: {  	s24 =	sadd.s32 $0x1A00, s2;
	[smem:$0x7FB] =	sst s25;
	s6 =	simm.s32 $0x80  }
.Ltmp0:
0x2a: {  	s25 =	simm.s32 $0x16400;
	s11 =	simm.s32 $0x15080;
	(pc) =	sbr.rel .LBB2_1-.Ltmp0, $4  }
0x2b: {  	s13 =	simm.s32 $0x13D00;
	s18 =	simm.s32 $0x13F80;
	[dreg:$0x18] =	wrdreg s0  }
0x2c: {  	s19 =	simm.s32 $0x15380;
	s0 =	sadd.s32 s7, s12;
	[smem:$0x7FA] =	sst s24  }
0x2d: {  	[smem:$0x7FD] =	sst s30;
	s7 =	simm.s32 $0x13C80;
	s12 =	simm.s32 $0x3  }
0x2e: {  	s24 =	simm.s32 $0x13F00;
	[smem:$0x7F5] =	sst s0;
	s0 =	simm.s32 $0x15000  }
.LBB2_32:
0x2f: {  	s2 =	rddreg [dreg:$0x19]  }
0x30: {  	s30 =	rddreg [dreg:$0x1b]  }
0x31: {  	s17 =	rddreg [dreg:$0x16]  }
.LBB2_33:
0x32: {  	_ =	swait.ge [sflag:s14], $0x4000  }
0x33: {  	[sflag:s14] =	ssyncset.done $0x0  }
0x34: {  	s2 =	sadd.s32 s23, s2;
	[sflag:s14] =	ssyncadd.s32 $0xFFFFC000  }
0x35: {  	[tilespmem:s21], [sflag:$0x5] =	stream.linear.gather [hbm4b:s2+s4], $0x400, $0x38;
	[tilespmem:$0x1E400] =	vst v63  }
0x36: {  	_ =	swait.ge [sflag:s20], $0x400  }
0x37: {  	[sflag:s20] =	ssyncset.done $0x0  }
0x38: {  	s30 =	sadd.s32 s23, s30;
	[sflag:s20] =	ssyncadd.s32 $0xFFFFFC00  }
0x39: {  	[tilespmem:s0], [sflag:$0x5] =	stream.linear.gather [hbm4b:s30+s4], $0x400, $0x38;
	[tilespmem:$0x1E400] =	vst v63  }
0x3a: {  	_ =	swait.ge [sflag:s20], $0x400  }
0x3b: {  	[sflag:s20] =	ssyncset.done $0x0  }
0x3c: {  	[sflag:s20] =	ssyncadd.s32 $0xFFFFFC00  }
0x3d: {  	[tilespmem:s25], [sflag:$0x1] =	stream.indirect.gather [hbm4b:s22+s6], $0x80, s21, s6, $0xb8;
	[tilespmem:$0x1E400] =	vst v63  }
0x3e: {  	_ =	swait.ge [sflag:s26], $0x4000  }
0x3f: {  	[sflag:s26] =	ssyncset.done $0x0  }
0x40: {  	[sflag:s26] =	ssyncadd.s32 $0xFFFFC000  }
0x41: {  	[spmem:s3] =	stream.indirect.scatter.add.f32 [tilespmem:s25], [sflag:$0x3], $0x80, s0, s6, $0xb8;
	[tilespmem:$0x1E400] =	vst v63  }
0x42: {  	_ = 	snop  }
0x43: {  	[tilespmem:s9], [sflag:$0x2] =	stream.indirect.gather [hbm4b:s22+s6], $0x80, s7, s6, $0xb8;
	[tilespmem:$0x1E400] =	vst v63  }
0x44: {  	_ =	swait.ge [sflag:s10], $0x4000  }
0x45: {  	[sflag:s10] =	ssyncset.done $0x0  }
0x46: {  	[sflag:s10] =	ssyncadd.s32 $0xFFFFC000  }
0x47: {  	[spmem:s3] =	stream.indirect.scatter.add.f32 [tilespmem:s9], [sflag:$0x4], $0x80, s11, s6, $0xb8;
	[tilespmem:$0x1E400] =	vst v63  }
0x48: {  	_ =	swait.ge [sflag:s12], $0x4000  }
0x49: {  	[sflag:s12] =	ssyncset.done $0x0  }
0x4a: {  	[sflag:s12] =	ssyncadd.s32 $0xFFFFC000  }
0x4b: {  	[tilespmem:s25], [sflag:$0x1] =	stream.indirect.gather [hbm4b:s22+s6], $0x80, s13, s6, $0xb8;
	[tilespmem:$0x1E400] =	vst v63  }
0x4c: {  	_ =	swait.ge [sflag:s26], $0x4000  }
0x4d: {  	[sflag:s26] =	ssyncset.done $0x0  }
0x4e: {  	s30 =	simm.s32 $0x15100;
	[sflag:s26] =	ssyncadd.s32 $0xFFFFC000  }
0x4f: {  	[spmem:s3] =	stream.indirect.scatter.add.f32 [tilespmem:s25], [sflag:$0x3], $0x80, s30, s6, $0xb8;
	[tilespmem:$0x1E400] =	vst v63  }
0x50: {  	_ =	swait.ge [sflag:s14], $0x4000  }
0x51: {  	[sflag:s14] =	ssyncset.done $0x0  }
0x52: {  	s30 =	simm.s32 $0x13D80;
	[sflag:s14] =	ssyncadd.s32 $0xFFFFC000  }
0x53: {  	[tilespmem:s9], [sflag:$0x2] =	stream.indirect.gather [hbm4b:s22+s6], $0x80, s30, s6, $0xb8;
	[tilespmem:$0x1E400] =	vst v63  }
0x54: {  	_ =	swait.ge [sflag:s10], $0x4000  }
0x55: {  	[sflag:s10] =	ssyncset.done $0x0  }
0x56: {  	s30 =	simm.s32 $0x15180;
	[sflag:s10] =	ssyncadd.s32 $0xFFFFC000  }
0x57: {  	[spmem:s3] =	stream.indirect.scatter.add.f32 [tilespmem:s9], [sflag:$0x4], $0x80, s30, s6, $0xb8;
	[tilespmem:$0x1E400] =	vst v63  }
0x58: {  	_ =	swait.ge [sflag:s12], $0x4000  }
0x59: {  	[sflag:s12] =	ssyncset.done $0x0  }
0x5a: {  	s30 =	simm.s32 $0x13E00;
	[sflag:s12] =	ssyncadd.s32 $0xFFFFC000  }
0x5b: {  	[tilespmem:s25], [sflag:$0x1] =	stream.indirect.gather [hbm4b:s22+s6], $0x80, s30, s6, $0xb8;
	[tilespmem:$0x1E400] =	vst v63  }
0x5c: {  	_ =	swait.ge [sflag:s26], $0x4000  }
0x5d: {  	[sflag:s26] =	ssyncset.done $0x0  }
0x5e: {  	s30 =	simm.s32 $0x15200;
	[sflag:s26] =	ssyncadd.s32 $0xFFFFC000  }
0x5f: {  	[spmem:s3] =	stream.indirect.scatter.add.f32 [tilespmem:s25], [sflag:$0x3], $0x80, s30, s6, $0xb8;
	[tilespmem:$0x1E400] =	vst v63  }
0x60: {  	_ =	swait.ge [sflag:s14], $0x4000  }
0x61: {  	[sflag:s14] =	ssyncset.done $0x0  }
0x62: {  	[sflag:s14] =	ssyncadd.s32 $0xFFFFC000  }
0x63: {  	[tilespmem:s9], [sflag:$0x2] =	stream.indirect.gather [hbm4b:s22+s6], $0x80, s8, s6, $0xb8;
	[tilespmem:$0x1E400] =	vst v63  }
0x64: {  	_ =	swait.ge [sflag:s10], $0x4000  }
0x65: {  	[sflag:s10] =	ssyncset.done $0x0  }
0x66: {  	[sflag:s10] =	ssyncadd.s32 $0xFFFFC000  }
0x67: {  	[spmem:s3] =	stream.indirect.scatter.add.f32 [tilespmem:s9], [sflag:$0x4], $0x80, s28, s6, $0xb8;
	[tilespmem:$0x1E400] =	vst v63  }
0x68: {  	_ =	swait.ge [sflag:s12], $0x4000  }
0x69: {  	[sflag:s12] =	ssyncset.done $0x0  }
0x6a: {  	[sflag:s12] =	ssyncadd.s32 $0xFFFFC000  }
0x6b: {  	[tilespmem:s25], [sflag:$0x1] =	stream.indirect.gather [hbm4b:s22+s6], $0x80, s24, s6, $0xb8;
	[tilespmem:$0x1E400] =	vst v63  }
0x6c: {  	_ =	swait.ge [sflag:s26], $0x4000  }
0x6d: {  	[sflag:s26] =	ssyncset.done $0x0  }
0x6e: {  	[sflag:s26] =	ssyncadd.s32 $0xFFFFC000  }
0x6f: {  	[spmem:s3] =	stream.indirect.scatter.add.f32 [tilespmem:s25], [sflag:$0x3], $0x80, s29, s6, $0xb8;
	[tilespmem:$0x1E400] =	vst v63  }
0x70: {  	_ =	swait.ge [sflag:s14], $0x4000  }
0x71: {  	[sflag:s14] =	ssyncset.done $0x0  }
0x72: {  	[sflag:s14] =	ssyncadd.s32 $0xFFFFC000  }
0x73: {  	[tilespmem:s9], [sflag:$0x2] =	stream.indirect.gather [hbm4b:s22+s6], $0x80, s18, s6, $0xb8;
	[tilespmem:$0x1E400] =	vst v63  }
0x74: {  	_ =	swait.ge [sflag:s10], $0x4000  }
0x75: {  	[sflag:s10] =	ssyncset.done $0x0  }
0x76: {  	[sflag:s10] =	ssyncadd.s32 $0xFFFFC000  }
0x77: {  	[spmem:s3] =	stream.indirect.scatter.add.f32 [tilespmem:s9], [sflag:$0x4], $0x80, s19, s6, $0xb8;
	[tilespmem:$0x1E400] =	vst v63  }
0x78: {  	_ =	swait.ge [sflag:s12], $0x4000  }
0x79: {  	[sflag:s12] =	ssyncset.done $0x0  }
0x7a: {  	[sflag:s12] =	ssyncadd.s32 $0xFFFFC000  }
0x7b: {  	_ =	swait.ge [sflag:s14], $0x4000  }
0x7c: {  	s30 =	sld [smem:$0x7FD]  }
0x7d: {  	[sflag:s14] =	ssyncset.done $0x0  }
0x7e: {  	[sflag:s14] =	ssyncadd.s32 $0xFFFFC000  }
0x7f: {  	[bflag:$0x0] =	sbarrier.arrive $0xFFFF;
	s2 =	sadd.s32 s17, s30  }
0x80: {  	[hbm:s2], [sflag:s31] =	dma.local [spmem:s16], $0x2780  }
0x81: {  	_ =	swait.ge [sflag:s20], $0x2780  }
0x82: {  	s30 =	sld [smem:$0x7FC];
	_ =	sdelay $0x1  }
0x83: {  	s15 =	sadd.s32 $0x1, s15  }
0x84: {  	p1 =	sne.s32 s15, s30  }
.Ltmp1:
0x85: {  	_ = 	snop;
	(pc) =	sbr.rel @!p1 .LBB2_34-.Ltmp1, $3  }
0x86: {  	_ =	sdelay $0x1  }
0x87: {  	[sflag:s20] =	ssyncset.done $0x0  }
0x88: {  	[sflag:s20] =	ssyncadd.s32 $0xFFFFD880  }
.LBB2_1:
0x89: {  	s2 =	rddreg [dreg:$0x18]  }
0x8a: {  	s30 =	rddreg [dreg:$0x14];
	s16 =	sshrl.u32 s2, $0x3  }
0x8b: {  	[spmem:s16], [sflag:s31] =	dma.local [hbm:s30], $0x2780  }
.Ltmp2:
0x8c: {  	_ =	swait.ge [sflag:s20], $0x2780;
	(pc) =	sbr.rel @p0 .LBB2_18-.Ltmp2, $3  }
0x8d: {  	[sflag:s20] =	ssyncset.done $0x0  }
0x8e: {  	[sflag:s20] =	ssyncadd.s32 $0xFFFFD880  }
0x8f: {  	[bflag:$0x0] =	sbarrier.arrive $0xFFFF;
	_ =	sdelay $0x1  }
0x90: {  	s2 =	rddreg [dreg:$0xc]  }
0x91: {  	[tilespmem:s21], [sflag:$0x5] =	stream.linear.gather [hbm4b:s2+s4], $0x1400, $0x38;
	[tilespmem:$0x1E400] =	vst v63  }
0x92: {  	_ =	swait.ge [sflag:s20], $0x1400  }
0x93: {  	[sflag:s20] =	ssyncset.done $0x0  }
0x94: {  	s30 =	rddreg [dreg:$0xd];
	[sflag:s20] =	ssyncadd.s32 $0xFFFFEC00  }
0x95: {  	[tilespmem:s0], [sflag:$0x5] =	stream.linear.gather [hbm4b:s30+s4], $0x1400, $0x38;
	[tilespmem:$0x1E400] =	vst v63  }
0x96: {  	_ =	swait.ge [sflag:s20], $0x1400  }
0x97: {  	[sflag:s20] =	ssyncset.done $0x0  }
0x98: {  	[sflag:s20] =	ssyncadd.s32 $0xFFFFEC00  }
0x99: {  	[tilespmem:s25], [sflag:$0x1] =	stream.indirect.gather [hbm4b:s1+s6], $0x80, s21, s6, $0xb8;
	[tilespmem:$0x1E400] =	vst v63  }
0x9a: {  	_ =	swait.ge [sflag:s26], $0x4000  }
0x9b: {  	[sflag:s26] =	ssyncset.done $0x0  }
0x9c: {  	[sflag:s26] =	ssyncadd.s32 $0xFFFFC000  }
0x9d: {  	[spmem:s3] =	stream.indirect.scatter.add.f32 [tilespmem:s25], [sflag:$0x3], $0x80, s0, s6, $0xb8;
	[tilespmem:$0x1E400] =	vst v63  }
0x9e: {  	_ = 	snop  }
0x9f: {  	[tilespmem:s9], [sflag:$0x2] =	stream.indirect.gather [hbm4b:s1+s6], $0x80, s7, s6, $0xb8;
	[tilespmem:$0x1E400] =	vst v63  }
0xa0: {  	_ =	swait.ge [sflag:s10], $0x4000  }
0xa1: {  	[sflag:s10] =	ssyncset.done $0x0  }
0xa2: {  	[sflag:s10] =	ssyncadd.s32 $0xFFFFC000  }
0xa3: {  	[spmem:s3] =	stream.indirect.scatter.add.f32 [tilespmem:s9], [sflag:$0x4], $0x80, s11, s6, $0xb8;
	[tilespmem:$0x1E400] =	vst v63  }
0xa4: {  	_ =	swait.ge [sflag:s12], $0x4000  }
0xa5: {  	[sflag:s12] =	ssyncset.done $0x0  }
0xa6: {  	s17 =	simm.s32 $0xFFFFB800;
	[sflag:s12] =	ssyncadd.s32 $0xFFFFC000  }
0xa7: {  	[tilespmem:s25], [sflag:$0x1] =	stream.indirect.gather [hbm4b:s1+s6], $0x80, s13, s6, $0xb8;
	[tilespmem:$0x1E400] =	vst v63  }
.LBB2_3:
0xa8: {  	_ =	swait.ge [sflag:s26], $0x4000  }
0xa9: {  	s30 =	sshra.s32 s17, $0x2;
	[sflag:s26] =	ssyncset.done $0x0  }
0xaa: {  	s2 =	sadd.s32 $0x16300, s30;
	[sflag:s26] =	ssyncadd.s32 $0xFFFFC000  }
0xab: {  	[spmem:s3] =	stream.indirect.scatter.add.f32 [tilespmem:s25], [sflag:$0x3], $0x80, s2, s6, $0xb8;
	[tilespmem:$0x1E400] =	vst v63  }
0xac: {  	_ =	swait.ge [sflag:s14], $0x4000  }
0xad: {  	[sflag:s14] =	ssyncset.done $0x0  }
0xae: {  	s2 =	sadd.s32 $0x14F80, s30;
	[sflag:s14] =	ssyncadd.s32 $0xFFFFC000  }
0xaf: {  	[tilespmem:s9], [sflag:$0x2] =	stream.indirect.gather [hbm4b:s1+s6], $0x80, s2, s6, $0xb8;
	[tilespmem:$0x1E400] =	vst v63  }
0xb0: {  	_ =	swait.ge [sflag:s10], $0x4000  }
0xb1: {  	p1 =	seq.s32 s17, $0x0;
	[sflag:s10] =	ssyncset.done $0x0  }
.Ltmp3:
0xb2: {  	s2 =	sadd.s32 $0x16380, s30;
	[sflag:s10] =	ssyncadd.s32 $0xFFFFC000;
	(pc) =	sbr.rel @p1 .LBB2_5-.Ltmp3, $4  }
0xb3: {  	[spmem:s3] =	stream.indirect.scatter.add.f32 [tilespmem:s9], [sflag:$0x4], $0x80, s2, s6, $0xb8;
	[tilespmem:$0x1E400] =	vst v63  }
0xb4: {  	_ =	swait.ge [sflag:s12], $0x4000  }
0xb5: {  	[sflag:s12] =	ssyncset.done $0x0  }
0xb6: {  	[sflag:s12] =	ssyncadd.s32 $0xFFFFC000  }
.Ltmp4:
0xb7: {  	(pc) =	sbr.rel .LBB2_3-.Ltmp4, $3  }
0xb8: {  	_ =	sdelay $0x1  }
0xb9: {  	s2 =	sadd.s32 $0x15000, s30;
	s17 =	sadd.s32 $0x400, s17  }
0xba: {  	[tilespmem:s25], [sflag:$0x1] =	stream.indirect.gather [hbm4b:s1+s6], $0x80, s2, s6, $0xb8;
	[tilespmem:$0x1E400] =	vst v63  }
.LBB2_18:
0xbb: {  	s2 =	rddreg [dreg:$0x4]  }
0xbc: {  	[tilespmem:s21], [sflag:$0x5] =	stream.linear.gather [hbm4b:s2+s4], $0x1400, $0x38;
	[tilespmem:$0x1E400] =	vst v63  }
0xbd: {  	_ =	swait.ge [sflag:s20], $0x1400  }
0xbe: {  	[sflag:s20] =	ssyncset.done $0x0  }
0xbf: {  	s30 =	rddreg [dreg:$0x5];
	[sflag:s20] =	ssyncadd.s32 $0xFFFFEC00  }
0xc0: {  	[tilespmem:s0], [sflag:$0x5] =	stream.linear.gather [hbm4b:s30+s4], $0x1400, $0x38;
	[tilespmem:$0x1E400] =	vst v63  }
0xc1: {  	_ =	swait.ge [sflag:s20], $0x1400  }
0xc2: {  	[sflag:s20] =	ssyncset.done $0x0  }
0xc3: {  	[sflag:s20] =	ssyncadd.s32 $0xFFFFEC00  }
0xc4: {  	[tilespmem:s25], [sflag:$0x1] =	stream.indirect.gather [hbm4b:s1+s6], $0x80, s21, s6, $0xb8;
	[tilespmem:$0x1E400] =	vst v63  }
0xc5: {  	_ =	swait.ge [sflag:s26], $0x4000  }
0xc6: {  	[sflag:s26] =	ssyncset.done $0x0  }
0xc7: {  	[sflag:s26] =	ssyncadd.s32 $0xFFFFC000  }
0xc8: {  	[spmem:s3] =	stream.indirect.scatter.add.f32 [tilespmem:s25], [sflag:$0x3], $0x80, s0, s6, $0xb8;
	[tilespmem:$0x1E400] =	vst v63  }
0xc9: {  	_ = 	snop  }
0xca: {  	[tilespmem:s9], [sflag:$0x2] =	stream.indirect.gather [hbm4b:s1+s6], $0x80, s7, s6, $0xb8;
	[tilespmem:$0x1E400] =	vst v63  }
0xcb: {  	_ =	swait.ge [sflag:s10], $0x4000  }
0xcc: {  	[sflag:s10] =	ssyncset.done $0x0  }
0xcd: {  	[sflag:s10] =	ssyncadd.s32 $0xFFFFC000  }
0xce: {  	[spmem:s3] =	stream.indirect.scatter.add.f32 [tilespmem:s9], [sflag:$0x4], $0x80, s11, s6, $0xb8;
	[tilespmem:$0x1E400] =	vst v63  }
0xcf: {  	_ =	swait.ge [sflag:s12], $0x4000  }
0xd0: {  	[sflag:s12] =	ssyncset.done $0x0  }
0xd1: {  	s17 =	simm.s32 $0xFFFFB800;
	[sflag:s12] =	ssyncadd.s32 $0xFFFFC000  }
0xd2: {  	[tilespmem:s25], [sflag:$0x1] =	stream.indirect.gather [hbm4b:s1+s6], $0x80, s13, s6, $0xb8;
	[tilespmem:$0x1E400] =	vst v63  }
.LBB2_19:
0xd3: {  	_ =	swait.ge [sflag:s26], $0x4000  }
0xd4: {  	s30 =	sshra.s32 s17, $0x2;
	[sflag:s26] =	ssyncset.done $0x0  }
0xd5: {  	s2 =	sadd.s32 $0x16300, s30;
	[sflag:s26] =	ssyncadd.s32 $0xFFFFC000  }
0xd6: {  	[spmem:s3] =	stream.indirect.scatter.add.f32 [tilespmem:s25], [sflag:$0x3], $0x80, s2, s6, $0xb8;
	[tilespmem:$0x1E400] =	vst v63  }
0xd7: {  	_ =	swait.ge [sflag:s14], $0x4000  }
0xd8: {  	[sflag:s14] =	ssyncset.done $0x0  }
0xd9: {  	s2 =	sadd.s32 $0x14F80, s30;
	[sflag:s14] =	ssyncadd.s32 $0xFFFFC000  }
0xda: {  	[tilespmem:s9], [sflag:$0x2] =	stream.indirect.gather [hbm4b:s1+s6], $0x80, s2, s6, $0xb8;
	[tilespmem:$0x1E400] =	vst v63  }
0xdb: {  	_ =	swait.ge [sflag:s10], $0x4000  }
0xdc: {  	p1 =	seq.s32 s17, $0x0;
	[sflag:s10] =	ssyncset.done $0x0  }
.Ltmp5:
0xdd: {  	s2 =	sadd.s32 $0x16380, s30;
	[sflag:s10] =	ssyncadd.s32 $0xFFFFC000;
	(pc) =	sbr.rel @p1 .LBB2_21-.Ltmp5, $4  }
0xde: {  	[spmem:s3] =	stream.indirect.scatter.add.f32 [tilespmem:s9], [sflag:$0x4], $0x80, s2, s6, $0xb8;
	[tilespmem:$0x1E400] =	vst v63  }
0xdf: {  	_ =	swait.ge [sflag:s12], $0x4000  }
0xe0: {  	[sflag:s12] =	ssyncset.done $0x0  }
0xe1: {  	[sflag:s12] =	ssyncadd.s32 $0xFFFFC000  }
.Ltmp6:
0xe2: {  	(pc) =	sbr.rel .LBB2_19-.Ltmp6, $3  }
0xe3: {  	_ =	sdelay $0x1  }
0xe4: {  	s2 =	sadd.s32 $0x15000, s30;
	s17 =	sadd.s32 $0x400, s17  }
0xe5: {  	[tilespmem:s25], [sflag:$0x1] =	stream.indirect.gather [hbm4b:s1+s6], $0x80, s2, s6, $0xb8;
	[tilespmem:$0x1E400] =	vst v63  }
.LBB2_5:
0xe6: {  	_ =	swait.ge [sflag:s14], $0x4000  }
0xe7: {  	[sflag:s14] =	ssyncset.done $0x0  }
0xe8: {  	s2 =	rddreg [dreg:$0xe];
	[sflag:s14] =	ssyncadd.s32 $0xFFFFC000  }
0xe9: {  	[tilespmem:s21], [sflag:$0x5] =	stream.linear.gather [hbm4b:s2+s4], $0x1000, $0x38;
	[tilespmem:$0x1E400] =	vst v63  }
0xea: {  	_ =	swait.ge [sflag:s20], $0x1000  }
0xeb: {  	[sflag:s20] =	ssyncset.done $0x0  }
0xec: {  	s30 =	rddreg [dreg:$0xf];
	[sflag:s20] =	ssyncadd.s32 $0xFFFFF000  }
0xed: {  	[tilespmem:s0], [sflag:$0x5] =	stream.linear.gather [hbm4b:s30+s4], $0x1000, $0x38;
	[tilespmem:$0x1E400] =	vst v63  }
0xee: {  	_ =	swait.ge [sflag:s20], $0x1000  }
0xef: {  	[sflag:s20] =	ssyncset.done $0x0  }
0xf0: {  	[sflag:s20] =	ssyncadd.s32 $0xFFFFF000  }
0xf1: {  	[tilespmem:s25], [sflag:$0x1] =	stream.indirect.gather [hbm4b:s1+s6], $0x80, s21, s6, $0xb8;
	[tilespmem:$0x1E400] =	vst v63  }
0xf2: {  	_ =	swait.ge [sflag:s26], $0x4000  }
0xf3: {  	[sflag:s26] =	ssyncset.done $0x0  }
0xf4: {  	[sflag:s26] =	ssyncadd.s32 $0xFFFFC000  }
0xf5: {  	[spmem:s3] =	stream.indirect.scatter.add.f32 [tilespmem:s25], [sflag:$0x3], $0x80, s0, s6, $0xb8;
	[tilespmem:$0x1E400] =	vst v63  }
0xf6: {  	_ = 	snop  }
0xf7: {  	[tilespmem:s9], [sflag:$0x2] =	stream.indirect.gather [hbm4b:s1+s6], $0x80, s7, s6, $0xb8;
	[tilespmem:$0x1E400] =	vst v63  }
0xf8: {  	_ =	swait.ge [sflag:s10], $0x4000  }
0xf9: {  	[sflag:s10] =	ssyncset.done $0x0  }
0xfa: {  	[sflag:s10] =	ssyncadd.s32 $0xFFFFC000  }
0xfb: {  	[spmem:s3] =	stream.indirect.scatter.add.f32 [tilespmem:s9], [sflag:$0x4], $0x80, s11, s6, $0xb8;
	[tilespmem:$0x1E400] =	vst v63  }
0xfc: {  	_ =	swait.ge [sflag:s12], $0x4000  }
0xfd: {  	[sflag:s12] =	ssyncset.done $0x0  }
0xfe: {  	s17 =	simm.s32 $0xFFFFC800;
	[sflag:s12] =	ssyncadd.s32 $0xFFFFC000  }
0xff: {  	[tilespmem:s25], [sflag:$0x1] =	stream.indirect.gather [hbm4b:s1+s6], $0x80, s13, s6, $0xb8;
	[tilespmem:$0x1E400] =	vst v63  }
.LBB2_6:
0x100: {  	_ =	swait.ge [sflag:s26], $0x4000  }
0x101: {  	s30 =	sshra.s32 s17, $0x2;
	[sflag:s26] =	ssyncset.done $0x0  }
0x102: {  	s2 =	sadd.s32 $0x15F00, s30;
	[sflag:s26] =	ssyncadd.s32 $0xFFFFC000  }
0x103: {  	[spmem:s3] =	stream.indirect.scatter.add.f32 [tilespmem:s25], [sflag:$0x3], $0x80, s2, s6, $0xb8;
	[tilespmem:$0x1E400] =	vst v63  }
0x104: {  	_ =	swait.ge [sflag:s14], $0x4000  }
0x105: {  	[sflag:s14] =	ssyncset.done $0x0  }
0x106: {  	s2 =	sadd.s32 $0x14B80, s30;
	[sflag:s14] =	ssyncadd.s32 $0xFFFFC000  }
0x107: {  	[tilespmem:s9], [sflag:$0x2] =	stream.indirect.gather [hbm4b:s1+s6], $0x80, s2, s6, $0xb8;
	[tilespmem:$0x1E400] =	vst v63  }
0x108: {  	_ =	swait.ge [sflag:s10], $0x4000  }
0x109: {  	p1 =	seq.s32 s17, $0x0;
	[sflag:s10] =	ssyncset.done $0x0  }
.Ltmp7:
0x10a: {  	s2 =	sadd.s32 $0x15F80, s30;
	[sflag:s10] =	ssyncadd.s32 $0xFFFFC000;
	(pc) =	sbr.rel @p1 .LBB2_8-.Ltmp7, $4  }
0x10b: {  	[spmem:s3] =	stream.indirect.scatter.add.f32 [tilespmem:s9], [sflag:$0x4], $0x80, s2, s6, $0xb8;
	[tilespmem:$0x1E400] =	vst v63  }
0x10c: {  	_ =	swait.ge [sflag:s12], $0x4000  }
0x10d: {  	[sflag:s12] =	ssyncset.done $0x0  }
0x10e: {  	[sflag:s12] =	ssyncadd.s32 $0xFFFFC000  }
.Ltmp8:
0x10f: {  	(pc) =	sbr.rel .LBB2_6-.Ltmp8, $3  }
0x110: {  	_ =	sdelay $0x1  }
0x111: {  	s2 =	sadd.s32 $0x14C00, s30;
	s17 =	sadd.s32 $0x400, s17  }
0x112: {  	[tilespmem:s25], [sflag:$0x1] =	stream.indirect.gather [hbm4b:s1+s6], $0x80, s2, s6, $0xb8;
	[tilespmem:$0x1E400] =	vst v63  }
.LBB2_21:
0x113: {  	_ =	swait.ge [sflag:s14], $0x4000  }
0x114: {  	[sflag:s14] =	ssyncset.done $0x0  }
0x115: {  	s2 =	rddreg [dreg:$0x6];
	[sflag:s14] =	ssyncadd.s32 $0xFFFFC000  }
0x116: {  	[tilespmem:s21], [sflag:$0x5] =	stream.linear.gather [hbm4b:s2+s4], $0x1000, $0x38;
	[tilespmem:$0x1E400] =	vst v63  }
0x117: {  	_ =	swait.ge [sflag:s20], $0x1000  }
0x118: {  	[sflag:s20] =	ssyncset.done $0x0  }
0x119: {  	s30 =	rddreg [dreg:$0x7];
	[sflag:s20] =	ssyncadd.s32 $0xFFFFF000  }
0x11a: {  	[tilespmem:s0], [sflag:$0x5] =	stream.linear.gather [hbm4b:s30+s4], $0x1000, $0x38;
	[tilespmem:$0x1E400] =	vst v63  }
0x11b: {  	_ =	swait.ge [sflag:s20], $0x1000  }
0x11c: {  	[sflag:s20] =	ssyncset.done $0x0  }
0x11d: {  	[sflag:s20] =	ssyncadd.s32 $0xFFFFF000  }
0x11e: {  	[tilespmem:s25], [sflag:$0x1] =	stream.indirect.gather [hbm4b:s1+s6], $0x80, s21, s6, $0xb8;
	[tilespmem:$0x1E400] =	vst v63  }
0x11f: {  	_ =	swait.ge [sflag:s26], $0x4000  }
0x120: {  	[sflag:s26] =	ssyncset.done $0x0  }
0x121: {  	[sflag:s26] =	ssyncadd.s32 $0xFFFFC000  }
0x122: {  	[spmem:s3] =	stream.indirect.scatter.add.f32 [tilespmem:s25], [sflag:$0x3], $0x80, s0, s6, $0xb8;
	[tilespmem:$0x1E400] =	vst v63  }
0x123: {  	_ = 	snop  }
0x124: {  	[tilespmem:s9], [sflag:$0x2] =	stream.indirect.gather [hbm4b:s1+s6], $0x80, s7, s6, $0xb8;
	[tilespmem:$0x1E400] =	vst v63  }
0x125: {  	_ =	swait.ge [sflag:s10], $0x4000  }
0x126: {  	[sflag:s10] =	ssyncset.done $0x0  }
0x127: {  	[sflag:s10] =	ssyncadd.s32 $0xFFFFC000  }
0x128: {  	[spmem:s3] =	stream.indirect.scatter.add.f32 [tilespmem:s9], [sflag:$0x4], $0x80, s11, s6, $0xb8;
	[tilespmem:$0x1E400] =	vst v63  }
0x129: {  	_ =	swait.ge [sflag:s12], $0x4000  }
0x12a: {  	[sflag:s12] =	ssyncset.done $0x0  }
0x12b: {  	s17 =	simm.s32 $0xFFFFC800;
	[sflag:s12] =	ssyncadd.s32 $0xFFFFC000  }
0x12c: {  	[tilespmem:s25], [sflag:$0x1] =	stream.indirect.gather [hbm4b:s1+s6], $0x80, s13, s6, $0xb8;
	[tilespmem:$0x1E400] =	vst v63  }
.LBB2_22:
0x12d: {  	_ =	swait.ge [sflag:s26], $0x4000  }
0x12e: {  	s30 =	sshra.s32 s17, $0x2;
	[sflag:s26] =	ssyncset.done $0x0  }
0x12f: {  	s2 =	sadd.s32 $0x15F00, s30;
	[sflag:s26] =	ssyncadd.s32 $0xFFFFC000  }
0x130: {  	[spmem:s3] =	stream.indirect.scatter.add.f32 [tilespmem:s25], [sflag:$0x3], $0x80, s2, s6, $0xb8;
	[tilespmem:$0x1E400] =	vst v63  }
0x131: {  	_ =	swait.ge [sflag:s14], $0x4000  }
0x132: {  	[sflag:s14] =	ssyncset.done $0x0  }
0x133: {  	s2 =	sadd.s32 $0x14B80, s30;
	[sflag:s14] =	ssyncadd.s32 $0xFFFFC000  }
0x134: {  	[tilespmem:s9], [sflag:$0x2] =	stream.indirect.gather [hbm4b:s1+s6], $0x80, s2, s6, $0xb8;
	[tilespmem:$0x1E400] =	vst v63  }
0x135: {  	_ =	swait.ge [sflag:s10], $0x4000  }
0x136: {  	p1 =	seq.s32 s17, $0x0;
	[sflag:s10] =	ssyncset.done $0x0  }
.Ltmp9:
0x137: {  	s2 =	sadd.s32 $0x15F80, s30;
	[sflag:s10] =	ssyncadd.s32 $0xFFFFC000;
	(pc) =	sbr.rel @p1 .LBB2_24-.Ltmp9, $4  }
0x138: {  	[spmem:s3] =	stream.indirect.scatter.add.f32 [tilespmem:s9], [sflag:$0x4], $0x80, s2, s6, $0xb8;
	[tilespmem:$0x1E400] =	vst v63  }
0x139: {  	_ =	swait.ge [sflag:s12], $0x4000  }
0x13a: {  	[sflag:s12] =	ssyncset.done $0x0  }
0x13b: {  	[sflag:s12] =	ssyncadd.s32 $0xFFFFC000  }
.Ltmp10:
0x13c: {  	(pc) =	sbr.rel .LBB2_22-.Ltmp10, $3  }
0x13d: {  	_ =	sdelay $0x1  }
0x13e: {  	s2 =	sadd.s32 $0x14C00, s30;
	s17 =	sadd.s32 $0x400, s17  }
0x13f: {  	[tilespmem:s25], [sflag:$0x1] =	stream.indirect.gather [hbm4b:s1+s6], $0x80, s2, s6, $0xb8;
	[tilespmem:$0x1E400] =	vst v63  }
.LBB2_8:
0x140: {  	_ =	swait.ge [sflag:s14], $0x4000  }
0x141: {  	[sflag:s14] =	ssyncset.done $0x0  }
0x142: {  	s2 =	rddreg [dreg:$0x1d];
	[sflag:s14] =	ssyncadd.s32 $0xFFFFC000  }
0x143: {  	[tilespmem:s21], [sflag:$0x5] =	stream.linear.gather [hbm4b:s2+s4], $0x400, $0x38;
	[tilespmem:$0x1E400] =	vst v63  }
0x144: {  	_ =	swait.ge [sflag:s20], $0x400  }
0x145: {  	[sflag:s20] =	ssyncset.done $0x0  }
0x146: {  	s17 =	rddreg [dreg:$0x1f];
	[sflag:s20] =	ssyncadd.s32 $0xFFFFFC00  }
0x147: {  	[tilespmem:s0], [sflag:$0x5] =	stream.linear.gather [hbm4b:s17+s4], $0x400, $0x38;
	[tilespmem:$0x1E400] =	vst v63  }
0x148: {  	_ =	swait.ge [sflag:s20], $0x400  }
0x149: {  	[sflag:s20] =	ssyncset.done $0x0  }
0x14a: {  	[sflag:s20] =	ssyncadd.s32 $0xFFFFFC00  }
0x14b: {  	[tilespmem:s25], [sflag:$0x1] =	stream.indirect.gather [hbm4b:s1+s6], $0x80, s21, s6, $0xb8;
	[tilespmem:$0x1E400] =	vst v63  }
0x14c: {  	_ =	swait.ge [sflag:s26], $0x4000  }
0x14d: {  	[sflag:s26] =	ssyncset.done $0x0  }
0x14e: {  	[sflag:s26] =	ssyncadd.s32 $0xFFFFC000  }
0x14f: {  	[spmem:s3] =	stream.indirect.scatter.add.f32 [tilespmem:s25], [sflag:$0x3], $0x80, s0, s6, $0xb8;
	[tilespmem:$0x1E400] =	vst v63  }
0x150: {  	_ = 	snop  }
0x151: {  	[tilespmem:s9], [sflag:$0x2] =	stream.indirect.gather [hbm4b:s1+s6], $0x80, s7, s6, $0xb8;
	[tilespmem:$0x1E400] =	vst v63  }
0x152: {  	_ =	swait.ge [sflag:s10], $0x4000  }
0x153: {  	[sflag:s10] =	ssyncset.done $0x0  }
0x154: {  	[sflag:s10] =	ssyncadd.s32 $0xFFFFC000  }
0x155: {  	[spmem:s3] =	stream.indirect.scatter.add.f32 [tilespmem:s9], [sflag:$0x4], $0x80, s11, s6, $0xb8;
	[tilespmem:$0x1E400] =	vst v63  }
0x156: {  	_ =	swait.ge [sflag:s12], $0x4000  }
0x157: {  	[sflag:s12] =	ssyncset.done $0x0  }
0x158: {  	[sflag:s12] =	ssyncadd.s32 $0xFFFFC000  }
0x159: {  	[tilespmem:s25], [sflag:$0x1] =	stream.indirect.gather [hbm4b:s1+s6], $0x80, s13, s6, $0xb8;
	[tilespmem:$0x1E400] =	vst v63  }
0x15a: {  	_ =	swait.ge [sflag:s26], $0x4000  }
0x15b: {  	[sflag:s26] =	ssyncset.done $0x0  }
0x15c: {  	s30 =	simm.s32 $0x15100;
	[sflag:s26] =	ssyncadd.s32 $0xFFFFC000  }
0x15d: {  	[spmem:s3] =	stream.indirect.scatter.add.f32 [tilespmem:s25], [sflag:$0x3], $0x80, s30, s6, $0xb8;
	[tilespmem:$0x1E400] =	vst v63  }
0x15e: {  	_ =	swait.ge [sflag:s14], $0x4000  }
0x15f: {  	[sflag:s14] =	ssyncset.done $0x0  }
0x160: {  	s17 =	simm.s32 $0x13D80;
	[sflag:s14] =	ssyncadd.s32 $0xFFFFC000  }
0x161: {  	[tilespmem:s9], [sflag:$0x2] =	stream.indirect.gather [hbm4b:s1+s6], $0x80, s17, s6, $0xb8;
	[tilespmem:$0x1E400] =	vst v63  }
0x162: {  	_ =	swait.ge [sflag:s10], $0x4000  }
0x163: {  	[sflag:s10] =	ssyncset.done $0x0  }
0x164: {  	s30 =	simm.s32 $0x15180;
	[sflag:s10] =	ssyncadd.s32 $0xFFFFC000  }
0x165: {  	[spmem:s3] =	stream.indirect.scatter.add.f32 [tilespmem:s9], [sflag:$0x4], $0x80, s30, s6, $0xb8;
	[tilespmem:$0x1E400] =	vst v63  }
0x166: {  	_ =	swait.ge [sflag:s12], $0x4000  }
0x167: {  	[sflag:s12] =	ssyncset.done $0x0  }
0x168: {  	s17 =	simm.s32 $0x13E00;
	[sflag:s12] =	ssyncadd.s32 $0xFFFFC000  }
0x169: {  	[tilespmem:s25], [sflag:$0x1] =	stream.indirect.gather [hbm4b:s1+s6], $0x80, s17, s6, $0xb8;
	[tilespmem:$0x1E400] =	vst v63  }
0x16a: {  	_ =	swait.ge [sflag:s26], $0x4000  }
0x16b: {  	[sflag:s26] =	ssyncset.done $0x0  }
0x16c: {  	s30 =	simm.s32 $0x15200;
	[sflag:s26] =	ssyncadd.s32 $0xFFFFC000  }
0x16d: {  	[spmem:s3] =	stream.indirect.scatter.add.f32 [tilespmem:s25], [sflag:$0x3], $0x80, s30, s6, $0xb8;
	[tilespmem:$0x1E400] =	vst v63  }
0x16e: {  	_ =	swait.ge [sflag:s14], $0x4000  }
0x16f: {  	[sflag:s14] =	ssyncset.done $0x0  }
0x170: {  	[sflag:s14] =	ssyncadd.s32 $0xFFFFC000  }
0x171: {  	[tilespmem:s9], [sflag:$0x2] =	stream.indirect.gather [hbm4b:s1+s6], $0x80, s8, s6, $0xb8;
	[tilespmem:$0x1E400] =	vst v63  }
0x172: {  	_ =	swait.ge [sflag:s10], $0x4000  }
0x173: {  	[sflag:s10] =	ssyncset.done $0x0  }
0x174: {  	[sflag:s10] =	ssyncadd.s32 $0xFFFFC000  }
0x175: {  	[spmem:s3] =	stream.indirect.scatter.add.f32 [tilespmem:s9], [sflag:$0x4], $0x80, s28, s6, $0xb8;
	[tilespmem:$0x1E400] =	vst v63  }
0x176: {  	_ =	swait.ge [sflag:s12], $0x4000  }
0x177: {  	[sflag:s12] =	ssyncset.done $0x0  }
0x178: {  	[sflag:s12] =	ssyncadd.s32 $0xFFFFC000  }
0x179: {  	[tilespmem:s25], [sflag:$0x1] =	stream.indirect.gather [hbm4b:s1+s6], $0x80, s24, s6, $0xb8;
	[tilespmem:$0x1E400] =	vst v63  }
0x17a: {  	_ =	swait.ge [sflag:s26], $0x4000  }
0x17b: {  	[sflag:s26] =	ssyncset.done $0x0  }
0x17c: {  	[sflag:s26] =	ssyncadd.s32 $0xFFFFC000  }
0x17d: {  	[spmem:s3] =	stream.indirect.scatter.add.f32 [tilespmem:s25], [sflag:$0x3], $0x80, s29, s6, $0xb8;
	[tilespmem:$0x1E400] =	vst v63  }
0x17e: {  	_ =	swait.ge [sflag:s14], $0x4000  }
0x17f: {  	[sflag:s14] =	ssyncset.done $0x0  }
0x180: {  	[sflag:s14] =	ssyncadd.s32 $0xFFFFC000  }
0x181: {  	[tilespmem:s9], [sflag:$0x2] =	stream.indirect.gather [hbm4b:s1+s6], $0x80, s18, s6, $0xb8;
	[tilespmem:$0x1E400] =	vst v63  }
0x182: {  	_ =	swait.ge [sflag:s10], $0x4000  }
0x183: {  	[sflag:s10] =	ssyncset.done $0x0  }
0x184: {  	[sflag:s10] =	ssyncadd.s32 $0xFFFFC000  }
0x185: {  	[spmem:s3] =	stream.indirect.scatter.add.f32 [tilespmem:s9], [sflag:$0x4], $0x80, s19, s6, $0xb8;
	[tilespmem:$0x1E400] =	vst v63  }
0x186: {  	_ =	swait.ge [sflag:s12], $0x4000  }
0x187: {  	[sflag:s12] =	ssyncset.done $0x0  }
0x188: {  	[sflag:s12] =	ssyncadd.s32 $0xFFFFC000  }
0x189: {  	_ =	swait.ge [sflag:s14], $0x4000  }
0x18a: {  	[sflag:s14] =	ssyncset.done $0x0  }
0x18b: {  	s17 =	rddreg [dreg:$0x10];
	[sflag:s14] =	ssyncadd.s32 $0xFFFFC000  }
0x18c: {  	[tilespmem:s21], [sflag:$0x5] =	stream.linear.gather [hbm4b:s17+s4], $0x1400, $0x38;
	[tilespmem:$0x1E400] =	vst v63  }
0x18d: {  	_ =	swait.ge [sflag:s20], $0x1400  }
0x18e: {  	[sflag:s20] =	ssyncset.done $0x0  }
0x18f: {  	s30 =	rddreg [dreg:$0x11];
	[sflag:s20] =	ssyncadd.s32 $0xFFFFEC00  }
0x190: {  	[tilespmem:s0], [sflag:$0x5] =	stream.linear.gather [hbm4b:s30+s4], $0x1400, $0x38;
	[tilespmem:$0x1E400] =	vst v63  }
0x191: {  	_ =	swait.ge [sflag:s20], $0x1400  }
0x192: {  	[sflag:s20] =	ssyncset.done $0x0  }
0x193: {  	[sflag:s20] =	ssyncadd.s32 $0xFFFFEC00  }
0x194: {  	[tilespmem:s25], [sflag:$0x1] =	stream.indirect.gather [hbm4b:s5+s6], $0x80, s21, s6, $0xb8;
	[tilespmem:$0x1E400] =	vst v63  }
0x195: {  	_ =	swait.ge [sflag:s26], $0x4000  }
0x196: {  	[sflag:s26] =	ssyncset.done $0x0  }
0x197: {  	[sflag:s26] =	ssyncadd.s32 $0xFFFFC000  }
0x198: {  	[spmem:s3] =	stream.indirect.scatter.add.f32 [tilespmem:s25], [sflag:$0x3], $0x80, s0, s6, $0xb8;
	[tilespmem:$0x1E400] =	vst v63  }
0x199: {  	_ = 	snop  }
0x19a: {  	[tilespmem:s9], [sflag:$0x2] =	stream.indirect.gather [hbm4b:s5+s6], $0x80, s7, s6, $0xb8;
	[tilespmem:$0x1E400] =	vst v63  }
0x19b: {  	_ =	swait.ge [sflag:s10], $0x4000  }
0x19c: {  	[sflag:s10] =	ssyncset.done $0x0  }
0x19d: {  	[sflag:s10] =	ssyncadd.s32 $0xFFFFC000  }
0x19e: {  	[spmem:s3] =	stream.indirect.scatter.add.f32 [tilespmem:s9], [sflag:$0x4], $0x80, s11, s6, $0xb8;
	[tilespmem:$0x1E400] =	vst v63  }
0x19f: {  	_ =	swait.ge [sflag:s12], $0x4000  }
0x1a0: {  	[sflag:s12] =	ssyncset.done $0x0  }
0x1a1: {  	s17 =	simm.s32 $0xFFFFB800;
	[sflag:s12] =	ssyncadd.s32 $0xFFFFC000  }
0x1a2: {  	[tilespmem:s25], [sflag:$0x1] =	stream.indirect.gather [hbm4b:s5+s6], $0x80, s13, s6, $0xb8;
	[tilespmem:$0x1E400] =	vst v63  }
.LBB2_9:
0x1a3: {  	_ =	swait.ge [sflag:s26], $0x4000  }
0x1a4: {  	s30 =	sshra.s32 s17, $0x2;
	[sflag:s26] =	ssyncset.done $0x0  }
0x1a5: {  	s2 =	sadd.s32 $0x16300, s30;
	[sflag:s26] =	ssyncadd.s32 $0xFFFFC000  }
0x1a6: {  	[spmem:s3] =	stream.indirect.scatter.add.f32 [tilespmem:s25], [sflag:$0x3], $0x80, s2, s6, $0xb8;
	[tilespmem:$0x1E400] =	vst v63  }
0x1a7: {  	_ =	swait.ge [sflag:s14], $0x4000  }
0x1a8: {  	[sflag:s14] =	ssyncset.done $0x0  }
0x1a9: {  	s2 =	sadd.s32 $0x14F80, s30;
	[sflag:s14] =	ssyncadd.s32 $0xFFFFC000  }
0x1aa: {  	[tilespmem:s9], [sflag:$0x2] =	stream.indirect.gather [hbm4b:s5+s6], $0x80, s2, s6, $0xb8;
	[tilespmem:$0x1E400] =	vst v63  }
0x1ab: {  	_ =	swait.ge [sflag:s10], $0x4000  }
0x1ac: {  	p1 =	seq.s32 s17, $0x0;
	[sflag:s10] =	ssyncset.done $0x0  }
.Ltmp11:
0x1ad: {  	s2 =	sadd.s32 $0x16380, s30;
	[sflag:s10] =	ssyncadd.s32 $0xFFFFC000;
	(pc) =	sbr.rel @p1 .LBB2_11-.Ltmp11, $4  }
0x1ae: {  	[spmem:s3] =	stream.indirect.scatter.add.f32 [tilespmem:s9], [sflag:$0x4], $0x80, s2, s6, $0xb8;
	[tilespmem:$0x1E400] =	vst v63  }
0x1af: {  	_ =	swait.ge [sflag:s12], $0x4000  }
0x1b0: {  	[sflag:s12] =	ssyncset.done $0x0  }
0x1b1: {  	[sflag:s12] =	ssyncadd.s32 $0xFFFFC000  }
.Ltmp12:
0x1b2: {  	(pc) =	sbr.rel .LBB2_9-.Ltmp12, $3  }
0x1b3: {  	_ =	sdelay $0x1  }
0x1b4: {  	s2 =	sadd.s32 $0x15000, s30;
	s17 =	sadd.s32 $0x400, s17  }
0x1b5: {  	[tilespmem:s25], [sflag:$0x1] =	stream.indirect.gather [hbm4b:s5+s6], $0x80, s2, s6, $0xb8;
	[tilespmem:$0x1E400] =	vst v63  }
.LBB2_24:
0x1b6: {  	_ =	swait.ge [sflag:s14], $0x4000  }
0x1b7: {  	[sflag:s14] =	ssyncset.done $0x0  }
0x1b8: {  	s2 =	rddreg [dreg:$0x1a];
	[sflag:s14] =	ssyncadd.s32 $0xFFFFC000  }
0x1b9: {  	[tilespmem:s21], [sflag:$0x5] =	stream.linear.gather [hbm4b:s2+s4], $0x400, $0x38;
	[tilespmem:$0x1E400] =	vst v63  }
0x1ba: {  	_ =	swait.ge [sflag:s20], $0x400  }
0x1bb: {  	[sflag:s20] =	ssyncset.done $0x0  }
0x1bc: {  	s17 =	rddreg [dreg:$0x1c];
	[sflag:s20] =	ssyncadd.s32 $0xFFFFFC00  }
0x1bd: {  	[tilespmem:s0], [sflag:$0x5] =	stream.linear.gather [hbm4b:s17+s4], $0x400, $0x38;
	[tilespmem:$0x1E400] =	vst v63  }
0x1be: {  	_ =	swait.ge [sflag:s20], $0x400  }
0x1bf: {  	[sflag:s20] =	ssyncset.done $0x0  }
0x1c0: {  	[sflag:s20] =	ssyncadd.s32 $0xFFFFFC00  }
0x1c1: {  	[tilespmem:s25], [sflag:$0x1] =	stream.indirect.gather [hbm4b:s1+s6], $0x80, s21, s6, $0xb8;
	[tilespmem:$0x1E400] =	vst v63  }
0x1c2: {  	_ =	swait.ge [sflag:s26], $0x4000  }
0x1c3: {  	[sflag:s26] =	ssyncset.done $0x0  }
0x1c4: {  	[sflag:s26] =	ssyncadd.s32 $0xFFFFC000  }
0x1c5: {  	[spmem:s3] =	stream.indirect.scatter.add.f32 [tilespmem:s25], [sflag:$0x3], $0x80, s0, s6, $0xb8;
	[tilespmem:$0x1E400] =	vst v63  }
0x1c6: {  	_ = 	snop  }
0x1c7: {  	[tilespmem:s9], [sflag:$0x2] =	stream.indirect.gather [hbm4b:s1+s6], $0x80, s7, s6, $0xb8;
	[tilespmem:$0x1E400] =	vst v63  }
0x1c8: {  	_ =	swait.ge [sflag:s10], $0x4000  }
0x1c9: {  	[sflag:s10] =	ssyncset.done $0x0  }
0x1ca: {  	[sflag:s10] =	ssyncadd.s32 $0xFFFFC000  }
0x1cb: {  	[spmem:s3] =	stream.indirect.scatter.add.f32 [tilespmem:s9], [sflag:$0x4], $0x80, s11, s6, $0xb8;
	[tilespmem:$0x1E400] =	vst v63  }
0x1cc: {  	_ =	swait.ge [sflag:s12], $0x4000  }
0x1cd: {  	[sflag:s12] =	ssyncset.done $0x0  }
0x1ce: {  	[sflag:s12] =	ssyncadd.s32 $0xFFFFC000  }
0x1cf: {  	[tilespmem:s25], [sflag:$0x1] =	stream.indirect.gather [hbm4b:s1+s6], $0x80, s13, s6, $0xb8;
	[tilespmem:$0x1E400] =	vst v63  }
0x1d0: {  	_ =	swait.ge [sflag:s26], $0x4000  }
0x1d1: {  	[sflag:s26] =	ssyncset.done $0x0  }
0x1d2: {  	s30 =	simm.s32 $0x15100;
	[sflag:s26] =	ssyncadd.s32 $0xFFFFC000  }
0x1d3: {  	[spmem:s3] =	stream.indirect.scatter.add.f32 [tilespmem:s25], [sflag:$0x3], $0x80, s30, s6, $0xb8;
	[tilespmem:$0x1E400] =	vst v63  }
0x1d4: {  	_ =	swait.ge [sflag:s14], $0x4000  }
0x1d5: {  	[sflag:s14] =	ssyncset.done $0x0  }
0x1d6: {  	s17 =	simm.s32 $0x13D80;
	[sflag:s14] =	ssyncadd.s32 $0xFFFFC000  }
0x1d7: {  	[tilespmem:s9], [sflag:$0x2] =	stream.indirect.gather [hbm4b:s1+s6], $0x80, s17, s6, $0xb8;
	[tilespmem:$0x1E400] =	vst v63  }
0x1d8: {  	_ =	swait.ge [sflag:s10], $0x4000  }
0x1d9: {  	[sflag:s10] =	ssyncset.done $0x0  }
0x1da: {  	s30 =	simm.s32 $0x15180;
	[sflag:s10] =	ssyncadd.s32 $0xFFFFC000  }
0x1db: {  	[spmem:s3] =	stream.indirect.scatter.add.f32 [tilespmem:s9], [sflag:$0x4], $0x80, s30, s6, $0xb8;
	[tilespmem:$0x1E400] =	vst v63  }
0x1dc: {  	_ =	swait.ge [sflag:s12], $0x4000  }
0x1dd: {  	[sflag:s12] =	ssyncset.done $0x0  }
0x1de: {  	s17 =	simm.s32 $0x13E00;
	[sflag:s12] =	ssyncadd.s32 $0xFFFFC000  }
0x1df: {  	[tilespmem:s25], [sflag:$0x1] =	stream.indirect.gather [hbm4b:s1+s6], $0x80, s17, s6, $0xb8;
	[tilespmem:$0x1E400] =	vst v63  }
0x1e0: {  	_ =	swait.ge [sflag:s26], $0x4000  }
0x1e1: {  	[sflag:s26] =	ssyncset.done $0x0  }
0x1e2: {  	s30 =	simm.s32 $0x15200;
	[sflag:s26] =	ssyncadd.s32 $0xFFFFC000  }
0x1e3: {  	[spmem:s3] =	stream.indirect.scatter.add.f32 [tilespmem:s25], [sflag:$0x3], $0x80, s30, s6, $0xb8;
	[tilespmem:$0x1E400] =	vst v63  }
0x1e4: {  	_ =	swait.ge [sflag:s14], $0x4000  }
0x1e5: {  	[sflag:s14] =	ssyncset.done $0x0  }
0x1e6: {  	[sflag:s14] =	ssyncadd.s32 $0xFFFFC000  }
0x1e7: {  	[tilespmem:s9], [sflag:$0x2] =	stream.indirect.gather [hbm4b:s1+s6], $0x80, s8, s6, $0xb8;
	[tilespmem:$0x1E400] =	vst v63  }
0x1e8: {  	_ =	swait.ge [sflag:s10], $0x4000  }
0x1e9: {  	[sflag:s10] =	ssyncset.done $0x0  }
0x1ea: {  	[sflag:s10] =	ssyncadd.s32 $0xFFFFC000  }
0x1eb: {  	[spmem:s3] =	stream.indirect.scatter.add.f32 [tilespmem:s9], [sflag:$0x4], $0x80, s28, s6, $0xb8;
	[tilespmem:$0x1E400] =	vst v63  }
0x1ec: {  	_ =	swait.ge [sflag:s12], $0x4000  }
0x1ed: {  	[sflag:s12] =	ssyncset.done $0x0  }
0x1ee: {  	[sflag:s12] =	ssyncadd.s32 $0xFFFFC000  }
0x1ef: {  	[tilespmem:s25], [sflag:$0x1] =	stream.indirect.gather [hbm4b:s1+s6], $0x80, s24, s6, $0xb8;
	[tilespmem:$0x1E400] =	vst v63  }
0x1f0: {  	_ =	swait.ge [sflag:s26], $0x4000  }
0x1f1: {  	[sflag:s26] =	ssyncset.done $0x0  }
0x1f2: {  	[sflag:s26] =	ssyncadd.s32 $0xFFFFC000  }
0x1f3: {  	[spmem:s3] =	stream.indirect.scatter.add.f32 [tilespmem:s25], [sflag:$0x3], $0x80, s29, s6, $0xb8;
	[tilespmem:$0x1E400] =	vst v63  }
0x1f4: {  	_ =	swait.ge [sflag:s14], $0x4000  }
0x1f5: {  	[sflag:s14] =	ssyncset.done $0x0  }
0x1f6: {  	[sflag:s14] =	ssyncadd.s32 $0xFFFFC000  }
0x1f7: {  	[tilespmem:s9], [sflag:$0x2] =	stream.indirect.gather [hbm4b:s1+s6], $0x80, s18, s6, $0xb8;
	[tilespmem:$0x1E400] =	vst v63  }
0x1f8: {  	_ =	swait.ge [sflag:s10], $0x4000  }
0x1f9: {  	[sflag:s10] =	ssyncset.done $0x0  }
0x1fa: {  	[sflag:s10] =	ssyncadd.s32 $0xFFFFC000  }
0x1fb: {  	[spmem:s3] =	stream.indirect.scatter.add.f32 [tilespmem:s9], [sflag:$0x4], $0x80, s19, s6, $0xb8;
	[tilespmem:$0x1E400] =	vst v63  }
0x1fc: {  	_ =	swait.ge [sflag:s12], $0x4000  }
0x1fd: {  	[sflag:s12] =	ssyncset.done $0x0  }
0x1fe: {  	[sflag:s12] =	ssyncadd.s32 $0xFFFFC000  }
0x1ff: {  	_ =	swait.ge [sflag:s14], $0x4000  }
0x200: {  	[sflag:s14] =	ssyncset.done $0x0  }
0x201: {  	s17 =	rddreg [dreg:$0x8];
	[sflag:s14] =	ssyncadd.s32 $0xFFFFC000  }
0x202: {  	[tilespmem:s21], [sflag:$0x5] =	stream.linear.gather [hbm4b:s17+s4], $0x1400, $0x38;
	[tilespmem:$0x1E400] =	vst v63  }
0x203: {  	_ =	swait.ge [sflag:s20], $0x1400  }
0x204: {  	[sflag:s20] =	ssyncset.done $0x0  }
0x205: {  	s30 =	rddreg [dreg:$0x9];
	[sflag:s20] =	ssyncadd.s32 $0xFFFFEC00  }
0x206: {  	[tilespmem:s0], [sflag:$0x5] =	stream.linear.gather [hbm4b:s30+s4], $0x1400, $0x38;
	[tilespmem:$0x1E400] =	vst v63  }
0x207: {  	_ =	swait.ge [sflag:s20], $0x1400  }
0x208: {  	[sflag:s20] =	ssyncset.done $0x0  }
0x209: {  	[sflag:s20] =	ssyncadd.s32 $0xFFFFEC00  }
0x20a: {  	[tilespmem:s25], [sflag:$0x1] =	stream.indirect.gather [hbm4b:s5+s6], $0x80, s21, s6, $0xb8;
	[tilespmem:$0x1E400] =	vst v63  }
0x20b: {  	_ =	swait.ge [sflag:s26], $0x4000  }
0x20c: {  	[sflag:s26] =	ssyncset.done $0x0  }
0x20d: {  	[sflag:s26] =	ssyncadd.s32 $0xFFFFC000  }
0x20e: {  	[spmem:s3] =	stream.indirect.scatter.add.f32 [tilespmem:s25], [sflag:$0x3], $0x80, s0, s6, $0xb8;
	[tilespmem:$0x1E400] =	vst v63  }
0x20f: {  	_ = 	snop  }
0x210: {  	[tilespmem:s9], [sflag:$0x2] =	stream.indirect.gather [hbm4b:s5+s6], $0x80, s7, s6, $0xb8;
	[tilespmem:$0x1E400] =	vst v63  }
0x211: {  	_ =	swait.ge [sflag:s10], $0x4000  }
0x212: {  	[sflag:s10] =	ssyncset.done $0x0  }
0x213: {  	[sflag:s10] =	ssyncadd.s32 $0xFFFFC000  }
0x214: {  	[spmem:s3] =	stream.indirect.scatter.add.f32 [tilespmem:s9], [sflag:$0x4], $0x80, s11, s6, $0xb8;
	[tilespmem:$0x1E400] =	vst v63  }
0x215: {  	_ =	swait.ge [sflag:s12], $0x4000  }
0x216: {  	[sflag:s12] =	ssyncset.done $0x0  }
0x217: {  	s17 =	simm.s32 $0xFFFFB800;
	[sflag:s12] =	ssyncadd.s32 $0xFFFFC000  }
0x218: {  	[tilespmem:s25], [sflag:$0x1] =	stream.indirect.gather [hbm4b:s5+s6], $0x80, s13, s6, $0xb8;
	[tilespmem:$0x1E400] =	vst v63  }
.LBB2_25:
0x219: {  	_ =	swait.ge [sflag:s26], $0x4000  }
0x21a: {  	s30 =	sshra.s32 s17, $0x2;
	[sflag:s26] =	ssyncset.done $0x0  }
0x21b: {  	s2 =	sadd.s32 $0x16300, s30;
	[sflag:s26] =	ssyncadd.s32 $0xFFFFC000  }
0x21c: {  	[spmem:s3] =	stream.indirect.scatter.add.f32 [tilespmem:s25], [sflag:$0x3], $0x80, s2, s6, $0xb8;
	[tilespmem:$0x1E400] =	vst v63  }
0x21d: {  	_ =	swait.ge [sflag:s14], $0x4000  }
0x21e: {  	[sflag:s14] =	ssyncset.done $0x0  }
0x21f: {  	s2 =	sadd.s32 $0x14F80, s30;
	[sflag:s14] =	ssyncadd.s32 $0xFFFFC000  }
0x220: {  	[tilespmem:s9], [sflag:$0x2] =	stream.indirect.gather [hbm4b:s5+s6], $0x80, s2, s6, $0xb8;
	[tilespmem:$0x1E400] =	vst v63  }
0x221: {  	_ =	swait.ge [sflag:s10], $0x4000  }
0x222: {  	p1 =	seq.s32 s17, $0x0;
	[sflag:s10] =	ssyncset.done $0x0  }
.Ltmp13:
0x223: {  	s2 =	sadd.s32 $0x16380, s30;
	[sflag:s10] =	ssyncadd.s32 $0xFFFFC000;
	(pc) =	sbr.rel @p1 .LBB2_27-.Ltmp13, $4  }
0x224: {  	[spmem:s3] =	stream.indirect.scatter.add.f32 [tilespmem:s9], [sflag:$0x4], $0x80, s2, s6, $0xb8;
	[tilespmem:$0x1E400] =	vst v63  }
0x225: {  	_ =	swait.ge [sflag:s12], $0x4000  }
0x226: {  	[sflag:s12] =	ssyncset.done $0x0  }
0x227: {  	[sflag:s12] =	ssyncadd.s32 $0xFFFFC000  }
.Ltmp14:
0x228: {  	(pc) =	sbr.rel .LBB2_25-.Ltmp14, $3  }
0x229: {  	_ =	sdelay $0x1  }
0x22a: {  	s2 =	sadd.s32 $0x15000, s30;
	s17 =	sadd.s32 $0x400, s17  }
0x22b: {  	[tilespmem:s25], [sflag:$0x1] =	stream.indirect.gather [hbm4b:s5+s6], $0x80, s2, s6, $0xb8;
	[tilespmem:$0x1E400] =	vst v63  }
.LBB2_11:
0x22c: {  	_ =	swait.ge [sflag:s14], $0x4000  }
0x22d: {  	[sflag:s14] =	ssyncset.done $0x0  }
0x22e: {  	s2 =	rddreg [dreg:$0x12];
	[sflag:s14] =	ssyncadd.s32 $0xFFFFC000  }
0x22f: {  	[tilespmem:s21], [sflag:$0x5] =	stream.linear.gather [hbm4b:s2+s4], $0x1000, $0x38;
	[tilespmem:$0x1E400] =	vst v63  }
0x230: {  	_ =	swait.ge [sflag:s20], $0x1000  }
0x231: {  	[sflag:s20] =	ssyncset.done $0x0  }
0x232: {  	s30 =	rddreg [dreg:$0x13];
	[sflag:s20] =	ssyncadd.s32 $0xFFFFF000  }
0x233: {  	[tilespmem:s0], [sflag:$0x5] =	stream.linear.gather [hbm4b:s30+s4], $0x1000, $0x38;
	[tilespmem:$0x1E400] =	vst v63  }
0x234: {  	_ =	swait.ge [sflag:s20], $0x1000  }
0x235: {  	[sflag:s20] =	ssyncset.done $0x0  }
0x236: {  	[sflag:s20] =	ssyncadd.s32 $0xFFFFF000  }
0x237: {  	[tilespmem:s25], [sflag:$0x1] =	stream.indirect.gather [hbm4b:s5+s6], $0x80, s21, s6, $0xb8;
	[tilespmem:$0x1E400] =	vst v63  }
0x238: {  	_ =	swait.ge [sflag:s26], $0x4000  }
0x239: {  	[sflag:s26] =	ssyncset.done $0x0  }
0x23a: {  	[sflag:s26] =	ssyncadd.s32 $0xFFFFC000  }
0x23b: {  	[spmem:s3] =	stream.indirect.scatter.add.f32 [tilespmem:s25], [sflag:$0x3], $0x80, s0, s6, $0xb8;
	[tilespmem:$0x1E400] =	vst v63  }
0x23c: {  	_ = 	snop  }
0x23d: {  	[tilespmem:s9], [sflag:$0x2] =	stream.indirect.gather [hbm4b:s5+s6], $0x80, s7, s6, $0xb8;
	[tilespmem:$0x1E400] =	vst v63  }
0x23e: {  	_ =	swait.ge [sflag:s10], $0x4000  }
0x23f: {  	[sflag:s10] =	ssyncset.done $0x0  }
0x240: {  	[sflag:s10] =	ssyncadd.s32 $0xFFFFC000  }
0x241: {  	[spmem:s3] =	stream.indirect.scatter.add.f32 [tilespmem:s9], [sflag:$0x4], $0x80, s11, s6, $0xb8;
	[tilespmem:$0x1E400] =	vst v63  }
0x242: {  	_ =	swait.ge [sflag:s12], $0x4000  }
0x243: {  	[sflag:s12] =	ssyncset.done $0x0  }
0x244: {  	s17 =	simm.s32 $0xFFFFC800;
	[sflag:s12] =	ssyncadd.s32 $0xFFFFC000  }
0x245: {  	[tilespmem:s25], [sflag:$0x1] =	stream.indirect.gather [hbm4b:s5+s6], $0x80, s13, s6, $0xb8;
	[tilespmem:$0x1E400] =	vst v63  }
.LBB2_12:
0x246: {  	_ =	swait.ge [sflag:s26], $0x4000  }
0x247: {  	s30 =	sshra.s32 s17, $0x2;
	[sflag:s26] =	ssyncset.done $0x0  }
0x248: {  	s2 =	sadd.s32 $0x15F00, s30;
	[sflag:s26] =	ssyncadd.s32 $0xFFFFC000  }
0x249: {  	[spmem:s3] =	stream.indirect.scatter.add.f32 [tilespmem:s25], [sflag:$0x3], $0x80, s2, s6, $0xb8;
	[tilespmem:$0x1E400] =	vst v63  }
0x24a: {  	_ =	swait.ge [sflag:s14], $0x4000  }
0x24b: {  	[sflag:s14] =	ssyncset.done $0x0  }
0x24c: {  	s2 =	sadd.s32 $0x14B80, s30;
	[sflag:s14] =	ssyncadd.s32 $0xFFFFC000  }
0x24d: {  	[tilespmem:s9], [sflag:$0x2] =	stream.indirect.gather [hbm4b:s5+s6], $0x80, s2, s6, $0xb8;
	[tilespmem:$0x1E400] =	vst v63  }
0x24e: {  	_ =	swait.ge [sflag:s10], $0x4000  }
0x24f: {  	p1 =	seq.s32 s17, $0x0;
	[sflag:s10] =	ssyncset.done $0x0  }
.Ltmp15:
0x250: {  	s2 =	sadd.s32 $0x15F80, s30;
	[sflag:s10] =	ssyncadd.s32 $0xFFFFC000;
	(pc) =	sbr.rel @p1 .LBB2_14-.Ltmp15, $4  }
0x251: {  	[spmem:s3] =	stream.indirect.scatter.add.f32 [tilespmem:s9], [sflag:$0x4], $0x80, s2, s6, $0xb8;
	[tilespmem:$0x1E400] =	vst v63  }
0x252: {  	_ =	swait.ge [sflag:s12], $0x4000  }
0x253: {  	[sflag:s12] =	ssyncset.done $0x0  }
0x254: {  	[sflag:s12] =	ssyncadd.s32 $0xFFFFC000  }
.Ltmp16:
0x255: {  	(pc) =	sbr.rel .LBB2_12-.Ltmp16, $3  }
0x256: {  	_ =	sdelay $0x1  }
0x257: {  	s2 =	sadd.s32 $0x14C00, s30;
	s17 =	sadd.s32 $0x400, s17  }
0x258: {  	[tilespmem:s25], [sflag:$0x1] =	stream.indirect.gather [hbm4b:s5+s6], $0x80, s2, s6, $0xb8;
	[tilespmem:$0x1E400] =	vst v63  }
.LBB2_27:
0x259: {  	_ =	swait.ge [sflag:s14], $0x4000  }
0x25a: {  	[sflag:s14] =	ssyncset.done $0x0  }
0x25b: {  	s2 =	rddreg [dreg:$0xa];
	[sflag:s14] =	ssyncadd.s32 $0xFFFFC000  }
0x25c: {  	[tilespmem:s21], [sflag:$0x5] =	stream.linear.gather [hbm4b:s2+s4], $0x1000, $0x38;
	[tilespmem:$0x1E400] =	vst v63  }
0x25d: {  	_ =	swait.ge [sflag:s20], $0x1000  }
0x25e: {  	[sflag:s20] =	ssyncset.done $0x0  }
0x25f: {  	s30 =	rddreg [dreg:$0xb];
	[sflag:s20] =	ssyncadd.s32 $0xFFFFF000  }
0x260: {  	[tilespmem:s0], [sflag:$0x5] =	stream.linear.gather [hbm4b:s30+s4], $0x1000, $0x38;
	[tilespmem:$0x1E400] =	vst v63  }
0x261: {  	_ =	swait.ge [sflag:s20], $0x1000  }
0x262: {  	[sflag:s20] =	ssyncset.done $0x0  }
0x263: {  	[sflag:s20] =	ssyncadd.s32 $0xFFFFF000  }
0x264: {  	[tilespmem:s25], [sflag:$0x1] =	stream.indirect.gather [hbm4b:s5+s6], $0x80, s21, s6, $0xb8;
	[tilespmem:$0x1E400] =	vst v63  }
0x265: {  	_ =	swait.ge [sflag:s26], $0x4000  }
0x266: {  	[sflag:s26] =	ssyncset.done $0x0  }
0x267: {  	[sflag:s26] =	ssyncadd.s32 $0xFFFFC000  }
0x268: {  	[spmem:s3] =	stream.indirect.scatter.add.f32 [tilespmem:s25], [sflag:$0x3], $0x80, s0, s6, $0xb8;
	[tilespmem:$0x1E400] =	vst v63  }
0x269: {  	_ = 	snop  }
0x26a: {  	[tilespmem:s9], [sflag:$0x2] =	stream.indirect.gather [hbm4b:s5+s6], $0x80, s7, s6, $0xb8;
	[tilespmem:$0x1E400] =	vst v63  }
0x26b: {  	_ =	swait.ge [sflag:s10], $0x4000  }
0x26c: {  	[sflag:s10] =	ssyncset.done $0x0  }
0x26d: {  	[sflag:s10] =	ssyncadd.s32 $0xFFFFC000  }
0x26e: {  	[spmem:s3] =	stream.indirect.scatter.add.f32 [tilespmem:s9], [sflag:$0x4], $0x80, s11, s6, $0xb8;
	[tilespmem:$0x1E400] =	vst v63  }
0x26f: {  	_ =	swait.ge [sflag:s12], $0x4000  }
0x270: {  	[sflag:s12] =	ssyncset.done $0x0  }
0x271: {  	s17 =	simm.s32 $0xFFFFC800;
	[sflag:s12] =	ssyncadd.s32 $0xFFFFC000  }
0x272: {  	[tilespmem:s25], [sflag:$0x1] =	stream.indirect.gather [hbm4b:s5+s6], $0x80, s13, s6, $0xb8;
	[tilespmem:$0x1E400] =	vst v63  }
.LBB2_28:
0x273: {  	_ =	swait.ge [sflag:s26], $0x4000  }
0x274: {  	s30 =	sshra.s32 s17, $0x2;
	[sflag:s26] =	ssyncset.done $0x0  }
0x275: {  	s2 =	sadd.s32 $0x15F00, s30;
	[sflag:s26] =	ssyncadd.s32 $0xFFFFC000  }
0x276: {  	[spmem:s3] =	stream.indirect.scatter.add.f32 [tilespmem:s25], [sflag:$0x3], $0x80, s2, s6, $0xb8;
	[tilespmem:$0x1E400] =	vst v63  }
0x277: {  	_ =	swait.ge [sflag:s14], $0x4000  }
0x278: {  	[sflag:s14] =	ssyncset.done $0x0  }
0x279: {  	s2 =	sadd.s32 $0x14B80, s30;
	[sflag:s14] =	ssyncadd.s32 $0xFFFFC000  }
0x27a: {  	[tilespmem:s9], [sflag:$0x2] =	stream.indirect.gather [hbm4b:s5+s6], $0x80, s2, s6, $0xb8;
	[tilespmem:$0x1E400] =	vst v63  }
0x27b: {  	_ =	swait.ge [sflag:s10], $0x4000  }
0x27c: {  	p1 =	seq.s32 s17, $0x0;
	[sflag:s10] =	ssyncset.done $0x0  }
.Ltmp17:
0x27d: {  	s2 =	sadd.s32 $0x15F80, s30;
	[sflag:s10] =	ssyncadd.s32 $0xFFFFC000;
	(pc) =	sbr.rel @p1 .LBB2_30-.Ltmp17, $4  }
0x27e: {  	[spmem:s3] =	stream.indirect.scatter.add.f32 [tilespmem:s9], [sflag:$0x4], $0x80, s2, s6, $0xb8;
	[tilespmem:$0x1E400] =	vst v63  }
0x27f: {  	_ =	swait.ge [sflag:s12], $0x4000  }
0x280: {  	[sflag:s12] =	ssyncset.done $0x0  }
0x281: {  	[sflag:s12] =	ssyncadd.s32 $0xFFFFC000  }
.Ltmp18:
0x282: {  	(pc) =	sbr.rel .LBB2_28-.Ltmp18, $3  }
0x283: {  	_ =	sdelay $0x1  }
0x284: {  	s2 =	sadd.s32 $0x14C00, s30;
	s17 =	sadd.s32 $0x400, s17  }
0x285: {  	[tilespmem:s25], [sflag:$0x1] =	stream.indirect.gather [hbm4b:s5+s6], $0x80, s2, s6, $0xb8;
	[tilespmem:$0x1E400] =	vst v63  }
.LBB2_14:
0x286: {  	_ =	swait.ge [sflag:s14], $0x4000  }
0x287: {  	s2 =	sld [smem:$0x7F6]  }
0x288: {  	[sflag:s14] =	ssyncset.done $0x0  }
0x289: {  	[sflag:s14] =	ssyncadd.s32 $0xFFFFC000  }
0x28a: {  	[tilespmem:s21], [sflag:$0x5] =	stream.linear.gather [hbm4b:s2+s4], $0x400, $0x38;
	[tilespmem:$0x1E400] =	vst v63  }
0x28b: {  	_ =	swait.ge [sflag:s20], $0x400  }
0x28c: {  	s17 =	sld [smem:$0x7F7]  }
0x28d: {  	[sflag:s20] =	ssyncset.done $0x0  }
0x28e: {  	[sflag:s20] =	ssyncadd.s32 $0xFFFFFC00  }
0x28f: {  	[tilespmem:s0], [sflag:$0x5] =	stream.linear.gather [hbm4b:s17+s4], $0x400, $0x38;
	[tilespmem:$0x1E400] =	vst v63  }
0x290: {  	_ =	swait.ge [sflag:s20], $0x400  }
0x291: {  	[sflag:s20] =	ssyncset.done $0x0  }
0x292: {  	[sflag:s20] =	ssyncadd.s32 $0xFFFFFC00  }
0x293: {  	[tilespmem:s25], [sflag:$0x1] =	stream.indirect.gather [hbm4b:s5+s6], $0x80, s21, s6, $0xb8;
	[tilespmem:$0x1E400] =	vst v63  }
0x294: {  	_ =	swait.ge [sflag:s26], $0x4000  }
0x295: {  	[sflag:s26] =	ssyncset.done $0x0  }
0x296: {  	[sflag:s26] =	ssyncadd.s32 $0xFFFFC000  }
0x297: {  	[spmem:s3] =	stream.indirect.scatter.add.f32 [tilespmem:s25], [sflag:$0x3], $0x80, s0, s6, $0xb8;
	[tilespmem:$0x1E400] =	vst v63  }
0x298: {  	_ = 	snop  }
0x299: {  	[tilespmem:s9], [sflag:$0x2] =	stream.indirect.gather [hbm4b:s5+s6], $0x80, s7, s6, $0xb8;
	[tilespmem:$0x1E400] =	vst v63  }
0x29a: {  	_ =	swait.ge [sflag:s10], $0x4000  }
0x29b: {  	[sflag:s10] =	ssyncset.done $0x0  }
0x29c: {  	[sflag:s10] =	ssyncadd.s32 $0xFFFFC000  }
0x29d: {  	[spmem:s3] =	stream.indirect.scatter.add.f32 [tilespmem:s9], [sflag:$0x4], $0x80, s11, s6, $0xb8;
	[tilespmem:$0x1E400] =	vst v63  }
0x29e: {  	_ =	swait.ge [sflag:s12], $0x4000  }
0x29f: {  	[sflag:s12] =	ssyncset.done $0x0  }
0x2a0: {  	[sflag:s12] =	ssyncadd.s32 $0xFFFFC000  }
0x2a1: {  	[tilespmem:s25], [sflag:$0x1] =	stream.indirect.gather [hbm4b:s5+s6], $0x80, s13, s6, $0xb8;
	[tilespmem:$0x1E400] =	vst v63  }
0x2a2: {  	_ =	swait.ge [sflag:s26], $0x4000  }
0x2a3: {  	[sflag:s26] =	ssyncset.done $0x0  }
0x2a4: {  	s30 =	simm.s32 $0x15100;
	[sflag:s26] =	ssyncadd.s32 $0xFFFFC000  }
0x2a5: {  	[spmem:s3] =	stream.indirect.scatter.add.f32 [tilespmem:s25], [sflag:$0x3], $0x80, s30, s6, $0xb8;
	[tilespmem:$0x1E400] =	vst v63  }
0x2a6: {  	_ =	swait.ge [sflag:s14], $0x4000  }
0x2a7: {  	[sflag:s14] =	ssyncset.done $0x0  }
0x2a8: {  	s17 =	simm.s32 $0x13D80;
	[sflag:s14] =	ssyncadd.s32 $0xFFFFC000  }
0x2a9: {  	[tilespmem:s9], [sflag:$0x2] =	stream.indirect.gather [hbm4b:s5+s6], $0x80, s17, s6, $0xb8;
	[tilespmem:$0x1E400] =	vst v63  }
0x2aa: {  	_ =	swait.ge [sflag:s10], $0x4000  }
0x2ab: {  	[sflag:s10] =	ssyncset.done $0x0  }
0x2ac: {  	s30 =	simm.s32 $0x15180;
	[sflag:s10] =	ssyncadd.s32 $0xFFFFC000  }
0x2ad: {  	[spmem:s3] =	stream.indirect.scatter.add.f32 [tilespmem:s9], [sflag:$0x4], $0x80, s30, s6, $0xb8;
	[tilespmem:$0x1E400] =	vst v63  }
0x2ae: {  	_ =	swait.ge [sflag:s12], $0x4000  }
0x2af: {  	[sflag:s12] =	ssyncset.done $0x0  }
0x2b0: {  	s17 =	simm.s32 $0x13E00;
	[sflag:s12] =	ssyncadd.s32 $0xFFFFC000  }
0x2b1: {  	[tilespmem:s25], [sflag:$0x1] =	stream.indirect.gather [hbm4b:s5+s6], $0x80, s17, s6, $0xb8;
	[tilespmem:$0x1E400] =	vst v63  }
0x2b2: {  	_ =	swait.ge [sflag:s26], $0x4000  }
0x2b3: {  	[sflag:s26] =	ssyncset.done $0x0  }
0x2b4: {  	s30 =	simm.s32 $0x15200;
	[sflag:s26] =	ssyncadd.s32 $0xFFFFC000  }
0x2b5: {  	[spmem:s3] =	stream.indirect.scatter.add.f32 [tilespmem:s25], [sflag:$0x3], $0x80, s30, s6, $0xb8;
	[tilespmem:$0x1E400] =	vst v63  }
0x2b6: {  	_ =	swait.ge [sflag:s14], $0x4000  }
0x2b7: {  	[sflag:s14] =	ssyncset.done $0x0  }
0x2b8: {  	[sflag:s14] =	ssyncadd.s32 $0xFFFFC000  }
0x2b9: {  	[tilespmem:s9], [sflag:$0x2] =	stream.indirect.gather [hbm4b:s5+s6], $0x80, s8, s6, $0xb8;
	[tilespmem:$0x1E400] =	vst v63  }
0x2ba: {  	_ =	swait.ge [sflag:s10], $0x4000  }
0x2bb: {  	[sflag:s10] =	ssyncset.done $0x0  }
0x2bc: {  	[sflag:s10] =	ssyncadd.s32 $0xFFFFC000  }
0x2bd: {  	[spmem:s3] =	stream.indirect.scatter.add.f32 [tilespmem:s9], [sflag:$0x4], $0x80, s28, s6, $0xb8;
	[tilespmem:$0x1E400] =	vst v63  }
0x2be: {  	_ =	swait.ge [sflag:s12], $0x4000  }
0x2bf: {  	[sflag:s12] =	ssyncset.done $0x0  }
0x2c0: {  	[sflag:s12] =	ssyncadd.s32 $0xFFFFC000  }
0x2c1: {  	[tilespmem:s25], [sflag:$0x1] =	stream.indirect.gather [hbm4b:s5+s6], $0x80, s24, s6, $0xb8;
	[tilespmem:$0x1E400] =	vst v63  }
0x2c2: {  	_ =	swait.ge [sflag:s26], $0x4000  }
0x2c3: {  	[sflag:s26] =	ssyncset.done $0x0  }
0x2c4: {  	[sflag:s26] =	ssyncadd.s32 $0xFFFFC000  }
0x2c5: {  	[spmem:s3] =	stream.indirect.scatter.add.f32 [tilespmem:s25], [sflag:$0x3], $0x80, s29, s6, $0xb8;
	[tilespmem:$0x1E400] =	vst v63  }
0x2c6: {  	_ =	swait.ge [sflag:s14], $0x4000  }
0x2c7: {  	[sflag:s14] =	ssyncset.done $0x0  }
0x2c8: {  	[sflag:s14] =	ssyncadd.s32 $0xFFFFC000  }
0x2c9: {  	[tilespmem:s9], [sflag:$0x2] =	stream.indirect.gather [hbm4b:s5+s6], $0x80, s18, s6, $0xb8;
	[tilespmem:$0x1E400] =	vst v63  }
0x2ca: {  	_ =	swait.ge [sflag:s10], $0x4000  }
0x2cb: {  	[sflag:s10] =	ssyncset.done $0x0  }
0x2cc: {  	[sflag:s10] =	ssyncadd.s32 $0xFFFFC000  }
0x2cd: {  	[spmem:s3] =	stream.indirect.scatter.add.f32 [tilespmem:s9], [sflag:$0x4], $0x80, s19, s6, $0xb8;
	[tilespmem:$0x1E400] =	vst v63  }
0x2ce: {  	_ =	swait.ge [sflag:s12], $0x4000  }
0x2cf: {  	[sflag:s12] =	ssyncset.done $0x0  }
0x2d0: {  	[sflag:s12] =	ssyncadd.s32 $0xFFFFC000  }
0x2d1: {  	_ =	swait.ge [sflag:s14], $0x4000  }
0x2d2: {  	s17 =	sld [smem:$0x7FA]  }
0x2d3: {  	[sflag:s14] =	ssyncset.done $0x0  }
0x2d4: {  	[sflag:s14] =	ssyncadd.s32 $0xFFFFC000  }
0x2d5: {  	[tilespmem:s21], [sflag:$0x5] =	stream.linear.gather [hbm4b:s17+s4], $0x1000, $0x38;
	[tilespmem:$0x1E400] =	vst v63  }
0x2d6: {  	_ =	swait.ge [sflag:s20], $0x1000  }
0x2d7: {  	s30 =	sld [smem:$0x7FB]  }
0x2d8: {  	[sflag:s20] =	ssyncset.done $0x0  }
0x2d9: {  	[sflag:s20] =	ssyncadd.s32 $0xFFFFF000  }
0x2da: {  	[tilespmem:s0], [sflag:$0x5] =	stream.linear.gather [hbm4b:s30+s4], $0x1000, $0x38;
	[tilespmem:$0x1E400] =	vst v63  }
0x2db: {  	_ =	swait.ge [sflag:s20], $0x1000  }
0x2dc: {  	[sflag:s20] =	ssyncset.done $0x0  }
0x2dd: {  	[sflag:s20] =	ssyncadd.s32 $0xFFFFF000  }
0x2de: {  	[tilespmem:s25], [sflag:$0x1] =	stream.indirect.gather [hbm4b:s22+s6], $0x80, s21, s6, $0xb8;
	[tilespmem:$0x1E400] =	vst v63  }
0x2df: {  	_ =	swait.ge [sflag:s26], $0x4000  }
0x2e0: {  	[sflag:s26] =	ssyncset.done $0x0  }
0x2e1: {  	[sflag:s26] =	ssyncadd.s32 $0xFFFFC000  }
0x2e2: {  	[spmem:s3] =	stream.indirect.scatter.add.f32 [tilespmem:s25], [sflag:$0x3], $0x80, s0, s6, $0xb8;
	[tilespmem:$0x1E400] =	vst v63  }
0x2e3: {  	_ = 	snop  }
0x2e4: {  	[tilespmem:s9], [sflag:$0x2] =	stream.indirect.gather [hbm4b:s22+s6], $0x80, s7, s6, $0xb8;
	[tilespmem:$0x1E400] =	vst v63  }
0x2e5: {  	_ =	swait.ge [sflag:s10], $0x4000  }
0x2e6: {  	[sflag:s10] =	ssyncset.done $0x0  }
0x2e7: {  	[sflag:s10] =	ssyncadd.s32 $0xFFFFC000  }
0x2e8: {  	[spmem:s3] =	stream.indirect.scatter.add.f32 [tilespmem:s9], [sflag:$0x4], $0x80, s11, s6, $0xb8;
	[tilespmem:$0x1E400] =	vst v63  }
0x2e9: {  	_ =	swait.ge [sflag:s12], $0x4000  }
0x2ea: {  	[sflag:s12] =	ssyncset.done $0x0  }
0x2eb: {  	s17 =	simm.s32 $0xFFFFC800;
	[sflag:s12] =	ssyncadd.s32 $0xFFFFC000  }
0x2ec: {  	[tilespmem:s25], [sflag:$0x1] =	stream.indirect.gather [hbm4b:s22+s6], $0x80, s13, s6, $0xb8;
	[tilespmem:$0x1E400] =	vst v63  }
.LBB2_15:
0x2ed: {  	_ =	swait.ge [sflag:s26], $0x4000  }
0x2ee: {  	s30 =	sshra.s32 s17, $0x2;
	[sflag:s26] =	ssyncset.done $0x0  }
0x2ef: {  	s2 =	sadd.s32 $0x15F00, s30;
	[sflag:s26] =	ssyncadd.s32 $0xFFFFC000  }
0x2f0: {  	[spmem:s3] =	stream.indirect.scatter.add.f32 [tilespmem:s25], [sflag:$0x3], $0x80, s2, s6, $0xb8;
	[tilespmem:$0x1E400] =	vst v63  }
0x2f1: {  	_ =	swait.ge [sflag:s14], $0x4000  }
0x2f2: {  	[sflag:s14] =	ssyncset.done $0x0  }
0x2f3: {  	s2 =	sadd.s32 $0x14B80, s30;
	[sflag:s14] =	ssyncadd.s32 $0xFFFFC000  }
0x2f4: {  	[tilespmem:s9], [sflag:$0x2] =	stream.indirect.gather [hbm4b:s22+s6], $0x80, s2, s6, $0xb8;
	[tilespmem:$0x1E400] =	vst v63  }
0x2f5: {  	_ =	swait.ge [sflag:s10], $0x4000  }
0x2f6: {  	p1 =	seq.s32 s17, $0x0;
	[sflag:s10] =	ssyncset.done $0x0  }
.Ltmp19:
0x2f7: {  	s2 =	sadd.s32 $0x15F80, s30;
	[sflag:s10] =	ssyncadd.s32 $0xFFFFC000;
	(pc) =	sbr.rel @p1 .LBB2_16-.Ltmp19, $4  }
0x2f8: {  	[spmem:s3] =	stream.indirect.scatter.add.f32 [tilespmem:s9], [sflag:$0x4], $0x80, s2, s6, $0xb8;
	[tilespmem:$0x1E400] =	vst v63  }
0x2f9: {  	_ =	swait.ge [sflag:s12], $0x4000  }
0x2fa: {  	[sflag:s12] =	ssyncset.done $0x0  }
0x2fb: {  	[sflag:s12] =	ssyncadd.s32 $0xFFFFC000  }
.Ltmp20:
0x2fc: {  	(pc) =	sbr.rel .LBB2_15-.Ltmp20, $3  }
0x2fd: {  	_ =	sdelay $0x1  }
0x2fe: {  	s2 =	sadd.s32 $0x14C00, s30;
	s17 =	sadd.s32 $0x400, s17  }
0x2ff: {  	[tilespmem:s25], [sflag:$0x1] =	stream.indirect.gather [hbm4b:s22+s6], $0x80, s2, s6, $0xb8;
	[tilespmem:$0x1E400] =	vst v63  }
.LBB2_30:
0x300: {  	_ =	swait.ge [sflag:s14], $0x4000  }
0x301: {  	s2 =	sld [smem:$0x7F4]  }
0x302: {  	[sflag:s14] =	ssyncset.done $0x0  }
0x303: {  	[sflag:s14] =	ssyncadd.s32 $0xFFFFC000  }
0x304: {  	[tilespmem:s21], [sflag:$0x5] =	stream.linear.gather [hbm4b:s2+s4], $0x400, $0x38;
	[tilespmem:$0x1E400] =	vst v63  }
0x305: {  	_ =	swait.ge [sflag:s20], $0x400  }
0x306: {  	s17 =	sld [smem:$0x7F5]  }
0x307: {  	[sflag:s20] =	ssyncset.done $0x0  }
0x308: {  	[sflag:s20] =	ssyncadd.s32 $0xFFFFFC00  }
0x309: {  	[tilespmem:s0], [sflag:$0x5] =	stream.linear.gather [hbm4b:s17+s4], $0x400, $0x38;
	[tilespmem:$0x1E400] =	vst v63  }
0x30a: {  	_ =	swait.ge [sflag:s20], $0x400  }
0x30b: {  	[sflag:s20] =	ssyncset.done $0x0  }
0x30c: {  	[sflag:s20] =	ssyncadd.s32 $0xFFFFFC00  }
0x30d: {  	[tilespmem:s25], [sflag:$0x1] =	stream.indirect.gather [hbm4b:s5+s6], $0x80, s21, s6, $0xb8;
	[tilespmem:$0x1E400] =	vst v63  }
0x30e: {  	_ =	swait.ge [sflag:s26], $0x4000  }
0x30f: {  	[sflag:s26] =	ssyncset.done $0x0  }
0x310: {  	[sflag:s26] =	ssyncadd.s32 $0xFFFFC000  }
0x311: {  	[spmem:s3] =	stream.indirect.scatter.add.f32 [tilespmem:s25], [sflag:$0x3], $0x80, s0, s6, $0xb8;
	[tilespmem:$0x1E400] =	vst v63  }
0x312: {  	_ = 	snop  }
0x313: {  	[tilespmem:s9], [sflag:$0x2] =	stream.indirect.gather [hbm4b:s5+s6], $0x80, s7, s6, $0xb8;
	[tilespmem:$0x1E400] =	vst v63  }
0x314: {  	_ =	swait.ge [sflag:s10], $0x4000  }
0x315: {  	[sflag:s10] =	ssyncset.done $0x0  }
0x316: {  	[sflag:s10] =	ssyncadd.s32 $0xFFFFC000  }
0x317: {  	[spmem:s3] =	stream.indirect.scatter.add.f32 [tilespmem:s9], [sflag:$0x4], $0x80, s11, s6, $0xb8;
	[tilespmem:$0x1E400] =	vst v63  }
0x318: {  	_ =	swait.ge [sflag:s12], $0x4000  }
0x319: {  	[sflag:s12] =	ssyncset.done $0x0  }
0x31a: {  	[sflag:s12] =	ssyncadd.s32 $0xFFFFC000  }
0x31b: {  	[tilespmem:s25], [sflag:$0x1] =	stream.indirect.gather [hbm4b:s5+s6], $0x80, s13, s6, $0xb8;
	[tilespmem:$0x1E400] =	vst v63  }
0x31c: {  	_ =	swait.ge [sflag:s26], $0x4000  }
0x31d: {  	[sflag:s26] =	ssyncset.done $0x0  }
0x31e: {  	s30 =	simm.s32 $0x15100;
	[sflag:s26] =	ssyncadd.s32 $0xFFFFC000  }
0x31f: {  	[spmem:s3] =	stream.indirect.scatter.add.f32 [tilespmem:s25], [sflag:$0x3], $0x80, s30, s6, $0xb8;
	[tilespmem:$0x1E400] =	vst v63  }
0x320: {  	_ =	swait.ge [sflag:s14], $0x4000  }
0x321: {  	[sflag:s14] =	ssyncset.done $0x0  }
0x322: {  	s17 =	simm.s32 $0x13D80;
	[sflag:s14] =	ssyncadd.s32 $0xFFFFC000  }
0x323: {  	[tilespmem:s9], [sflag:$0x2] =	stream.indirect.gather [hbm4b:s5+s6], $0x80, s17, s6, $0xb8;
	[tilespmem:$0x1E400] =	vst v63  }
0x324: {  	_ =	swait.ge [sflag:s10], $0x4000  }
0x325: {  	[sflag:s10] =	ssyncset.done $0x0  }
0x326: {  	s30 =	simm.s32 $0x15180;
	[sflag:s10] =	ssyncadd.s32 $0xFFFFC000  }
0x327: {  	[spmem:s3] =	stream.indirect.scatter.add.f32 [tilespmem:s9], [sflag:$0x4], $0x80, s30, s6, $0xb8;
	[tilespmem:$0x1E400] =	vst v63  }
0x328: {  	_ =	swait.ge [sflag:s12], $0x4000  }
0x329: {  	[sflag:s12] =	ssyncset.done $0x0  }
0x32a: {  	s17 =	simm.s32 $0x13E00;
	[sflag:s12] =	ssyncadd.s32 $0xFFFFC000  }
0x32b: {  	[tilespmem:s25], [sflag:$0x1] =	stream.indirect.gather [hbm4b:s5+s6], $0x80, s17, s6, $0xb8;
	[tilespmem:$0x1E400] =	vst v63  }
0x32c: {  	_ =	swait.ge [sflag:s26], $0x4000  }
0x32d: {  	[sflag:s26] =	ssyncset.done $0x0  }
0x32e: {  	s30 =	simm.s32 $0x15200;
	[sflag:s26] =	ssyncadd.s32 $0xFFFFC000  }
0x32f: {  	[spmem:s3] =	stream.indirect.scatter.add.f32 [tilespmem:s25], [sflag:$0x3], $0x80, s30, s6, $0xb8;
	[tilespmem:$0x1E400] =	vst v63  }
0x330: {  	_ =	swait.ge [sflag:s14], $0x4000  }
0x331: {  	[sflag:s14] =	ssyncset.done $0x0  }
0x332: {  	[sflag:s14] =	ssyncadd.s32 $0xFFFFC000  }
0x333: {  	[tilespmem:s9], [sflag:$0x2] =	stream.indirect.gather [hbm4b:s5+s6], $0x80, s8, s6, $0xb8;
	[tilespmem:$0x1E400] =	vst v63  }
0x334: {  	_ =	swait.ge [sflag:s10], $0x4000  }
0x335: {  	[sflag:s10] =	ssyncset.done $0x0  }
0x336: {  	[sflag:s10] =	ssyncadd.s32 $0xFFFFC000  }
0x337: {  	[spmem:s3] =	stream.indirect.scatter.add.f32 [tilespmem:s9], [sflag:$0x4], $0x80, s28, s6, $0xb8;
	[tilespmem:$0x1E400] =	vst v63  }
0x338: {  	_ =	swait.ge [sflag:s12], $0x4000  }
0x339: {  	[sflag:s12] =	ssyncset.done $0x0  }
0x33a: {  	[sflag:s12] =	ssyncadd.s32 $0xFFFFC000  }
0x33b: {  	[tilespmem:s25], [sflag:$0x1] =	stream.indirect.gather [hbm4b:s5+s6], $0x80, s24, s6, $0xb8;
	[tilespmem:$0x1E400] =	vst v63  }
0x33c: {  	_ =	swait.ge [sflag:s26], $0x4000  }
0x33d: {  	[sflag:s26] =	ssyncset.done $0x0  }
0x33e: {  	[sflag:s26] =	ssyncadd.s32 $0xFFFFC000  }
0x33f: {  	[spmem:s3] =	stream.indirect.scatter.add.f32 [tilespmem:s25], [sflag:$0x3], $0x80, s29, s6, $0xb8;
	[tilespmem:$0x1E400] =	vst v63  }
0x340: {  	_ =	swait.ge [sflag:s14], $0x4000  }
0x341: {  	[sflag:s14] =	ssyncset.done $0x0  }
0x342: {  	[sflag:s14] =	ssyncadd.s32 $0xFFFFC000  }
0x343: {  	[tilespmem:s9], [sflag:$0x2] =	stream.indirect.gather [hbm4b:s5+s6], $0x80, s18, s6, $0xb8;
	[tilespmem:$0x1E400] =	vst v63  }
0x344: {  	_ =	swait.ge [sflag:s10], $0x4000  }
0x345: {  	[sflag:s10] =	ssyncset.done $0x0  }
0x346: {  	[sflag:s10] =	ssyncadd.s32 $0xFFFFC000  }
0x347: {  	[spmem:s3] =	stream.indirect.scatter.add.f32 [tilespmem:s9], [sflag:$0x4], $0x80, s19, s6, $0xb8;
	[tilespmem:$0x1E400] =	vst v63  }
0x348: {  	_ =	swait.ge [sflag:s12], $0x4000  }
0x349: {  	[sflag:s12] =	ssyncset.done $0x0  }
0x34a: {  	[sflag:s12] =	ssyncadd.s32 $0xFFFFC000  }
0x34b: {  	_ =	swait.ge [sflag:s14], $0x4000  }
0x34c: {  	s17 =	sld [smem:$0x7F8]  }
0x34d: {  	[sflag:s14] =	ssyncset.done $0x0  }
0x34e: {  	[sflag:s14] =	ssyncadd.s32 $0xFFFFC000  }
0x34f: {  	[tilespmem:s21], [sflag:$0x5] =	stream.linear.gather [hbm4b:s17+s4], $0x1000, $0x38;
	[tilespmem:$0x1E400] =	vst v63  }
0x350: {  	_ =	swait.ge [sflag:s20], $0x1000  }
0x351: {  	s30 =	sld [smem:$0x7F9]  }
0x352: {  	[sflag:s20] =	ssyncset.done $0x0  }
0x353: {  	[sflag:s20] =	ssyncadd.s32 $0xFFFFF000  }
0x354: {  	[tilespmem:s0], [sflag:$0x5] =	stream.linear.gather [hbm4b:s30+s4], $0x1000, $0x38;
	[tilespmem:$0x1E400] =	vst v63  }
0x355: {  	_ =	swait.ge [sflag:s20], $0x1000  }
0x356: {  	[sflag:s20] =	ssyncset.done $0x0  }
0x357: {  	[sflag:s20] =	ssyncadd.s32 $0xFFFFF000  }
0x358: {  	[tilespmem:s25], [sflag:$0x1] =	stream.indirect.gather [hbm4b:s22+s6], $0x80, s21, s6, $0xb8;
	[tilespmem:$0x1E400] =	vst v63  }
0x359: {  	_ =	swait.ge [sflag:s26], $0x4000  }
0x35a: {  	[sflag:s26] =	ssyncset.done $0x0  }
0x35b: {  	[sflag:s26] =	ssyncadd.s32 $0xFFFFC000  }
0x35c: {  	[spmem:s3] =	stream.indirect.scatter.add.f32 [tilespmem:s25], [sflag:$0x3], $0x80, s0, s6, $0xb8;
	[tilespmem:$0x1E400] =	vst v63  }
0x35d: {  	_ = 	snop  }
0x35e: {  	[tilespmem:s9], [sflag:$0x2] =	stream.indirect.gather [hbm4b:s22+s6], $0x80, s7, s6, $0xb8;
	[tilespmem:$0x1E400] =	vst v63  }
0x35f: {  	_ =	swait.ge [sflag:s10], $0x4000  }
0x360: {  	[sflag:s10] =	ssyncset.done $0x0  }
0x361: {  	[sflag:s10] =	ssyncadd.s32 $0xFFFFC000  }
0x362: {  	[spmem:s3] =	stream.indirect.scatter.add.f32 [tilespmem:s9], [sflag:$0x4], $0x80, s11, s6, $0xb8;
	[tilespmem:$0x1E400] =	vst v63  }
0x363: {  	_ =	swait.ge [sflag:s12], $0x4000  }
0x364: {  	[sflag:s12] =	ssyncset.done $0x0  }
0x365: {  	s17 =	simm.s32 $0xFFFFC800;
	[sflag:s12] =	ssyncadd.s32 $0xFFFFC000  }
0x366: {  	[tilespmem:s25], [sflag:$0x1] =	stream.indirect.gather [hbm4b:s22+s6], $0x80, s13, s6, $0xb8;
	[tilespmem:$0x1E400] =	vst v63  }
.LBB2_31:
0x367: {  	_ =	swait.ge [sflag:s26], $0x4000  }
0x368: {  	s30 =	sshra.s32 s17, $0x2;
	[sflag:s26] =	ssyncset.done $0x0  }
0x369: {  	s2 =	sadd.s32 $0x15F00, s30;
	[sflag:s26] =	ssyncadd.s32 $0xFFFFC000  }
0x36a: {  	[spmem:s3] =	stream.indirect.scatter.add.f32 [tilespmem:s25], [sflag:$0x3], $0x80, s2, s6, $0xb8;
	[tilespmem:$0x1E400] =	vst v63  }
0x36b: {  	_ =	swait.ge [sflag:s14], $0x4000  }
0x36c: {  	[sflag:s14] =	ssyncset.done $0x0  }
0x36d: {  	s2 =	sadd.s32 $0x14B80, s30;
	[sflag:s14] =	ssyncadd.s32 $0xFFFFC000  }
0x36e: {  	[tilespmem:s9], [sflag:$0x2] =	stream.indirect.gather [hbm4b:s22+s6], $0x80, s2, s6, $0xb8;
	[tilespmem:$0x1E400] =	vst v63  }
0x36f: {  	_ =	swait.ge [sflag:s10], $0x4000  }
0x370: {  	p1 =	seq.s32 s17, $0x0;
	[sflag:s10] =	ssyncset.done $0x0  }
.Ltmp21:
0x371: {  	s2 =	sadd.s32 $0x15F80, s30;
	[sflag:s10] =	ssyncadd.s32 $0xFFFFC000;
	(pc) =	sbr.rel @p1 .LBB2_32-.Ltmp21, $4  }
0x372: {  	[spmem:s3] =	stream.indirect.scatter.add.f32 [tilespmem:s9], [sflag:$0x4], $0x80, s2, s6, $0xb8;
	[tilespmem:$0x1E400] =	vst v63  }
0x373: {  	_ =	swait.ge [sflag:s12], $0x4000  }
0x374: {  	[sflag:s12] =	ssyncset.done $0x0  }
0x375: {  	[sflag:s12] =	ssyncadd.s32 $0xFFFFC000  }
.Ltmp22:
0x376: {  	(pc) =	sbr.rel .LBB2_31-.Ltmp22, $3  }
0x377: {  	_ =	sdelay $0x1  }
0x378: {  	s2 =	sadd.s32 $0x14C00, s30;
	s17 =	sadd.s32 $0x400, s17  }
0x379: {  	[tilespmem:s25], [sflag:$0x1] =	stream.indirect.gather [hbm4b:s22+s6], $0x80, s2, s6, $0xb8;
	[tilespmem:$0x1E400] =	vst v63  }
.LBB2_16:
.Ltmp23:
0x37a: {  	(pc) =	sbr.rel .LBB2_33-.Ltmp23, $4  }
0x37b: {  	_ = 	snop  }
0x37c: {  	s2 =	rddreg [dreg:$0x17]  }
0x37d: {  	s30 =	rddreg [dreg:$0x1e]  }
0x37e: {  	s17 =	rddreg [dreg:$0x15]  }
.LBB2_34:
0x37f: {  	_ =	sfence.sel $0x180000  }
0x380: {  	[bflag:$0x0] =	sbarrier.arrive $0xFFFF  }
0x381: {  	_ =	strace $0x90000047  }
0x382: {  	s0 =	stileid.u32;
	[bflag:$0x2] =	sbarrier.arrive $0xFFFF  }
0x383: {  	p0 =	sne.s32 s0, $0x0;
	s0 =	rddreg [dreg:$0x3]  }
0x384: {  	s0 =	sadd.s32 @!p0 $0x100000, s0  }
0x385: {  	[sflag:s0] =	ssyncadd.tile.s32 @!p0 $0x1;
	_ =	shalt  }
.Lfunc_end2:
_tile_overlayer_lowered:
.L_overlay_start_2:
0x386: {  	(tag) =	ssettag $0x2  }
0x387: {  	s0 =	rddreg [dreg:$0x0];
	s2 =	stileid.u32  }
0x388: {  	s1 =	rddreg [dreg:$0x1];
	p0 =	sne.s32 s2, $0x0  }
0x389: {  	s3 =	rddreg [dreg:$0x2];
	[bflag:$0x3] =	sbarrier.arrive $0xFFFF;
	s2 =	simm.s32 @!p0 $0x1C05  }
0x38a: {  	[timem:s3], [sflag:s2] =	dma.local @!p0 [hbm:s0], s1  }
0x38b: {  	s0 =	simm.s32 @!p0 $0x5  }
0x38c: {  	_ =	swait.ge @!p0 [sflag:s0], s1  }
0x38d: {  	s1 =	ssub.s32 @!p0 $0x0, s1;
	[sflag:s0] =	ssyncset.done @!p0 $0x0  }
0x38e: {  	[sflag:s0] =	ssyncadd.s32 @!p0 s1  }
0x38f: {  	[bflag:$0x3] =	sbarrier.arrive $0xFFFF  }
0x390: {  	_ =	shalt  }

</sc_bundles>
